<compile_context>
chip_gen: v7x
topology: tpu7x:2x2x1
jax: 0.10.2.dev20260603
libtpu: 0.0.44.dev20260713+nightly
codegen_flags: <defaults>
</compile_context>

<pallas_src>
import functools

import jax
import jax.numpy as jnp
from jax import lax
from jax.experimental import pallas as pl
from jax.experimental.pallas import tpu as pltpu
from jax.experimental.pallas import tpu_sc as plsc

N = 10000
NP = 10240
E = 320000
D = 128
HALF = 64
NS = 16
RPS = NP // NS
CH = 80
NCH = E // CH
CPS = NCH // NS
ZR = 128
RB = 1000

_f32 = jnp.float32
_mesh = plsc.VectorSubcoreMesh(core_axis_name="c", subcore_axis_name="s")
_sc_params = pltpu.CompilerParams(use_tc_tiling_on_sc=False)



@functools.partial(
    pl.kernel,
    out_type=(jax.ShapeDtypeStruct((NP, 16), _f32),
              jax.ShapeDtypeStruct((NP, 16), _f32)),
    mesh=_mesh,
    scratch_types=[
        pltpu.VMEM_SHARED((NP, 16), _f32),
        pltpu.VMEM((CPS, CH), jnp.int32),
        pltpu.VMEM((CH, 16), _f32),
        pltpu.VMEM((RPS, 16), _f32),
        pltpu.SemaphoreType.DMA,
    ],
    compiler_params=_sc_params,
)
def _sc_degrees(src_hbm, dst_hbm, deg_o_hbm, deg_i_hbm,
                acc_sh, idx_v, ones_v, zero_v, sem):
    core = lax.axis_index("c")
    sid = lax.axis_index("s")
    row0 = sid * RPS

    @pl.loop(0, CH)
    def _init_ones(r):
        ones_v[pl.ds(r, 1), :] = jnp.ones((1, 16), _f32)

    @pl.loop(0, RPS)
    def _init_zero(r):
        zero_v[pl.ds(r, 1), :] = jnp.zeros((1, 16), _f32)

    pltpu.sync_copy(zero_v, acc_sh.at[pl.ds(row0, RPS)])
    plsc.subcore_barrier()

    def _histogram(idx_hbm):
        pltpu.sync_copy(idx_hbm.at[sid], idx_v)

        @pl.loop(0, CPS, step=10)
        def _chunk(j):
            for k in range(10):
                pltpu.async_copy(ones_v, acc_sh.at[idx_v.at[j + k]], sem,
                                 add=True)
            for k in range(10):
                pltpu.make_async_copy(ones_v, acc_sh.at[idx_v.at[j + k]],
                                      sem).wait()

    pl.when(core == 0)(lambda: _histogram(src_hbm))
    pl.when(core == 1)(lambda: _histogram(dst_hbm))
    plsc.subcore_barrier()

    pl.when(core == 0)(lambda: pltpu.sync_copy(
        acc_sh.at[pl.ds(row0, RPS)], deg_o_hbm.at[pl.ds(row0, RPS)]))
    pl.when(core == 1)(lambda: pltpu.sync_copy(
        acc_sh.at[pl.ds(row0, RPS)], deg_i_hbm.at[pl.ds(row0, RPS)]))


@functools.partial(
    pl.kernel,
    out_type=(jax.ShapeDtypeStruct((NP, HALF), _f32),
              jax.ShapeDtypeStruct((NP, HALF), _f32)),
    mesh=_mesh,
    scratch_types=[
        pltpu.VMEM_SHARED((NP, HALF), _f32),
        pltpu.VMEM((CPS, CH), jnp.int32),
        pltpu.VMEM((CPS, CH), jnp.int32),
        pltpu.VMEM((CH, HALF), _f32),
        pltpu.VMEM((CH, HALF), _f32),
        pltpu.VMEM((ZR, HALF), _f32),
        pltpu.SemaphoreType.DMA,
        pltpu.SemaphoreType.DMA,
    ],
    compiler_params=_sc_params,
)
def _sc_spmm(h0_hbm, h1_hbm, src_hbm, dst_hbm, a0_hbm, a1_hbm,
             acc_sh, sidx_v, didx_v, rows_a, rows_b, zero_v, sem_a, sem_b):
    core = lax.axis_index("c")
    sid = lax.axis_index("s")
    row0 = sid * RPS

    @pl.loop(0, ZR)
    def _init_zero(r):
        for c4 in range(HALF // 16):
            zero_v[pl.ds(r, 1), pl.ds(c4 * 16, 16)] = jnp.zeros((1, 16), _f32)

    @pl.loop(0, RPS // ZR)
    def _memset(k):
        pltpu.sync_copy(zero_v, acc_sh.at[pl.ds(row0 + k * ZR, ZR)])

    pltpu.sync_copy(src_hbm.at[sid], sidx_v)
    pltpu.sync_copy(dst_hbm.at[sid], didx_v)
    plsc.subcore_barrier()

    def _edges(tab_hbm):
        pltpu.async_copy(tab_hbm.at[sidx_v.at[0]], rows_a, sem_a)

        @pl.loop(0, CPS, step=2)
        def _chunk(j):
            pltpu.async_copy(tab_hbm.at[sidx_v.at[j + 1]], rows_b, sem_b)
            pltpu.make_async_copy(tab_hbm.at[sidx_v.at[j]], rows_a,
                                  sem_a).wait()
            pltpu.sync_copy(rows_a, acc_sh.at[didx_v.at[j]], add=True)

            @pl.when(j + 2 < CPS)
            def _():
                pltpu.async_copy(tab_hbm.at[sidx_v.at[j + 2]], rows_a, sem_a)

            pltpu.make_async_copy(tab_hbm.at[sidx_v.at[j + 1]], rows_b,
                                  sem_b).wait()
            pltpu.sync_copy(rows_b, acc_sh.at[didx_v.at[j + 1]], add=True)

    pl.when(core == 0)(lambda: _edges(h0_hbm))
    pl.when(core == 1)(lambda: _edges(h1_hbm))
    plsc.subcore_barrier()

    pl.when(core == 0)(lambda: pltpu.sync_copy(
        acc_sh.at[pl.ds(row0, RPS)], a0_hbm.at[pl.ds(row0, RPS)]))
    pl.when(core == 1)(lambda: pltpu.sync_copy(
        acc_sh.at[pl.ds(row0, RPS)], a1_hbm.at[pl.ds(row0, RPS)]))



def _norm(deg):
    return jnp.where(deg > 0, lax.rsqrt(jnp.maximum(deg, 1.0)), 0.0)


def _prep_body(x_ref, dgo_ref, h0_ref, h1_ref):
    ns = _norm(dgo_ref[:, 0:1])
    hs = x_ref[...] * ns
    h0_ref[...] = hs[:, 0:HALF]
    h1_ref[...] = hs[:, HALF:D]


def _tc_prep(x, deg_o):
    return pl.pallas_call(
        _prep_body,
        grid=(N // RB,),
        in_specs=[pl.BlockSpec((RB, D), lambda i: (i, 0)),
                  pl.BlockSpec((RB, 16), lambda i: (i, 0))],
        out_specs=[pl.BlockSpec((RB, HALF), lambda i: (i, 0)),
                   pl.BlockSpec((RB, HALF), lambda i: (i, 0))],
        out_shape=[jax.ShapeDtypeStruct((N, HALF), _f32)] * 2,
    )(x, deg_o)


def _layer_body(a0_ref, a1_ref, dgi_ref, dgo_ref, w_ref, b_ref,
                h0_ref, h1_ref):
    nd = _norm(dgi_ref[:, 0:1])
    h = jnp.dot(a0_ref[...] * nd, w_ref[0:HALF, :],
                preferred_element_type=_f32)
    h += jnp.dot(a1_ref[...] * nd, w_ref[HALF:D, :],
                 preferred_element_type=_f32)
    h = jnp.maximum(h + b_ref[...], 0.0)
    hs = h * _norm(dgo_ref[:, 0:1])
    h0_ref[...] = hs[:, 0:HALF]
    h1_ref[...] = hs[:, HALF:D]


def _tc_layer(a0, a1, deg_i, deg_o, w, b):
    return pl.pallas_call(
        _layer_body,
        grid=(N // RB,),
        in_specs=[pl.BlockSpec((RB, HALF), lambda i: (i, 0)),
                  pl.BlockSpec((RB, HALF), lambda i: (i, 0)),
                  pl.BlockSpec((RB, 16), lambda i: (i, 0)),
                  pl.BlockSpec((RB, 16), lambda i: (i, 0)),
                  pl.BlockSpec((D, D), lambda i: (0, 0)),
                  pl.BlockSpec((1, D), lambda i: (0, 0))],
        out_specs=[pl.BlockSpec((RB, HALF), lambda i: (i, 0)),
                   pl.BlockSpec((RB, HALF), lambda i: (i, 0))],
        out_shape=[jax.ShapeDtypeStruct((N, HALF), _f32)] * 2,
    )(a0, a1, deg_i, deg_o, w, b)


def _final_body(a0_ref, a1_ref, dgi_ref, w_ref, b_ref, wo_ref, bo_ref,
                out_ref, acc_ref):
    i = pl.program_id(0)
    nd = _norm(dgi_ref[:, 0:1])
    h = jnp.dot(a0_ref[...] * nd, w_ref[0:HALF, :],
                preferred_element_type=_f32)
    h += jnp.dot(a1_ref[...] * nd, w_ref[HALF:D, :],
                 preferred_element_type=_f32)
    h = jnp.maximum(h + b_ref[...], 0.0)
    part = jnp.sum(h, axis=0, keepdims=True)

    @pl.when(i == 0)
    def _():
        acc_ref[...] = jnp.zeros_like(acc_ref)

    acc_ref[...] += part

    @pl.when(i == pl.num_programs(0) - 1)
    def _():
        out_ref[...] = jnp.dot(acc_ref[...] * (1.0 / N), wo_ref[...],
                               preferred_element_type=_f32) + bo_ref[...]


def _tc_final(a0, a1, deg_i, w, b, wo, bo):
    return pl.pallas_call(
        _final_body,
        grid=(N // RB,),
        in_specs=[pl.BlockSpec((RB, HALF), lambda i: (i, 0)),
                  pl.BlockSpec((RB, HALF), lambda i: (i, 0)),
                  pl.BlockSpec((RB, 16), lambda i: (i, 0)),
                  pl.BlockSpec((D, D), lambda i: (0, 0)),
                  pl.BlockSpec((1, D), lambda i: (0, 0)),
                  pl.BlockSpec((D, D), lambda i: (0, 0)),
                  pl.BlockSpec((1, D), lambda i: (0, 0))],
        out_specs=pl.BlockSpec((1, D), lambda i: (0, 0)),
        out_shape=jax.ShapeDtypeStruct((1, D), _f32),
        scratch_shapes=[pltpu.VMEM((1, D), _f32)],
    )(a0, a1, deg_i, w, b, wo, bo)



def kernel(x, edge_index, W1, b1, W2, b2, W3, b3, Wout, bout):
    src2 = edge_index[0].reshape(NS, CPS, CH)
    dst2 = edge_index[1].reshape(NS, CPS, CH)
    deg_o, deg_i = _sc_degrees(src2, dst2)
    h0, h1 = _tc_prep(x, deg_o)
    a0, a1 = _sc_spmm(h0, h1, src2, dst2)
    h0, h1 = _tc_layer(a0, a1, deg_i, deg_o, W1, b1.reshape(1, D))
    a0, a1 = _sc_spmm(h0, h1, src2, dst2)
    h0, h1 = _tc_layer(a0, a1, deg_i, deg_o, W2, b2.reshape(1, D))
    a0, a1 = _sc_spmm(h0, h1, src2, dst2)
    return _tc_final(a0, a1, deg_i, W3, b3.reshape(1, D),
                     Wout, bout.reshape(1, D))

# --- scband reference (transcript-rebuilt; emitter-appended) ---
"""Pipeline reference for scband-gcn-37065567764981 (READ-ONLY COPY).

The authoritative reference and input builder live on the scoring server;
editing this copy changes nothing except your own understanding.
"""

import jax, jax.numpy as jnp
import numpy as np

N = 10000
E = 320000
D = 128
H = 128
O = 128


def setup_inputs(seed: int = 0) -> dict:
    key = jax.random.key(seed)
    ks = jax.random.split(key, 12)
    x = jax.random.normal(ks[0], (N, D), dtype=jnp.float32)
    edge_index = jax.random.randint(ks[1], (2, E), 0, N, dtype=jnp.int32)
    W1 = jax.random.normal(ks[2], (D, H), dtype=jnp.float32) * 0.05
    b1 = jnp.zeros((H,), dtype=jnp.float32)
    W2 = jax.random.normal(ks[3], (H, H), dtype=jnp.float32) * 0.05
    b2 = jnp.zeros((H,), dtype=jnp.float32)
    W3 = jax.random.normal(ks[4], (H, H), dtype=jnp.float32) * 0.05
    b3 = jnp.zeros((H,), dtype=jnp.float32)
    Wout = jax.random.normal(ks[5], (H, O), dtype=jnp.float32) * 0.05
    bout = jnp.zeros((O,), dtype=jnp.float32)
    return {"x": x, "edge_index": edge_index, "W1": W1, "b1": b1, "W2": W2, "b2": b2, "W3": W3, "b3": b3, "Wout": Wout, "bout": bout}


def reference(x, edge_index, W1, b1, W2, b2, W3, b3, Wout, bout):
    src = edge_index[0]
    dst = edge_index[1]
    # DGL GraphConv norm='both': symmetric degree normalization
    deg_out = jnp.zeros((N,), dtype=jnp.float32).at[src].add(1.0)
    deg_in = jnp.zeros((N,), dtype=jnp.float32).at[dst].add(1.0)
    norm_src = jnp.where(deg_out > 0, jax.lax.rsqrt(jnp.maximum(deg_out, 1.0)), 0.0)
    norm_dst = jnp.where(deg_in > 0, jax.lax.rsqrt(jnp.maximum(deg_in, 1.0)), 0.0)

    def conv(h, W, b):
        h = h * norm_src[:, None]
        msgs = jnp.take(h, src, axis=0)
        agg = jnp.zeros((N, h.shape[1]), dtype=h.dtype).at[dst].add(msgs)
        agg = agg * norm_dst[:, None]
        out = agg @ W + b
        return jax.nn.relu(out)

    h = conv(x, W1, b1)
    h = conv(h, W2, b2)  # dropout p=0.0 is identity
    h = conv(h, W3, b3)
    hg = jnp.mean(h, axis=0)  # dgl.mean_nodes over a single graph
    score = hg @ Wout + bout
    return score[None, :]

if __name__ == "__main__":
    import jax
    _d = setup_inputs()
    print(jax.jit(kernel)(*tuple(_d.values())))

</pallas_src>

<mosaic_0001>
#map = affine_map<(d0, d1) -> (0, 0)>
#map1 = affine_map<(d0, d1) -> (0, 0, 0)>
module attributes {stable_mosaic.version = 14 : i64} {
  func.func @_sc_spmm(%arg0: i32, %arg1: i32, %arg2: memref<10000x64xf32, #tpu.memory_space<hbm>>, %arg3: memref<10000x64xf32, #tpu.memory_space<hbm>>, %arg4: memref<16x250x80xi32, #tpu.memory_space<hbm>>, %arg5: memref<16x250x80xi32, #tpu.memory_space<hbm>>, %arg6: memref<10240x64xf32, #tpu.memory_space<hbm>>, %arg7: memref<10240x64xf32, #tpu.memory_space<hbm>>, %arg8: memref<10240x64xf32, #tpu.memory_space<vmem_shared>>, %arg9: memref<250x80xi32, #tpu.memory_space<vmem>>, %arg10: memref<250x80xi32, #tpu.memory_space<vmem>>, %arg11: memref<80x64xf32, #tpu.memory_space<vmem>>, %arg12: memref<80x64xf32, #tpu.memory_space<vmem>>, %arg13: memref<128x64xf32, #tpu.memory_space<vmem>>, %arg14: memref<!tpu.dma_semaphore, #tpu.memory_space<semaphore_mem>>, %arg15: memref<!tpu.dma_semaphore, #tpu.memory_space<semaphore_mem>>) attributes {dimension_semantics = [#tpu.dimension_semantics<core_parallel>, #tpu.dimension_semantics<subcore_parallel>], iteration_bounds = array<i64: 2, 16>, scalar_prefetch = 0 : i64, scratch_operands = 8 : i64, tpu.core_type = #tpu.core_type<sc_vector_subcore>, window_params = [{transform_indices = #map}, {transform_indices = #map}, {transform_indices = #map1}, {transform_indices = #map1}, {transform_indices = #map}, {transform_indices = #map}]} {
    %mul3A = arith.constant 640 : i32
    %mul3A_0 = arith.muli %arg1, %mul3A : i32
    %scan3A = arith.constant 0 : i32
    %scan3A_1 = arith.constant 128 : i32
    %scan3A_2 = arith.addi %scan3A, %scan3A_1 : i32
    %scan3A_3 = arith.constant 1 : i32
    scf.for %scan3A_28 = %scan3A to %scan3A_2 step %scan3A_3  : i32 {
      %mul3A_29 = arith.constant 1 : i32
      %mul3A_30 = arith.muli %scan3A_28, %mul3A_29 : i32
      %add3A = arith.constant 0 : i32
      %add3A_31 = arith.addi %add3A, %mul3A_30 : i32
      %broadcast_in_dim3A = arith.constant 0.000000e+00 : f32
      %broadcast_in_dim3A_32 = vector.broadcast %broadcast_in_dim3A : f32 to vector<1x16xf32>
      %swap3A = arith.index_cast %add3A_31 : i32 to index
      %swap3A_33 = arith.constant 0 : index
      %swap3A_34 = tpu.vector_load %arg13[%swap3A, %swap3A_33] {strides = array<i32>} : memref<128x64xf32, #tpu.memory_space<vmem>>, vector<1x16xf32>,
      %swap3A_35 = vector.shape_cast %swap3A_34 : vector<1x16xf32> to vector<1x16xf32>
      %swap3A_36 = vector.shape_cast %broadcast_in_dim3A_32 : vector<1x16xf32> to vector<1x16xf32>
      tpu.vector_store %arg13[%swap3A, %swap3A_33], %swap3A_36 {strides = array<i32>} : memref<128x64xf32, #tpu.memory_space<vmem>>, vector<1x16xf32>,
      %broadcast_in_dim3A_37 = arith.constant 0.000000e+00 : f32
      %broadcast_in_dim3A_38 = vector.broadcast %broadcast_in_dim3A_37 : f32 to vector<1x16xf32>
      %swap3A_39 = arith.index_cast %add3A_31 : i32 to index
      %swap3A_40 = arith.constant 16 : index
      %swap3A_41 = tpu.vector_load %arg13[%swap3A_39, %swap3A_40] {strides = array<i32>} : memref<128x64xf32, #tpu.memory_space<vmem>>, vector<1x16xf32>,
      %swap3A_42 = vector.shape_cast %swap3A_41 : vector<1x16xf32> to vector<1x16xf32>
      %swap3A_43 = vector.shape_cast %broadcast_in_dim3A_38 : vector<1x16xf32> to vector<1x16xf32>
      tpu.vector_store %arg13[%swap3A_39, %swap3A_40], %swap3A_43 {strides = array<i32>} : memref<128x64xf32, #tpu.memory_space<vmem>>, vector<1x16xf32>,
      %broadcast_in_dim3A_44 = arith.constant 0.000000e+00 : f32
      %broadcast_in_dim3A_45 = vector.broadcast %broadcast_in_dim3A_44 : f32 to vector<1x16xf32>
      %swap3A_46 = arith.index_cast %add3A_31 : i32 to index
      %swap3A_47 = arith.constant 32 : index
      %swap3A_48 = tpu.vector_load %arg13[%swap3A_46, %swap3A_47] {strides = array<i32>} : memref<128x64xf32, #tpu.memory_space<vmem>>, vector<1x16xf32>,
      %swap3A_49 = vector.shape_cast %swap3A_48 : vector<1x16xf32> to vector<1x16xf32>
      %swap3A_50 = vector.shape_cast %broadcast_in_dim3A_45 : vector<1x16xf32> to vector<1x16xf32>
      tpu.vector_store %arg13[%swap3A_46, %swap3A_47], %swap3A_50 {strides = array<i32>} : memref<128x64xf32, #tpu.memory_space<vmem>>, vector<1x16xf32>,
      %broadcast_in_dim3A_51 = arith.constant 0.000000e+00 : f32
      %broadcast_in_dim3A_52 = vector.broadcast %broadcast_in_dim3A_51 : f32 to vector<1x16xf32>
      %swap3A_53 = arith.index_cast %add3A_31 : i32 to index
      %swap3A_54 = arith.constant 48 : index
      %swap3A_55 = tpu.vector_load %arg13[%swap3A_53, %swap3A_54] {strides = array<i32>} : memref<128x64xf32, #tpu.memory_space<vmem>>, vector<1x16xf32>,
      %swap3A_56 = vector.shape_cast %swap3A_55 : vector<1x16xf32> to vector<1x16xf32>
      %swap3A_57 = vector.shape_cast %broadcast_in_dim3A_52 : vector<1x16xf32> to vector<1x16xf32>
      tpu.vector_store %arg13[%swap3A_53, %swap3A_54], %swap3A_57 {strides = array<i32>} : memref<128x64xf32, #tpu.memory_space<vmem>>, vector<1x16xf32>,
    }
    %scan3A_4 = arith.constant 128 : i32
    %scan3A_5 = arith.constant 0 : i32
    %scan3A_6 = arith.constant 5 : i32
    %scan3A_7 = arith.addi %scan3A_5, %scan3A_6 : i32
    %scan3A_8 = arith.constant 1 : i32
    scf.for %scan3A_28 = %scan3A_5 to %scan3A_7 step %scan3A_8  : i32 {
      %mul3A_29 = arith.constant 1 : i32
      %mul3A_30 = arith.muli %scan3A_28, %mul3A_29 : i32
      %add3A = arith.constant 0 : i32
      %add3A_31 = arith.addi %add3A, %mul3A_30 : i32
      %mul3A_32 = arith.constant 128 : i32
      %mul3A_33 = arith.muli %add3A_31, %mul3A_32 : i32
      %add3A_34 = arith.addi %mul3A_0, %mul3A_33 : i32
      "tpu.region"() ({
        %run_scoped3A = tpu.sem_alloc : memref<!tpu.dma_semaphore, #tpu.memory_space<semaphore_mem>>
        %dma_start3A = arith.constant 0 : i32
        %dma_start3A_35 = tpu.memref_slice %arg8[%add3A_34, %dma_start3A] : memref<10240x64xf32, #tpu.memory_space<vmem_shared>> -> memref<128x64xf32, #tpu.memory_space<vmem_shared>>
        %dma_start3A_36 = arith.constant 0 : i32
        %dma_start3A_37 = tpu.memref_slice %arg8[%add3A_34, %dma_start3A_36] : memref<10240x64xf32, #tpu.memory_space<vmem_shared>> -> memref<128x64xf32, #tpu.memory_space<vmem_shared>>
        tpu.enqueue_dma source(%arg13 : memref<128x64xf32, #tpu.memory_space<vmem>>) target(%dma_start3A_37 : memref<128x64xf32, #tpu.memory_space<vmem_shared>>) target_semaphore(%run_scoped3A : memref<!tpu.dma_semaphore, #tpu.memory_space<semaphore_mem>>)
        %dma_wait3A = arith.constant 0 : i32
        %dma_wait3A_38 = tpu.memref_slice %arg8[%add3A_34, %dma_wait3A] : memref<10240x64xf32, #tpu.memory_space<vmem_shared>> -> memref<128x64xf32, #tpu.memory_space<vmem_shared>>
        %dma_wait3A_39 = arith.constant 0 : i32
        %dma_wait3A_40 = tpu.memref_slice %arg8[%add3A_34, %dma_wait3A_39] : memref<10240x64xf32, #tpu.memory_space<vmem_shared>> -> memref<128x64xf32, #tpu.memory_space<vmem_shared>>
        tpu.wait_dma2 semaphore(%run_scoped3A : memref<!tpu.dma_semaphore, #tpu.memory_space<semaphore_mem>>) src(%arg13 : memref<128x64xf32, #tpu.memory_space<vmem>>) dst(%dma_wait3A_40 : memref<128x64xf32, #tpu.memory_space<vmem_shared>>)
        tpu.yield
      }) : () -> ()
    }
    %scan3A_9 = arith.constant 5 : i32
    "tpu.region"() ({
      %run_scoped3A = tpu.sem_alloc : memref<!tpu.dma_semaphore, #tpu.memory_space<semaphore_mem>>
      %dma_start3A = arith.constant 0 : i32
      %dma_start3A_28 = arith.constant 0 : i32
      %dma_start3A_29 = tpu.memref_slice %arg4[%arg1, %dma_start3A, %dma_start3A_28] : memref<16x250x80xi32, #tpu.memory_space<hbm>> -> memref<1x250x80xi32, #tpu.memory_space<hbm>>
      %dma_start3A_30 = tpu.memref_squeeze %dma_start3A_29 : memref<1x250x80xi32, #tpu.memory_space<hbm>> -> memref<250x80xi32, #tpu.memory_space<hbm>>
      %dma_start3A_31 = arith.constant 0 : i32
      %dma_start3A_32 = arith.constant 0 : i32
      %dma_start3A_33 = tpu.memref_slice %arg4[%arg1, %dma_start3A_31, %dma_start3A_32] : memref<16x250x80xi32, #tpu.memory_space<hbm>> -> memref<1x250x80xi32, #tpu.memory_space<hbm>>
      %dma_start3A_34 = tpu.memref_squeeze %dma_start3A_33 : memref<1x250x80xi32, #tpu.memory_space<hbm>> -> memref<250x80xi32, #tpu.memory_space<hbm>>
      tpu.enqueue_dma source(%dma_start3A_34 : memref<250x80xi32, #tpu.memory_space<hbm>>) target(%arg9 : memref<250x80xi32, #tpu.memory_space<vmem>>) target_semaphore(%run_scoped3A : memref<!tpu.dma_semaphore, #tpu.memory_space<semaphore_mem>>)
      %dma_wait3A = arith.constant 0 : i32
      %dma_wait3A_35 = arith.constant 0 : i32
      %dma_wait3A_36 = tpu.memref_slice %arg4[%arg1, %dma_wait3A, %dma_wait3A_35] : memref<16x250x80xi32, #tpu.memory_space<hbm>> -> memref<1x250x80xi32, #tpu.memory_space<hbm>>
      %dma_wait3A_37 = tpu.memref_squeeze %dma_wait3A_36 : memref<1x250x80xi32, #tpu.memory_space<hbm>> -> memref<250x80xi32, #tpu.memory_space<hbm>>
      %dma_wait3A_38 = arith.constant 0 : i32
      %dma_wait3A_39 = arith.constant 0 : i32
      %dma_wait3A_40 = tpu.memref_slice %arg4[%arg1, %dma_wait3A_38, %dma_wait3A_39] : memref<16x250x80xi32, #tpu.memory_space<hbm>> -> memref<1x250x80xi32, #tpu.memory_space<hbm>>
      %dma_wait3A_41 = tpu.memref_squeeze %dma_wait3A_40 : memref<1x250x80xi32, #tpu.memory_space<hbm>> -> memref<250x80xi32, #tpu.memory_space<hbm>>
      tpu.wait_dma2 semaphore(%run_scoped3A : memref<!tpu.dma_semaphore, #tpu.memory_space<semaphore_mem>>) src(%dma_wait3A_41 : memref<250x80xi32, #tpu.memory_space<hbm>>) dst(%arg9 : memref<250x80xi32, #tpu.memory_space<vmem>>)
      tpu.yield
    }) : () -> ()
    "tpu.region"() ({
      %run_scoped3A = tpu.sem_alloc : memref<!tpu.dma_semaphore, #tpu.memory_space<semaphore_mem>>
      %dma_start3A = arith.constant 0 : i32
      %dma_start3A_28 = arith.constant 0 : i32
      %dma_start3A_29 = tpu.memref_slice %arg5[%arg1, %dma_start3A, %dma_start3A_28] : memref<16x250x80xi32, #tpu.memory_space<hbm>> -> memref<1x250x80xi32, #tpu.memory_space<hbm>>
      %dma_start3A_30 = tpu.memref_squeeze %dma_start3A_29 : memref<1x250x80xi32, #tpu.memory_space<hbm>> -> memref<250x80xi32, #tpu.memory_space<hbm>>
      %dma_start3A_31 = arith.constant 0 : i32
      %dma_start3A_32 = arith.constant 0 : i32
      %dma_start3A_33 = tpu.memref_slice %arg5[%arg1, %dma_start3A_31, %dma_start3A_32] : memref<16x250x80xi32, #tpu.memory_space<hbm>> -> memref<1x250x80xi32, #tpu.memory_space<hbm>>
      %dma_start3A_34 = tpu.memref_squeeze %dma_start3A_33 : memref<1x250x80xi32, #tpu.memory_space<hbm>> -> memref<250x80xi32, #tpu.memory_space<hbm>>
      tpu.enqueue_dma source(%dma_start3A_34 : memref<250x80xi32, #tpu.memory_space<hbm>>) target(%arg10 : memref<250x80xi32, #tpu.memory_space<vmem>>) target_semaphore(%run_scoped3A : memref<!tpu.dma_semaphore, #tpu.memory_space<semaphore_mem>>)
      %dma_wait3A = arith.constant 0 : i32
      %dma_wait3A_35 = arith.constant 0 : i32
      %dma_wait3A_36 = tpu.memref_slice %arg5[%arg1, %dma_wait3A, %dma_wait3A_35] : memref<16x250x80xi32, #tpu.memory_space<hbm>> -> memref<1x250x80xi32, #tpu.memory_space<hbm>>
      %dma_wait3A_37 = tpu.memref_squeeze %dma_wait3A_36 : memref<1x250x80xi32, #tpu.memory_space<hbm>> -> memref<250x80xi32, #tpu.memory_space<hbm>>
      %dma_wait3A_38 = arith.constant 0 : i32
      %dma_wait3A_39 = arith.constant 0 : i32
      %dma_wait3A_40 = tpu.memref_slice %arg5[%arg1, %dma_wait3A_38, %dma_wait3A_39] : memref<16x250x80xi32, #tpu.memory_space<hbm>> -> memref<1x250x80xi32, #tpu.memory_space<hbm>>
      %dma_wait3A_41 = tpu.memref_squeeze %dma_wait3A_40 : memref<1x250x80xi32, #tpu.memory_space<hbm>> -> memref<250x80xi32, #tpu.memory_space<hbm>>
      tpu.wait_dma2 semaphore(%run_scoped3A : memref<!tpu.dma_semaphore, #tpu.memory_space<semaphore_mem>>) src(%dma_wait3A_41 : memref<250x80xi32, #tpu.memory_space<hbm>>) dst(%arg10 : memref<250x80xi32, #tpu.memory_space<vmem>>)
      tpu.yield
    }) : () -> ()
    %barrier3A = arith.constant 0 : index
    tpu.barrier barrier_id(%barrier3A)
    %eq3A = arith.constant 0 : i32
    %eq3A_10 = arith.cmpi eq, %arg0, %eq3A : i32
    %convert_element_type3A = arith.extui %eq3A_10 : i1 to i32
    %cond3A = arith.constant 0 : i32
    %cond3A_11 = arith.cmpi ne, %convert_element_type3A, %cond3A : i32
    scf.if %cond3A_11 {
      %dma_start3A = arith.constant 0 : i32
      %dma_start3A_28 = arith.constant 0 : i32
      %dma_start3A_29 = tpu.memref_slice %arg9[%dma_start3A, %dma_start3A_28] : memref<250x80xi32, #tpu.memory_space<vmem>> -> memref<1x80xi32, #tpu.memory_space<vmem>>
      %dma_start3A_30 = tpu.memref_squeeze %dma_start3A_29 : memref<1x80xi32, #tpu.memory_space<vmem>> -> memref<80xi32, #tpu.memory_space<vmem>>
      %dma_start3A_31 = arith.constant 0 : i32
      %dma_start3A_32 = arith.constant 0 : i32
      %dma_start3A_33 = tpu.memref_slice %arg2[%dma_start3A_31, %dma_start3A_32] : memref<10000x64xf32, #tpu.memory_space<hbm>> -> memref<10000x64xf32, #tpu.memory_space<hbm>>
      tpu.enqueue_indirect_dma source(%dma_start3A_33 : memref<10000x64xf32, #tpu.memory_space<hbm>>) target(%arg11 : memref<80x64xf32, #tpu.memory_space<vmem>>) offsets(%dma_start3A_30 : memref<80xi32, #tpu.memory_space<vmem>>) semaphore(%arg14 : memref<!tpu.dma_semaphore, #tpu.memory_space<semaphore_mem>>)
      %scan3A_34 = arith.constant 0 : i32
      %scan3A_35 = arith.constant 125 : i32
      %scan3A_36 = arith.addi %scan3A_34, %scan3A_35 : i32
      %scan3A_37 = arith.constant 1 : i32
      scf.for %scan3A_39 = %scan3A_34 to %scan3A_36 step %scan3A_37  : i32 {
        %mul3A_40 = arith.constant 2 : i32
        %mul3A_41 = arith.muli %scan3A_39, %mul3A_40 : i32
        %add3A = arith.constant 0 : i32
        %add3A_42 = arith.addi %add3A, %mul3A_41 : i32
        %add3A_43 = arith.constant 1 : i32
        %add3A_44 = arith.addi %add3A_42, %add3A_43 : i32
        %dma_start3A_45 = arith.constant 0 : i32
        %dma_start3A_46 = tpu.memref_slice %arg9[%add3A_44, %dma_start3A_45] : memref<250x80xi32, #tpu.memory_space<vmem>> -> memref<1x80xi32, #tpu.memory_space<vmem>>
        %dma_start3A_47 = tpu.memref_squeeze %dma_start3A_46 : memref<1x80xi32, #tpu.memory_space<vmem>> -> memref<80xi32, #tpu.memory_space<vmem>>
        %dma_start3A_48 = arith.constant 0 : i32
        %dma_start3A_49 = arith.constant 0 : i32
        %dma_start3A_50 = tpu.memref_slice %arg2[%dma_start3A_48, %dma_start3A_49] : memref<10000x64xf32, #tpu.memory_space<hbm>> -> memref<10000x64xf32, #tpu.memory_space<hbm>>
        tpu.enqueue_indirect_dma source(%dma_start3A_50 : memref<10000x64xf32, #tpu.memory_space<hbm>>) target(%arg12 : memref<80x64xf32, #tpu.memory_space<vmem>>) offsets(%dma_start3A_47 : memref<80xi32, #tpu.memory_space<vmem>>) semaphore(%arg15 : memref<!tpu.dma_semaphore, #tpu.memory_space<semaphore_mem>>)
        %dma_wait3A = arith.constant 0 : i32
        %dma_wait3A_51 = tpu.memref_slice %arg9[%add3A_42, %dma_wait3A] : memref<250x80xi32, #tpu.memory_space<vmem>> -> memref<1x80xi32, #tpu.memory_space<vmem>>
        %dma_wait3A_52 = tpu.memref_squeeze %dma_wait3A_51 : memref<1x80xi32, #tpu.memory_space<vmem>> -> memref<80xi32, #tpu.memory_space<vmem>>
        %dma_wait3A_53 = arith.constant 0 : i32
        %dma_wait3A_54 = arith.constant 0 : i32
        %dma_wait3A_55 = tpu.memref_slice %arg2[%dma_wait3A_53, %dma_wait3A_54] : memref<10000x64xf32, #tpu.memory_space<hbm>> -> memref<10000x64xf32, #tpu.memory_space<hbm>>
        tpu.wait_indirect_dma semaphore(%arg14 : memref<!tpu.dma_semaphore, #tpu.memory_space<semaphore_mem>>) src(%dma_wait3A_55 : memref<10000x64xf32, #tpu.memory_space<hbm>>) dst(%arg11 : memref<80x64xf32, #tpu.memory_space<vmem>>)
        "tpu.region"() ({
          %run_scoped3A = tpu.sem_alloc : memref<!tpu.dma_semaphore, #tpu.memory_space<semaphore_mem>>
          %dma_start3A_72 = arith.constant 0 : i32
          %dma_start3A_73 = tpu.memref_slice %arg10[%add3A_42, %dma_start3A_72] : memref<250x80xi32, #tpu.memory_space<vmem>> -> memref<1x80xi32, #tpu.memory_space<vmem>>
          %dma_start3A_74 = tpu.memref_squeeze %dma_start3A_73 : memref<1x80xi32, #tpu.memory_space<vmem>> -> memref<80xi32, #tpu.memory_space<vmem>>
          %dma_start3A_75 = arith.constant 0 : i32
          %dma_start3A_76 = arith.constant 0 : i32
          %dma_start3A_77 = tpu.memref_slice %arg8[%dma_start3A_75, %dma_start3A_76] : memref<10240x64xf32, #tpu.memory_space<vmem_shared>> -> memref<10240x64xf32, #tpu.memory_space<vmem_shared>>
          tpu.enqueue_indirect_dma source(%arg11 : memref<80x64xf32, #tpu.memory_space<vmem>>) target(%dma_start3A_77 : memref<10240x64xf32, #tpu.memory_space<vmem_shared>>) offsets(%dma_start3A_74 : memref<80xi32, #tpu.memory_space<vmem>>) semaphore(%run_scoped3A : memref<!tpu.dma_semaphore, #tpu.memory_space<semaphore_mem>>) {add = true}
          %dma_wait3A_78 = arith.constant 0 : i32
          %dma_wait3A_79 = tpu.memref_slice %arg10[%add3A_42, %dma_wait3A_78] : memref<250x80xi32, #tpu.memory_space<vmem>> -> memref<1x80xi32, #tpu.memory_space<vmem>>
          %dma_wait3A_80 = tpu.memref_squeeze %dma_wait3A_79 : memref<1x80xi32, #tpu.memory_space<vmem>> -> memref<80xi32, #tpu.memory_space<vmem>>
          %dma_wait3A_81 = arith.constant 0 : i32
          %dma_wait3A_82 = arith.constant 0 : i32
          %dma_wait3A_83 = tpu.memref_slice %arg8[%dma_wait3A_81, %dma_wait3A_82] : memref<10240x64xf32, #tpu.memory_space<vmem_shared>> -> memref<10240x64xf32, #tpu.memory_space<vmem_shared>>
          tpu.wait_indirect_dma semaphore(%run_scoped3A : memref<!tpu.dma_semaphore, #tpu.memory_space<semaphore_mem>>) src(%arg11 : memref<80x64xf32, #tpu.memory_space<vmem>>) dst(%dma_wait3A_83 : memref<10240x64xf32, #tpu.memory_space<vmem_shared>>)
          tpu.yield
        }) : () -> ()
        %add3A_56 = arith.constant 2 : i32
        %add3A_57 = arith.addi %add3A_42, %add3A_56 : i32
        %lt3A = arith.constant 250 : i32
        %lt3A_58 = arith.cmpi slt, %add3A_57, %lt3A : i32
        %convert_element_type3A_59 = arith.extui %lt3A_58 : i1 to i32
        %cond3A_60 = arith.constant 0 : i32
        %cond3A_61 = arith.cmpi ne, %convert_element_type3A_59, %cond3A_60 : i32
        scf.if %cond3A_61 {
          %add3A_72 = arith.constant 2 : i32
          %add3A_73 = arith.addi %add3A_42, %add3A_72 : i32
          %dma_start3A_74 = arith.constant 0 : i32
          %dma_start3A_75 = tpu.memref_slice %arg9[%add3A_73, %dma_start3A_74] : memref<250x80xi32, #tpu.memory_space<vmem>> -> memref<1x80xi32, #tpu.memory_space<vmem>>
          %dma_start3A_76 = tpu.memref_squeeze %dma_start3A_75 : memref<1x80xi32, #tpu.memory_space<vmem>> -> memref<80xi32, #tpu.memory_space<vmem>>
          %dma_start3A_77 = arith.constant 0 : i32
          %dma_start3A_78 = arith.constant 0 : i32
          %dma_start3A_79 = tpu.memref_slice %arg2[%dma_start3A_77, %dma_start3A_78] : memref<10000x64xf32, #tpu.memory_space<hbm>> -> memref<10000x64xf32, #tpu.memory_space<hbm>>
          tpu.enqueue_indirect_dma source(%dma_start3A_79 : memref<10000x64xf32, #tpu.memory_space<hbm>>) target(%arg11 : memref<80x64xf32, #tpu.memory_space<vmem>>) offsets(%dma_start3A_76 : memref<80xi32, #tpu.memory_space<vmem>>) semaphore(%arg14 : memref<!tpu.dma_semaphore, #tpu.memory_space<semaphore_mem>>)
        } else {
        }
        %add3A_62 = arith.constant 1 : i32
        %add3A_63 = arith.addi %add3A_42, %add3A_62 : i32
        %dma_wait3A_64 = arith.constant 0 : i32
        %dma_wait3A_65 = tpu.memref_slice %arg9[%add3A_63, %dma_wait3A_64] : memref<250x80xi32, #tpu.memory_space<vmem>> -> memref<1x80xi32, #tpu.memory_space<vmem>>
        %dma_wait3A_66 = tpu.memref_squeeze %dma_wait3A_65 : memref<1x80xi32, #tpu.memory_space<vmem>> -> memref<80xi32, #tpu.memory_space<vmem>>
        %dma_wait3A_67 = arith.constant 0 : i32
        %dma_wait3A_68 = arith.constant 0 : i32
        %dma_wait3A_69 = tpu.memref_slice %arg2[%dma_wait3A_67, %dma_wait3A_68] : memref<10000x64xf32, #tpu.memory_space<hbm>> -> memref<10000x64xf32, #tpu.memory_space<hbm>>
        tpu.wait_indirect_dma semaphore(%arg15 : memref<!tpu.dma_semaphore, #tpu.memory_space<semaphore_mem>>) src(%dma_wait3A_69 : memref<10000x64xf32, #tpu.memory_space<hbm>>) dst(%arg12 : memref<80x64xf32, #tpu.memory_space<vmem>>)
        %add3A_70 = arith.constant 1 : i32
        %add3A_71 = arith.addi %add3A_42, %add3A_70 : i32
        "tpu.region"() ({
          %run_scoped3A = tpu.sem_alloc : memref<!tpu.dma_semaphore, #tpu.memory_space<semaphore_mem>>
          %dma_start3A_72 = arith.constant 0 : i32
          %dma_start3A_73 = tpu.memref_slice %arg10[%add3A_71, %dma_start3A_72] : memref<250x80xi32, #tpu.memory_space<vmem>> -> memref<1x80xi32, #tpu.memory_space<vmem>>
          %dma_start3A_74 = tpu.memref_squeeze %dma_start3A_73 : memref<1x80xi32, #tpu.memory_space<vmem>> -> memref<80xi32, #tpu.memory_space<vmem>>
          %dma_start3A_75 = arith.constant 0 : i32
          %dma_start3A_76 = arith.constant 0 : i32
          %dma_start3A_77 = tpu.memref_slice %arg8[%dma_start3A_75, %dma_start3A_76] : memref<10240x64xf32, #tpu.memory_space<vmem_shared>> -> memref<10240x64xf32, #tpu.memory_space<vmem_shared>>
          tpu.enqueue_indirect_dma source(%arg12 : memref<80x64xf32, #tpu.memory_space<vmem>>) target(%dma_start3A_77 : memref<10240x64xf32, #tpu.memory_space<vmem_shared>>) offsets(%dma_start3A_74 : memref<80xi32, #tpu.memory_space<vmem>>) semaphore(%run_scoped3A : memref<!tpu.dma_semaphore, #tpu.memory_space<semaphore_mem>>) {add = true}
          %dma_wait3A_78 = arith.constant 0 : i32
          %dma_wait3A_79 = tpu.memref_slice %arg10[%add3A_71, %dma_wait3A_78] : memref<250x80xi32, #tpu.memory_space<vmem>> -> memref<1x80xi32, #tpu.memory_space<vmem>>
          %dma_wait3A_80 = tpu.memref_squeeze %dma_wait3A_79 : memref<1x80xi32, #tpu.memory_space<vmem>> -> memref<80xi32, #tpu.memory_space<vmem>>
          %dma_wait3A_81 = arith.constant 0 : i32
          %dma_wait3A_82 = arith.constant 0 : i32
          %dma_wait3A_83 = tpu.memref_slice %arg8[%dma_wait3A_81, %dma_wait3A_82] : memref<10240x64xf32, #tpu.memory_space<vmem_shared>> -> memref<10240x64xf32, #tpu.memory_space<vmem_shared>>
          tpu.wait_indirect_dma semaphore(%run_scoped3A : memref<!tpu.dma_semaphore, #tpu.memory_space<semaphore_mem>>) src(%arg12 : memref<80x64xf32, #tpu.memory_space<vmem>>) dst(%dma_wait3A_83 : memref<10240x64xf32, #tpu.memory_space<vmem_shared>>)
          tpu.yield
        }) : () -> ()
      }
      %scan3A_38 = arith.constant 125 : i32
    } else {
    }
    %eq3A_12 = arith.constant 1 : i32
    %eq3A_13 = arith.cmpi eq, %arg0, %eq3A_12 : i32
    %convert_element_type3A_14 = arith.extui %eq3A_13 : i1 to i32
    %cond3A_15 = arith.constant 0 : i32
    %cond3A_16 = arith.cmpi ne, %convert_element_type3A_14, %cond3A_15 : i32
    scf.if %cond3A_16 {
      %dma_start3A = arith.constant 0 : i32
      %dma_start3A_28 = arith.constant 0 : i32
      %dma_start3A_29 = tpu.memref_slice %arg9[%dma_start3A, %dma_start3A_28] : memref<250x80xi32, #tpu.memory_space<vmem>> -> memref<1x80xi32, #tpu.memory_space<vmem>>
      %dma_start3A_30 = tpu.memref_squeeze %dma_start3A_29 : memref<1x80xi32, #tpu.memory_space<vmem>> -> memref<80xi32, #tpu.memory_space<vmem>>
      %dma_start3A_31 = arith.constant 0 : i32
      %dma_start3A_32 = arith.constant 0 : i32
      %dma_start3A_33 = tpu.memref_slice %arg3[%dma_start3A_31, %dma_start3A_32] : memref<10000x64xf32, #tpu.memory_space<hbm>> -> memref<10000x64xf32, #tpu.memory_space<hbm>>
      tpu.enqueue_indirect_dma source(%dma_start3A_33 : memref<10000x64xf32, #tpu.memory_space<hbm>>) target(%arg11 : memref<80x64xf32, #tpu.memory_space<vmem>>) offsets(%dma_start3A_30 : memref<80xi32, #tpu.memory_space<vmem>>) semaphore(%arg14 : memref<!tpu.dma_semaphore, #tpu.memory_space<semaphore_mem>>)
      %scan3A_34 = arith.constant 0 : i32
      %scan3A_35 = arith.constant 125 : i32
      %scan3A_36 = arith.addi %scan3A_34, %scan3A_35 : i32
      %scan3A_37 = arith.constant 1 : i32
      scf.for %scan3A_39 = %scan3A_34 to %scan3A_36 step %scan3A_37  : i32 {
        %mul3A_40 = arith.constant 2 : i32
        %mul3A_41 = arith.muli %scan3A_39, %mul3A_40 : i32
        %add3A = arith.constant 0 : i32
        %add3A_42 = arith.addi %add3A, %mul3A_41 : i32
        %add3A_43 = arith.constant 1 : i32
        %add3A_44 = arith.addi %add3A_42, %add3A_43 : i32
        %dma_start3A_45 = arith.constant 0 : i32
        %dma_start3A_46 = tpu.memref_slice %arg9[%add3A_44, %dma_start3A_45] : memref<250x80xi32, #tpu.memory_space<vmem>> -> memref<1x80xi32, #tpu.memory_space<vmem>>
        %dma_start3A_47 = tpu.memref_squeeze %dma_start3A_46 : memref<1x80xi32, #tpu.memory_space<vmem>> -> memref<80xi32, #tpu.memory_space<vmem>>
        %dma_start3A_48 = arith.constant 0 : i32
        %dma_start3A_49 = arith.constant 0 : i32
        %dma_start3A_50 = tpu.memref_slice %arg3[%dma_start3A_48, %dma_start3A_49] : memref<10000x64xf32, #tpu.memory_space<hbm>> -> memref<10000x64xf32, #tpu.memory_space<hbm>>
        tpu.enqueue_indirect_dma source(%dma_start3A_50 : memref<10000x64xf32, #tpu.memory_space<hbm>>) target(%arg12 : memref<80x64xf32, #tpu.memory_space<vmem>>) offsets(%dma_start3A_47 : memref<80xi32, #tpu.memory_space<vmem>>) semaphore(%arg15 : memref<!tpu.dma_semaphore, #tpu.memory_space<semaphore_mem>>)
        %dma_wait3A = arith.constant 0 : i32
        %dma_wait3A_51 = tpu.memref_slice %arg9[%add3A_42, %dma_wait3A] : memref<250x80xi32, #tpu.memory_space<vmem>> -> memref<1x80xi32, #tpu.memory_space<vmem>>
        %dma_wait3A_52 = tpu.memref_squeeze %dma_wait3A_51 : memref<1x80xi32, #tpu.memory_space<vmem>> -> memref<80xi32, #tpu.memory_space<vmem>>
        %dma_wait3A_53 = arith.constant 0 : i32
        %dma_wait3A_54 = arith.constant 0 : i32
        %dma_wait3A_55 = tpu.memref_slice %arg3[%dma_wait3A_53, %dma_wait3A_54] : memref<10000x64xf32, #tpu.memory_space<hbm>> -> memref<10000x64xf32, #tpu.memory_space<hbm>>
        tpu.wait_indirect_dma semaphore(%arg14 : memref<!tpu.dma_semaphore, #tpu.memory_space<semaphore_mem>>) src(%dma_wait3A_55 : memref<10000x64xf32, #tpu.memory_space<hbm>>) dst(%arg11 : memref<80x64xf32, #tpu.memory_space<vmem>>)
        "tpu.region"() ({
          %run_scoped3A = tpu.sem_alloc : memref<!tpu.dma_semaphore, #tpu.memory_space<semaphore_mem>>
          %dma_start3A_72 = arith.constant 0 : i32
          %dma_start3A_73 = tpu.memref_slice %arg10[%add3A_42, %dma_start3A_72] : memref<250x80xi32, #tpu.memory_space<vmem>> -> memref<1x80xi32, #tpu.memory_space<vmem>>
          %dma_start3A_74 = tpu.memref_squeeze %dma_start3A_73 : memref<1x80xi32, #tpu.memory_space<vmem>> -> memref<80xi32, #tpu.memory_space<vmem>>
          %dma_start3A_75 = arith.constant 0 : i32
          %dma_start3A_76 = arith.constant 0 : i32
          %dma_start3A_77 = tpu.memref_slice %arg8[%dma_start3A_75, %dma_start3A_76] : memref<10240x64xf32, #tpu.memory_space<vmem_shared>> -> memref<10240x64xf32, #tpu.memory_space<vmem_shared>>
          tpu.enqueue_indirect_dma source(%arg11 : memref<80x64xf32, #tpu.memory_space<vmem>>) target(%dma_start3A_77 : memref<10240x64xf32, #tpu.memory_space<vmem_shared>>) offsets(%dma_start3A_74 : memref<80xi32, #tpu.memory_space<vmem>>) semaphore(%run_scoped3A : memref<!tpu.dma_semaphore, #tpu.memory_space<semaphore_mem>>) {add = true}
          %dma_wait3A_78 = arith.constant 0 : i32
          %dma_wait3A_79 = tpu.memref_slice %arg10[%add3A_42, %dma_wait3A_78] : memref<250x80xi32, #tpu.memory_space<vmem>> -> memref<1x80xi32, #tpu.memory_space<vmem>>
          %dma_wait3A_80 = tpu.memref_squeeze %dma_wait3A_79 : memref<1x80xi32, #tpu.memory_space<vmem>> -> memref<80xi32, #tpu.memory_space<vmem>>
          %dma_wait3A_81 = arith.constant 0 : i32
          %dma_wait3A_82 = arith.constant 0 : i32
          %dma_wait3A_83 = tpu.memref_slice %arg8[%dma_wait3A_81, %dma_wait3A_82] : memref<10240x64xf32, #tpu.memory_space<vmem_shared>> -> memref<10240x64xf32, #tpu.memory_space<vmem_shared>>
          tpu.wait_indirect_dma semaphore(%run_scoped3A : memref<!tpu.dma_semaphore, #tpu.memory_space<semaphore_mem>>) src(%arg11 : memref<80x64xf32, #tpu.memory_space<vmem>>) dst(%dma_wait3A_83 : memref<10240x64xf32, #tpu.memory_space<vmem_shared>>)
          tpu.yield
        }) : () -> ()
        %add3A_56 = arith.constant 2 : i32
        %add3A_57 = arith.addi %add3A_42, %add3A_56 : i32
        %lt3A = arith.constant 250 : i32
        %lt3A_58 = arith.cmpi slt, %add3A_57, %lt3A : i32
        %convert_element_type3A_59 = arith.extui %lt3A_58 : i1 to i32
        %cond3A_60 = arith.constant 0 : i32
        %cond3A_61 = arith.cmpi ne, %convert_element_type3A_59, %cond3A_60 : i32
        scf.if %cond3A_61 {
          %add3A_72 = arith.constant 2 : i32
          %add3A_73 = arith.addi %add3A_42, %add3A_72 : i32
          %dma_start3A_74 = arith.constant 0 : i32
          %dma_start3A_75 = tpu.memref_slice %arg9[%add3A_73, %dma_start3A_74] : memref<250x80xi32, #tpu.memory_space<vmem>> -> memref<1x80xi32, #tpu.memory_space<vmem>>
          %dma_start3A_76 = tpu.memref_squeeze %dma_start3A_75 : memref<1x80xi32, #tpu.memory_space<vmem>> -> memref<80xi32, #tpu.memory_space<vmem>>
          %dma_start3A_77 = arith.constant 0 : i32
          %dma_start3A_78 = arith.constant 0 : i32
          %dma_start3A_79 = tpu.memref_slice %arg3[%dma_start3A_77, %dma_start3A_78] : memref<10000x64xf32, #tpu.memory_space<hbm>> -> memref<10000x64xf32, #tpu.memory_space<hbm>>
          tpu.enqueue_indirect_dma source(%dma_start3A_79 : memref<10000x64xf32, #tpu.memory_space<hbm>>) target(%arg11 : memref<80x64xf32, #tpu.memory_space<vmem>>) offsets(%dma_start3A_76 : memref<80xi32, #tpu.memory_space<vmem>>) semaphore(%arg14 : memref<!tpu.dma_semaphore, #tpu.memory_space<semaphore_mem>>)
        } else {
        }
        %add3A_62 = arith.constant 1 : i32
        %add3A_63 = arith.addi %add3A_42, %add3A_62 : i32
        %dma_wait3A_64 = arith.constant 0 : i32
        %dma_wait3A_65 = tpu.memref_slice %arg9[%add3A_63, %dma_wait3A_64] : memref<250x80xi32, #tpu.memory_space<vmem>> -> memref<1x80xi32, #tpu.memory_space<vmem>>
        %dma_wait3A_66 = tpu.memref_squeeze %dma_wait3A_65 : memref<1x80xi32, #tpu.memory_space<vmem>> -> memref<80xi32, #tpu.memory_space<vmem>>
        %dma_wait3A_67 = arith.constant 0 : i32
        %dma_wait3A_68 = arith.constant 0 : i32
        %dma_wait3A_69 = tpu.memref_slice %arg3[%dma_wait3A_67, %dma_wait3A_68] : memref<10000x64xf32, #tpu.memory_space<hbm>> -> memref<10000x64xf32, #tpu.memory_space<hbm>>
        tpu.wait_indirect_dma semaphore(%arg15 : memref<!tpu.dma_semaphore, #tpu.memory_space<semaphore_mem>>) src(%dma_wait3A_69 : memref<10000x64xf32, #tpu.memory_space<hbm>>) dst(%arg12 : memref<80x64xf32, #tpu.memory_space<vmem>>)
        %add3A_70 = arith.constant 1 : i32
        %add3A_71 = arith.addi %add3A_42, %add3A_70 : i32
        "tpu.region"() ({
          %run_scoped3A = tpu.sem_alloc : memref<!tpu.dma_semaphore, #tpu.memory_space<semaphore_mem>>
          %dma_start3A_72 = arith.constant 0 : i32
          %dma_start3A_73 = tpu.memref_slice %arg10[%add3A_71, %dma_start3A_72] : memref<250x80xi32, #tpu.memory_space<vmem>> -> memref<1x80xi32, #tpu.memory_space<vmem>>
          %dma_start3A_74 = tpu.memref_squeeze %dma_start3A_73 : memref<1x80xi32, #tpu.memory_space<vmem>> -> memref<80xi32, #tpu.memory_space<vmem>>
          %dma_start3A_75 = arith.constant 0 : i32
          %dma_start3A_76 = arith.constant 0 : i32
          %dma_start3A_77 = tpu.memref_slice %arg8[%dma_start3A_75, %dma_start3A_76] : memref<10240x64xf32, #tpu.memory_space<vmem_shared>> -> memref<10240x64xf32, #tpu.memory_space<vmem_shared>>
          tpu.enqueue_indirect_dma source(%arg12 : memref<80x64xf32, #tpu.memory_space<vmem>>) target(%dma_start3A_77 : memref<10240x64xf32, #tpu.memory_space<vmem_shared>>) offsets(%dma_start3A_74 : memref<80xi32, #tpu.memory_space<vmem>>) semaphore(%run_scoped3A : memref<!tpu.dma_semaphore, #tpu.memory_space<semaphore_mem>>) {add = true}
          %dma_wait3A_78 = arith.constant 0 : i32
          %dma_wait3A_79 = tpu.memref_slice %arg10[%add3A_71, %dma_wait3A_78] : memref<250x80xi32, #tpu.memory_space<vmem>> -> memref<1x80xi32, #tpu.memory_space<vmem>>
          %dma_wait3A_80 = tpu.memref_squeeze %dma_wait3A_79 : memref<1x80xi32, #tpu.memory_space<vmem>> -> memref<80xi32, #tpu.memory_space<vmem>>
          %dma_wait3A_81 = arith.constant 0 : i32
          %dma_wait3A_82 = arith.constant 0 : i32
          %dma_wait3A_83 = tpu.memref_slice %arg8[%dma_wait3A_81, %dma_wait3A_82] : memref<10240x64xf32, #tpu.memory_space<vmem_shared>> -> memref<10240x64xf32, #tpu.memory_space<vmem_shared>>
          tpu.wait_indirect_dma semaphore(%run_scoped3A : memref<!tpu.dma_semaphore, #tpu.memory_space<semaphore_mem>>) src(%arg12 : memref<80x64xf32, #tpu.memory_space<vmem>>) dst(%dma_wait3A_83 : memref<10240x64xf32, #tpu.memory_space<vmem_shared>>)
          tpu.yield
        }) : () -> ()
      }
      %scan3A_38 = arith.constant 125 : i32
    } else {
    }
    %barrier3A_17 = arith.constant 0 : index
    tpu.barrier barrier_id(%barrier3A_17)
    %eq3A_18 = arith.constant 0 : i32
    %eq3A_19 = arith.cmpi eq, %arg0, %eq3A_18 : i32
    %convert_element_type3A_20 = arith.extui %eq3A_19 : i1 to i32
    %cond3A_21 = arith.constant 0 : i32
    %cond3A_22 = arith.cmpi ne, %convert_element_type3A_20, %cond3A_21 : i32
    scf.if %cond3A_22 {
      "tpu.region"() ({
        %run_scoped3A = tpu.sem_alloc : memref<!tpu.dma_semaphore, #tpu.memory_space<semaphore_mem>>
        %dma_start3A = arith.constant 0 : i32
        %dma_start3A_28 = tpu.memref_slice %arg6[%mul3A_0, %dma_start3A] : memref<10240x64xf32, #tpu.memory_space<hbm>> -> memref<640x64xf32, #tpu.memory_space<hbm>>
        %dma_start3A_29 = arith.constant 0 : i32
        %dma_start3A_30 = tpu.memref_slice %arg8[%mul3A_0, %dma_start3A_29] : memref<10240x64xf32, #tpu.memory_space<vmem_shared>> -> memref<640x64xf32, #tpu.memory_space<vmem_shared>>
        tpu.enqueue_dma source(%dma_start3A_30 : memref<640x64xf32, #tpu.memory_space<vmem_shared>>) target(%dma_start3A_28 : memref<640x64xf32, #tpu.memory_space<hbm>>) target_semaphore(%run_scoped3A : memref<!tpu.dma_semaphore, #tpu.memory_space<semaphore_mem>>)
        %dma_wait3A = arith.constant 0 : i32
        %dma_wait3A_31 = tpu.memref_slice %arg6[%mul3A_0, %dma_wait3A] : memref<10240x64xf32, #tpu.memory_space<hbm>> -> memref<640x64xf32, #tpu.memory_space<hbm>>
        %dma_wait3A_32 = arith.constant 0 : i32
        %dma_wait3A_33 = tpu.memref_slice %arg8[%mul3A_0, %dma_wait3A_32] : memref<10240x64xf32, #tpu.memory_space<vmem_shared>> -> memref<640x64xf32, #tpu.memory_space<vmem_shared>>
        tpu.wait_dma2 semaphore(%run_scoped3A : memref<!tpu.dma_semaphore, #tpu.memory_space<semaphore_mem>>) src(%dma_wait3A_33 : memref<640x64xf32, #tpu.memory_space<vmem_shared>>) dst(%dma_wait3A_31 : memref<640x64xf32, #tpu.memory_space<hbm>>)
        tpu.yield
      }) : () -> ()
    } else {
    }
    %eq3A_23 = arith.constant 1 : i32
    %eq3A_24 = arith.cmpi eq, %arg0, %eq3A_23 : i32
    %convert_element_type3A_25 = arith.extui %eq3A_24 : i1 to i32
    %cond3A_26 = arith.constant 0 : i32
    %cond3A_27 = arith.cmpi ne, %convert_element_type3A_25, %cond3A_26 : i32
    scf.if %cond3A_27 {
      "tpu.region"() ({
        %run_scoped3A = tpu.sem_alloc : memref<!tpu.dma_semaphore, #tpu.memory_space<semaphore_mem>>
        %dma_start3A = arith.constant 0 : i32
        %dma_start3A_28 = tpu.memref_slice %arg7[%mul3A_0, %dma_start3A] : memref<10240x64xf32, #tpu.memory_space<hbm>> -> memref<640x64xf32, #tpu.memory_space<hbm>>
        %dma_start3A_29 = arith.constant 0 : i32
        %dma_start3A_30 = tpu.memref_slice %arg8[%mul3A_0, %dma_start3A_29] : memref<10240x64xf32, #tpu.memory_space<vmem_shared>> -> memref<640x64xf32, #tpu.memory_space<vmem_shared>>
        tpu.enqueue_dma source(%dma_start3A_30 : memref<640x64xf32, #tpu.memory_space<vmem_shared>>) target(%dma_start3A_28 : memref<640x64xf32, #tpu.memory_space<hbm>>) target_semaphore(%run_scoped3A : memref<!tpu.dma_semaphore, #tpu.memory_space<semaphore_mem>>)
        %dma_wait3A = arith.constant 0 : i32
        %dma_wait3A_31 = tpu.memref_slice %arg7[%mul3A_0, %dma_wait3A] : memref<10240x64xf32, #tpu.memory_space<hbm>> -> memref<640x64xf32, #tpu.memory_space<hbm>>
        %dma_wait3A_32 = arith.constant 0 : i32
        %dma_wait3A_33 = tpu.memref_slice %arg8[%mul3A_0, %dma_wait3A_32] : memref<10240x64xf32, #tpu.memory_space<vmem_shared>> -> memref<640x64xf32, #tpu.memory_space<vmem_shared>>
        tpu.wait_dma2 semaphore(%run_scoped3A : memref<!tpu.dma_semaphore, #tpu.memory_space<semaphore_mem>>) src(%dma_wait3A_33 : memref<640x64xf32, #tpu.memory_space<vmem_shared>>) dst(%dma_wait3A_31 : memref<640x64xf32, #tpu.memory_space<hbm>>)
        tpu.yield
      }) : () -> ()
    } else {
    }
    return
  }
}

#map = affine_map<(d0, d1) -> (0, 0)>
#map1 = affine_map<(d0, d1) -> (0, 0, 0)>
module attributes {stable_mosaic.version = 14 : i64} {
  func.func @_sc_spmm(%arg0: i32, %arg1: i32, %arg2: memref<10000x64xf32, #tpu.memory_space<hbm>>, %arg3: memref<10000x64xf32, #tpu.memory_space<hbm>>, %arg4: memref<16x250x80xi32, #tpu.memory_space<hbm>>, %arg5: memref<16x250x80xi32, #tpu.memory_space<hbm>>, %arg6: memref<10240x64xf32, #tpu.memory_space<hbm>>, %arg7: memref<10240x64xf32, #tpu.memory_space<hbm>>, %arg8: memref<10240x64xf32, #tpu.memory_space<vmem_shared>>, %arg9: memref<250x80xi32, #tpu.memory_space<vmem>>, %arg10: memref<250x80xi32, #tpu.memory_space<vmem>>, %arg11: memref<80x64xf32, #tpu.memory_space<vmem>>, %arg12: memref<80x64xf32, #tpu.memory_space<vmem>>, %arg13: memref<128x64xf32, #tpu.memory_space<vmem>>, %arg14: memref<!tpu.dma_semaphore, #tpu.memory_space<semaphore_mem>>, %arg15: memref<!tpu.dma_semaphore, #tpu.memory_space<semaphore_mem>>) attributes {dimension_semantics = [#tpu.dimension_semantics<core_parallel>, #tpu.dimension_semantics<subcore_parallel>], iteration_bounds = array<i64: 2, 16>, scalar_prefetch = 0 : i64, scratch_operands = 8 : i64, tpu.core_type = #tpu.core_type<sc_vector_subcore>, window_params = [{transform_indices = #map}, {transform_indices = #map}, {transform_indices = #map1}, {transform_indices = #map1}, {transform_indices = #map}, {transform_indices = #map}]} {
    %mul3A = arith.constant 640 : i32
    %mul3A_0 = arith.muli %arg1, %mul3A : i32
    %scan3A = arith.constant 0 : i32
    %scan3A_1 = arith.constant 128 : i32
    %scan3A_2 = arith.addi %scan3A, %scan3A_1 : i32
    %scan3A_3 = arith.constant 1 : i32
    scf.for %scan3A_28 = %scan3A to %scan3A_2 step %scan3A_3  : i32 {
      %mul3A_29 = arith.constant 1 : i32
      %mul3A_30 = arith.muli %scan3A_28, %mul3A_29 : i32
      %add3A = arith.constant 0 : i32
      %add3A_31 = arith.addi %add3A, %mul3A_30 : i32
      %broadcast_in_dim3A = arith.constant 0.000000e+00 : f32
      %broadcast_in_dim3A_32 = vector.broadcast %broadcast_in_dim3A : f32 to vector<1x16xf32>
      %swap3A = arith.index_cast %add3A_31 : i32 to index
      %swap3A_33 = arith.constant 0 : index
      %swap3A_34 = tpu.vector_load %arg13[%swap3A, %swap3A_33] {strides = array<i32>} : memref<128x64xf32, #tpu.memory_space<vmem>>, vector<1x16xf32>,
      %swap3A_35 = vector.shape_cast %swap3A_34 : vector<1x16xf32> to vector<1x16xf32>
      %swap3A_36 = vector.shape_cast %broadcast_in_dim3A_32 : vector<1x16xf32> to vector<1x16xf32>
      tpu.vector_store %arg13[%swap3A, %swap3A_33], %swap3A_36 {strides = array<i32>} : memref<128x64xf32, #tpu.memory_space<vmem>>, vector<1x16xf32>,
      %broadcast_in_dim3A_37 = arith.constant 0.000000e+00 : f32
      %broadcast_in_dim3A_38 = vector.broadcast %broadcast_in_dim3A_37 : f32 to vector<1x16xf32>
      %swap3A_39 = arith.index_cast %add3A_31 : i32 to index
      %swap3A_40 = arith.constant 16 : index
      %swap3A_41 = tpu.vector_load %arg13[%swap3A_39, %swap3A_40] {strides = array<i32>} : memref<128x64xf32, #tpu.memory_space<vmem>>, vector<1x16xf32>,
      %swap3A_42 = vector.shape_cast %swap3A_41 : vector<1x16xf32> to vector<1x16xf32>
      %swap3A_43 = vector.shape_cast %broadcast_in_dim3A_38 : vector<1x16xf32> to vector<1x16xf32>
      tpu.vector_store %arg13[%swap3A_39, %swap3A_40], %swap3A_43 {strides = array<i32>} : memref<128x64xf32, #tpu.memory_space<vmem>>, vector<1x16xf32>,
      %broadcast_in_dim3A_44 = arith.constant 0.000000e+00 : f32
      %broadcast_in_dim3A_45 = vector.broadcast %broadcast_in_dim3A_44 : f32 to vector<1x16xf32>
      %swap3A_46 = arith.index_cast %add3A_31 : i32 to index
      %swap3A_47 = arith.constant 32 : index
      %swap3A_48 = tpu.vector_load %arg13[%swap3A_46, %swap3A_47] {strides = array<i32>} : memref<128x64xf32, #tpu.memory_space<vmem>>, vector<1x16xf32>,
      %swap3A_49 = vector.shape_cast %swap3A_48 : vector<1x16xf32> to vector<1x16xf32>
      %swap3A_50 = vector.shape_cast %broadcast_in_dim3A_45 : vector<1x16xf32> to vector<1x16xf32>
      tpu.vector_store %arg13[%swap3A_46, %swap3A_47], %swap3A_50 {strides = array<i32>} : memref<128x64xf32, #tpu.memory_space<vmem>>, vector<1x16xf32>,
      %broadcast_in_dim3A_51 = arith.constant 0.000000e+00 : f32
      %broadcast_in_dim3A_52 = vector.broadcast %broadcast_in_dim3A_51 : f32 to vector<1x16xf32>
      %swap3A_53 = arith.index_cast %add3A_31 : i32 to index
      %swap3A_54 = arith.constant 48 : index
      %swap3A_55 = tpu.vector_load %arg13[%swap3A_53, %swap3A_54] {strides = array<i32>} : memref<128x64xf32, #tpu.memory_space<vmem>>, vector<1x16xf32>,
      %swap3A_56 = vector.shape_cast %swap3A_55 : vector<1x16xf32> to vector<1x16xf32>
      %swap3A_57 = vector.shape_cast %broadcast_in_dim3A_52 : vector<1x16xf32> to vector<1x16xf32>
      tpu.vector_store %arg13[%swap3A_53, %swap3A_54], %swap3A_57 {strides = array<i32>} : memref<128x64xf32, #tpu.memory_space<vmem>>, vector<1x16xf32>,
    }
    %scan3A_4 = arith.constant 128 : i32
    %scan3A_5 = arith.constant 0 : i32
    %scan3A_6 = arith.constant 5 : i32
    %scan3A_7 = arith.addi %scan3A_5, %scan3A_6 : i32
    %scan3A_8 = arith.constant 1 : i32
    scf.for %scan3A_28 = %scan3A_5 to %scan3A_7 step %scan3A_8  : i32 {
      %mul3A_29 = arith.constant 1 : i32
      %mul3A_30 = arith.muli %scan3A_28, %mul3A_29 : i32
      %add3A = arith.constant 0 : i32
      %add3A_31 = arith.addi %add3A, %mul3A_30 : i32
      %mul3A_32 = arith.constant 128 : i32
      %mul3A_33 = arith.muli %add3A_31, %mul3A_32 : i32
      %add3A_34 = arith.addi %mul3A_0, %mul3A_33 : i32
      "tpu.region"() ({
        %run_scoped3A = tpu.sem_alloc : memref<!tpu.dma_semaphore, #tpu.memory_space<semaphore_mem>>
        %dma_start3A = arith.constant 0 : i32
        %dma_start3A_35 = tpu.memref_slice %arg8[%add3A_34, %dma_start3A] : memref<10240x64xf32, #tpu.memory_space<vmem_shared>> -> memref<128x64xf32, #tpu.memory_space<vmem_shared>>
        %dma_start3A_36 = arith.constant 0 : i32
        %dma_start3A_37 = tpu.memref_slice %arg8[%add3A_34, %dma_start3A_36] : memref<10240x64xf32, #tpu.memory_space<vmem_shared>> -> memref<128x64xf32, #tpu.memory_space<vmem_shared>>
        tpu.enqueue_dma source(%arg13 : memref<128x64xf32, #tpu.memory_space<vmem>>) target(%dma_start3A_37 : memref<128x64xf32, #tpu.memory_space<vmem_shared>>) target_semaphore(%run_scoped3A : memref<!tpu.dma_semaphore, #tpu.memory_space<semaphore_mem>>)
        %dma_wait3A = arith.constant 0 : i32
        %dma_wait3A_38 = tpu.memref_slice %arg8[%add3A_34, %dma_wait3A] : memref<10240x64xf32, #tpu.memory_space<vmem_shared>> -> memref<128x64xf32, #tpu.memory_space<vmem_shared>>
        %dma_wait3A_39 = arith.constant 0 : i32
        %dma_wait3A_40 = tpu.memref_slice %arg8[%add3A_34, %dma_wait3A_39] : memref<10240x64xf32, #tpu.memory_space<vmem_shared>> -> memref<128x64xf32, #tpu.memory_space<vmem_shared>>
        tpu.wait_dma2 semaphore(%run_scoped3A : memref<!tpu.dma_semaphore, #tpu.memory_space<semaphore_mem>>) src(%arg13 : memref<128x64xf32, #tpu.memory_space<vmem>>) dst(%dma_wait3A_40 : memref<128x64xf32, #tpu.memory_space<vmem_shared>>)
        tpu.yield
      }) : () -> ()
    }
    %scan3A_9 = arith.constant 5 : i32
    "tpu.region"() ({
      %run_scoped3A = tpu.sem_alloc : memref<!tpu.dma_semaphore, #tpu.memory_space<semaphore_mem>>
      %dma_start3A = arith.constant 0 : i32
      %dma_start3A_28 = arith.constant 0 : i32
      %dma_start3A_29 = tpu.memref_slice %arg4[%arg1, %dma_start3A, %dma_start3A_28] : memref<16x250x80xi32, #tpu.memory_space<hbm>> -> memref<1x250x80xi32, #tpu.memory_space<hbm>>
      %dma_start3A_30 = tpu.memref_squeeze %dma_start3A_29 : memref<1x250x80xi32, #tpu.memory_space<hbm>> -> memref<250x80xi32, #tpu.memory_space<hbm>>
      %dma_start3A_31 = arith.constant 0 : i32
      %dma_start3A_32 = arith.constant 0 : i32
      %dma_start3A_33 = tpu.memref_slice %arg4[%arg1, %dma_start3A_31, %dma_start3A_32] : memref<16x250x80xi32, #tpu.memory_space<hbm>> -> memref<1x250x80xi32, #tpu.memory_space<hbm>>
      %dma_start3A_34 = tpu.memref_squeeze %dma_start3A_33 : memref<1x250x80xi32, #tpu.memory_space<hbm>> -> memref<250x80xi32, #tpu.memory_space<hbm>>
      tpu.enqueue_dma source(%dma_start3A_34 : memref<250x80xi32, #tpu.memory_space<hbm>>) target(%arg9 : memref<250x80xi32, #tpu.memory_space<vmem>>) target_semaphore(%run_scoped3A : memref<!tpu.dma_semaphore, #tpu.memory_space<semaphore_mem>>)
      %dma_wait3A = arith.constant 0 : i32
      %dma_wait3A_35 = arith.constant 0 : i32
      %dma_wait3A_36 = tpu.memref_slice %arg4[%arg1, %dma_wait3A, %dma_wait3A_35] : memref<16x250x80xi32, #tpu.memory_space<hbm>> -> memref<1x250x80xi32, #tpu.memory_space<hbm>>
      %dma_wait3A_37 = tpu.memref_squeeze %dma_wait3A_36 : memref<1x250x80xi32, #tpu.memory_space<hbm>> -> memref<250x80xi32, #tpu.memory_space<hbm>>
      %dma_wait3A_38 = arith.constant 0 : i32
      %dma_wait3A_39 = arith.constant 0 : i32
      %dma_wait3A_40 = tpu.memref_slice %arg4[%arg1, %dma_wait3A_38, %dma_wait3A_39] : memref<16x250x80xi32, #tpu.memory_space<hbm>> -> memref<1x250x80xi32, #tpu.memory_space<hbm>>
      %dma_wait3A_41 = tpu.memref_squeeze %dma_wait3A_40 : memref<1x250x80xi32, #tpu.memory_space<hbm>> -> memref<250x80xi32, #tpu.memory_space<hbm>>
      tpu.wait_dma2 semaphore(%run_scoped3A : memref<!tpu.dma_semaphore, #tpu.memory_space<semaphore_mem>>) src(%dma_wait3A_41 : memref<250x80xi32, #tpu.memory_space<hbm>>) dst(%arg9 : memref<250x80xi32, #tpu.memory_space<vmem>>)
      tpu.yield
    }) : () -> ()
    "tpu.region"() ({
      %run_scoped3A = tpu.sem_alloc : memref<!tpu.dma_semaphore, #tpu.memory_space<semaphore_mem>>
      %dma_start3A = arith.constant 0 : i32
      %dma_start3A_28 = arith.constant 0 : i32
      %dma_start3A_29 = tpu.memref_slice %arg5[%arg1, %dma_start3A, %dma_start3A_28] : memref<16x250x80xi32, #tpu.memory_space<hbm>> -> memref<1x250x80xi32, #tpu.memory_space<hbm>>
      %dma_start3A_30 = tpu.memref_squeeze %dma_start3A_29 : memref<1x250x80xi32, #tpu.memory_space<hbm>> -> memref<250x80xi32, #tpu.memory_space<hbm>>
      %dma_start3A_31 = arith.constant 0 : i32
      %dma_start3A_32 = arith.constant 0 : i32
      %dma_start3A_33 = tpu.memref_slice %arg5[%arg1, %dma_start3A_31, %dma_start3A_32] : memref<16x250x80xi32, #tpu.memory_space<hbm>> -> memref<1x250x80xi32, #tpu.memory_space<hbm>>
      %dma_start3A_34 = tpu.memref_squeeze %dma_start3A_33 : memref<1x250x80xi32, #tpu.memory_space<hbm>> -> memref<250x80xi32, #tpu.memory_space<hbm>>
      tpu.enqueue_dma source(%dma_start3A_34 : memref<250x80xi32, #tpu.memory_space<hbm>>) target(%arg10 : memref<250x80xi32, #tpu.memory_space<vmem>>) target_semaphore(%run_scoped3A : memref<!tpu.dma_semaphore, #tpu.memory_space<semaphore_mem>>)
      %dma_wait3A = arith.constant 0 : i32
      %dma_wait3A_35 = arith.constant 0 : i32
      %dma_wait3A_36 = tpu.memref_slice %arg5[%arg1, %dma_wait3A, %dma_wait3A_35] : memref<16x250x80xi32, #tpu.memory_space<hbm>> -> memref<1x250x80xi32, #tpu.memory_space<hbm>>
      %dma_wait3A_37 = tpu.memref_squeeze %dma_wait3A_36 : memref<1x250x80xi32, #tpu.memory_space<hbm>> -> memref<250x80xi32, #tpu.memory_space<hbm>>
      %dma_wait3A_38 = arith.constant 0 : i32
      %dma_wait3A_39 = arith.constant 0 : i32
      %dma_wait3A_40 = tpu.memref_slice %arg5[%arg1, %dma_wait3A_38, %dma_wait3A_39] : memref<16x250x80xi32, #tpu.memory_space<hbm>> -> memref<1x250x80xi32, #tpu.memory_space<hbm>>
      %dma_wait3A_41 = tpu.memref_squeeze %dma_wait3A_40 : memref<1x250x80xi32, #tpu.memory_space<hbm>> -> memref<250x80xi32, #tpu.memory_space<hbm>>
      tpu.wait_dma2 semaphore(%run_scoped3A : memref<!tpu.dma_semaphore, #tpu.memory_space<semaphore_mem>>) src(%dma_wait3A_41 : memref<250x80xi32, #tpu.memory_space<hbm>>) dst(%arg10 : memref<250x80xi32, #tpu.memory_space<vmem>>)
      tpu.yield
    }) : () -> ()
    %barrier3A = arith.constant 0 : index
    tpu.barrier barrier_id(%barrier3A)
    %eq3A = arith.constant 0 : i32
    %eq3A_10 = arith.cmpi eq, %arg0, %eq3A : i32
    %convert_element_type3A = arith.extui %eq3A_10 : i1 to i32
    %cond3A = arith.constant 0 : i32
    %cond3A_11 = arith.cmpi ne, %convert_element_type3A, %cond3A : i32
    scf.if %cond3A_11 {
      %dma_start3A = arith.constant 0 : i32
      %dma_start3A_28 = arith.constant 0 : i32
      %dma_start3A_29 = tpu.memref_slice %arg9[%dma_start3A, %dma_start3A_28] : memref<250x80xi32, #tpu.memory_space<vmem>> -> memref<1x80xi32, #tpu.memory_space<vmem>>
      %dma_start3A_30 = tpu.memref_squeeze %dma_start3A_29 : memref<1x80xi32, #tpu.memory_space<vmem>> -> memref<80xi32, #tpu.memory_space<vmem>>
      %dma_start3A_31 = arith.constant 0 : i32
      %dma_start3A_32 = arith.constant 0 : i32
      %dma_start3A_33 = tpu.memref_slice %arg2[%dma_start3A_31, %dma_start3A_32] : memref<10000x64xf32, #tpu.memory_space<hbm>> -> memref<10000x64xf32, #tpu.memory_space<hbm>>
      tpu.enqueue_indirect_dma source(%dma_start3A_33 : memref<10000x64xf32, #tpu.memory_space<hbm>>) target(%arg11 : memref<80x64xf32, #tpu.memory_space<vmem>>) offsets(%dma_start3A_30 : memref<80xi32, #tpu.memory_space<vmem>>) semaphore(%arg14 : memref<!tpu.dma_semaphore, #tpu.memory_space<semaphore_mem>>)
      %scan3A_34 = arith.constant 0 : i32
      %scan3A_35 = arith.constant 125 : i32
      %scan3A_36 = arith.addi %scan3A_34, %scan3A_35 : i32
      %scan3A_37 = arith.constant 1 : i32
      scf.for %scan3A_39 = %scan3A_34 to %scan3A_36 step %scan3A_37  : i32 {
        %mul3A_40 = arith.constant 2 : i32
        %mul3A_41 = arith.muli %scan3A_39, %mul3A_40 : i32
        %add3A = arith.constant 0 : i32
        %add3A_42 = arith.addi %add3A, %mul3A_41 : i32
        %add3A_43 = arith.constant 1 : i32
        %add3A_44 = arith.addi %add3A_42, %add3A_43 : i32
        %dma_start3A_45 = arith.constant 0 : i32
        %dma_start3A_46 = tpu.memref_slice %arg9[%add3A_44, %dma_start3A_45] : memref<250x80xi32, #tpu.memory_space<vmem>> -> memref<1x80xi32, #tpu.memory_space<vmem>>
        %dma_start3A_47 = tpu.memref_squeeze %dma_start3A_46 : memref<1x80xi32, #tpu.memory_space<vmem>> -> memref<80xi32, #tpu.memory_space<vmem>>
        %dma_start3A_48 = arith.constant 0 : i32
        %dma_start3A_49 = arith.constant 0 : i32
        %dma_start3A_50 = tpu.memref_slice %arg2[%dma_start3A_48, %dma_start3A_49] : memref<10000x64xf32, #tpu.memory_space<hbm>> -> memref<10000x64xf32, #tpu.memory_space<hbm>>
        tpu.enqueue_indirect_dma source(%dma_start3A_50 : memref<10000x64xf32, #tpu.memory_space<hbm>>) target(%arg12 : memref<80x64xf32, #tpu.memory_space<vmem>>) offsets(%dma_start3A_47 : memref<80xi32, #tpu.memory_space<vmem>>) semaphore(%arg15 : memref<!tpu.dma_semaphore, #tpu.memory_space<semaphore_mem>>)
        %dma_wait3A = arith.constant 0 : i32
        %dma_wait3A_51 = tpu.memref_slice %arg9[%add3A_42, %dma_wait3A] : memref<250x80xi32, #tpu.memory_space<vmem>> -> memref<1x80xi32, #tpu.memory_space<vmem>>
        %dma_wait3A_52 = tpu.memref_squeeze %dma_wait3A_51 : memref<1x80xi32, #tpu.memory_space<vmem>> -> memref<80xi32, #tpu.memory_space<vmem>>
        %dma_wait3A_53 = arith.constant 0 : i32
        %dma_wait3A_54 = arith.constant 0 : i32
        %dma_wait3A_55 = tpu.memref_slice %arg2[%dma_wait3A_53, %dma_wait3A_54] : memref<10000x64xf32, #tpu.memory_space<hbm>> -> memref<10000x64xf32, #tpu.memory_space<hbm>>
        tpu.wait_indirect_dma semaphore(%arg14 : memref<!tpu.dma_semaphore, #tpu.memory_space<semaphore_mem>>) src(%dma_wait3A_55 : memref<10000x64xf32, #tpu.memory_space<hbm>>) dst(%arg11 : memref<80x64xf32, #tpu.memory_space<vmem>>)
        "tpu.region"() ({
          %run_scoped3A = tpu.sem_alloc : memref<!tpu.dma_semaphore, #tpu.memory_space<semaphore_mem>>
          %dma_start3A_72 = arith.constant 0 : i32
          %dma_start3A_73 = tpu.memref_slice %arg10[%add3A_42, %dma_start3A_72] : memref<250x80xi32, #tpu.memory_space<vmem>> -> memref<1x80xi32, #tpu.memory_space<vmem>>
          %dma_start3A_74 = tpu.memref_squeeze %dma_start3A_73 : memref<1x80xi32, #tpu.memory_space<vmem>> -> memref<80xi32, #tpu.memory_space<vmem>>
          %dma_start3A_75 = arith.constant 0 : i32
          %dma_start3A_76 = arith.constant 0 : i32
          %dma_start3A_77 = tpu.memref_slice %arg8[%dma_start3A_75, %dma_start3A_76] : memref<10240x64xf32, #tpu.memory_space<vmem_shared>> -> memref<10240x64xf32, #tpu.memory_space<vmem_shared>>
          tpu.enqueue_indirect_dma source(%arg11 : memref<80x64xf32, #tpu.memory_space<vmem>>) target(%dma_start3A_77 : memref<10240x64xf32, #tpu.memory_space<vmem_shared>>) offsets(%dma_start3A_74 : memref<80xi32, #tpu.memory_space<vmem>>) semaphore(%run_scoped3A : memref<!tpu.dma_semaphore, #tpu.memory_space<semaphore_mem>>) {add = true}
          %dma_wait3A_78 = arith.constant 0 : i32
          %dma_wait3A_79 = tpu.memref_slice %arg10[%add3A_42, %dma_wait3A_78] : memref<250x80xi32, #tpu.memory_space<vmem>> -> memref<1x80xi32, #tpu.memory_space<vmem>>
          %dma_wait3A_80 = tpu.memref_squeeze %dma_wait3A_79 : memref<1x80xi32, #tpu.memory_space<vmem>> -> memref<80xi32, #tpu.memory_space<vmem>>
          %dma_wait3A_81 = arith.constant 0 : i32
          %dma_wait3A_82 = arith.constant 0 : i32
          %dma_wait3A_83 = tpu.memref_slice %arg8[%dma_wait3A_81, %dma_wait3A_82] : memref<10240x64xf32, #tpu.memory_space<vmem_shared>> -> memref<10240x64xf32, #tpu.memory_space<vmem_shared>>
          tpu.wait_indirect_dma semaphore(%run_scoped3A : memref<!tpu.dma_semaphore, #tpu.memory_space<semaphore_mem>>) src(%arg11 : memref<80x64xf32, #tpu.memory_space<vmem>>) dst(%dma_wait3A_83 : memref<10240x64xf32, #tpu.memory_space<vmem_shared>>)
          tpu.yield
        }) : () -> ()
        %add3A_56 = arith.constant 2 : i32
        %add3A_57 = arith.addi %add3A_42, %add3A_56 : i32
        %lt3A = arith.constant 250 : i32
        %lt3A_58 = arith.cmpi slt, %add3A_57, %lt3A : i32
        %convert_element_type3A_59 = arith.extui %lt3A_58 : i1 to i32
        %cond3A_60 = arith.constant 0 : i32
        %cond3A_61 = arith.cmpi ne, %convert_element_type3A_59, %cond3A_60 : i32
        scf.if %cond3A_61 {
          %add3A_72 = arith.constant 2 : i32
          %add3A_73 = arith.addi %add3A_42, %add3A_72 : i32
          %dma_start3A_74 = arith.constant 0 : i32
          %dma_start3A_75 = tpu.memref_slice %arg9[%add3A_73, %dma_start3A_74] : memref<250x80xi32, #tpu.memory_space<vmem>> -> memref<1x80xi32, #tpu.memory_space<vmem>>
          %dma_start3A_76 = tpu.memref_squeeze %dma_start3A_75 : memref<1x80xi32, #tpu.memory_space<vmem>> -> memref<80xi32, #tpu.memory_space<vmem>>
          %dma_start3A_77 = arith.constant 0 : i32
          %dma_start3A_78 = arith.constant 0 : i32
          %dma_start3A_79 = tpu.memref_slice %arg2[%dma_start3A_77, %dma_start3A_78] : memref<10000x64xf32, #tpu.memory_space<hbm>> -> memref<10000x64xf32, #tpu.memory_space<hbm>>
          tpu.enqueue_indirect_dma source(%dma_start3A_79 : memref<10000x64xf32, #tpu.memory_space<hbm>>) target(%arg11 : memref<80x64xf32, #tpu.memory_space<vmem>>) offsets(%dma_start3A_76 : memref<80xi32, #tpu.memory_space<vmem>>) semaphore(%arg14 : memref<!tpu.dma_semaphore, #tpu.memory_space<semaphore_mem>>)
        } else {
        }
        %add3A_62 = arith.constant 1 : i32
        %add3A_63 = arith.addi %add3A_42, %add3A_62 : i32
        %dma_wait3A_64 = arith.constant 0 : i32
        %dma_wait3A_65 = tpu.memref_slice %arg9[%add3A_63, %dma_wait3A_64] : memref<250x80xi32, #tpu.memory_space<vmem>> -> memref<1x80xi32, #tpu.memory_space<vmem>>
        %dma_wait3A_66 = tpu.memref_squeeze %dma_wait3A_65 : memref<1x80xi32, #tpu.memory_space<vmem>> -> memref<80xi32, #tpu.memory_space<vmem>>
        %dma_wait3A_67 = arith.constant 0 : i32
        %dma_wait3A_68 = arith.constant 0 : i32
        %dma_wait3A_69 = tpu.memref_slice %arg2[%dma_wait3A_67, %dma_wait3A_68] : memref<10000x64xf32, #tpu.memory_space<hbm>> -> memref<10000x64xf32, #tpu.memory_space<hbm>>
        tpu.wait_indirect_dma semaphore(%arg15 : memref<!tpu.dma_semaphore, #tpu.memory_space<semaphore_mem>>) src(%dma_wait3A_69 : memref<10000x64xf32, #tpu.memory_space<hbm>>) dst(%arg12 : memref<80x64xf32, #tpu.memory_space<vmem>>)
        %add3A_70 = arith.constant 1 : i32
        %add3A_71 = arith.addi %add3A_42, %add3A_70 : i32
        "tpu.region"() ({
          %run_scoped3A = tpu.sem_alloc : memref<!tpu.dma_semaphore, #tpu.memory_space<semaphore_mem>>
          %dma_start3A_72 = arith.constant 0 : i32
          %dma_start3A_73 = tpu.memref_slice %arg10[%add3A_71, %dma_start3A_72] : memref<250x80xi32, #tpu.memory_space<vmem>> -> memref<1x80xi32, #tpu.memory_space<vmem>>
          %dma_start3A_74 = tpu.memref_squeeze %dma_start3A_73 : memref<1x80xi32, #tpu.memory_space<vmem>> -> memref<80xi32, #tpu.memory_space<vmem>>
          %dma_start3A_75 = arith.constant 0 : i32
          %dma_start3A_76 = arith.constant 0 : i32
          %dma_start3A_77 = tpu.memref_slice %arg8[%dma_start3A_75, %dma_start3A_76] : memref<10240x64xf32, #tpu.memory_space<vmem_shared>> -> memref<10240x64xf32, #tpu.memory_space<vmem_shared>>
          tpu.enqueue_indirect_dma source(%arg12 : memref<80x64xf32, #tpu.memory_space<vmem>>) target(%dma_start3A_77 : memref<10240x64xf32, #tpu.memory_space<vmem_shared>>) offsets(%dma_start3A_74 : memref<80xi32, #tpu.memory_space<vmem>>) semaphore(%run_scoped3A : memref<!tpu.dma_semaphore, #tpu.memory_space<semaphore_mem>>) {add = true}
          %dma_wait3A_78 = arith.constant 0 : i32
          %dma_wait3A_79 = tpu.memref_slice %arg10[%add3A_71, %dma_wait3A_78] : memref<250x80xi32, #tpu.memory_space<vmem>> -> memref<1x80xi32, #tpu.memory_space<vmem>>
          %dma_wait3A_80 = tpu.memref_squeeze %dma_wait3A_79 : memref<1x80xi32, #tpu.memory_space<vmem>> -> memref<80xi32, #tpu.memory_space<vmem>>
          %dma_wait3A_81 = arith.constant 0 : i32
          %dma_wait3A_82 = arith.constant 0 : i32
          %dma_wait3A_83 = tpu.memref_slice %arg8[%dma_wait3A_81, %dma_wait3A_82] : memref<10240x64xf32, #tpu.memory_space<vmem_shared>> -> memref<10240x64xf32, #tpu.memory_space<vmem_shared>>
          tpu.wait_indirect_dma semaphore(%run_scoped3A : memref<!tpu.dma_semaphore, #tpu.memory_space<semaphore_mem>>) src(%arg12 : memref<80x64xf32, #tpu.memory_space<vmem>>) dst(%dma_wait3A_83 : memref<10240x64xf32, #tpu.memory_space<vmem_shared>>)
          tpu.yield
        }) : () -> ()
      }
      %scan3A_38 = arith.constant 125 : i32
    } else {
    }
    %eq3A_12 = arith.constant 1 : i32
    %eq3A_13 = arith.cmpi eq, %arg0, %eq3A_12 : i32
    %convert_element_type3A_14 = arith.extui %eq3A_13 : i1 to i32
    %cond3A_15 = arith.constant 0 : i32
    %cond3A_16 = arith.cmpi ne, %convert_element_type3A_14, %cond3A_15 : i32
    scf.if %cond3A_16 {
      %dma_start3A = arith.constant 0 : i32
      %dma_start3A_28 = arith.constant 0 : i32
      %dma_start3A_29 = tpu.memref_slice %arg9[%dma_start3A, %dma_start3A_28] : memref<250x80xi32, #tpu.memory_space<vmem>> -> memref<1x80xi32, #tpu.memory_space<vmem>>
      %dma_start3A_30 = tpu.memref_squeeze %dma_start3A_29 : memref<1x80xi32, #tpu.memory_space<vmem>> -> memref<80xi32, #tpu.memory_space<vmem>>
      %dma_start3A_31 = arith.constant 0 : i32
      %dma_start3A_32 = arith.constant 0 : i32
      %dma_start3A_33 = tpu.memref_slice %arg3[%dma_start3A_31, %dma_start3A_32] : memref<10000x64xf32, #tpu.memory_space<hbm>> -> memref<10000x64xf32, #tpu.memory_space<hbm>>
      tpu.enqueue_indirect_dma source(%dma_start3A_33 : memref<10000x64xf32, #tpu.memory_space<hbm>>) target(%arg11 : memref<80x64xf32, #tpu.memory_space<vmem>>) offsets(%dma_start3A_30 : memref<80xi32, #tpu.memory_space<vmem>>) semaphore(%arg14 : memref<!tpu.dma_semaphore, #tpu.memory_space<semaphore_mem>>)
      %scan3A_34 = arith.constant 0 : i32
      %scan3A_35 = arith.constant 125 : i32
      %scan3A_36 = arith.addi %scan3A_34, %scan3A_35 : i32
      %scan3A_37 = arith.constant 1 : i32
      scf.for %scan3A_39 = %scan3A_34 to %scan3A_36 step %scan3A_37  : i32 {
        %mul3A_40 = arith.constant 2 : i32
        %mul3A_41 = arith.muli %scan3A_39, %mul3A_40 : i32
        %add3A = arith.constant 0 : i32
        %add3A_42 = arith.addi %add3A, %mul3A_41 : i32
        %add3A_43 = arith.constant 1 : i32
        %add3A_44 = arith.addi %add3A_42, %add3A_43 : i32
        %dma_start3A_45 = arith.constant 0 : i32
        %dma_start3A_46 = tpu.memref_slice %arg9[%add3A_44, %dma_start3A_45] : memref<250x80xi32, #tpu.memory_space<vmem>> -> memref<1x80xi32, #tpu.memory_space<vmem>>
        %dma_start3A_47 = tpu.memref_squeeze %dma_start3A_46 : memref<1x80xi32, #tpu.memory_space<vmem>> -> memref<80xi32, #tpu.memory_space<vmem>>
        %dma_start3A_48 = arith.constant 0 : i32
        %dma_start3A_49 = arith.constant 0 : i32
        %dma_start3A_50 = tpu.memref_slice %arg3[%dma_start3A_48, %dma_start3A_49] : memref<10000x64xf32, #tpu.memory_space<hbm>> -> memref<10000x64xf32, #tpu.memory_space<hbm>>
        tpu.enqueue_indirect_dma source(%dma_start3A_50 : memref<10000x64xf32, #tpu.memory_space<hbm>>) target(%arg12 : memref<80x64xf32, #tpu.memory_space<vmem>>) offsets(%dma_start3A_47 : memref<80xi32, #tpu.memory_space<vmem>>) semaphore(%arg15 : memref<!tpu.dma_semaphore, #tpu.memory_space<semaphore_mem>>)
        %dma_wait3A = arith.constant 0 : i32
        %dma_wait3A_51 = tpu.memref_slice %arg9[%add3A_42, %dma_wait3A] : memref<250x80xi32, #tpu.memory_space<vmem>> -> memref<1x80xi32, #tpu.memory_space<vmem>>
        %dma_wait3A_52 = tpu.memref_squeeze %dma_wait3A_51 : memref<1x80xi32, #tpu.memory_space<vmem>> -> memref<80xi32, #tpu.memory_space<vmem>>
        %dma_wait3A_53 = arith.constant 0 : i32
        %dma_wait3A_54 = arith.constant 0 : i32
        %dma_wait3A_55 = tpu.memref_slice %arg3[%dma_wait3A_53, %dma_wait3A_54] : memref<10000x64xf32, #tpu.memory_space<hbm>> -> memref<10000x64xf32, #tpu.memory_space<hbm>>
        tpu.wait_indirect_dma semaphore(%arg14 : memref<!tpu.dma_semaphore, #tpu.memory_space<semaphore_mem>>) src(%dma_wait3A_55 : memref<10000x64xf32, #tpu.memory_space<hbm>>) dst(%arg11 : memref<80x64xf32, #tpu.memory_space<vmem>>)
        "tpu.region"() ({
          %run_scoped3A = tpu.sem_alloc : memref<!tpu.dma_semaphore, #tpu.memory_space<semaphore_mem>>
          %dma_start3A_72 = arith.constant 0 : i32
          %dma_start3A_73 = tpu.memref_slice %arg10[%add3A_42, %dma_start3A_72] : memref<250x80xi32, #tpu.memory_space<vmem>> -> memref<1x80xi32, #tpu.memory_space<vmem>>
          %dma_start3A_74 = tpu.memref_squeeze %dma_start3A_73 : memref<1x80xi32, #tpu.memory_space<vmem>> -> memref<80xi32, #tpu.memory_space<vmem>>
          %dma_start3A_75 = arith.constant 0 : i32
          %dma_start3A_76 = arith.constant 0 : i32
          %dma_start3A_77 = tpu.memref_slice %arg8[%dma_start3A_75, %dma_start3A_76] : memref<10240x64xf32, #tpu.memory_space<vmem_shared>> -> memref<10240x64xf32, #tpu.memory_space<vmem_shared>>
          tpu.enqueue_indirect_dma source(%arg11 : memref<80x64xf32, #tpu.memory_space<vmem>>) target(%dma_start3A_77 : memref<10240x64xf32, #tpu.memory_space<vmem_shared>>) offsets(%dma_start3A_74 : memref<80xi32, #tpu.memory_space<vmem>>) semaphore(%run_scoped3A : memref<!tpu.dma_semaphore, #tpu.memory_space<semaphore_mem>>) {add = true}
          %dma_wait3A_78 = arith.constant 0 : i32
          %dma_wait3A_79 = tpu.memref_slice %arg10[%add3A_42, %dma_wait3A_78] : memref<250x80xi32, #tpu.memory_space<vmem>> -> memref<1x80xi32, #tpu.memory_space<vmem>>
          %dma_wait3A_80 = tpu.memref_squeeze %dma_wait3A_79 : memref<1x80xi32, #tpu.memory_space<vmem>> -> memref<80xi32, #tpu.memory_space<vmem>>
          %dma_wait3A_81 = arith.constant 0 : i32
          %dma_wait3A_82 = arith.constant 0 : i32
          %dma_wait3A_83 = tpu.memref_slice %arg8[%dma_wait3A_81, %dma_wait3A_82] : memref<10240x64xf32, #tpu.memory_space<vmem_shared>> -> memref<10240x64xf32, #tpu.memory_space<vmem_shared>>
          tpu.wait_indirect_dma semaphore(%run_scoped3A : memref<!tpu.dma_semaphore, #tpu.memory_space<semaphore_mem>>) src(%arg11 : memref<80x64xf32, #tpu.memory_space<vmem>>) dst(%dma_wait3A_83 : memref<10240x64xf32, #tpu.memory_space<vmem_shared>>)
          tpu.yield
        }) : () -> ()
        %add3A_56 = arith.constant 2 : i32
        %add3A_57 = arith.addi %add3A_42, %add3A_56 : i32
        %lt3A = arith.constant 250 : i32
        %lt3A_58 = arith.cmpi slt, %add3A_57, %lt3A : i32
        %convert_element_type3A_59 = arith.extui %lt3A_58 : i1 to i32
        %cond3A_60 = arith.constant 0 : i32
        %cond3A_61 = arith.cmpi ne, %convert_element_type3A_59, %cond3A_60 : i32
        scf.if %cond3A_61 {
          %add3A_72 = arith.constant 2 : i32
          %add3A_73 = arith.addi %add3A_42, %add3A_72 : i32
          %dma_start3A_74 = arith.constant 0 : i32
          %dma_start3A_75 = tpu.memref_slice %arg9[%add3A_73, %dma_start3A_74] : memref<250x80xi32, #tpu.memory_space<vmem>> -> memref<1x80xi32, #tpu.memory_space<vmem>>
          %dma_start3A_76 = tpu.memref_squeeze %dma_start3A_75 : memref<1x80xi32, #tpu.memory_space<vmem>> -> memref<80xi32, #tpu.memory_space<vmem>>
          %dma_start3A_77 = arith.constant 0 : i32
          %dma_start3A_78 = arith.constant 0 : i32
          %dma_start3A_79 = tpu.memref_slice %arg3[%dma_start3A_77, %dma_start3A_78] : memref<10000x64xf32, #tpu.memory_space<hbm>> -> memref<10000x64xf32, #tpu.memory_space<hbm>>
          tpu.enqueue_indirect_dma source(%dma_start3A_79 : memref<10000x64xf32, #tpu.memory_space<hbm>>) target(%arg11 : memref<80x64xf32, #tpu.memory_space<vmem>>) offsets(%dma_start3A_76 : memref<80xi32, #tpu.memory_space<vmem>>) semaphore(%arg14 : memref<!tpu.dma_semaphore, #tpu.memory_space<semaphore_mem>>)
        } else {
        }
        %add3A_62 = arith.constant 1 : i32
        %add3A_63 = arith.addi %add3A_42, %add3A_62 : i32
        %dma_wait3A_64 = arith.constant 0 : i32
        %dma_wait3A_65 = tpu.memref_slice %arg9[%add3A_63, %dma_wait3A_64] : memref<250x80xi32, #tpu.memory_space<vmem>> -> memref<1x80xi32, #tpu.memory_space<vmem>>
        %dma_wait3A_66 = tpu.memref_squeeze %dma_wait3A_65 : memref<1x80xi32, #tpu.memory_space<vmem>> -> memref<80xi32, #tpu.memory_space<vmem>>
        %dma_wait3A_67 = arith.constant 0 : i32
        %dma_wait3A_68 = arith.constant 0 : i32
        %dma_wait3A_69 = tpu.memref_slice %arg3[%dma_wait3A_67, %dma_wait3A_68] : memref<10000x64xf32, #tpu.memory_space<hbm>> -> memref<10000x64xf32, #tpu.memory_space<hbm>>
        tpu.wait_indirect_dma semaphore(%arg15 : memref<!tpu.dma_semaphore, #tpu.memory_space<semaphore_mem>>) src(%dma_wait3A_69 : memref<10000x64xf32, #tpu.memory_space<hbm>>) dst(%arg12 : memref<80x64xf32, #tpu.memory_space<vmem>>)
        %add3A_70 = arith.constant 1 : i32
        %add3A_71 = arith.addi %add3A_42, %add3A_70 : i32
        "tpu.region"() ({
          %run_scoped3A = tpu.sem_alloc : memref<!tpu.dma_semaphore, #tpu.memory_space<semaphore_mem>>
          %dma_start3A_72 = arith.constant 0 : i32
          %dma_start3A_73 = tpu.memref_slice %arg10[%add3A_71, %dma_start3A_72] : memref<250x80xi32, #tpu.memory_space<vmem>> -> memref<1x80xi32, #tpu.memory_space<vmem>>
          %dma_start3A_74 = tpu.memref_squeeze %dma_start3A_73 : memref<1x80xi32, #tpu.memory_space<vmem>> -> memref<80xi32, #tpu.memory_space<vmem>>
          %dma_start3A_75 = arith.constant 0 : i32
          %dma_start3A_76 = arith.constant 0 : i32
          %dma_start3A_77 = tpu.memref_slice %arg8[%dma_start3A_75, %dma_start3A_76] : memref<10240x64xf32, #tpu.memory_space<vmem_shared>> -> memref<10240x64xf32, #tpu.memory_space<vmem_shared>>
          tpu.enqueue_indirect_dma source(%arg12 : memref<80x64xf32, #tpu.memory_space<vmem>>) target(%dma_start3A_77 : memref<10240x64xf32, #tpu.memory_space<vmem_shared>>) offsets(%dma_start3A_74 : memref<80xi32, #tpu.memory_space<vmem>>) semaphore(%run_scoped3A : memref<!tpu.dma_semaphore, #tpu.memory_space<semaphore_mem>>) {add = true}
          %dma_wait3A_78 = arith.constant 0 : i32
          %dma_wait3A_79 = tpu.memref_slice %arg10[%add3A_71, %dma_wait3A_78] : memref<250x80xi32, #tpu.memory_space<vmem>> -> memref<1x80xi32, #tpu.memory_space<vmem>>
          %dma_wait3A_80 = tpu.memref_squeeze %dma_wait3A_79 : memref<1x80xi32, #tpu.memory_space<vmem>> -> memref<80xi32, #tpu.memory_space<vmem>>
          %dma_wait3A_81 = arith.constant 0 : i32
          %dma_wait3A_82 = arith.constant 0 : i32
          %dma_wait3A_83 = tpu.memref_slice %arg8[%dma_wait3A_81, %dma_wait3A_82] : memref<10240x64xf32, #tpu.memory_space<vmem_shared>> -> memref<10240x64xf32, #tpu.memory_space<vmem_shared>>
          tpu.wait_indirect_dma semaphore(%run_scoped3A : memref<!tpu.dma_semaphore, #tpu.memory_space<semaphore_mem>>) src(%arg12 : memref<80x64xf32, #tpu.memory_space<vmem>>) dst(%dma_wait3A_83 : memref<10240x64xf32, #tpu.memory_space<vmem_shared>>)
          tpu.yield
        }) : () -> ()
      }
      %scan3A_38 = arith.constant 125 : i32
    } else {
    }
    %barrier3A_17 = arith.constant 0 : index
    tpu.barrier barrier_id(%barrier3A_17)
    %eq3A_18 = arith.constant 0 : i32
    %eq3A_19 = arith.cmpi eq, %arg0, %eq3A_18 : i32
    %convert_element_type3A_20 = arith.extui %eq3A_19 : i1 to i32
    %cond3A_21 = arith.constant 0 : i32
    %cond3A_22 = arith.cmpi ne, %convert_element_type3A_20, %cond3A_21 : i32
    scf.if %cond3A_22 {
      "tpu.region"() ({
        %run_scoped3A = tpu.sem_alloc : memref<!tpu.dma_semaphore, #tpu.memory_space<semaphore_mem>>
        %dma_start3A = arith.constant 0 : i32
        %dma_start3A_28 = tpu.memref_slice %arg6[%mul3A_0, %dma_start3A] : memref<10240x64xf32, #tpu.memory_space<hbm>> -> memref<640x64xf32, #tpu.memory_space<hbm>>
        %dma_start3A_29 = arith.constant 0 : i32
        %dma_start3A_30 = tpu.memref_slice %arg8[%mul3A_0, %dma_start3A_29] : memref<10240x64xf32, #tpu.memory_space<vmem_shared>> -> memref<640x64xf32, #tpu.memory_space<vmem_shared>>
        tpu.enqueue_dma source(%dma_start3A_30 : memref<640x64xf32, #tpu.memory_space<vmem_shared>>) target(%dma_start3A_28 : memref<640x64xf32, #tpu.memory_space<hbm>>) target_semaphore(%run_scoped3A : memref<!tpu.dma_semaphore, #tpu.memory_space<semaphore_mem>>)
        %dma_wait3A = arith.constant 0 : i32
        %dma_wait3A_31 = tpu.memref_slice %arg6[%mul3A_0, %dma_wait3A] : memref<10240x64xf32, #tpu.memory_space<hbm>> -> memref<640x64xf32, #tpu.memory_space<hbm>>
        %dma_wait3A_32 = arith.constant 0 : i32
        %dma_wait3A_33 = tpu.memref_slice %arg8[%mul3A_0, %dma_wait3A_32] : memref<10240x64xf32, #tpu.memory_space<vmem_shared>> -> memref<640x64xf32, #tpu.memory_space<vmem_shared>>
        tpu.wait_dma2 semaphore(%run_scoped3A : memref<!tpu.dma_semaphore, #tpu.memory_space<semaphore_mem>>) src(%dma_wait3A_33 : memref<640x64xf32, #tpu.memory_space<vmem_shared>>) dst(%dma_wait3A_31 : memref<640x64xf32, #tpu.memory_space<hbm>>)
        tpu.yield
      }) : () -> ()
    } else {
    }
    %eq3A_23 = arith.constant 1 : i32
    %eq3A_24 = arith.cmpi eq, %arg0, %eq3A_23 : i32
    %convert_element_type3A_25 = arith.extui %eq3A_24 : i1 to i32
    %cond3A_26 = arith.constant 0 : i32
    %cond3A_27 = arith.cmpi ne, %convert_element_type3A_25, %cond3A_26 : i32
    scf.if %cond3A_27 {
      "tpu.region"() ({
        %run_scoped3A = tpu.sem_alloc : memref<!tpu.dma_semaphore, #tpu.memory_space<semaphore_mem>>
        %dma_start3A = arith.constant 0 : i32
        %dma_start3A_28 = tpu.memref_slice %arg7[%mul3A_0, %dma_start3A] : memref<10240x64xf32, #tpu.memory_space<hbm>> -> memref<640x64xf32, #tpu.memory_space<hbm>>
        %dma_start3A_29 = arith.constant 0 : i32
        %dma_start3A_30 = tpu.memref_slice %arg8[%mul3A_0, %dma_start3A_29] : memref<10240x64xf32, #tpu.memory_space<vmem_shared>> -> memref<640x64xf32, #tpu.memory_space<vmem_shared>>
        tpu.enqueue_dma source(%dma_start3A_30 : memref<640x64xf32, #tpu.memory_space<vmem_shared>>) target(%dma_start3A_28 : memref<640x64xf32, #tpu.memory_space<hbm>>) target_semaphore(%run_scoped3A : memref<!tpu.dma_semaphore, #tpu.memory_space<semaphore_mem>>)
        %dma_wait3A = arith.constant 0 : i32
        %dma_wait3A_31 = tpu.memref_slice %arg7[%mul3A_0, %dma_wait3A] : memref<10240x64xf32, #tpu.memory_space<hbm>> -> memref<640x64xf32, #tpu.memory_space<hbm>>
        %dma_wait3A_32 = arith.constant 0 : i32
        %dma_wait3A_33 = tpu.memref_slice %arg8[%mul3A_0, %dma_wait3A_32] : memref<10240x64xf32, #tpu.memory_space<vmem_shared>> -> memref<640x64xf32, #tpu.memory_space<vmem_shared>>
        tpu.wait_dma2 semaphore(%run_scoped3A : memref<!tpu.dma_semaphore, #tpu.memory_space<semaphore_mem>>) src(%dma_wait3A_33 : memref<640x64xf32, #tpu.memory_space<vmem_shared>>) dst(%dma_wait3A_31 : memref<640x64xf32, #tpu.memory_space<hbm>>)
        tpu.yield
      }) : () -> ()
    } else {
    }
    return
  }
}

#map = affine_map<(d0, d1) -> (0, 0, 0)>
#map1 = affine_map<(d0, d1) -> (0, 0)>
module attributes {stable_mosaic.version = 14 : i64} {
  func.func @_sc_degrees(%arg0: i32, %arg1: i32, %arg2: memref<16x250x80xi32, #tpu.memory_space<hbm>>, %arg3: memref<16x250x80xi32, #tpu.memory_space<hbm>>, %arg4: memref<10240x16xf32, #tpu.memory_space<hbm>>, %arg5: memref<10240x16xf32, #tpu.memory_space<hbm>>, %arg6: memref<10240x16xf32, #tpu.memory_space<vmem_shared>>, %arg7: memref<250x80xi32, #tpu.memory_space<vmem>>, %arg8: memref<80x16xf32, #tpu.memory_space<vmem>>, %arg9: memref<640x16xf32, #tpu.memory_space<vmem>>, %arg10: memref<!tpu.dma_semaphore, #tpu.memory_space<semaphore_mem>>) attributes {dimension_semantics = [#tpu.dimension_semantics<core_parallel>, #tpu.dimension_semantics<subcore_parallel>], iteration_bounds = array<i64: 2, 16>, scalar_prefetch = 0 : i64, scratch_operands = 5 : i64, tpu.core_type = #tpu.core_type<sc_vector_subcore>, window_params = [{transform_indices = #map}, {transform_indices = #map}, {transform_indices = #map1}, {transform_indices = #map1}]} {
    %mul3A = arith.constant 640 : i32
    %mul3A_0 = arith.muli %arg1, %mul3A : i32
    %scan3A = arith.constant 0 : i32
    %scan3A_1 = arith.constant 80 : i32
    %scan3A_2 = arith.addi %scan3A, %scan3A_1 : i32
    %scan3A_3 = arith.constant 1 : i32
    scf.for %scan3A_28 = %scan3A to %scan3A_2 step %scan3A_3  : i32 {
      %mul3A_29 = arith.constant 1 : i32
      %mul3A_30 = arith.muli %scan3A_28, %mul3A_29 : i32
      %add3A = arith.constant 0 : i32
      %add3A_31 = arith.addi %add3A, %mul3A_30 : i32
      %broadcast_in_dim3A = arith.constant 1.000000e+00 : f32
      %broadcast_in_dim3A_32 = vector.broadcast %broadcast_in_dim3A : f32 to vector<1x16xf32>
      %swap3A = arith.index_cast %add3A_31 : i32 to index
      %swap3A_33 = arith.constant 0 : index
      %swap3A_34 = tpu.vector_load %arg8[%swap3A, %swap3A_33] {strides = array<i32>} : memref<80x16xf32, #tpu.memory_space<vmem>>, vector<1x16xf32>,
      %swap3A_35 = vector.shape_cast %swap3A_34 : vector<1x16xf32> to vector<1x16xf32>
      %swap3A_36 = vector.shape_cast %broadcast_in_dim3A_32 : vector<1x16xf32> to vector<1x16xf32>
      tpu.vector_store %arg8[%swap3A, %swap3A_33], %swap3A_36 {strides = array<i32>} : memref<80x16xf32, #tpu.memory_space<vmem>>, vector<1x16xf32>,
    }
    %scan3A_4 = arith.constant 80 : i32
    %scan3A_5 = arith.constant 0 : i32
    %scan3A_6 = arith.constant 640 : i32
    %scan3A_7 = arith.addi %scan3A_5, %scan3A_6 : i32
    %scan3A_8 = arith.constant 1 : i32
    scf.for %scan3A_28 = %scan3A_5 to %scan3A_7 step %scan3A_8  : i32 {
      %mul3A_29 = arith.constant 1 : i32
      %mul3A_30 = arith.muli %scan3A_28, %mul3A_29 : i32
      %add3A = arith.constant 0 : i32
      %add3A_31 = arith.addi %add3A, %mul3A_30 : i32
      %broadcast_in_dim3A = arith.constant 0.000000e+00 : f32
      %broadcast_in_dim3A_32 = vector.broadcast %broadcast_in_dim3A : f32 to vector<1x16xf32>
      %swap3A = arith.index_cast %add3A_31 : i32 to index
      %swap3A_33 = arith.constant 0 : index
      %swap3A_34 = tpu.vector_load %arg9[%swap3A, %swap3A_33] {strides = array<i32>} : memref<640x16xf32, #tpu.memory_space<vmem>>, vector<1x16xf32>,
      %swap3A_35 = vector.shape_cast %swap3A_34 : vector<1x16xf32> to vector<1x16xf32>
      %swap3A_36 = vector.shape_cast %broadcast_in_dim3A_32 : vector<1x16xf32> to vector<1x16xf32>
      tpu.vector_store %arg9[%swap3A, %swap3A_33], %swap3A_36 {strides = array<i32>} : memref<640x16xf32, #tpu.memory_space<vmem>>, vector<1x16xf32>,
    }
    %scan3A_9 = arith.constant 640 : i32
    "tpu.region"() ({
      %run_scoped3A = tpu.sem_alloc : memref<!tpu.dma_semaphore, #tpu.memory_space<semaphore_mem>>
      %dma_start3A = arith.constant 0 : i32
      %dma_start3A_28 = tpu.memref_slice %arg6[%mul3A_0, %dma_start3A] : memref<10240x16xf32, #tpu.memory_space<vmem_shared>> -> memref<640x16xf32, #tpu.memory_space<vmem_shared>>
      %dma_start3A_29 = arith.constant 0 : i32
      %dma_start3A_30 = tpu.memref_slice %arg6[%mul3A_0, %dma_start3A_29] : memref<10240x16xf32, #tpu.memory_space<vmem_shared>> -> memref<640x16xf32, #tpu.memory_space<vmem_shared>>
      tpu.enqueue_dma source(%arg9 : memref<640x16xf32, #tpu.memory_space<vmem>>) target(%dma_start3A_30 : memref<640x16xf32, #tpu.memory_space<vmem_shared>>) target_semaphore(%run_scoped3A : memref<!tpu.dma_semaphore, #tpu.memory_space<semaphore_mem>>)
      %dma_wait3A = arith.constant 0 : i32
      %dma_wait3A_31 = tpu.memref_slice %arg6[%mul3A_0, %dma_wait3A] : memref<10240x16xf32, #tpu.memory_space<vmem_shared>> -> memref<640x16xf32, #tpu.memory_space<vmem_shared>>
      %dma_wait3A_32 = arith.constant 0 : i32
      %dma_wait3A_33 = tpu.memref_slice %arg6[%mul3A_0, %dma_wait3A_32] : memref<10240x16xf32, #tpu.memory_space<vmem_shared>> -> memref<640x16xf32, #tpu.memory_space<vmem_shared>>
      tpu.wait_dma2 semaphore(%run_scoped3A : memref<!tpu.dma_semaphore, #tpu.memory_space<semaphore_mem>>) src(%arg9 : memref<640x16xf32, #tpu.memory_space<vmem>>) dst(%dma_wait3A_33 : memref<640x16xf32, #tpu.memory_space<vmem_shared>>)
      tpu.yield
    }) : () -> ()
    %barrier3A = arith.constant 0 : index
    tpu.barrier barrier_id(%barrier3A)
    %eq3A = arith.constant 0 : i32
    %eq3A_10 = arith.cmpi eq, %arg0, %eq3A : i32
    %convert_element_type3A = arith.extui %eq3A_10 : i1 to i32
    %cond3A = arith.constant 0 : i32
    %cond3A_11 = arith.cmpi ne, %convert_element_type3A, %cond3A : i32
    scf.if %cond3A_11 {
      "tpu.region"() ({
        %run_scoped3A = tpu.sem_alloc : memref<!tpu.dma_semaphore, #tpu.memory_space<semaphore_mem>>
        %dma_start3A = arith.constant 0 : i32
        %dma_start3A_33 = arith.constant 0 : i32
        %dma_start3A_34 = tpu.memref_slice %arg2[%arg1, %dma_start3A, %dma_start3A_33] : memref<16x250x80xi32, #tpu.memory_space<hbm>> -> memref<1x250x80xi32, #tpu.memory_space<hbm>>
        %dma_start3A_35 = tpu.memref_squeeze %dma_start3A_34 : memref<1x250x80xi32, #tpu.memory_space<hbm>> -> memref<250x80xi32, #tpu.memory_space<hbm>>
        %dma_start3A_36 = arith.constant 0 : i32
        %dma_start3A_37 = arith.constant 0 : i32
        %dma_start3A_38 = tpu.memref_slice %arg2[%arg1, %dma_start3A_36, %dma_start3A_37] : memref<16x250x80xi32, #tpu.memory_space<hbm>> -> memref<1x250x80xi32, #tpu.memory_space<hbm>>
        %dma_start3A_39 = tpu.memref_squeeze %dma_start3A_38 : memref<1x250x80xi32, #tpu.memory_space<hbm>> -> memref<250x80xi32, #tpu.memory_space<hbm>>
        tpu.enqueue_dma source(%dma_start3A_39 : memref<250x80xi32, #tpu.memory_space<hbm>>) target(%arg7 : memref<250x80xi32, #tpu.memory_space<vmem>>) target_semaphore(%run_scoped3A : memref<!tpu.dma_semaphore, #tpu.memory_space<semaphore_mem>>)
        %dma_wait3A = arith.constant 0 : i32
        %dma_wait3A_40 = arith.constant 0 : i32
        %dma_wait3A_41 = tpu.memref_slice %arg2[%arg1, %dma_wait3A, %dma_wait3A_40] : memref<16x250x80xi32, #tpu.memory_space<hbm>> -> memref<1x250x80xi32, #tpu.memory_space<hbm>>
        %dma_wait3A_42 = tpu.memref_squeeze %dma_wait3A_41 : memref<1x250x80xi32, #tpu.memory_space<hbm>> -> memref<250x80xi32, #tpu.memory_space<hbm>>
        %dma_wait3A_43 = arith.constant 0 : i32
        %dma_wait3A_44 = arith.constant 0 : i32
        %dma_wait3A_45 = tpu.memref_slice %arg2[%arg1, %dma_wait3A_43, %dma_wait3A_44] : memref<16x250x80xi32, #tpu.memory_space<hbm>> -> memref<1x250x80xi32, #tpu.memory_space<hbm>>
        %dma_wait3A_46 = tpu.memref_squeeze %dma_wait3A_45 : memref<1x250x80xi32, #tpu.memory_space<hbm>> -> memref<250x80xi32, #tpu.memory_space<hbm>>
        tpu.wait_dma2 semaphore(%run_scoped3A : memref<!tpu.dma_semaphore, #tpu.memory_space<semaphore_mem>>) src(%dma_wait3A_46 : memref<250x80xi32, #tpu.memory_space<hbm>>) dst(%arg7 : memref<250x80xi32, #tpu.memory_space<vmem>>)
        tpu.yield
      }) : () -> ()
      %scan3A_28 = arith.constant 0 : i32
      %scan3A_29 = arith.constant 25 : i32
      %scan3A_30 = arith.addi %scan3A_28, %scan3A_29 : i32
      %scan3A_31 = arith.constant 1 : i32
      scf.for %scan3A_33 = %scan3A_28 to %scan3A_30 step %scan3A_31  : i32 {
        %mul3A_34 = arith.constant 10 : i32
        %mul3A_35 = arith.muli %scan3A_33, %mul3A_34 : i32
        %add3A = arith.constant 0 : i32
        %add3A_36 = arith.addi %add3A, %mul3A_35 : i32
        %add3A_37 = arith.constant 0 : i32
        %add3A_38 = arith.addi %add3A_36, %add3A_37 : i32
        %dma_start3A = arith.constant 0 : i32
        %dma_start3A_39 = tpu.memref_slice %arg7[%add3A_38, %dma_start3A] : memref<250x80xi32, #tpu.memory_space<vmem>> -> memref<1x80xi32, #tpu.memory_space<vmem>>
        %dma_start3A_40 = tpu.memref_squeeze %dma_start3A_39 : memref<1x80xi32, #tpu.memory_space<vmem>> -> memref<80xi32, #tpu.memory_space<vmem>>
        %dma_start3A_41 = arith.constant 0 : i32
        %dma_start3A_42 = arith.constant 0 : i32
        %dma_start3A_43 = tpu.memref_slice %arg6[%dma_start3A_41, %dma_start3A_42] : memref<10240x16xf32, #tpu.memory_space<vmem_shared>> -> memref<10240x16xf32, #tpu.memory_space<vmem_shared>>
        tpu.enqueue_indirect_dma source(%arg8 : memref<80x16xf32, #tpu.memory_space<vmem>>) target(%dma_start3A_43 : memref<10240x16xf32, #tpu.memory_space<vmem_shared>>) offsets(%dma_start3A_40 : memref<80xi32, #tpu.memory_space<vmem>>) semaphore(%arg10 : memref<!tpu.dma_semaphore, #tpu.memory_space<semaphore_mem>>) {add = true}
        %add3A_44 = arith.constant 1 : i32
        %add3A_45 = arith.addi %add3A_36, %add3A_44 : i32
        %dma_start3A_46 = arith.constant 0 : i32
        %dma_start3A_47 = tpu.memref_slice %arg7[%add3A_45, %dma_start3A_46] : memref<250x80xi32, #tpu.memory_space<vmem>> -> memref<1x80xi32, #tpu.memory_space<vmem>>
        %dma_start3A_48 = tpu.memref_squeeze %dma_start3A_47 : memref<1x80xi32, #tpu.memory_space<vmem>> -> memref<80xi32, #tpu.memory_space<vmem>>
        %dma_start3A_49 = arith.constant 0 : i32
        %dma_start3A_50 = arith.constant 0 : i32
        %dma_start3A_51 = tpu.memref_slice %arg6[%dma_start3A_49, %dma_start3A_50] : memref<10240x16xf32, #tpu.memory_space<vmem_shared>> -> memref<10240x16xf32, #tpu.memory_space<vmem_shared>>
        tpu.enqueue_indirect_dma source(%arg8 : memref<80x16xf32, #tpu.memory_space<vmem>>) target(%dma_start3A_51 : memref<10240x16xf32, #tpu.memory_space<vmem_shared>>) offsets(%dma_start3A_48 : memref<80xi32, #tpu.memory_space<vmem>>) semaphore(%arg10 : memref<!tpu.dma_semaphore, #tpu.memory_space<semaphore_mem>>) {add = true}
        %add3A_52 = arith.constant 2 : i32
        %add3A_53 = arith.addi %add3A_36, %add3A_52 : i32
        %dma_start3A_54 = arith.constant 0 : i32
        %dma_start3A_55 = tpu.memref_slice %arg7[%add3A_53, %dma_start3A_54] : memref<250x80xi32, #tpu.memory_space<vmem>> -> memref<1x80xi32, #tpu.memory_space<vmem>>
        %dma_start3A_56 = tpu.memref_squeeze %dma_start3A_55 : memref<1x80xi32, #tpu.memory_space<vmem>> -> memref<80xi32, #tpu.memory_space<vmem>>
        %dma_start3A_57 = arith.constant 0 : i32
        %dma_start3A_58 = arith.constant 0 : i32
        %dma_start3A_59 = tpu.memref_slice %arg6[%dma_start3A_57, %dma_start3A_58] : memref<10240x16xf32, #tpu.memory_space<vmem_shared>> -> memref<10240x16xf32, #tpu.memory_space<vmem_shared>>
        tpu.enqueue_indirect_dma source(%arg8 : memref<80x16xf32, #tpu.memory_space<vmem>>) target(%dma_start3A_59 : memref<10240x16xf32, #tpu.memory_space<vmem_shared>>) offsets(%dma_start3A_56 : memref<80xi32, #tpu.memory_space<vmem>>) semaphore(%arg10 : memref<!tpu.dma_semaphore, #tpu.memory_space<semaphore_mem>>) {add = true}
        %add3A_60 = arith.constant 3 : i32
        %add3A_61 = arith.addi %add3A_36, %add3A_60 : i32
        %dma_start3A_62 = arith.constant 0 : i32
        %dma_start3A_63 = tpu.memref_slice %arg7[%add3A_61, %dma_start3A_62] : memref<250x80xi32, #tpu.memory_space<vmem>> -> memref<1x80xi32, #tpu.memory_space<vmem>>
        %dma_start3A_64 = tpu.memref_squeeze %dma_start3A_63 : memref<1x80xi32, #tpu.memory_space<vmem>> -> memref<80xi32, #tpu.memory_space<vmem>>
        %dma_start3A_65 = arith.constant 0 : i32
        %dma_start3A_66 = arith.constant 0 : i32
        %dma_start3A_67 = tpu.memref_slice %arg6[%dma_start3A_65, %dma_start3A_66] : memref<10240x16xf32, #tpu.memory_space<vmem_shared>> -> memref<10240x16xf32, #tpu.memory_space<vmem_shared>>
        tpu.enqueue_indirect_dma source(%arg8 : memref<80x16xf32, #tpu.memory_space<vmem>>) target(%dma_start3A_67 : memref<10240x16xf32, #tpu.memory_space<vmem_shared>>) offsets(%dma_start3A_64 : memref<80xi32, #tpu.memory_space<vmem>>) semaphore(%arg10 : memref<!tpu.dma_semaphore, #tpu.memory_space<semaphore_mem>>) {add = true}
        %add3A_68 = arith.constant 4 : i32
        %add3A_69 = arith.addi %add3A_36, %add3A_68 : i32
        %dma_start3A_70 = arith.constant 0 : i32
        %dma_start3A_71 = tpu.memref_slice %arg7[%add3A_69, %dma_start3A_70] : memref<250x80xi32, #tpu.memory_space<vmem>> -> memref<1x80xi32, #tpu.memory_space<vmem>>
        %dma_start3A_72 = tpu.memref_squeeze %dma_start3A_71 : memref<1x80xi32, #tpu.memory_space<vmem>> -> memref<80xi32, #tpu.memory_space<vmem>>
        %dma_start3A_73 = arith.constant 0 : i32
        %dma_start3A_74 = arith.constant 0 : i32
        %dma_start3A_75 = tpu.memref_slice %arg6[%dma_start3A_73, %dma_start3A_74] : memref<10240x16xf32, #tpu.memory_space<vmem_shared>> -> memref<10240x16xf32, #tpu.memory_space<vmem_shared>>
        tpu.enqueue_indirect_dma source(%arg8 : memref<80x16xf32, #tpu.memory_space<vmem>>) target(%dma_start3A_75 : memref<10240x16xf32, #tpu.memory_space<vmem_shared>>) offsets(%dma_start3A_72 : memref<80xi32, #tpu.memory_space<vmem>>) semaphore(%arg10 : memref<!tpu.dma_semaphore, #tpu.memory_space<semaphore_mem>>) {add = true}
        %add3A_76 = arith.constant 5 : i32
        %add3A_77 = arith.addi %add3A_36, %add3A_76 : i32
        %dma_start3A_78 = arith.constant 0 : i32
        %dma_start3A_79 = tpu.memref_slice %arg7[%add3A_77, %dma_start3A_78] : memref<250x80xi32, #tpu.memory_space<vmem>> -> memref<1x80xi32, #tpu.memory_space<vmem>>
        %dma_start3A_80 = tpu.memref_squeeze %dma_start3A_79 : memref<1x80xi32, #tpu.memory_space<vmem>> -> memref<80xi32, #tpu.memory_space<vmem>>
        %dma_start3A_81 = arith.constant 0 : i32
        %dma_start3A_82 = arith.constant 0 : i32
        %dma_start3A_83 = tpu.memref_slice %arg6[%dma_start3A_81, %dma_start3A_82] : memref<10240x16xf32, #tpu.memory_space<vmem_shared>> -> memref<10240x16xf32, #tpu.memory_space<vmem_shared>>
        tpu.enqueue_indirect_dma source(%arg8 : memref<80x16xf32, #tpu.memory_space<vmem>>) target(%dma_start3A_83 : memref<10240x16xf32, #tpu.memory_space<vmem_shared>>) offsets(%dma_start3A_80 : memref<80xi32, #tpu.memory_space<vmem>>) semaphore(%arg10 : memref<!tpu.dma_semaphore, #tpu.memory_space<semaphore_mem>>) {add = true}
        %add3A_84 = arith.constant 6 : i32
        %add3A_85 = arith.addi %add3A_36, %add3A_84 : i32
        %dma_start3A_86 = arith.constant 0 : i32
        %dma_start3A_87 = tpu.memref_slice %arg7[%add3A_85, %dma_start3A_86] : memref<250x80xi32, #tpu.memory_space<vmem>> -> memref<1x80xi32, #tpu.memory_space<vmem>>
        %dma_start3A_88 = tpu.memref_squeeze %dma_start3A_87 : memref<1x80xi32, #tpu.memory_space<vmem>> -> memref<80xi32, #tpu.memory_space<vmem>>
        %dma_start3A_89 = arith.constant 0 : i32
        %dma_start3A_90 = arith.constant 0 : i32
        %dma_start3A_91 = tpu.memref_slice %arg6[%dma_start3A_89, %dma_start3A_90] : memref<10240x16xf32, #tpu.memory_space<vmem_shared>> -> memref<10240x16xf32, #tpu.memory_space<vmem_shared>>
        tpu.enqueue_indirect_dma source(%arg8 : memref<80x16xf32, #tpu.memory_space<vmem>>) target(%dma_start3A_91 : memref<10240x16xf32, #tpu.memory_space<vmem_shared>>) offsets(%dma_start3A_88 : memref<80xi32, #tpu.memory_space<vmem>>) semaphore(%arg10 : memref<!tpu.dma_semaphore, #tpu.memory_space<semaphore_mem>>) {add = true}
        %add3A_92 = arith.constant 7 : i32
        %add3A_93 = arith.addi %add3A_36, %add3A_92 : i32
        %dma_start3A_94 = arith.constant 0 : i32
        %dma_start3A_95 = tpu.memref_slice %arg7[%add3A_93, %dma_start3A_94] : memref<250x80xi32, #tpu.memory_space<vmem>> -> memref<1x80xi32, #tpu.memory_space<vmem>>
        %dma_start3A_96 = tpu.memref_squeeze %dma_start3A_95 : memref<1x80xi32, #tpu.memory_space<vmem>> -> memref<80xi32, #tpu.memory_space<vmem>>
        %dma_start3A_97 = arith.constant 0 : i32
        %dma_start3A_98 = arith.constant 0 : i32
        %dma_start3A_99 = tpu.memref_slice %arg6[%dma_start3A_97, %dma_start3A_98] : memref<10240x16xf32, #tpu.memory_space<vmem_shared>> -> memref<10240x16xf32, #tpu.memory_space<vmem_shared>>
        tpu.enqueue_indirect_dma source(%arg8 : memref<80x16xf32, #tpu.memory_space<vmem>>) target(%dma_start3A_99 : memref<10240x16xf32, #tpu.memory_space<vmem_shared>>) offsets(%dma_start3A_96 : memref<80xi32, #tpu.memory_space<vmem>>) semaphore(%arg10 : memref<!tpu.dma_semaphore, #tpu.memory_space<semaphore_mem>>) {add = true}
        %add3A_100 = arith.constant 8 : i32
        %add3A_101 = arith.addi %add3A_36, %add3A_100 : i32
        %dma_start3A_102 = arith.constant 0 : i32
        %dma_start3A_103 = tpu.memref_slice %arg7[%add3A_101, %dma_start3A_102] : memref<250x80xi32, #tpu.memory_space<vmem>> -> memref<1x80xi32, #tpu.memory_space<vmem>>
        %dma_start3A_104 = tpu.memref_squeeze %dma_start3A_103 : memref<1x80xi32, #tpu.memory_space<vmem>> -> memref<80xi32, #tpu.memory_space<vmem>>
        %dma_start3A_105 = arith.constant 0 : i32
        %dma_start3A_106 = arith.constant 0 : i32
        %dma_start3A_107 = tpu.memref_slice %arg6[%dma_start3A_105, %dma_start3A_106] : memref<10240x16xf32, #tpu.memory_space<vmem_shared>> -> memref<10240x16xf32, #tpu.memory_space<vmem_shared>>
        tpu.enqueue_indirect_dma source(%arg8 : memref<80x16xf32, #tpu.memory_space<vmem>>) target(%dma_start3A_107 : memref<10240x16xf32, #tpu.memory_space<vmem_shared>>) offsets(%dma_start3A_104 : memref<80xi32, #tpu.memory_space<vmem>>) semaphore(%arg10 : memref<!tpu.dma_semaphore, #tpu.memory_space<semaphore_mem>>) {add = true}
        %add3A_108 = arith.constant 9 : i32
        %add3A_109 = arith.addi %add3A_36, %add3A_108 : i32
        %dma_start3A_110 = arith.constant 0 : i32
        %dma_start3A_111 = tpu.memref_slice %arg7[%add3A_109, %dma_start3A_110] : memref<250x80xi32, #tpu.memory_space<vmem>> -> memref<1x80xi32, #tpu.memory_space<vmem>>
        %dma_start3A_112 = tpu.memref_squeeze %dma_start3A_111 : memref<1x80xi32, #tpu.memory_space<vmem>> -> memref<80xi32, #tpu.memory_space<vmem>>
        %dma_start3A_113 = arith.constant 0 : i32
        %dma_start3A_114 = arith.constant 0 : i32
        %dma_start3A_115 = tpu.memref_slice %arg6[%dma_start3A_113, %dma_start3A_114] : memref<10240x16xf32, #tpu.memory_space<vmem_shared>> -> memref<10240x16xf32, #tpu.memory_space<vmem_shared>>
        tpu.enqueue_indirect_dma source(%arg8 : memref<80x16xf32, #tpu.memory_space<vmem>>) target(%dma_start3A_115 : memref<10240x16xf32, #tpu.memory_space<vmem_shared>>) offsets(%dma_start3A_112 : memref<80xi32, #tpu.memory_space<vmem>>) semaphore(%arg10 : memref<!tpu.dma_semaphore, #tpu.memory_space<semaphore_mem>>) {add = true}
        %add3A_116 = arith.constant 0 : i32
        %add3A_117 = arith.addi %add3A_36, %add3A_116 : i32
        %dma_wait3A = arith.constant 0 : i32
        %dma_wait3A_118 = tpu.memref_slice %arg7[%add3A_117, %dma_wait3A] : memref<250x80xi32, #tpu.memory_space<vmem>> -> memref<1x80xi32, #tpu.memory_space<vmem>>
        %dma_wait3A_119 = tpu.memref_squeeze %dma_wait3A_118 : memref<1x80xi32, #tpu.memory_space<vmem>> -> memref<80xi32, #tpu.memory_space<vmem>>
        %dma_wait3A_120 = arith.constant 0 : i32
        %dma_wait3A_121 = arith.constant 0 : i32
        %dma_wait3A_122 = tpu.memref_slice %arg6[%dma_wait3A_120, %dma_wait3A_121] : memref<10240x16xf32, #tpu.memory_space<vmem_shared>> -> memref<10240x16xf32, #tpu.memory_space<vmem_shared>>
        tpu.wait_indirect_dma semaphore(%arg10 : memref<!tpu.dma_semaphore, #tpu.memory_space<semaphore_mem>>) src(%arg8 : memref<80x16xf32, #tpu.memory_space<vmem>>) dst(%dma_wait3A_122 : memref<10240x16xf32, #tpu.memory_space<vmem_shared>>)
        %add3A_123 = arith.constant 1 : i32
        %add3A_124 = arith.addi %add3A_36, %add3A_123 : i32
        %dma_wait3A_125 = arith.constant 0 : i32
        %dma_wait3A_126 = tpu.memref_slice %arg7[%add3A_124, %dma_wait3A_125] : memref<250x80xi32, #tpu.memory_space<vmem>> -> memref<1x80xi32, #tpu.memory_space<vmem>>
        %dma_wait3A_127 = tpu.memref_squeeze %dma_wait3A_126 : memref<1x80xi32, #tpu.memory_space<vmem>> -> memref<80xi32, #tpu.memory_space<vmem>>
        %dma_wait3A_128 = arith.constant 0 : i32
        %dma_wait3A_129 = arith.constant 0 : i32
        %dma_wait3A_130 = tpu.memref_slice %arg6[%dma_wait3A_128, %dma_wait3A_129] : memref<10240x16xf32, #tpu.memory_space<vmem_shared>> -> memref<10240x16xf32, #tpu.memory_space<vmem_shared>>
        tpu.wait_indirect_dma semaphore(%arg10 : memref<!tpu.dma_semaphore, #tpu.memory_space<semaphore_mem>>) src(%arg8 : memref<80x16xf32, #tpu.memory_space<vmem>>) dst(%dma_wait3A_130 : memref<10240x16xf32, #tpu.memory_space<vmem_shared>>)
        %add3A_131 = arith.constant 2 : i32
        %add3A_132 = arith.addi %add3A_36, %add3A_131 : i32
        %dma_wait3A_133 = arith.constant 0 : i32
        %dma_wait3A_134 = tpu.memref_slice %arg7[%add3A_132, %dma_wait3A_133] : memref<250x80xi32, #tpu.memory_space<vmem>> -> memref<1x80xi32, #tpu.memory_space<vmem>>
        %dma_wait3A_135 = tpu.memref_squeeze %dma_wait3A_134 : memref<1x80xi32, #tpu.memory_space<vmem>> -> memref<80xi32, #tpu.memory_space<vmem>>
        %dma_wait3A_136 = arith.constant 0 : i32
        %dma_wait3A_137 = arith.constant 0 : i32
        %dma_wait3A_138 = tpu.memref_slice %arg6[%dma_wait3A_136, %dma_wait3A_137] : memref<10240x16xf32, #tpu.memory_space<vmem_shared>> -> memref<10240x16xf32, #tpu.memory_space<vmem_shared>>
        tpu.wait_indirect_dma semaphore(%arg10 : memref<!tpu.dma_semaphore, #tpu.memory_space<semaphore_mem>>) src(%arg8 : memref<80x16xf32, #tpu.memory_space<vmem>>) dst(%dma_wait3A_138 : memref<10240x16xf32, #tpu.memory_space<vmem_shared>>)
        %add3A_139 = arith.constant 3 : i32
        %add3A_140 = arith.addi %add3A_36, %add3A_139 : i32
        %dma_wait3A_141 = arith.constant 0 : i32
        %dma_wait3A_142 = tpu.memref_slice %arg7[%add3A_140, %dma_wait3A_141] : memref<250x80xi32, #tpu.memory_space<vmem>> -> memref<1x80xi32, #tpu.memory_space<vmem>>
        %dma_wait3A_143 = tpu.memref_squeeze %dma_wait3A_142 : memref<1x80xi32, #tpu.memory_space<vmem>> -> memref<80xi32, #tpu.memory_space<vmem>>
        %dma_wait3A_144 = arith.constant 0 : i32
        %dma_wait3A_145 = arith.constant 0 : i32
        %dma_wait3A_146 = tpu.memref_slice %arg6[%dma_wait3A_144, %dma_wait3A_145] : memref<10240x16xf32, #tpu.memory_space<vmem_shared>> -> memref<10240x16xf32, #tpu.memory_space<vmem_shared>>
        tpu.wait_indirect_dma semaphore(%arg10 : memref<!tpu.dma_semaphore, #tpu.memory_space<semaphore_mem>>) src(%arg8 : memref<80x16xf32, #tpu.memory_space<vmem>>) dst(%dma_wait3A_146 : memref<10240x16xf32, #tpu.memory_space<vmem_shared>>)
        %add3A_147 = arith.constant 4 : i32
        %add3A_148 = arith.addi %add3A_36, %add3A_147 : i32
        %dma_wait3A_149 = arith.constant 0 : i32
        %dma_wait3A_150 = tpu.memref_slice %arg7[%add3A_148, %dma_wait3A_149] : memref<250x80xi32, #tpu.memory_space<vmem>> -> memref<1x80xi32, #tpu.memory_space<vmem>>
        %dma_wait3A_151 = tpu.memref_squeeze %dma_wait3A_150 : memref<1x80xi32, #tpu.memory_space<vmem>> -> memref<80xi32, #tpu.memory_space<vmem>>
        %dma_wait3A_152 = arith.constant 0 : i32
        %dma_wait3A_153 = arith.constant 0 : i32
        %dma_wait3A_154 = tpu.memref_slice %arg6[%dma_wait3A_152, %dma_wait3A_153] : memref<10240x16xf32, #tpu.memory_space<vmem_shared>> -> memref<10240x16xf32, #tpu.memory_space<vmem_shared>>
        tpu.wait_indirect_dma semaphore(%arg10 : memref<!tpu.dma_semaphore, #tpu.memory_space<semaphore_mem>>) src(%arg8 : memref<80x16xf32, #tpu.memory_space<vmem>>) dst(%dma_wait3A_154 : memref<10240x16xf32, #tpu.memory_space<vmem_shared>>)
        %add3A_155 = arith.constant 5 : i32
        %add3A_156 = arith.addi %add3A_36, %add3A_155 : i32
        %dma_wait3A_157 = arith.constant 0 : i32
        %dma_wait3A_158 = tpu.memref_slice %arg7[%add3A_156, %dma_wait3A_157] : memref<250x80xi32, #tpu.memory_space<vmem>> -> memref<1x80xi32, #tpu.memory_space<vmem>>
        %dma_wait3A_159 = tpu.memref_squeeze %dma_wait3A_158 : memref<1x80xi32, #tpu.memory_space<vmem>> -> memref<80xi32, #tpu.memory_space<vmem>>
        %dma_wait3A_160 = arith.constant 0 : i32
        %dma_wait3A_161 = arith.constant 0 : i32
        %dma_wait3A_162 = tpu.memref_slice %arg6[%dma_wait3A_160, %dma_wait3A_161] : memref<10240x16xf32, #tpu.memory_space<vmem_shared>> -> memref<10240x16xf32, #tpu.memory_space<vmem_shared>>
        tpu.wait_indirect_dma semaphore(%arg10 : memref<!tpu.dma_semaphore, #tpu.memory_space<semaphore_mem>>) src(%arg8 : memref<80x16xf32, #tpu.memory_space<vmem>>) dst(%dma_wait3A_162 : memref<10240x16xf32, #tpu.memory_space<vmem_shared>>)
        %add3A_163 = arith.constant 6 : i32
        %add3A_164 = arith.addi %add3A_36, %add3A_163 : i32
        %dma_wait3A_165 = arith.constant 0 : i32
        %dma_wait3A_166 = tpu.memref_slice %arg7[%add3A_164, %dma_wait3A_165] : memref<250x80xi32, #tpu.memory_space<vmem>> -> memref<1x80xi32, #tpu.memory_space<vmem>>
        %dma_wait3A_167 = tpu.memref_squeeze %dma_wait3A_166 : memref<1x80xi32, #tpu.memory_space<vmem>> -> memref<80xi32, #tpu.memory_space<vmem>>
        %dma_wait3A_168 = arith.constant 0 : i32
        %dma_wait3A_169 = arith.constant 0 : i32
        %dma_wait3A_170 = tpu.memref_slice %arg6[%dma_wait3A_168, %dma_wait3A_169] : memref<10240x16xf32, #tpu.memory_space<vmem_shared>> -> memref<10240x16xf32, #tpu.memory_space<vmem_shared>>
        tpu.wait_indirect_dma semaphore(%arg10 : memref<!tpu.dma_semaphore, #tpu.memory_space<semaphore_mem>>) src(%arg8 : memref<80x16xf32, #tpu.memory_space<vmem>>) dst(%dma_wait3A_170 : memref<10240x16xf32, #tpu.memory_space<vmem_shared>>)
        %add3A_171 = arith.constant 7 : i32
        %add3A_172 = arith.addi %add3A_36, %add3A_171 : i32
        %dma_wait3A_173 = arith.constant 0 : i32
        %dma_wait3A_174 = tpu.memref_slice %arg7[%add3A_172, %dma_wait3A_173] : memref<250x80xi32, #tpu.memory_space<vmem>> -> memref<1x80xi32, #tpu.memory_space<vmem>>
        %dma_wait3A_175 = tpu.memref_squeeze %dma_wait3A_174 : memref<1x80xi32, #tpu.memory_space<vmem>> -> memref<80xi32, #tpu.memory_space<vmem>>
        %dma_wait3A_176 = arith.constant 0 : i32
        %dma_wait3A_177 = arith.constant 0 : i32
        %dma_wait3A_178 = tpu.memref_slice %arg6[%dma_wait3A_176, %dma_wait3A_177] : memref<10240x16xf32, #tpu.memory_space<vmem_shared>> -> memref<10240x16xf32, #tpu.memory_space<vmem_shared>>
        tpu.wait_indirect_dma semaphore(%arg10 : memref<!tpu.dma_semaphore, #tpu.memory_space<semaphore_mem>>) src(%arg8 : memref<80x16xf32, #tpu.memory_space<vmem>>) dst(%dma_wait3A_178 : memref<10240x16xf32, #tpu.memory_space<vmem_shared>>)
        %add3A_179 = arith.constant 8 : i32
        %add3A_180 = arith.addi %add3A_36, %add3A_179 : i32
        %dma_wait3A_181 = arith.constant 0 : i32
        %dma_wait3A_182 = tpu.memref_slice %arg7[%add3A_180, %dma_wait3A_181] : memref<250x80xi32, #tpu.memory_space<vmem>> -> memref<1x80xi32, #tpu.memory_space<vmem>>
        %dma_wait3A_183 = tpu.memref_squeeze %dma_wait3A_182 : memref<1x80xi32, #tpu.memory_space<vmem>> -> memref<80xi32, #tpu.memory_space<vmem>>
        %dma_wait3A_184 = arith.constant 0 : i32
        %dma_wait3A_185 = arith.constant 0 : i32
        %dma_wait3A_186 = tpu.memref_slice %arg6[%dma_wait3A_184, %dma_wait3A_185] : memref<10240x16xf32, #tpu.memory_space<vmem_shared>> -> memref<10240x16xf32, #tpu.memory_space<vmem_shared>>
        tpu.wait_indirect_dma semaphore(%arg10 : memref<!tpu.dma_semaphore, #tpu.memory_space<semaphore_mem>>) src(%arg8 : memref<80x16xf32, #tpu.memory_space<vmem>>) dst(%dma_wait3A_186 : memref<10240x16xf32, #tpu.memory_space<vmem_shared>>)
        %add3A_187 = arith.constant 9 : i32
        %add3A_188 = arith.addi %add3A_36, %add3A_187 : i32
        %dma_wait3A_189 = arith.constant 0 : i32
        %dma_wait3A_190 = tpu.memref_slice %arg7[%add3A_188, %dma_wait3A_189] : memref<250x80xi32, #tpu.memory_space<vmem>> -> memref<1x80xi32, #tpu.memory_space<vmem>>
        %dma_wait3A_191 = tpu.memref_squeeze %dma_wait3A_190 : memref<1x80xi32, #tpu.memory_space<vmem>> -> memref<80xi32, #tpu.memory_space<vmem>>
        %dma_wait3A_192 = arith.constant 0 : i32
        %dma_wait3A_193 = arith.constant 0 : i32
        %dma_wait3A_194 = tpu.memref_slice %arg6[%dma_wait3A_192, %dma_wait3A_193] : memref<10240x16xf32, #tpu.memory_space<vmem_shared>> -> memref<10240x16xf32, #tpu.memory_space<vmem_shared>>
        tpu.wait_indirect_dma semaphore(%arg10 : memref<!tpu.dma_semaphore, #tpu.memory_space<semaphore_mem>>) src(%arg8 : memref<80x16xf32, #tpu.memory_space<vmem>>) dst(%dma_wait3A_194 : memref<10240x16xf32, #tpu.memory_space<vmem_shared>>)
      }
      %scan3A_32 = arith.constant 25 : i32
    } else {
    }
    %eq3A_12 = arith.constant 1 : i32
    %eq3A_13 = arith.cmpi eq, %arg0, %eq3A_12 : i32
    %convert_element_type3A_14 = arith.extui %eq3A_13 : i1 to i32
    %cond3A_15 = arith.constant 0 : i32
    %cond3A_16 = arith.cmpi ne, %convert_element_type3A_14, %cond3A_15 : i32
    scf.if %cond3A_16 {
      "tpu.region"() ({
        %run_scoped3A = tpu.sem_alloc : memref<!tpu.dma_semaphore, #tpu.memory_space<semaphore_mem>>
        %dma_start3A = arith.constant 0 : i32
        %dma_start3A_33 = arith.constant 0 : i32
        %dma_start3A_34 = tpu.memref_slice %arg3[%arg1, %dma_start3A, %dma_start3A_33] : memref<16x250x80xi32, #tpu.memory_space<hbm>> -> memref<1x250x80xi32, #tpu.memory_space<hbm>>
        %dma_start3A_35 = tpu.memref_squeeze %dma_start3A_34 : memref<1x250x80xi32, #tpu.memory_space<hbm>> -> memref<250x80xi32, #tpu.memory_space<hbm>>
        %dma_start3A_36 = arith.constant 0 : i32
        %dma_start3A_37 = arith.constant 0 : i32
        %dma_start3A_38 = tpu.memref_slice %arg3[%arg1, %dma_start3A_36, %dma_start3A_37] : memref<16x250x80xi32, #tpu.memory_space<hbm>> -> memref<1x250x80xi32, #tpu.memory_space<hbm>>
        %dma_start3A_39 = tpu.memref_squeeze %dma_start3A_38 : memref<1x250x80xi32, #tpu.memory_space<hbm>> -> memref<250x80xi32, #tpu.memory_space<hbm>>
        tpu.enqueue_dma source(%dma_start3A_39 : memref<250x80xi32, #tpu.memory_space<hbm>>) target(%arg7 : memref<250x80xi32, #tpu.memory_space<vmem>>) target_semaphore(%run_scoped3A : memref<!tpu.dma_semaphore, #tpu.memory_space<semaphore_mem>>)
        %dma_wait3A = arith.constant 0 : i32
        %dma_wait3A_40 = arith.constant 0 : i32
        %dma_wait3A_41 = tpu.memref_slice %arg3[%arg1, %dma_wait3A, %dma_wait3A_40] : memref<16x250x80xi32, #tpu.memory_space<hbm>> -> memref<1x250x80xi32, #tpu.memory_space<hbm>>
        %dma_wait3A_42 = tpu.memref_squeeze %dma_wait3A_41 : memref<1x250x80xi32, #tpu.memory_space<hbm>> -> memref<250x80xi32, #tpu.memory_space<hbm>>
        %dma_wait3A_43 = arith.constant 0 : i32
        %dma_wait3A_44 = arith.constant 0 : i32
        %dma_wait3A_45 = tpu.memref_slice %arg3[%arg1, %dma_wait3A_43, %dma_wait3A_44] : memref<16x250x80xi32, #tpu.memory_space<hbm>> -> memref<1x250x80xi32, #tpu.memory_space<hbm>>
        %dma_wait3A_46 = tpu.memref_squeeze %dma_wait3A_45 : memref<1x250x80xi32, #tpu.memory_space<hbm>> -> memref<250x80xi32, #tpu.memory_space<hbm>>
        tpu.wait_dma2 semaphore(%run_scoped3A : memref<!tpu.dma_semaphore, #tpu.memory_space<semaphore_mem>>) src(%dma_wait3A_46 : memref<250x80xi32, #tpu.memory_space<hbm>>) dst(%arg7 : memref<250x80xi32, #tpu.memory_space<vmem>>)
        tpu.yield
      }) : () -> ()
      %scan3A_28 = arith.constant 0 : i32
      %scan3A_29 = arith.constant 25 : i32
      %scan3A_30 = arith.addi %scan3A_28, %scan3A_29 : i32
      %scan3A_31 = arith.constant 1 : i32
      scf.for %scan3A_33 = %scan3A_28 to %scan3A_30 step %scan3A_31  : i32 {
        %mul3A_34 = arith.constant 10 : i32
        %mul3A_35 = arith.muli %scan3A_33, %mul3A_34 : i32
        %add3A = arith.constant 0 : i32
        %add3A_36 = arith.addi %add3A, %mul3A_35 : i32
        %add3A_37 = arith.constant 0 : i32
        %add3A_38 = arith.addi %add3A_36, %add3A_37 : i32
        %dma_start3A = arith.constant 0 : i32
        %dma_start3A_39 = tpu.memref_slice %arg7[%add3A_38, %dma_start3A] : memref<250x80xi32, #tpu.memory_space<vmem>> -> memref<1x80xi32, #tpu.memory_space<vmem>>
        %dma_start3A_40 = tpu.memref_squeeze %dma_start3A_39 : memref<1x80xi32, #tpu.memory_space<vmem>> -> memref<80xi32, #tpu.memory_space<vmem>>
        %dma_start3A_41 = arith.constant 0 : i32
        %dma_start3A_42 = arith.constant 0 : i32
        %dma_start3A_43 = tpu.memref_slice %arg6[%dma_start3A_41, %dma_start3A_42] : memref<10240x16xf32, #tpu.memory_space<vmem_shared>> -> memref<10240x16xf32, #tpu.memory_space<vmem_shared>>
        tpu.enqueue_indirect_dma source(%arg8 : memref<80x16xf32, #tpu.memory_space<vmem>>) target(%dma_start3A_43 : memref<10240x16xf32, #tpu.memory_space<vmem_shared>>) offsets(%dma_start3A_40 : memref<80xi32, #tpu.memory_space<vmem>>) semaphore(%arg10 : memref<!tpu.dma_semaphore, #tpu.memory_space<semaphore_mem>>) {add = true}
        %add3A_44 = arith.constant 1 : i32
        %add3A_45 = arith.addi %add3A_36, %add3A_44 : i32
        %dma_start3A_46 = arith.constant 0 : i32
        %dma_start3A_47 = tpu.memref_slice %arg7[%add3A_45, %dma_start3A_46] : memref<250x80xi32, #tpu.memory_space<vmem>> -> memref<1x80xi32, #tpu.memory_space<vmem>>
        %dma_start3A_48 = tpu.memref_squeeze %dma_start3A_47 : memref<1x80xi32, #tpu.memory_space<vmem>> -> memref<80xi32, #tpu.memory_space<vmem>>
        %dma_start3A_49 = arith.constant 0 : i32
        %dma_start3A_50 = arith.constant 0 : i32
        %dma_start3A_51 = tpu.memref_slice %arg6[%dma_start3A_49, %dma_start3A_50] : memref<10240x16xf32, #tpu.memory_space<vmem_shared>> -> memref<10240x16xf32, #tpu.memory_space<vmem_shared>>
        tpu.enqueue_indirect_dma source(%arg8 : memref<80x16xf32, #tpu.memory_space<vmem>>) target(%dma_start3A_51 : memref<10240x16xf32, #tpu.memory_space<vmem_shared>>) offsets(%dma_start3A_48 : memref<80xi32, #tpu.memory_space<vmem>>) semaphore(%arg10 : memref<!tpu.dma_semaphore, #tpu.memory_space<semaphore_mem>>) {add = true}
        %add3A_52 = arith.constant 2 : i32
        %add3A_53 = arith.addi %add3A_36, %add3A_52 : i32
        %dma_start3A_54 = arith.constant 0 : i32
        %dma_start3A_55 = tpu.memref_slice %arg7[%add3A_53, %dma_start3A_54] : memref<250x80xi32, #tpu.memory_space<vmem>> -> memref<1x80xi32, #tpu.memory_space<vmem>>
        %dma_start3A_56 = tpu.memref_squeeze %dma_start3A_55 : memref<1x80xi32, #tpu.memory_space<vmem>> -> memref<80xi32, #tpu.memory_space<vmem>>
        %dma_start3A_57 = arith.constant 0 : i32
        %dma_start3A_58 = arith.constant 0 : i32
        %dma_start3A_59 = tpu.memref_slice %arg6[%dma_start3A_57, %dma_start3A_58] : memref<10240x16xf32, #tpu.memory_space<vmem_shared>> -> memref<10240x16xf32, #tpu.memory_space<vmem_shared>>
        tpu.enqueue_indirect_dma source(%arg8 : memref<80x16xf32, #tpu.memory_space<vmem>>) target(%dma_start3A_59 : memref<10240x16xf32, #tpu.memory_space<vmem_shared>>) offsets(%dma_start3A_56 : memref<80xi32, #tpu.memory_space<vmem>>) semaphore(%arg10 : memref<!tpu.dma_semaphore, #tpu.memory_space<semaphore_mem>>) {add = true}
        %add3A_60 = arith.constant 3 : i32
        %add3A_61 = arith.addi %add3A_36, %add3A_60 : i32
        %dma_start3A_62 = arith.constant 0 : i32
        %dma_start3A_63 = tpu.memref_slice %arg7[%add3A_61, %dma_start3A_62] : memref<250x80xi32, #tpu.memory_space<vmem>> -> memref<1x80xi32, #tpu.memory_space<vmem>>
        %dma_start3A_64 = tpu.memref_squeeze %dma_start3A_63 : memref<1x80xi32, #tpu.memory_space<vmem>> -> memref<80xi32, #tpu.memory_space<vmem>>
        %dma_start3A_65 = arith.constant 0 : i32
        %dma_start3A_66 = arith.constant 0 : i32
        %dma_start3A_67 = tpu.memref_slice %arg6[%dma_start3A_65, %dma_start3A_66] : memref<10240x16xf32, #tpu.memory_space<vmem_shared>> -> memref<10240x16xf32, #tpu.memory_space<vmem_shared>>
        tpu.enqueue_indirect_dma source(%arg8 : memref<80x16xf32, #tpu.memory_space<vmem>>) target(%dma_start3A_67 : memref<10240x16xf32, #tpu.memory_space<vmem_shared>>) offsets(%dma_start3A_64 : memref<80xi32, #tpu.memory_space<vmem>>) semaphore(%arg10 : memref<!tpu.dma_semaphore, #tpu.memory_space<semaphore_mem>>) {add = true}
        %add3A_68 = arith.constant 4 : i32
        %add3A_69 = arith.addi %add3A_36, %add3A_68 : i32
        %dma_start3A_70 = arith.constant 0 : i32
        %dma_start3A_71 = tpu.memref_slice %arg7[%add3A_69, %dma_start3A_70] : memref<250x80xi32, #tpu.memory_space<vmem>> -> memref<1x80xi32, #tpu.memory_space<vmem>>
        %dma_start3A_72 = tpu.memref_squeeze %dma_start3A_71 : memref<1x80xi32, #tpu.memory_space<vmem>> -> memref<80xi32, #tpu.memory_space<vmem>>
        %dma_start3A_73 = arith.constant 0 : i32
        %dma_start3A_74 = arith.constant 0 : i32
        %dma_start3A_75 = tpu.memref_slice %arg6[%dma_start3A_73, %dma_start3A_74] : memref<10240x16xf32, #tpu.memory_space<vmem_shared>> -> memref<10240x16xf32, #tpu.memory_space<vmem_shared>>
        tpu.enqueue_indirect_dma source(%arg8 : memref<80x16xf32, #tpu.memory_space<vmem>>) target(%dma_start3A_75 : memref<10240x16xf32, #tpu.memory_space<vmem_shared>>) offsets(%dma_start3A_72 : memref<80xi32, #tpu.memory_space<vmem>>) semaphore(%arg10 : memref<!tpu.dma_semaphore, #tpu.memory_space<semaphore_mem>>) {add = true}
        %add3A_76 = arith.constant 5 : i32
        %add3A_77 = arith.addi %add3A_36, %add3A_76 : i32
        %dma_start3A_78 = arith.constant 0 : i32
        %dma_start3A_79 = tpu.memref_slice %arg7[%add3A_77, %dma_start3A_78] : memref<250x80xi32, #tpu.memory_space<vmem>> -> memref<1x80xi32, #tpu.memory_space<vmem>>
        %dma_start3A_80 = tpu.memref_squeeze %dma_start3A_79 : memref<1x80xi32, #tpu.memory_space<vmem>> -> memref<80xi32, #tpu.memory_space<vmem>>
        %dma_start3A_81 = arith.constant 0 : i32
        %dma_start3A_82 = arith.constant 0 : i32
        %dma_start3A_83 = tpu.memref_slice %arg6[%dma_start3A_81, %dma_start3A_82] : memref<10240x16xf32, #tpu.memory_space<vmem_shared>> -> memref<10240x16xf32, #tpu.memory_space<vmem_shared>>
        tpu.enqueue_indirect_dma source(%arg8 : memref<80x16xf32, #tpu.memory_space<vmem>>) target(%dma_start3A_83 : memref<10240x16xf32, #tpu.memory_space<vmem_shared>>) offsets(%dma_start3A_80 : memref<80xi32, #tpu.memory_space<vmem>>) semaphore(%arg10 : memref<!tpu.dma_semaphore, #tpu.memory_space<semaphore_mem>>) {add = true}
        %add3A_84 = arith.constant 6 : i32
        %add3A_85 = arith.addi %add3A_36, %add3A_84 : i32
        %dma_start3A_86 = arith.constant 0 : i32
        %dma_start3A_87 = tpu.memref_slice %arg7[%add3A_85, %dma_start3A_86] : memref<250x80xi32, #tpu.memory_space<vmem>> -> memref<1x80xi32, #tpu.memory_space<vmem>>
        %dma_start3A_88 = tpu.memref_squeeze %dma_start3A_87 : memref<1x80xi32, #tpu.memory_space<vmem>> -> memref<80xi32, #tpu.memory_space<vmem>>
        %dma_start3A_89 = arith.constant 0 : i32
        %dma_start3A_90 = arith.constant 0 : i32
        %dma_start3A_91 = tpu.memref_slice %arg6[%dma_start3A_89, %dma_start3A_90] : memref<10240x16xf32, #tpu.memory_space<vmem_shared>> -> memref<10240x16xf32, #tpu.memory_space<vmem_shared>>
        tpu.enqueue_indirect_dma source(%arg8 : memref<80x16xf32, #tpu.memory_space<vmem>>) target(%dma_start3A_91 : memref<10240x16xf32, #tpu.memory_space<vmem_shared>>) offsets(%dma_start3A_88 : memref<80xi32, #tpu.memory_space<vmem>>) semaphore(%arg10 : memref<!tpu.dma_semaphore, #tpu.memory_space<semaphore_mem>>) {add = true}
        %add3A_92 = arith.constant 7 : i32
        %add3A_93 = arith.addi %add3A_36, %add3A_92 : i32
        %dma_start3A_94 = arith.constant 0 : i32
        %dma_start3A_95 = tpu.memref_slice %arg7[%add3A_93, %dma_start3A_94] : memref<250x80xi32, #tpu.memory_space<vmem>> -> memref<1x80xi32, #tpu.memory_space<vmem>>
        %dma_start3A_96 = tpu.memref_squeeze %dma_start3A_95 : memref<1x80xi32, #tpu.memory_space<vmem>> -> memref<80xi32, #tpu.memory_space<vmem>>
        %dma_start3A_97 = arith.constant 0 : i32
        %dma_start3A_98 = arith.constant 0 : i32
        %dma_start3A_99 = tpu.memref_slice %arg6[%dma_start3A_97, %dma_start3A_98] : memref<10240x16xf32, #tpu.memory_space<vmem_shared>> -> memref<10240x16xf32, #tpu.memory_space<vmem_shared>>
        tpu.enqueue_indirect_dma source(%arg8 : memref<80x16xf32, #tpu.memory_space<vmem>>) target(%dma_start3A_99 : memref<10240x16xf32, #tpu.memory_space<vmem_shared>>) offsets(%dma_start3A_96 : memref<80xi32, #tpu.memory_space<vmem>>) semaphore(%arg10 : memref<!tpu.dma_semaphore, #tpu.memory_space<semaphore_mem>>) {add = true}
        %add3A_100 = arith.constant 8 : i32
        %add3A_101 = arith.addi %add3A_36, %add3A_100 : i32
        %dma_start3A_102 = arith.constant 0 : i32
        %dma_start3A_103 = tpu.memref_slice %arg7[%add3A_101, %dma_start3A_102] : memref<250x80xi32, #tpu.memory_space<vmem>> -> memref<1x80xi32, #tpu.memory_space<vmem>>
        %dma_start3A_104 = tpu.memref_squeeze %dma_start3A_103 : memref<1x80xi32, #tpu.memory_space<vmem>> -> memref<80xi32, #tpu.memory_space<vmem>>
        %dma_start3A_105 = arith.constant 0 : i32
        %dma_start3A_106 = arith.constant 0 : i32
        %dma_start3A_107 = tpu.memref_slice %arg6[%dma_start3A_105, %dma_start3A_106] : memref<10240x16xf32, #tpu.memory_space<vmem_shared>> -> memref<10240x16xf32, #tpu.memory_space<vmem_shared>>
        tpu.enqueue_indirect_dma source(%arg8 : memref<80x16xf32, #tpu.memory_space<vmem>>) target(%dma_start3A_107 : memref<10240x16xf32, #tpu.memory_space<vmem_shared>>) offsets(%dma_start3A_104 : memref<80xi32, #tpu.memory_space<vmem>>) semaphore(%arg10 : memref<!tpu.dma_semaphore, #tpu.memory_space<semaphore_mem>>) {add = true}
        %add3A_108 = arith.constant 9 : i32
        %add3A_109 = arith.addi %add3A_36, %add3A_108 : i32
        %dma_start3A_110 = arith.constant 0 : i32
        %dma_start3A_111 = tpu.memref_slice %arg7[%add3A_109, %dma_start3A_110] : memref<250x80xi32, #tpu.memory_space<vmem>> -> memref<1x80xi32, #tpu.memory_space<vmem>>
        %dma_start3A_112 = tpu.memref_squeeze %dma_start3A_111 : memref<1x80xi32, #tpu.memory_space<vmem>> -> memref<80xi32, #tpu.memory_space<vmem>>
        %dma_start3A_113 = arith.constant 0 : i32
        %dma_start3A_114 = arith.constant 0 : i32
        %dma_start3A_115 = tpu.memref_slice %arg6[%dma_start3A_113, %dma_start3A_114] : memref<10240x16xf32, #tpu.memory_space<vmem_shared>> -> memref<10240x16xf32, #tpu.memory_space<vmem_shared>>
        tpu.enqueue_indirect_dma source(%arg8 : memref<80x16xf32, #tpu.memory_space<vmem>>) target(%dma_start3A_115 : memref<10240x16xf32, #tpu.memory_space<vmem_shared>>) offsets(%dma_start3A_112 : memref<80xi32, #tpu.memory_space<vmem>>) semaphore(%arg10 : memref<!tpu.dma_semaphore, #tpu.memory_space<semaphore_mem>>) {add = true}
        %add3A_116 = arith.constant 0 : i32
        %add3A_117 = arith.addi %add3A_36, %add3A_116 : i32
        %dma_wait3A = arith.constant 0 : i32
        %dma_wait3A_118 = tpu.memref_slice %arg7[%add3A_117, %dma_wait3A] : memref<250x80xi32, #tpu.memory_space<vmem>> -> memref<1x80xi32, #tpu.memory_space<vmem>>
        %dma_wait3A_119 = tpu.memref_squeeze %dma_wait3A_118 : memref<1x80xi32, #tpu.memory_space<vmem>> -> memref<80xi32, #tpu.memory_space<vmem>>
        %dma_wait3A_120 = arith.constant 0 : i32
        %dma_wait3A_121 = arith.constant 0 : i32
        %dma_wait3A_122 = tpu.memref_slice %arg6[%dma_wait3A_120, %dma_wait3A_121] : memref<10240x16xf32, #tpu.memory_space<vmem_shared>> -> memref<10240x16xf32, #tpu.memory_space<vmem_shared>>
        tpu.wait_indirect_dma semaphore(%arg10 : memref<!tpu.dma_semaphore, #tpu.memory_space<semaphore_mem>>) src(%arg8 : memref<80x16xf32, #tpu.memory_space<vmem>>) dst(%dma_wait3A_122 : memref<10240x16xf32, #tpu.memory_space<vmem_shared>>)
        %add3A_123 = arith.constant 1 : i32
        %add3A_124 = arith.addi %add3A_36, %add3A_123 : i32
        %dma_wait3A_125 = arith.constant 0 : i32
        %dma_wait3A_126 = tpu.memref_slice %arg7[%add3A_124, %dma_wait3A_125] : memref<250x80xi32, #tpu.memory_space<vmem>> -> memref<1x80xi32, #tpu.memory_space<vmem>>
        %dma_wait3A_127 = tpu.memref_squeeze %dma_wait3A_126 : memref<1x80xi32, #tpu.memory_space<vmem>> -> memref<80xi32, #tpu.memory_space<vmem>>
        %dma_wait3A_128 = arith.constant 0 : i32
        %dma_wait3A_129 = arith.constant 0 : i32
        %dma_wait3A_130 = tpu.memref_slice %arg6[%dma_wait3A_128, %dma_wait3A_129] : memref<10240x16xf32, #tpu.memory_space<vmem_shared>> -> memref<10240x16xf32, #tpu.memory_space<vmem_shared>>
        tpu.wait_indirect_dma semaphore(%arg10 : memref<!tpu.dma_semaphore, #tpu.memory_space<semaphore_mem>>) src(%arg8 : memref<80x16xf32, #tpu.memory_space<vmem>>) dst(%dma_wait3A_130 : memref<10240x16xf32, #tpu.memory_space<vmem_shared>>)
        %add3A_131 = arith.constant 2 : i32
        %add3A_132 = arith.addi %add3A_36, %add3A_131 : i32
        %dma_wait3A_133 = arith.constant 0 : i32
        %dma_wait3A_134 = tpu.memref_slice %arg7[%add3A_132, %dma_wait3A_133] : memref<250x80xi32, #tpu.memory_space<vmem>> -> memref<1x80xi32, #tpu.memory_space<vmem>>
        %dma_wait3A_135 = tpu.memref_squeeze %dma_wait3A_134 : memref<1x80xi32, #tpu.memory_space<vmem>> -> memref<80xi32, #tpu.memory_space<vmem>>
        %dma_wait3A_136 = arith.constant 0 : i32
        %dma_wait3A_137 = arith.constant 0 : i32
        %dma_wait3A_138 = tpu.memref_slice %arg6[%dma_wait3A_136, %dma_wait3A_137] : memref<10240x16xf32, #tpu.memory_space<vmem_shared>> -> memref<10240x16xf32, #tpu.memory_space<vmem_shared>>
        tpu.wait_indirect_dma semaphore(%arg10 : memref<!tpu.dma_semaphore, #tpu.memory_space<semaphore_mem>>) src(%arg8 : memref<80x16xf32, #tpu.memory_space<vmem>>) dst(%dma_wait3A_138 : memref<10240x16xf32, #tpu.memory_space<vmem_shared>>)
        %add3A_139 = arith.constant 3 : i32
        %add3A_140 = arith.addi %add3A_36, %add3A_139 : i32
        %dma_wait3A_141 = arith.constant 0 : i32
        %dma_wait3A_142 = tpu.memref_slice %arg7[%add3A_140, %dma_wait3A_141] : memref<250x80xi32, #tpu.memory_space<vmem>> -> memref<1x80xi32, #tpu.memory_space<vmem>>
        %dma_wait3A_143 = tpu.memref_squeeze %dma_wait3A_142 : memref<1x80xi32, #tpu.memory_space<vmem>> -> memref<80xi32, #tpu.memory_space<vmem>>
        %dma_wait3A_144 = arith.constant 0 : i32
        %dma_wait3A_145 = arith.constant 0 : i32
        %dma_wait3A_146 = tpu.memref_slice %arg6[%dma_wait3A_144, %dma_wait3A_145] : memref<10240x16xf32, #tpu.memory_space<vmem_shared>> -> memref<10240x16xf32, #tpu.memory_space<vmem_shared>>
        tpu.wait_indirect_dma semaphore(%arg10 : memref<!tpu.dma_semaphore, #tpu.memory_space<semaphore_mem>>) src(%arg8 : memref<80x16xf32, #tpu.memory_space<vmem>>) dst(%dma_wait3A_146 : memref<10240x16xf32, #tpu.memory_space<vmem_shared>>)
        %add3A_147 = arith.constant 4 : i32
        %add3A_148 = arith.addi %add3A_36, %add3A_147 : i32
        %dma_wait3A_149 = arith.constant 0 : i32
        %dma_wait3A_150 = tpu.memref_slice %arg7[%add3A_148, %dma_wait3A_149] : memref<250x80xi32, #tpu.memory_space<vmem>> -> memref<1x80xi32, #tpu.memory_space<vmem>>
        %dma_wait3A_151 = tpu.memref_squeeze %dma_wait3A_150 : memref<1x80xi32, #tpu.memory_space<vmem>> -> memref<80xi32, #tpu.memory_space<vmem>>
        %dma_wait3A_152 = arith.constant 0 : i32
        %dma_wait3A_153 = arith.constant 0 : i32
        %dma_wait3A_154 = tpu.memref_slice %arg6[%dma_wait3A_152, %dma_wait3A_153] : memref<10240x16xf32, #tpu.memory_space<vmem_shared>> -> memref<10240x16xf32, #tpu.memory_space<vmem_shared>>
        tpu.wait_indirect_dma semaphore(%arg10 : memref<!tpu.dma_semaphore, #tpu.memory_space<semaphore_mem>>) src(%arg8 : memref<80x16xf32, #tpu.memory_space<vmem>>) dst(%dma_wait3A_154 : memref<10240x16xf32, #tpu.memory_space<vmem_shared>>)
        %add3A_155 = arith.constant 5 : i32
        %add3A_156 = arith.addi %add3A_36, %add3A_155 : i32
        %dma_wait3A_157 = arith.constant 0 : i32
        %dma_wait3A_158 = tpu.memref_slice %arg7[%add3A_156, %dma_wait3A_157] : memref<250x80xi32, #tpu.memory_space<vmem>> -> memref<1x80xi32, #tpu.memory_space<vmem>>
        %dma_wait3A_159 = tpu.memref_squeeze %dma_wait3A_158 : memref<1x80xi32, #tpu.memory_space<vmem>> -> memref<80xi32, #tpu.memory_space<vmem>>
        %dma_wait3A_160 = arith.constant 0 : i32
        %dma_wait3A_161 = arith.constant 0 : i32
        %dma_wait3A_162 = tpu.memref_slice %arg6[%dma_wait3A_160, %dma_wait3A_161] : memref<10240x16xf32, #tpu.memory_space<vmem_shared>> -> memref<10240x16xf32, #tpu.memory_space<vmem_shared>>
        tpu.wait_indirect_dma semaphore(%arg10 : memref<!tpu.dma_semaphore, #tpu.memory_space<semaphore_mem>>) src(%arg8 : memref<80x16xf32, #tpu.memory_space<vmem>>) dst(%dma_wait3A_162 : memref<10240x16xf32, #tpu.memory_space<vmem_shared>>)
        %add3A_163 = arith.constant 6 : i32
        %add3A_164 = arith.addi %add3A_36, %add3A_163 : i32
        %dma_wait3A_165 = arith.constant 0 : i32
        %dma_wait3A_166 = tpu.memref_slice %arg7[%add3A_164, %dma_wait3A_165] : memref<250x80xi32, #tpu.memory_space<vmem>> -> memref<1x80xi32, #tpu.memory_space<vmem>>
        %dma_wait3A_167 = tpu.memref_squeeze %dma_wait3A_166 : memref<1x80xi32, #tpu.memory_space<vmem>> -> memref<80xi32, #tpu.memory_space<vmem>>
        %dma_wait3A_168 = arith.constant 0 : i32
        %dma_wait3A_169 = arith.constant 0 : i32
        %dma_wait3A_170 = tpu.memref_slice %arg6[%dma_wait3A_168, %dma_wait3A_169] : memref<10240x16xf32, #tpu.memory_space<vmem_shared>> -> memref<10240x16xf32, #tpu.memory_space<vmem_shared>>
        tpu.wait_indirect_dma semaphore(%arg10 : memref<!tpu.dma_semaphore, #tpu.memory_space<semaphore_mem>>) src(%arg8 : memref<80x16xf32, #tpu.memory_space<vmem>>) dst(%dma_wait3A_170 : memref<10240x16xf32, #tpu.memory_space<vmem_shared>>)
        %add3A_171 = arith.constant 7 : i32
        %add3A_172 = arith.addi %add3A_36, %add3A_171 : i32
        %dma_wait3A_173 = arith.constant 0 : i32
        %dma_wait3A_174 = tpu.memref_slice %arg7[%add3A_172, %dma_wait3A_173] : memref<250x80xi32, #tpu.memory_space<vmem>> -> memref<1x80xi32, #tpu.memory_space<vmem>>
        %dma_wait3A_175 = tpu.memref_squeeze %dma_wait3A_174 : memref<1x80xi32, #tpu.memory_space<vmem>> -> memref<80xi32, #tpu.memory_space<vmem>>
        %dma_wait3A_176 = arith.constant 0 : i32
        %dma_wait3A_177 = arith.constant 0 : i32
        %dma_wait3A_178 = tpu.memref_slice %arg6[%dma_wait3A_176, %dma_wait3A_177] : memref<10240x16xf32, #tpu.memory_space<vmem_shared>> -> memref<10240x16xf32, #tpu.memory_space<vmem_shared>>
        tpu.wait_indirect_dma semaphore(%arg10 : memref<!tpu.dma_semaphore, #tpu.memory_space<semaphore_mem>>) src(%arg8 : memref<80x16xf32, #tpu.memory_space<vmem>>) dst(%dma_wait3A_178 : memref<10240x16xf32, #tpu.memory_space<vmem_shared>>)
        %add3A_179 = arith.constant 8 : i32
        %add3A_180 = arith.addi %add3A_36, %add3A_179 : i32
        %dma_wait3A_181 = arith.constant 0 : i32
        %dma_wait3A_182 = tpu.memref_slice %arg7[%add3A_180, %dma_wait3A_181] : memref<250x80xi32, #tpu.memory_space<vmem>> -> memref<1x80xi32, #tpu.memory_space<vmem>>
        %dma_wait3A_183 = tpu.memref_squeeze %dma_wait3A_182 : memref<1x80xi32, #tpu.memory_space<vmem>> -> memref<80xi32, #tpu.memory_space<vmem>>
        %dma_wait3A_184 = arith.constant 0 : i32
        %dma_wait3A_185 = arith.constant 0 : i32
        %dma_wait3A_186 = tpu.memref_slice %arg6[%dma_wait3A_184, %dma_wait3A_185] : memref<10240x16xf32, #tpu.memory_space<vmem_shared>> -> memref<10240x16xf32, #tpu.memory_space<vmem_shared>>
        tpu.wait_indirect_dma semaphore(%arg10 : memref<!tpu.dma_semaphore, #tpu.memory_space<semaphore_mem>>) src(%arg8 : memref<80x16xf32, #tpu.memory_space<vmem>>) dst(%dma_wait3A_186 : memref<10240x16xf32, #tpu.memory_space<vmem_shared>>)
        %add3A_187 = arith.constant 9 : i32
        %add3A_188 = arith.addi %add3A_36, %add3A_187 : i32
        %dma_wait3A_189 = arith.constant 0 : i32
        %dma_wait3A_190 = tpu.memref_slice %arg7[%add3A_188, %dma_wait3A_189] : memref<250x80xi32, #tpu.memory_space<vmem>> -> memref<1x80xi32, #tpu.memory_space<vmem>>
        %dma_wait3A_191 = tpu.memref_squeeze %dma_wait3A_190 : memref<1x80xi32, #tpu.memory_space<vmem>> -> memref<80xi32, #tpu.memory_space<vmem>>
        %dma_wait3A_192 = arith.constant 0 : i32
        %dma_wait3A_193 = arith.constant 0 : i32
        %dma_wait3A_194 = tpu.memref_slice %arg6[%dma_wait3A_192, %dma_wait3A_193] : memref<10240x16xf32, #tpu.memory_space<vmem_shared>> -> memref<10240x16xf32, #tpu.memory_space<vmem_shared>>
        tpu.wait_indirect_dma semaphore(%arg10 : memref<!tpu.dma_semaphore, #tpu.memory_space<semaphore_mem>>) src(%arg8 : memref<80x16xf32, #tpu.memory_space<vmem>>) dst(%dma_wait3A_194 : memref<10240x16xf32, #tpu.memory_space<vmem_shared>>)
      }
      %scan3A_32 = arith.constant 25 : i32
    } else {
    }
    %barrier3A_17 = arith.constant 0 : index
    tpu.barrier barrier_id(%barrier3A_17)
    %eq3A_18 = arith.constant 0 : i32
    %eq3A_19 = arith.cmpi eq, %arg0, %eq3A_18 : i32
    %convert_element_type3A_20 = arith.extui %eq3A_19 : i1 to i32
    %cond3A_21 = arith.constant 0 : i32
    %cond3A_22 = arith.cmpi ne, %convert_element_type3A_20, %cond3A_21 : i32
    scf.if %cond3A_22 {
      "tpu.region"() ({
        %run_scoped3A = tpu.sem_alloc : memref<!tpu.dma_semaphore, #tpu.memory_space<semaphore_mem>>
        %dma_start3A = arith.constant 0 : i32
        %dma_start3A_28 = tpu.memref_slice %arg4[%mul3A_0, %dma_start3A] : memref<10240x16xf32, #tpu.memory_space<hbm>> -> memref<640x16xf32, #tpu.memory_space<hbm>>
        %dma_start3A_29 = arith.constant 0 : i32
        %dma_start3A_30 = tpu.memref_slice %arg6[%mul3A_0, %dma_start3A_29] : memref<10240x16xf32, #tpu.memory_space<vmem_shared>> -> memref<640x16xf32, #tpu.memory_space<vmem_shared>>
        tpu.enqueue_dma source(%dma_start3A_30 : memref<640x16xf32, #tpu.memory_space<vmem_shared>>) target(%dma_start3A_28 : memref<640x16xf32, #tpu.memory_space<hbm>>) target_semaphore(%run_scoped3A : memref<!tpu.dma_semaphore, #tpu.memory_space<semaphore_mem>>)
        %dma_wait3A = arith.constant 0 : i32
        %dma_wait3A_31 = tpu.memref_slice %arg4[%mul3A_0, %dma_wait3A] : memref<10240x16xf32, #tpu.memory_space<hbm>> -> memref<640x16xf32, #tpu.memory_space<hbm>>
        %dma_wait3A_32 = arith.constant 0 : i32
        %dma_wait3A_33 = tpu.memref_slice %arg6[%mul3A_0, %dma_wait3A_32] : memref<10240x16xf32, #tpu.memory_space<vmem_shared>> -> memref<640x16xf32, #tpu.memory_space<vmem_shared>>
        tpu.wait_dma2 semaphore(%run_scoped3A : memref<!tpu.dma_semaphore, #tpu.memory_space<semaphore_mem>>) src(%dma_wait3A_33 : memref<640x16xf32, #tpu.memory_space<vmem_shared>>) dst(%dma_wait3A_31 : memref<640x16xf32, #tpu.memory_space<hbm>>)
        tpu.yield
      }) : () -> ()
    } else {
    }
    %eq3A_23 = arith.constant 1 : i32
    %eq3A_24 = arith.cmpi eq, %arg0, %eq3A_23 : i32
    %convert_element_type3A_25 = arith.extui %eq3A_24 : i1 to i32
    %cond3A_26 = arith.constant 0 : i32
    %cond3A_27 = arith.cmpi ne, %convert_element_type3A_25, %cond3A_26 : i32
    scf.if %cond3A_27 {
      "tpu.region"() ({
        %run_scoped3A = tpu.sem_alloc : memref<!tpu.dma_semaphore, #tpu.memory_space<semaphore_mem>>
        %dma_start3A = arith.constant 0 : i32
        %dma_start3A_28 = tpu.memref_slice %arg5[%mul3A_0, %dma_start3A] : memref<10240x16xf32, #tpu.memory_space<hbm>> -> memref<640x16xf32, #tpu.memory_space<hbm>>
        %dma_start3A_29 = arith.constant 0 : i32
        %dma_start3A_30 = tpu.memref_slice %arg6[%mul3A_0, %dma_start3A_29] : memref<10240x16xf32, #tpu.memory_space<vmem_shared>> -> memref<640x16xf32, #tpu.memory_space<vmem_shared>>
        tpu.enqueue_dma source(%dma_start3A_30 : memref<640x16xf32, #tpu.memory_space<vmem_shared>>) target(%dma_start3A_28 : memref<640x16xf32, #tpu.memory_space<hbm>>) target_semaphore(%run_scoped3A : memref<!tpu.dma_semaphore, #tpu.memory_space<semaphore_mem>>)
        %dma_wait3A = arith.constant 0 : i32
        %dma_wait3A_31 = tpu.memref_slice %arg5[%mul3A_0, %dma_wait3A] : memref<10240x16xf32, #tpu.memory_space<hbm>> -> memref<640x16xf32, #tpu.memory_space<hbm>>
        %dma_wait3A_32 = arith.constant 0 : i32
        %dma_wait3A_33 = tpu.memref_slice %arg6[%mul3A_0, %dma_wait3A_32] : memref<10240x16xf32, #tpu.memory_space<vmem_shared>> -> memref<640x16xf32, #tpu.memory_space<vmem_shared>>
        tpu.wait_dma2 semaphore(%run_scoped3A : memref<!tpu.dma_semaphore, #tpu.memory_space<semaphore_mem>>) src(%dma_wait3A_33 : memref<640x16xf32, #tpu.memory_space<vmem_shared>>) dst(%dma_wait3A_31 : memref<640x16xf32, #tpu.memory_space<hbm>>)
        tpu.yield
      }) : () -> ()
    } else {
    }
    return
  }
}

#map = affine_map<(d0, d1) -> (0, 0)>
#map1 = affine_map<(d0, d1) -> (0, 0, 0)>
module attributes {stable_mosaic.version = 14 : i64} {
  func.func @_sc_spmm(%arg0: i32, %arg1: i32, %arg2: memref<10000x64xf32, #tpu.memory_space<hbm>>, %arg3: memref<10000x64xf32, #tpu.memory_space<hbm>>, %arg4: memref<16x250x80xi32, #tpu.memory_space<hbm>>, %arg5: memref<16x250x80xi32, #tpu.memory_space<hbm>>, %arg6: memref<10240x64xf32, #tpu.memory_space<hbm>>, %arg7: memref<10240x64xf32, #tpu.memory_space<hbm>>, %arg8: memref<10240x64xf32, #tpu.memory_space<vmem_shared>>, %arg9: memref<250x80xi32, #tpu.memory_space<vmem>>, %arg10: memref<250x80xi32, #tpu.memory_space<vmem>>, %arg11: memref<80x64xf32, #tpu.memory_space<vmem>>, %arg12: memref<80x64xf32, #tpu.memory_space<vmem>>, %arg13: memref<128x64xf32, #tpu.memory_space<vmem>>, %arg14: memref<!tpu.dma_semaphore, #tpu.memory_space<semaphore_mem>>, %arg15: memref<!tpu.dma_semaphore, #tpu.memory_space<semaphore_mem>>) attributes {dimension_semantics = [#tpu.dimension_semantics<core_parallel>, #tpu.dimension_semantics<subcore_parallel>], iteration_bounds = array<i64: 2, 16>, scalar_prefetch = 0 : i64, scratch_operands = 8 : i64, tpu.core_type = #tpu.core_type<sc_vector_subcore>, window_params = [{transform_indices = #map}, {transform_indices = #map}, {transform_indices = #map1}, {transform_indices = #map1}, {transform_indices = #map}, {transform_indices = #map}]} {
    %mul3A = arith.constant 640 : i32
    %mul3A_0 = arith.muli %arg1, %mul3A : i32
    %scan3A = arith.constant 0 : i32
    %scan3A_1 = arith.constant 128 : i32
    %scan3A_2 = arith.addi %scan3A, %scan3A_1 : i32
    %scan3A_3 = arith.constant 1 : i32
    scf.for %scan3A_28 = %scan3A to %scan3A_2 step %scan3A_3  : i32 {
      %mul3A_29 = arith.constant 1 : i32
      %mul3A_30 = arith.muli %scan3A_28, %mul3A_29 : i32
      %add3A = arith.constant 0 : i32
      %add3A_31 = arith.addi %add3A, %mul3A_30 : i32
      %broadcast_in_dim3A = arith.constant 0.000000e+00 : f32
      %broadcast_in_dim3A_32 = vector.broadcast %broadcast_in_dim3A : f32 to vector<1x16xf32>
      %swap3A = arith.index_cast %add3A_31 : i32 to index
      %swap3A_33 = arith.constant 0 : index
      %swap3A_34 = tpu.vector_load %arg13[%swap3A, %swap3A_33] {strides = array<i32>} : memref<128x64xf32, #tpu.memory_space<vmem>>, vector<1x16xf32>,
      %swap3A_35 = vector.shape_cast %swap3A_34 : vector<1x16xf32> to vector<1x16xf32>
      %swap3A_36 = vector.shape_cast %broadcast_in_dim3A_32 : vector<1x16xf32> to vector<1x16xf32>
      tpu.vector_store %arg13[%swap3A, %swap3A_33], %swap3A_36 {strides = array<i32>} : memref<128x64xf32, #tpu.memory_space<vmem>>, vector<1x16xf32>,
      %broadcast_in_dim3A_37 = arith.constant 0.000000e+00 : f32
      %broadcast_in_dim3A_38 = vector.broadcast %broadcast_in_dim3A_37 : f32 to vector<1x16xf32>
      %swap3A_39 = arith.index_cast %add3A_31 : i32 to index
      %swap3A_40 = arith.constant 16 : index
      %swap3A_41 = tpu.vector_load %arg13[%swap3A_39, %swap3A_40] {strides = array<i32>} : memref<128x64xf32, #tpu.memory_space<vmem>>, vector<1x16xf32>,
      %swap3A_42 = vector.shape_cast %swap3A_41 : vector<1x16xf32> to vector<1x16xf32>
      %swap3A_43 = vector.shape_cast %broadcast_in_dim3A_38 : vector<1x16xf32> to vector<1x16xf32>
      tpu.vector_store %arg13[%swap3A_39, %swap3A_40], %swap3A_43 {strides = array<i32>} : memref<128x64xf32, #tpu.memory_space<vmem>>, vector<1x16xf32>,
      %broadcast_in_dim3A_44 = arith.constant 0.000000e+00 : f32
      %broadcast_in_dim3A_45 = vector.broadcast %broadcast_in_dim3A_44 : f32 to vector<1x16xf32>
      %swap3A_46 = arith.index_cast %add3A_31 : i32 to index
      %swap3A_47 = arith.constant 32 : index
      %swap3A_48 = tpu.vector_load %arg13[%swap3A_46, %swap3A_47] {strides = array<i32>} : memref<128x64xf32, #tpu.memory_space<vmem>>, vector<1x16xf32>,
      %swap3A_49 = vector.shape_cast %swap3A_48 : vector<1x16xf32> to vector<1x16xf32>
      %swap3A_50 = vector.shape_cast %broadcast_in_dim3A_45 : vector<1x16xf32> to vector<1x16xf32>
      tpu.vector_store %arg13[%swap3A_46, %swap3A_47], %swap3A_50 {strides = array<i32>} : memref<128x64xf32, #tpu.memory_space<vmem>>, vector<1x16xf32>,
      %broadcast_in_dim3A_51 = arith.constant 0.000000e+00 : f32
      %broadcast_in_dim3A_52 = vector.broadcast %broadcast_in_dim3A_51 : f32 to vector<1x16xf32>
      %swap3A_53 = arith.index_cast %add3A_31 : i32 to index
      %swap3A_54 = arith.constant 48 : index
      %swap3A_55 = tpu.vector_load %arg13[%swap3A_53, %swap3A_54] {strides = array<i32>} : memref<128x64xf32, #tpu.memory_space<vmem>>, vector<1x16xf32>,
      %swap3A_56 = vector.shape_cast %swap3A_55 : vector<1x16xf32> to vector<1x16xf32>
      %swap3A_57 = vector.shape_cast %broadcast_in_dim3A_52 : vector<1x16xf32> to vector<1x16xf32>
      tpu.vector_store %arg13[%swap3A_53, %swap3A_54], %swap3A_57 {strides = array<i32>} : memref<128x64xf32, #tpu.memory_space<vmem>>, vector<1x16xf32>,
    }
    %scan3A_4 = arith.constant 128 : i32
    %scan3A_5 = arith.constant 0 : i32
    %scan3A_6 = arith.constant 5 : i32
    %scan3A_7 = arith.addi %scan3A_5, %scan3A_6 : i32
    %scan3A_8 = arith.constant 1 : i32
    scf.for %scan3A_28 = %scan3A_5 to %scan3A_7 step %scan3A_8  : i32 {
      %mul3A_29 = arith.constant 1 : i32
      %mul3A_30 = arith.muli %scan3A_28, %mul3A_29 : i32
      %add3A = arith.constant 0 : i32
      %add3A_31 = arith.addi %add3A, %mul3A_30 : i32
      %mul3A_32 = arith.constant 128 : i32
      %mul3A_33 = arith.muli %add3A_31, %mul3A_32 : i32
      %add3A_34 = arith.addi %mul3A_0, %mul3A_33 : i32
      "tpu.region"() ({
        %run_scoped3A = tpu.sem_alloc : memref<!tpu.dma_semaphore, #tpu.memory_space<semaphore_mem>>
        %dma_start3A = arith.constant 0 : i32
        %dma_start3A_35 = tpu.memref_slice %arg8[%add3A_34, %dma_start3A] : memref<10240x64xf32, #tpu.memory_space<vmem_shared>> -> memref<128x64xf32, #tpu.memory_space<vmem_shared>>
        %dma_start3A_36 = arith.constant 0 : i32
        %dma_start3A_37 = tpu.memref_slice %arg8[%add3A_34, %dma_start3A_36] : memref<10240x64xf32, #tpu.memory_space<vmem_shared>> -> memref<128x64xf32, #tpu.memory_space<vmem_shared>>
        tpu.enqueue_dma source(%arg13 : memref<128x64xf32, #tpu.memory_space<vmem>>) target(%dma_start3A_37 : memref<128x64xf32, #tpu.memory_space<vmem_shared>>) target_semaphore(%run_scoped3A : memref<!tpu.dma_semaphore, #tpu.memory_space<semaphore_mem>>)
        %dma_wait3A = arith.constant 0 : i32
        %dma_wait3A_38 = tpu.memref_slice %arg8[%add3A_34, %dma_wait3A] : memref<10240x64xf32, #tpu.memory_space<vmem_shared>> -> memref<128x64xf32, #tpu.memory_space<vmem_shared>>
        %dma_wait3A_39 = arith.constant 0 : i32
        %dma_wait3A_40 = tpu.memref_slice %arg8[%add3A_34, %dma_wait3A_39] : memref<10240x64xf32, #tpu.memory_space<vmem_shared>> -> memref<128x64xf32, #tpu.memory_space<vmem_shared>>
        tpu.wait_dma2 semaphore(%run_scoped3A : memref<!tpu.dma_semaphore, #tpu.memory_space<semaphore_mem>>) src(%arg13 : memref<128x64xf32, #tpu.memory_space<vmem>>) dst(%dma_wait3A_40 : memref<128x64xf32, #tpu.memory_space<vmem_shared>>)
        tpu.yield
      }) : () -> ()
    }
    %scan3A_9 = arith.constant 5 : i32
    "tpu.region"() ({
      %run_scoped3A = tpu.sem_alloc : memref<!tpu.dma_semaphore, #tpu.memory_space<semaphore_mem>>
      %dma_start3A = arith.constant 0 : i32
      %dma_start3A_28 = arith.constant 0 : i32
      %dma_start3A_29 = tpu.memref_slice %arg4[%arg1, %dma_start3A, %dma_start3A_28] : memref<16x250x80xi32, #tpu.memory_space<hbm>> -> memref<1x250x80xi32, #tpu.memory_space<hbm>>
      %dma_start3A_30 = tpu.memref_squeeze %dma_start3A_29 : memref<1x250x80xi32, #tpu.memory_space<hbm>> -> memref<250x80xi32, #tpu.memory_space<hbm>>
      %dma_start3A_31 = arith.constant 0 : i32
      %dma_start3A_32 = arith.constant 0 : i32
      %dma_start3A_33 = tpu.memref_slice %arg4[%arg1, %dma_start3A_31, %dma_start3A_32] : memref<16x250x80xi32, #tpu.memory_space<hbm>> -> memref<1x250x80xi32, #tpu.memory_space<hbm>>
      %dma_start3A_34 = tpu.memref_squeeze %dma_start3A_33 : memref<1x250x80xi32, #tpu.memory_space<hbm>> -> memref<250x80xi32, #tpu.memory_space<hbm>>
      tpu.enqueue_dma source(%dma_start3A_34 : memref<250x80xi32, #tpu.memory_space<hbm>>) target(%arg9 : memref<250x80xi32, #tpu.memory_space<vmem>>) target_semaphore(%run_scoped3A : memref<!tpu.dma_semaphore, #tpu.memory_space<semaphore_mem>>)
      %dma_wait3A = arith.constant 0 : i32
      %dma_wait3A_35 = arith.constant 0 : i32
      %dma_wait3A_36 = tpu.memref_slice %arg4[%arg1, %dma_wait3A, %dma_wait3A_35] : memref<16x250x80xi32, #tpu.memory_space<hbm>> -> memref<1x250x80xi32, #tpu.memory_space<hbm>>
      %dma_wait3A_37 = tpu.memref_squeeze %dma_wait3A_36 : memref<1x250x80xi32, #tpu.memory_space<hbm>> -> memref<250x80xi32, #tpu.memory_space<hbm>>
      %dma_wait3A_38 = arith.constant 0 : i32
      %dma_wait3A_39 = arith.constant 0 : i32
      %dma_wait3A_40 = tpu.memref_slice %arg4[%arg1, %dma_wait3A_38, %dma_wait3A_39] : memref<16x250x80xi32, #tpu.memory_space<hbm>> -> memref<1x250x80xi32, #tpu.memory_space<hbm>>
      %dma_wait3A_41 = tpu.memref_squeeze %dma_wait3A_40 : memref<1x250x80xi32, #tpu.memory_space<hbm>> -> memref<250x80xi32, #tpu.memory_space<hbm>>
      tpu.wait_dma2 semaphore(%run_scoped3A : memref<!tpu.dma_semaphore, #tpu.memory_space<semaphore_mem>>) src(%dma_wait3A_41 : memref<250x80xi32, #tpu.memory_space<hbm>>) dst(%arg9 : memref<250x80xi32, #tpu.memory_space<vmem>>)
      tpu.yield
    }) : () -> ()
    "tpu.region"() ({
      %run_scoped3A = tpu.sem_alloc : memref<!tpu.dma_semaphore, #tpu.memory_space<semaphore_mem>>
      %dma_start3A = arith.constant 0 : i32
      %dma_start3A_28 = arith.constant 0 : i32
      %dma_start3A_29 = tpu.memref_slice %arg5[%arg1, %dma_start3A, %dma_start3A_28] : memref<16x250x80xi32, #tpu.memory_space<hbm>> -> memref<1x250x80xi32, #tpu.memory_space<hbm>>
      %dma_start3A_30 = tpu.memref_squeeze %dma_start3A_29 : memref<1x250x80xi32, #tpu.memory_space<hbm>> -> memref<250x80xi32, #tpu.memory_space<hbm>>
      %dma_start3A_31 = arith.constant 0 : i32
      %dma_start3A_32 = arith.constant 0 : i32
      %dma_start3A_33 = tpu.memref_slice %arg5[%arg1, %dma_start3A_31, %dma_start3A_32] : memref<16x250x80xi32, #tpu.memory_space<hbm>> -> memref<1x250x80xi32, #tpu.memory_space<hbm>>
      %dma_start3A_34 = tpu.memref_squeeze %dma_start3A_33 : memref<1x250x80xi32, #tpu.memory_space<hbm>> -> memref<250x80xi32, #tpu.memory_space<hbm>>
      tpu.enqueue_dma source(%dma_start3A_34 : memref<250x80xi32, #tpu.memory_space<hbm>>) target(%arg10 : memref<250x80xi32, #tpu.memory_space<vmem>>) target_semaphore(%run_scoped3A : memref<!tpu.dma_semaphore, #tpu.memory_space<semaphore_mem>>)
      %dma_wait3A = arith.constant 0 : i32
      %dma_wait3A_35 = arith.constant 0 : i32
      %dma_wait3A_36 = tpu.memref_slice %arg5[%arg1, %dma_wait3A, %dma_wait3A_35] : memref<16x250x80xi32, #tpu.memory_space<hbm>> -> memref<1x250x80xi32, #tpu.memory_space<hbm>>
      %dma_wait3A_37 = tpu.memref_squeeze %dma_wait3A_36 : memref<1x250x80xi32, #tpu.memory_space<hbm>> -> memref<250x80xi32, #tpu.memory_space<hbm>>
      %dma_wait3A_38 = arith.constant 0 : i32
      %dma_wait3A_39 = arith.constant 0 : i32
      %dma_wait3A_40 = tpu.memref_slice %arg5[%arg1, %dma_wait3A_38, %dma_wait3A_39] : memref<16x250x80xi32, #tpu.memory_space<hbm>> -> memref<1x250x80xi32, #tpu.memory_space<hbm>>
      %dma_wait3A_41 = tpu.memref_squeeze %dma_wait3A_40 : memref<1x250x80xi32, #tpu.memory_space<hbm>> -> memref<250x80xi32, #tpu.memory_space<hbm>>
      tpu.wait_dma2 semaphore(%run_scoped3A : memref<!tpu.dma_semaphore, #tpu.memory_space<semaphore_mem>>) src(%dma_wait3A_41 : memref<250x80xi32, #tpu.memory_space<hbm>>) dst(%arg10 : memref<250x80xi32, #tpu.memory_space<vmem>>)
      tpu.yield
    }) : () -> ()
    %barrier3A = arith.constant 0 : index
    tpu.barrier barrier_id(%barrier3A)
    %eq3A = arith.constant 0 : i32
    %eq3A_10 = arith.cmpi eq, %arg0, %eq3A : i32
    %convert_element_type3A = arith.extui %eq3A_10 : i1 to i32
    %cond3A = arith.constant 0 : i32
    %cond3A_11 = arith.cmpi ne, %convert_element_type3A, %cond3A : i32
    scf.if %cond3A_11 {
      %dma_start3A = arith.constant 0 : i32
      %dma_start3A_28 = arith.constant 0 : i32
      %dma_start3A_29 = tpu.memref_slice %arg9[%dma_start3A, %dma_start3A_28] : memref<250x80xi32, #tpu.memory_space<vmem>> -> memref<1x80xi32, #tpu.memory_space<vmem>>
      %dma_start3A_30 = tpu.memref_squeeze %dma_start3A_29 : memref<1x80xi32, #tpu.memory_space<vmem>> -> memref<80xi32, #tpu.memory_space<vmem>>
      %dma_start3A_31 = arith.constant 0 : i32
      %dma_start3A_32 = arith.constant 0 : i32
      %dma_start3A_33 = tpu.memref_slice %arg2[%dma_start3A_31, %dma_start3A_32] : memref<10000x64xf32, #tpu.memory_space<hbm>> -> memref<10000x64xf32, #tpu.memory_space<hbm>>
      tpu.enqueue_indirect_dma source(%dma_start3A_33 : memref<10000x64xf32, #tpu.memory_space<hbm>>) target(%arg11 : memref<80x64xf32, #tpu.memory_space<vmem>>) offsets(%dma_start3A_30 : memref<80xi32, #tpu.memory_space<vmem>>) semaphore(%arg14 : memref<!tpu.dma_semaphore, #tpu.memory_space<semaphore_mem>>)
      %scan3A_34 = arith.constant 0 : i32
      %scan3A_35 = arith.constant 125 : i32
      %scan3A_36 = arith.addi %scan3A_34, %scan3A_35 : i32
      %scan3A_37 = arith.constant 1 : i32
      scf.for %scan3A_39 = %scan3A_34 to %scan3A_36 step %scan3A_37  : i32 {
        %mul3A_40 = arith.constant 2 : i32
        %mul3A_41 = arith.muli %scan3A_39, %mul3A_40 : i32
        %add3A = arith.constant 0 : i32
        %add3A_42 = arith.addi %add3A, %mul3A_41 : i32
        %add3A_43 = arith.constant 1 : i32
        %add3A_44 = arith.addi %add3A_42, %add3A_43 : i32
        %dma_start3A_45 = arith.constant 0 : i32
        %dma_start3A_46 = tpu.memref_slice %arg9[%add3A_44, %dma_start3A_45] : memref<250x80xi32, #tpu.memory_space<vmem>> -> memref<1x80xi32, #tpu.memory_space<vmem>>
        %dma_start3A_47 = tpu.memref_squeeze %dma_start3A_46 : memref<1x80xi32, #tpu.memory_space<vmem>> -> memref<80xi32, #tpu.memory_space<vmem>>
        %dma_start3A_48 = arith.constant 0 : i32
        %dma_start3A_49 = arith.constant 0 : i32
        %dma_start3A_50 = tpu.memref_slice %arg2[%dma_start3A_48, %dma_start3A_49] : memref<10000x64xf32, #tpu.memory_space<hbm>> -> memref<10000x64xf32, #tpu.memory_space<hbm>>
        tpu.enqueue_indirect_dma source(%dma_start3A_50 : memref<10000x64xf32, #tpu.memory_space<hbm>>) target(%arg12 : memref<80x64xf32, #tpu.memory_space<vmem>>) offsets(%dma_start3A_47 : memref<80xi32, #tpu.memory_space<vmem>>) semaphore(%arg15 : memref<!tpu.dma_semaphore, #tpu.memory_space<semaphore_mem>>)
        %dma_wait3A = arith.constant 0 : i32
        %dma_wait3A_51 = tpu.memref_slice %arg9[%add3A_42, %dma_wait3A] : memref<250x80xi32, #tpu.memory_space<vmem>> -> memref<1x80xi32, #tpu.memory_space<vmem>>
        %dma_wait3A_52 = tpu.memref_squeeze %dma_wait3A_51 : memref<1x80xi32, #tpu.memory_space<vmem>> -> memref<80xi32, #tpu.memory_space<vmem>>
        %dma_wait3A_53 = arith.constant 0 : i32
        %dma_wait3A_54 = arith.constant 0 : i32
        %dma_wait3A_55 = tpu.memref_slice %arg2[%dma_wait3A_53, %dma_wait3A_54] : memref<10000x64xf32, #tpu.memory_space<hbm>> -> memref<10000x64xf32, #tpu.memory_space<hbm>>
        tpu.wait_indirect_dma semaphore(%arg14 : memref<!tpu.dma_semaphore, #tpu.memory_space<semaphore_mem>>) src(%dma_wait3A_55 : memref<10000x64xf32, #tpu.memory_space<hbm>>) dst(%arg11 : memref<80x64xf32, #tpu.memory_space<vmem>>)
        "tpu.region"() ({
          %run_scoped3A = tpu.sem_alloc : memref<!tpu.dma_semaphore, #tpu.memory_space<semaphore_mem>>
          %dma_start3A_72 = arith.constant 0 : i32
          %dma_start3A_73 = tpu.memref_slice %arg10[%add3A_42, %dma_start3A_72] : memref<250x80xi32, #tpu.memory_space<vmem>> -> memref<1x80xi32, #tpu.memory_space<vmem>>
          %dma_start3A_74 = tpu.memref_squeeze %dma_start3A_73 : memref<1x80xi32, #tpu.memory_space<vmem>> -> memref<80xi32, #tpu.memory_space<vmem>>
          %dma_start3A_75 = arith.constant 0 : i32
          %dma_start3A_76 = arith.constant 0 : i32
          %dma_start3A_77 = tpu.memref_slice %arg8[%dma_start3A_75, %dma_start3A_76] : memref<10240x64xf32, #tpu.memory_space<vmem_shared>> -> memref<10240x64xf32, #tpu.memory_space<vmem_shared>>
          tpu.enqueue_indirect_dma source(%arg11 : memref<80x64xf32, #tpu.memory_space<vmem>>) target(%dma_start3A_77 : memref<10240x64xf32, #tpu.memory_space<vmem_shared>>) offsets(%dma_start3A_74 : memref<80xi32, #tpu.memory_space<vmem>>) semaphore(%run_scoped3A : memref<!tpu.dma_semaphore, #tpu.memory_space<semaphore_mem>>) {add = true}
          %dma_wait3A_78 = arith.constant 0 : i32
          %dma_wait3A_79 = tpu.memref_slice %arg10[%add3A_42, %dma_wait3A_78] : memref<250x80xi32, #tpu.memory_space<vmem>> -> memref<1x80xi32, #tpu.memory_space<vmem>>
          %dma_wait3A_80 = tpu.memref_squeeze %dma_wait3A_79 : memref<1x80xi32, #tpu.memory_space<vmem>> -> memref<80xi32, #tpu.memory_space<vmem>>
          %dma_wait3A_81 = arith.constant 0 : i32
          %dma_wait3A_82 = arith.constant 0 : i32
          %dma_wait3A_83 = tpu.memref_slice %arg8[%dma_wait3A_81, %dma_wait3A_82] : memref<10240x64xf32, #tpu.memory_space<vmem_shared>> -> memref<10240x64xf32, #tpu.memory_space<vmem_shared>>
          tpu.wait_indirect_dma semaphore(%run_scoped3A : memref<!tpu.dma_semaphore, #tpu.memory_space<semaphore_mem>>) src(%arg11 : memref<80x64xf32, #tpu.memory_space<vmem>>) dst(%dma_wait3A_83 : memref<10240x64xf32, #tpu.memory_space<vmem_shared>>)
          tpu.yield
        }) : () -> ()
        %add3A_56 = arith.constant 2 : i32
        %add3A_57 = arith.addi %add3A_42, %add3A_56 : i32
        %lt3A = arith.constant 250 : i32
        %lt3A_58 = arith.cmpi slt, %add3A_57, %lt3A : i32
        %convert_element_type3A_59 = arith.extui %lt3A_58 : i1 to i32
        %cond3A_60 = arith.constant 0 : i32
        %cond3A_61 = arith.cmpi ne, %convert_element_type3A_59, %cond3A_60 : i32
        scf.if %cond3A_61 {
          %add3A_72 = arith.constant 2 : i32
          %add3A_73 = arith.addi %add3A_42, %add3A_72 : i32
          %dma_start3A_74 = arith.constant 0 : i32
          %dma_start3A_75 = tpu.memref_slice %arg9[%add3A_73, %dma_start3A_74] : memref<250x80xi32, #tpu.memory_space<vmem>> -> memref<1x80xi32, #tpu.memory_space<vmem>>
          %dma_start3A_76 = tpu.memref_squeeze %dma_start3A_75 : memref<1x80xi32, #tpu.memory_space<vmem>> -> memref<80xi32, #tpu.memory_space<vmem>>
          %dma_start3A_77 = arith.constant 0 : i32
          %dma_start3A_78 = arith.constant 0 : i32
          %dma_start3A_79 = tpu.memref_slice %arg2[%dma_start3A_77, %dma_start3A_78] : memref<10000x64xf32, #tpu.memory_space<hbm>> -> memref<10000x64xf32, #tpu.memory_space<hbm>>
          tpu.enqueue_indirect_dma source(%dma_start3A_79 : memref<10000x64xf32, #tpu.memory_space<hbm>>) target(%arg11 : memref<80x64xf32, #tpu.memory_space<vmem>>) offsets(%dma_start3A_76 : memref<80xi32, #tpu.memory_space<vmem>>) semaphore(%arg14 : memref<!tpu.dma_semaphore, #tpu.memory_space<semaphore_mem>>)
        } else {
        }
        %add3A_62 = arith.constant 1 : i32
        %add3A_63 = arith.addi %add3A_42, %add3A_62 : i32
        %dma_wait3A_64 = arith.constant 0 : i32
        %dma_wait3A_65 = tpu.memref_slice %arg9[%add3A_63, %dma_wait3A_64] : memref<250x80xi32, #tpu.memory_space<vmem>> -> memref<1x80xi32, #tpu.memory_space<vmem>>
        %dma_wait3A_66 = tpu.memref_squeeze %dma_wait3A_65 : memref<1x80xi32, #tpu.memory_space<vmem>> -> memref<80xi32, #tpu.memory_space<vmem>>
        %dma_wait3A_67 = arith.constant 0 : i32
        %dma_wait3A_68 = arith.constant 0 : i32
        %dma_wait3A_69 = tpu.memref_slice %arg2[%dma_wait3A_67, %dma_wait3A_68] : memref<10000x64xf32, #tpu.memory_space<hbm>> -> memref<10000x64xf32, #tpu.memory_space<hbm>>
        tpu.wait_indirect_dma semaphore(%arg15 : memref<!tpu.dma_semaphore, #tpu.memory_space<semaphore_mem>>) src(%dma_wait3A_69 : memref<10000x64xf32, #tpu.memory_space<hbm>>) dst(%arg12 : memref<80x64xf32, #tpu.memory_space<vmem>>)
        %add3A_70 = arith.constant 1 : i32
        %add3A_71 = arith.addi %add3A_42, %add3A_70 : i32
        "tpu.region"() ({
          %run_scoped3A = tpu.sem_alloc : memref<!tpu.dma_semaphore, #tpu.memory_space<semaphore_mem>>
          %dma_start3A_72 = arith.constant 0 : i32
          %dma_start3A_73 = tpu.memref_slice %arg10[%add3A_71, %dma_start3A_72] : memref<250x80xi32, #tpu.memory_space<vmem>> -> memref<1x80xi32, #tpu.memory_space<vmem>>
          %dma_start3A_74 = tpu.memref_squeeze %dma_start3A_73 : memref<1x80xi32, #tpu.memory_space<vmem>> -> memref<80xi32, #tpu.memory_space<vmem>>
          %dma_start3A_75 = arith.constant 0 : i32
          %dma_start3A_76 = arith.constant 0 : i32
          %dma_start3A_77 = tpu.memref_slice %arg8[%dma_start3A_75, %dma_start3A_76] : memref<10240x64xf32, #tpu.memory_space<vmem_shared>> -> memref<10240x64xf32, #tpu.memory_space<vmem_shared>>
          tpu.enqueue_indirect_dma source(%arg12 : memref<80x64xf32, #tpu.memory_space<vmem>>) target(%dma_start3A_77 : memref<10240x64xf32, #tpu.memory_space<vmem_shared>>) offsets(%dma_start3A_74 : memref<80xi32, #tpu.memory_space<vmem>>) semaphore(%run_scoped3A : memref<!tpu.dma_semaphore, #tpu.memory_space<semaphore_mem>>) {add = true}
          %dma_wait3A_78 = arith.constant 0 : i32
          %dma_wait3A_79 = tpu.memref_slice %arg10[%add3A_71, %dma_wait3A_78] : memref<250x80xi32, #tpu.memory_space<vmem>> -> memref<1x80xi32, #tpu.memory_space<vmem>>
          %dma_wait3A_80 = tpu.memref_squeeze %dma_wait3A_79 : memref<1x80xi32, #tpu.memory_space<vmem>> -> memref<80xi32, #tpu.memory_space<vmem>>
          %dma_wait3A_81 = arith.constant 0 : i32
          %dma_wait3A_82 = arith.constant 0 : i32
          %dma_wait3A_83 = tpu.memref_slice %arg8[%dma_wait3A_81, %dma_wait3A_82] : memref<10240x64xf32, #tpu.memory_space<vmem_shared>> -> memref<10240x64xf32, #tpu.memory_space<vmem_shared>>
          tpu.wait_indirect_dma semaphore(%run_scoped3A : memref<!tpu.dma_semaphore, #tpu.memory_space<semaphore_mem>>) src(%arg12 : memref<80x64xf32, #tpu.memory_space<vmem>>) dst(%dma_wait3A_83 : memref<10240x64xf32, #tpu.memory_space<vmem_shared>>)
          tpu.yield
        }) : () -> ()
      }
      %scan3A_38 = arith.constant 125 : i32
    } else {
    }
    %eq3A_12 = arith.constant 1 : i32
    %eq3A_13 = arith.cmpi eq, %arg0, %eq3A_12 : i32
    %convert_element_type3A_14 = arith.extui %eq3A_13 : i1 to i32
    %cond3A_15 = arith.constant 0 : i32
    %cond3A_16 = arith.cmpi ne, %convert_element_type3A_14, %cond3A_15 : i32
    scf.if %cond3A_16 {
      %dma_start3A = arith.constant 0 : i32
      %dma_start3A_28 = arith.constant 0 : i32
      %dma_start3A_29 = tpu.memref_slice %arg9[%dma_start3A, %dma_start3A_28] : memref<250x80xi32, #tpu.memory_space<vmem>> -> memref<1x80xi32, #tpu.memory_space<vmem>>
      %dma_start3A_30 = tpu.memref_squeeze %dma_start3A_29 : memref<1x80xi32, #tpu.memory_space<vmem>> -> memref<80xi32, #tpu.memory_space<vmem>>
      %dma_start3A_31 = arith.constant 0 : i32
      %dma_start3A_32 = arith.constant 0 : i32
      %dma_start3A_33 = tpu.memref_slice %arg3[%dma_start3A_31, %dma_start3A_32] : memref<10000x64xf32, #tpu.memory_space<hbm>> -> memref<10000x64xf32, #tpu.memory_space<hbm>>
      tpu.enqueue_indirect_dma source(%dma_start3A_33 : memref<10000x64xf32, #tpu.memory_space<hbm>>) target(%arg11 : memref<80x64xf32, #tpu.memory_space<vmem>>) offsets(%dma_start3A_30 : memref<80xi32, #tpu.memory_space<vmem>>) semaphore(%arg14 : memref<!tpu.dma_semaphore, #tpu.memory_space<semaphore_mem>>)
      %scan3A_34 = arith.constant 0 : i32
      %scan3A_35 = arith.constant 125 : i32
      %scan3A_36 = arith.addi %scan3A_34, %scan3A_35 : i32
      %scan3A_37 = arith.constant 1 : i32
      scf.for %scan3A_39 = %scan3A_34 to %scan3A_36 step %scan3A_37  : i32 {
        %mul3A_40 = arith.constant 2 : i32
        %mul3A_41 = arith.muli %scan3A_39, %mul3A_40 : i32
        %add3A = arith.constant 0 : i32
        %add3A_42 = arith.addi %add3A, %mul3A_41 : i32
        %add3A_43 = arith.constant 1 : i32
        %add3A_44 = arith.addi %add3A_42, %add3A_43 : i32
        %dma_start3A_45 = arith.constant 0 : i32
        %dma_start3A_46 = tpu.memref_slice %arg9[%add3A_44, %dma_start3A_45] : memref<250x80xi32, #tpu.memory_space<vmem>> -> memref<1x80xi32, #tpu.memory_space<vmem>>
        %dma_start3A_47 = tpu.memref_squeeze %dma_start3A_46 : memref<1x80xi32, #tpu.memory_space<vmem>> -> memref<80xi32, #tpu.memory_space<vmem>>
        %dma_start3A_48 = arith.constant 0 : i32
        %dma_start3A_49 = arith.constant 0 : i32
        %dma_start3A_50 = tpu.memref_slice %arg3[%dma_start3A_48, %dma_start3A_49] : memref<10000x64xf32, #tpu.memory_space<hbm>> -> memref<10000x64xf32, #tpu.memory_space<hbm>>
        tpu.enqueue_indirect_dma source(%dma_start3A_50 : memref<10000x64xf32, #tpu.memory_space<hbm>>) target(%arg12 : memref<80x64xf32, #tpu.memory_space<vmem>>) offsets(%dma_start3A_47 : memref<80xi32, #tpu.memory_space<vmem>>) semaphore(%arg15 : memref<!tpu.dma_semaphore, #tpu.memory_space<semaphore_mem>>)
        %dma_wait3A = arith.constant 0 : i32
        %dma_wait3A_51 = tpu.memref_slice %arg9[%add3A_42, %dma_wait3A] : memref<250x80xi32, #tpu.memory_space<vmem>> -> memref<1x80xi32, #tpu.memory_space<vmem>>
        %dma_wait3A_52 = tpu.memref_squeeze %dma_wait3A_51 : memref<1x80xi32, #tpu.memory_space<vmem>> -> memref<80xi32, #tpu.memory_space<vmem>>
        %dma_wait3A_53 = arith.constant 0 : i32
        %dma_wait3A_54 = arith.constant 0 : i32
        %dma_wait3A_55 = tpu.memref_slice %arg3[%dma_wait3A_53, %dma_wait3A_54] : memref<10000x64xf32, #tpu.memory_space<hbm>> -> memref<10000x64xf32, #tpu.memory_space<hbm>>
        tpu.wait_indirect_dma semaphore(%arg14 : memref<!tpu.dma_semaphore, #tpu.memory_space<semaphore_mem>>) src(%dma_wait3A_55 : memref<10000x64xf32, #tpu.memory_space<hbm>>) dst(%arg11 : memref<80x64xf32, #tpu.memory_space<vmem>>)
        "tpu.region"() ({
          %run_scoped3A = tpu.sem_alloc : memref<!tpu.dma_semaphore, #tpu.memory_space<semaphore_mem>>
          %dma_start3A_72 = arith.constant 0 : i32
          %dma_start3A_73 = tpu.memref_slice %arg10[%add3A_42, %dma_start3A_72] : memref<250x80xi32, #tpu.memory_space<vmem>> -> memref<1x80xi32, #tpu.memory_space<vmem>>
          %dma_start3A_74 = tpu.memref_squeeze %dma_start3A_73 : memref<1x80xi32, #tpu.memory_space<vmem>> -> memref<80xi32, #tpu.memory_space<vmem>>
          %dma_start3A_75 = arith.constant 0 : i32
          %dma_start3A_76 = arith.constant 0 : i32
          %dma_start3A_77 = tpu.memref_slice %arg8[%dma_start3A_75, %dma_start3A_76] : memref<10240x64xf32, #tpu.memory_space<vmem_shared>> -> memref<10240x64xf32, #tpu.memory_space<vmem_shared>>
          tpu.enqueue_indirect_dma source(%arg11 : memref<80x64xf32, #tpu.memory_space<vmem>>) target(%dma_start3A_77 : memref<10240x64xf32, #tpu.memory_space<vmem_shared>>) offsets(%dma_start3A_74 : memref<80xi32, #tpu.memory_space<vmem>>) semaphore(%run_scoped3A : memref<!tpu.dma_semaphore, #tpu.memory_space<semaphore_mem>>) {add = true}
          %dma_wait3A_78 = arith.constant 0 : i32
          %dma_wait3A_79 = tpu.memref_slice %arg10[%add3A_42, %dma_wait3A_78] : memref<250x80xi32, #tpu.memory_space<vmem>> -> memref<1x80xi32, #tpu.memory_space<vmem>>
          %dma_wait3A_80 = tpu.memref_squeeze %dma_wait3A_79 : memref<1x80xi32, #tpu.memory_space<vmem>> -> memref<80xi32, #tpu.memory_space<vmem>>
          %dma_wait3A_81 = arith.constant 0 : i32
          %dma_wait3A_82 = arith.constant 0 : i32
          %dma_wait3A_83 = tpu.memref_slice %arg8[%dma_wait3A_81, %dma_wait3A_82] : memref<10240x64xf32, #tpu.memory_space<vmem_shared>> -> memref<10240x64xf32, #tpu.memory_space<vmem_shared>>
          tpu.wait_indirect_dma semaphore(%run_scoped3A : memref<!tpu.dma_semaphore, #tpu.memory_space<semaphore_mem>>) src(%arg11 : memref<80x64xf32, #tpu.memory_space<vmem>>) dst(%dma_wait3A_83 : memref<10240x64xf32, #tpu.memory_space<vmem_shared>>)
          tpu.yield
        }) : () -> ()
        %add3A_56 = arith.constant 2 : i32
        %add3A_57 = arith.addi %add3A_42, %add3A_56 : i32
        %lt3A = arith.constant 250 : i32
        %lt3A_58 = arith.cmpi slt, %add3A_57, %lt3A : i32
        %convert_element_type3A_59 = arith.extui %lt3A_58 : i1 to i32
        %cond3A_60 = arith.constant 0 : i32
        %cond3A_61 = arith.cmpi ne, %convert_element_type3A_59, %cond3A_60 : i32
        scf.if %cond3A_61 {
          %add3A_72 = arith.constant 2 : i32
          %add3A_73 = arith.addi %add3A_42, %add3A_72 : i32
          %dma_start3A_74 = arith.constant 0 : i32
          %dma_start3A_75 = tpu.memref_slice %arg9[%add3A_73, %dma_start3A_74] : memref<250x80xi32, #tpu.memory_space<vmem>> -> memref<1x80xi32, #tpu.memory_space<vmem>>
          %dma_start3A_76 = tpu.memref_squeeze %dma_start3A_75 : memref<1x80xi32, #tpu.memory_space<vmem>> -> memref<80xi32, #tpu.memory_space<vmem>>
          %dma_start3A_77 = arith.constant 0 : i32
          %dma_start3A_78 = arith.constant 0 : i32
          %dma_start3A_79 = tpu.memref_slice %arg3[%dma_start3A_77, %dma_start3A_78] : memref<10000x64xf32, #tpu.memory_space<hbm>> -> memref<10000x64xf32, #tpu.memory_space<hbm>>
          tpu.enqueue_indirect_dma source(%dma_start3A_79 : memref<10000x64xf32, #tpu.memory_space<hbm>>) target(%arg11 : memref<80x64xf32, #tpu.memory_space<vmem>>) offsets(%dma_start3A_76 : memref<80xi32, #tpu.memory_space<vmem>>) semaphore(%arg14 : memref<!tpu.dma_semaphore, #tpu.memory_space<semaphore_mem>>)
        } else {
        }
        %add3A_62 = arith.constant 1 : i32
        %add3A_63 = arith.addi %add3A_42, %add3A_62 : i32
        %dma_wait3A_64 = arith.constant 0 : i32
        %dma_wait3A_65 = tpu.memref_slice %arg9[%add3A_63, %dma_wait3A_64] : memref<250x80xi32, #tpu.memory_space<vmem>> -> memref<1x80xi32, #tpu.memory_space<vmem>>
        %dma_wait3A_66 = tpu.memref_squeeze %dma_wait3A_65 : memref<1x80xi32, #tpu.memory_space<vmem>> -> memref<80xi32, #tpu.memory_space<vmem>>
        %dma_wait3A_67 = arith.constant 0 : i32
        %dma_wait3A_68 = arith.constant 0 : i32
        %dma_wait3A_69 = tpu.memref_slice %arg3[%dma_wait3A_67, %dma_wait3A_68] : memref<10000x64xf32, #tpu.memory_space<hbm>> -> memref<10000x64xf32, #tpu.memory_space<hbm>>
        tpu.wait_indirect_dma semaphore(%arg15 : memref<!tpu.dma_semaphore, #tpu.memory_space<semaphore_mem>>) src(%dma_wait3A_69 : memref<10000x64xf32, #tpu.memory_space<hbm>>) dst(%arg12 : memref<80x64xf32, #tpu.memory_space<vmem>>)
        %add3A_70 = arith.constant 1 : i32
        %add3A_71 = arith.addi %add3A_42, %add3A_70 : i32
        "tpu.region"() ({
          %run_scoped3A = tpu.sem_alloc : memref<!tpu.dma_semaphore, #tpu.memory_space<semaphore_mem>>
          %dma_start3A_72 = arith.constant 0 : i32
          %dma_start3A_73 = tpu.memref_slice %arg10[%add3A_71, %dma_start3A_72] : memref<250x80xi32, #tpu.memory_space<vmem>> -> memref<1x80xi32, #tpu.memory_space<vmem>>
          %dma_start3A_74 = tpu.memref_squeeze %dma_start3A_73 : memref<1x80xi32, #tpu.memory_space<vmem>> -> memref<80xi32, #tpu.memory_space<vmem>>
          %dma_start3A_75 = arith.constant 0 : i32
          %dma_start3A_76 = arith.constant 0 : i32
          %dma_start3A_77 = tpu.memref_slice %arg8[%dma_start3A_75, %dma_start3A_76] : memref<10240x64xf32, #tpu.memory_space<vmem_shared>> -> memref<10240x64xf32, #tpu.memory_space<vmem_shared>>
          tpu.enqueue_indirect_dma source(%arg12 : memref<80x64xf32, #tpu.memory_space<vmem>>) target(%dma_start3A_77 : memref<10240x64xf32, #tpu.memory_space<vmem_shared>>) offsets(%dma_start3A_74 : memref<80xi32, #tpu.memory_space<vmem>>) semaphore(%run_scoped3A : memref<!tpu.dma_semaphore, #tpu.memory_space<semaphore_mem>>) {add = true}
          %dma_wait3A_78 = arith.constant 0 : i32
          %dma_wait3A_79 = tpu.memref_slice %arg10[%add3A_71, %dma_wait3A_78] : memref<250x80xi32, #tpu.memory_space<vmem>> -> memref<1x80xi32, #tpu.memory_space<vmem>>
          %dma_wait3A_80 = tpu.memref_squeeze %dma_wait3A_79 : memref<1x80xi32, #tpu.memory_space<vmem>> -> memref<80xi32, #tpu.memory_space<vmem>>
          %dma_wait3A_81 = arith.constant 0 : i32
          %dma_wait3A_82 = arith.constant 0 : i32
          %dma_wait3A_83 = tpu.memref_slice %arg8[%dma_wait3A_81, %dma_wait3A_82] : memref<10240x64xf32, #tpu.memory_space<vmem_shared>> -> memref<10240x64xf32, #tpu.memory_space<vmem_shared>>
          tpu.wait_indirect_dma semaphore(%run_scoped3A : memref<!tpu.dma_semaphore, #tpu.memory_space<semaphore_mem>>) src(%arg12 : memref<80x64xf32, #tpu.memory_space<vmem>>) dst(%dma_wait3A_83 : memref<10240x64xf32, #tpu.memory_space<vmem_shared>>)
          tpu.yield
        }) : () -> ()
      }
      %scan3A_38 = arith.constant 125 : i32
    } else {
    }
    %barrier3A_17 = arith.constant 0 : index
    tpu.barrier barrier_id(%barrier3A_17)
    %eq3A_18 = arith.constant 0 : i32
    %eq3A_19 = arith.cmpi eq, %arg0, %eq3A_18 : i32
    %convert_element_type3A_20 = arith.extui %eq3A_19 : i1 to i32
    %cond3A_21 = arith.constant 0 : i32
    %cond3A_22 = arith.cmpi ne, %convert_element_type3A_20, %cond3A_21 : i32
    scf.if %cond3A_22 {
      "tpu.region"() ({
        %run_scoped3A = tpu.sem_alloc : memref<!tpu.dma_semaphore, #tpu.memory_space<semaphore_mem>>
        %dma_start3A = arith.constant 0 : i32
        %dma_start3A_28 = tpu.memref_slice %arg6[%mul3A_0, %dma_start3A] : memref<10240x64xf32, #tpu.memory_space<hbm>> -> memref<640x64xf32, #tpu.memory_space<hbm>>
        %dma_start3A_29 = arith.constant 0 : i32
        %dma_start3A_30 = tpu.memref_slice %arg8[%mul3A_0, %dma_start3A_29] : memref<10240x64xf32, #tpu.memory_space<vmem_shared>> -> memref<640x64xf32, #tpu.memory_space<vmem_shared>>
        tpu.enqueue_dma source(%dma_start3A_30 : memref<640x64xf32, #tpu.memory_space<vmem_shared>>) target(%dma_start3A_28 : memref<640x64xf32, #tpu.memory_space<hbm>>) target_semaphore(%run_scoped3A : memref<!tpu.dma_semaphore, #tpu.memory_space<semaphore_mem>>)
        %dma_wait3A = arith.constant 0 : i32
        %dma_wait3A_31 = tpu.memref_slice %arg6[%mul3A_0, %dma_wait3A] : memref<10240x64xf32, #tpu.memory_space<hbm>> -> memref<640x64xf32, #tpu.memory_space<hbm>>
        %dma_wait3A_32 = arith.constant 0 : i32
        %dma_wait3A_33 = tpu.memref_slice %arg8[%mul3A_0, %dma_wait3A_32] : memref<10240x64xf32, #tpu.memory_space<vmem_shared>> -> memref<640x64xf32, #tpu.memory_space<vmem_shared>>
        tpu.wait_dma2 semaphore(%run_scoped3A : memref<!tpu.dma_semaphore, #tpu.memory_space<semaphore_mem>>) src(%dma_wait3A_33 : memref<640x64xf32, #tpu.memory_space<vmem_shared>>) dst(%dma_wait3A_31 : memref<640x64xf32, #tpu.memory_space<hbm>>)
        tpu.yield
      }) : () -> ()
    } else {
    }
    %eq3A_23 = arith.constant 1 : i32
    %eq3A_24 = arith.cmpi eq, %arg0, %eq3A_23 : i32
    %convert_element_type3A_25 = arith.extui %eq3A_24 : i1 to i32
    %cond3A_26 = arith.constant 0 : i32
    %cond3A_27 = arith.cmpi ne, %convert_element_type3A_25, %cond3A_26 : i32
    scf.if %cond3A_27 {
      "tpu.region"() ({
        %run_scoped3A = tpu.sem_alloc : memref<!tpu.dma_semaphore, #tpu.memory_space<semaphore_mem>>
        %dma_start3A = arith.constant 0 : i32
        %dma_start3A_28 = tpu.memref_slice %arg7[%mul3A_0, %dma_start3A] : memref<10240x64xf32, #tpu.memory_space<hbm>> -> memref<640x64xf32, #tpu.memory_space<hbm>>
        %dma_start3A_29 = arith.constant 0 : i32
        %dma_start3A_30 = tpu.memref_slice %arg8[%mul3A_0, %dma_start3A_29] : memref<10240x64xf32, #tpu.memory_space<vmem_shared>> -> memref<640x64xf32, #tpu.memory_space<vmem_shared>>
        tpu.enqueue_dma source(%dma_start3A_30 : memref<640x64xf32, #tpu.memory_space<vmem_shared>>) target(%dma_start3A_28 : memref<640x64xf32, #tpu.memory_space<hbm>>) target_semaphore(%run_scoped3A : memref<!tpu.dma_semaphore, #tpu.memory_space<semaphore_mem>>)
        %dma_wait3A = arith.constant 0 : i32
        %dma_wait3A_31 = tpu.memref_slice %arg7[%mul3A_0, %dma_wait3A] : memref<10240x64xf32, #tpu.memory_space<hbm>> -> memref<640x64xf32, #tpu.memory_space<hbm>>
        %dma_wait3A_32 = arith.constant 0 : i32
        %dma_wait3A_33 = tpu.memref_slice %arg8[%mul3A_0, %dma_wait3A_32] : memref<10240x64xf32, #tpu.memory_space<vmem_shared>> -> memref<640x64xf32, #tpu.memory_space<vmem_shared>>
        tpu.wait_dma2 semaphore(%run_scoped3A : memref<!tpu.dma_semaphore, #tpu.memory_space<semaphore_mem>>) src(%dma_wait3A_33 : memref<640x64xf32, #tpu.memory_space<vmem_shared>>) dst(%dma_wait3A_31 : memref<640x64xf32, #tpu.memory_space<hbm>>)
        tpu.yield
      }) : () -> ()
    } else {
    }
    return
  }
}

module attributes {stable_mosaic.version = 14 : i64} {
  func.func @_prep_body(%arg0: i32, %arg1: memref<1000x128xf32, #tpu.memory_space<vmem>>, %arg2: memref<1000x16xf32, #tpu.memory_space<vmem>>, %arg3: memref<1000x64xf32, #tpu.memory_space<vmem>>, %arg4: memref<1000x64xf32, #tpu.memory_space<vmem>>) attributes {dimension_semantics = [#tpu.dimension_semantics<arbitrary>], iteration_bounds = array<i64: 10>, scalar_prefetch = 0 : i64, scratch_operands = 0 : i64, tpu.core_type = #tpu.core_type<tc>, window_params = [{transform_indices = @transform_0, window_bounds = array<i64: 1000, 128>}, {transform_indices = @transform_1, window_bounds = array<i64: 1000, 16>}, {transform_indices = @transform_2, window_bounds = array<i64: 1000, 64>}, {transform_indices = @transform_3, window_bounds = array<i64: 1000, 64>}]} {
    %get3A = arith.constant 0 : index
    %get3A_0 = arith.constant 0 : index
    %get3A_1 = vector.load %arg2[%get3A, %get3A_0] : memref<1000x16xf32, #tpu.memory_space<vmem>>, vector<1000x1xf32>
    %gt3A = arith.constant 0.000000e+00 : f32
    %gt3A_2 = vector.broadcast %gt3A : f32 to vector<1000x1xf32>
    %gt3A_3 = arith.cmpf ogt, %get3A_1, %gt3A_2 : vector<1000x1xf32>
    %max3A = arith.constant 1.000000e+00 : f32
    %max3A_4 = vector.broadcast %max3A : f32 to vector<1000x1xf32>
    %max3A_5 = arith.maximumf %get3A_1, %max3A_4 : vector<1000x1xf32>
    %rsqrt3A = math.rsqrt %max3A_5 : vector<1000x1xf32>
    %jit3A = arith.constant 0.000000e+00 : f32
    %broadcast_in_dim3A = vector.broadcast %jit3A : f32 to vector<1000x1xf32>
    %select_n3A = arith.select %gt3A_3, %rsqrt3A, %broadcast_in_dim3A : vector<1000x1xi1>, vector<1000x1xf32>
    %get3A_6 = arith.constant 0 : index
    %get3A_7 = arith.constant 0 : index
    %get3A_8 = vector.load %arg1[%get3A_6, %get3A_7] : memref<1000x128xf32, #tpu.memory_space<vmem>>, vector<1000x128xf32>
    %mul3A = vector.broadcast %select_n3A : vector<1000x1xf32> to vector<1000x128xf32>
    %mul3A_9 = arith.mulf %get3A_8, %mul3A : vector<1000x128xf32>
    %slice3A = vector.extract_strided_slice %mul3A_9 {offsets = [0, 0], sizes = [1000, 64], strides = [1, 1]} : vector<1000x128xf32> to vector<1000x64xf32>
    %swap3A = arith.constant 0 : index
    %swap3A_10 = arith.constant 0 : index
    %swap3A_11 = vector.load %arg3[%swap3A, %swap3A_10] : memref<1000x64xf32, #tpu.memory_space<vmem>>, vector<1000x64xf32>
    tpu.vector_store %arg3[%swap3A, %swap3A_10], %slice3A {strides = array<i32>} : memref<1000x64xf32, #tpu.memory_space<vmem>>, vector<1000x64xf32>,
    %slice3A_12 = vector.extract_strided_slice %mul3A_9 {offsets = [0, 64], sizes = [1000, 64], strides = [1, 1]} : vector<1000x128xf32> to vector<1000x64xf32>
    %swap3A_13 = arith.constant 0 : index
    %swap3A_14 = arith.constant 0 : index
    %swap3A_15 = vector.load %arg4[%swap3A_13, %swap3A_14] : memref<1000x64xf32, #tpu.memory_space<vmem>>, vector<1000x64xf32>
    tpu.vector_store %arg4[%swap3A_13, %swap3A_14], %slice3A_12 {strides = array<i32>} : memref<1000x64xf32, #tpu.memory_space<vmem>>, vector<1000x64xf32>,
    return
  }
  func.func @transform_0(%arg0: i32) -> (i32, i32) {
    %c0_i32 = arith.constant 0 : i32
    %c0_i32_0 = arith.constant 0 : i32
    return %arg0, %c0_i32 : i32, i32
  }
  func.func @transform_1(%arg0: i32) -> (i32, i32) {
    %c0_i32 = arith.constant 0 : i32
    %c0_i32_0 = arith.constant 0 : i32
    return %arg0, %c0_i32 : i32, i32
  }
  func.func @transform_2(%arg0: i32) -> (i32, i32) {
    %c0_i32 = arith.constant 0 : i32
    %c0_i32_0 = arith.constant 0 : i32
    return %arg0, %c0_i32 : i32, i32
  }
  func.func @transform_3(%arg0: i32) -> (i32, i32) {
    %c0_i32 = arith.constant 0 : i32
    %c0_i32_0 = arith.constant 0 : i32
    return %arg0, %c0_i32 : i32, i32
  }
}

module attributes {stable_mosaic.version = 14 : i64} {
  func.func @_layer_body(%arg0: i32, %arg1: memref<1000x64xf32, #tpu.memory_space<vmem>>, %arg2: memref<1000x64xf32, #tpu.memory_space<vmem>>, %arg3: memref<1000x16xf32, #tpu.memory_space<vmem>>, %arg4: memref<1000x16xf32, #tpu.memory_space<vmem>>, %arg5: memref<128x128xf32, #tpu.memory_space<vmem>>, %arg6: memref<1x128xf32, #tpu.memory_space<vmem>>, %arg7: memref<1000x64xf32, #tpu.memory_space<vmem>>, %arg8: memref<1000x64xf32, #tpu.memory_space<vmem>>) attributes {dimension_semantics = [#tpu.dimension_semantics<arbitrary>], iteration_bounds = array<i64: 10>, scalar_prefetch = 0 : i64, scratch_operands = 0 : i64, tpu.core_type = #tpu.core_type<tc>, window_params = [{transform_indices = @transform_0, window_bounds = array<i64: 1000, 64>}, {transform_indices = @transform_1, window_bounds = array<i64: 1000, 64>}, {transform_indices = @transform_2, window_bounds = array<i64: 1000, 16>}, {transform_indices = @transform_3, window_bounds = array<i64: 1000, 16>}, {pipeline_mode = #tpu.pipeline_mode<synchronous>, transform_indices = @transform_4, window_bounds = array<i64: 128, 128>}, {pipeline_mode = #tpu.pipeline_mode<synchronous>, transform_indices = @transform_5, window_bounds = array<i64: 1, 128>}, {transform_indices = @transform_6, window_bounds = array<i64: 1000, 64>}, {transform_indices = @transform_7, window_bounds = array<i64: 1000, 64>}]} {
    %get3A = arith.constant 0 : index
    %get3A_0 = arith.constant 0 : index
    %get3A_1 = vector.load %arg3[%get3A, %get3A_0] : memref<1000x16xf32, #tpu.memory_space<vmem>>, vector<1000x1xf32>
    %gt3A = arith.constant 0.000000e+00 : f32
    %gt3A_2 = vector.broadcast %gt3A : f32 to vector<1000x1xf32>
    %gt3A_3 = arith.cmpf ogt, %get3A_1, %gt3A_2 : vector<1000x1xf32>
    %max3A = arith.constant 1.000000e+00 : f32
    %max3A_4 = vector.broadcast %max3A : f32 to vector<1000x1xf32>
    %max3A_5 = arith.maximumf %get3A_1, %max3A_4 : vector<1000x1xf32>
    %rsqrt3A = math.rsqrt %max3A_5 : vector<1000x1xf32>
    %jit3A = arith.constant 0.000000e+00 : f32
    %broadcast_in_dim3A = vector.broadcast %jit3A : f32 to vector<1000x1xf32>
    %select_n3A = arith.select %gt3A_3, %rsqrt3A, %broadcast_in_dim3A : vector<1000x1xi1>, vector<1000x1xf32>
    %get3A_6 = arith.constant 0 : index
    %get3A_7 = arith.constant 0 : index
    %get3A_8 = vector.load %arg1[%get3A_6, %get3A_7] : memref<1000x64xf32, #tpu.memory_space<vmem>>, vector<1000x64xf32>
    %mul3A = vector.broadcast %select_n3A : vector<1000x1xf32> to vector<1000x64xf32>
    %mul3A_9 = arith.mulf %get3A_8, %mul3A : vector<1000x64xf32>
    %get3A_10 = arith.constant 0 : index
    %get3A_11 = arith.constant 0 : index
    %get3A_12 = vector.load %arg5[%get3A_10, %get3A_11] : memref<128x128xf32, #tpu.memory_space<vmem>>, vector<64x128xf32>
    %dot_general3A = arith.constant dense<0.000000e+00> : vector<1000x128xf32>
    %dot_general3A_13 = tpu.matmul %mul3A_9, %get3A_12, %dot_general3A {dimension_numbers = #tpu.dot_dimension_numbers<[1], [0], [0], [1], [0, 0, 1, 1], [], []>, transpose_lhs_hint = false} : vector<1000x64xf32>, vector<64x128xf32>, vector<1000x128xf32> -> vector<1000x128xf32>
    %get3A_14 = arith.constant 0 : index
    %get3A_15 = arith.constant 0 : index
    %get3A_16 = vector.load %arg2[%get3A_14, %get3A_15] : memref<1000x64xf32, #tpu.memory_space<vmem>>, vector<1000x64xf32>
    %mul3A_17 = vector.broadcast %select_n3A : vector<1000x1xf32> to vector<1000x64xf32>
    %mul3A_18 = arith.mulf %get3A_16, %mul3A_17 : vector<1000x64xf32>
    %get3A_19 = arith.constant 64 : index
    %get3A_20 = arith.constant 0 : index
    %get3A_21 = vector.load %arg5[%get3A_19, %get3A_20] : memref<128x128xf32, #tpu.memory_space<vmem>>, vector<64x128xf32>
    %dot_general3A_22 = arith.constant dense<0.000000e+00> : vector<1000x128xf32>
    %dot_general3A_23 = tpu.matmul %mul3A_18, %get3A_21, %dot_general3A_22 {dimension_numbers = #tpu.dot_dimension_numbers<[1], [0], [0], [1], [0, 0, 1, 1], [], []>, transpose_lhs_hint = false} : vector<1000x64xf32>, vector<64x128xf32>, vector<1000x128xf32> -> vector<1000x128xf32>
    %add3A = arith.addf %dot_general3A_13, %dot_general3A_23 : vector<1000x128xf32>
    %get3A_24 = arith.constant 0 : index
    %get3A_25 = arith.constant 0 : index
    %get3A_26 = vector.load %arg6[%get3A_24, %get3A_25] : memref<1x128xf32, #tpu.memory_space<vmem>>, vector<1x128xf32>
    %add3A_27 = vector.broadcast %get3A_26 : vector<1x128xf32> to vector<1000x128xf32>
    %add3A_28 = arith.addf %add3A, %add3A_27 : vector<1000x128xf32>
    %max3A_29 = arith.constant 0.000000e+00 : f32
    %max3A_30 = vector.broadcast %max3A_29 : f32 to vector<1000x128xf32>
    %max3A_31 = arith.maximumf %add3A_28, %max3A_30 : vector<1000x128xf32>
    %get3A_32 = arith.constant 0 : index
    %get3A_33 = arith.constant 0 : index
    %get3A_34 = vector.load %arg4[%get3A_32, %get3A_33] : memref<1000x16xf32, #tpu.memory_space<vmem>>, vector<1000x1xf32>
    %gt3A_35 = arith.constant 0.000000e+00 : f32
    %gt3A_36 = vector.broadcast %gt3A_35 : f32 to vector<1000x1xf32>
    %gt3A_37 = arith.cmpf ogt, %get3A_34, %gt3A_36 : vector<1000x1xf32>
    %max3A_38 = arith.constant 1.000000e+00 : f32
    %max3A_39 = vector.broadcast %max3A_38 : f32 to vector<1000x1xf32>
    %max3A_40 = arith.maximumf %get3A_34, %max3A_39 : vector<1000x1xf32>
    %rsqrt3A_41 = math.rsqrt %max3A_40 : vector<1000x1xf32>
    %jit3A_42 = arith.constant 0.000000e+00 : f32
    %broadcast_in_dim3A_43 = vector.broadcast %jit3A_42 : f32 to vector<1000x1xf32>
    %select_n3A_44 = arith.select %gt3A_37, %rsqrt3A_41, %broadcast_in_dim3A_43 : vector<1000x1xi1>, vector<1000x1xf32>
    %mul3A_45 = vector.broadcast %select_n3A_44 : vector<1000x1xf32> to vector<1000x128xf32>
    %mul3A_46 = arith.mulf %max3A_31, %mul3A_45 : vector<1000x128xf32>
    %slice3A = vector.extract_strided_slice %mul3A_46 {offsets = [0, 0], sizes = [1000, 64], strides = [1, 1]} : vector<1000x128xf32> to vector<1000x64xf32>
    %swap3A = arith.constant 0 : index
    %swap3A_47 = arith.constant 0 : index
    %swap3A_48 = vector.load %arg7[%swap3A, %swap3A_47] : memref<1000x64xf32, #tpu.memory_space<vmem>>, vector<1000x64xf32>
    tpu.vector_store %arg7[%swap3A, %swap3A_47], %slice3A {strides = array<i32>} : memref<1000x64xf32, #tpu.memory_space<vmem>>, vector<1000x64xf32>,
    %slice3A_49 = vector.extract_strided_slice %mul3A_46 {offsets = [0, 64], sizes = [1000, 64], strides = [1, 1]} : vector<1000x128xf32> to vector<1000x64xf32>
    %swap3A_50 = arith.constant 0 : index
    %swap3A_51 = arith.constant 0 : index
    %swap3A_52 = vector.load %arg8[%swap3A_50, %swap3A_51] : memref<1000x64xf32, #tpu.memory_space<vmem>>, vector<1000x64xf32>
    tpu.vector_store %arg8[%swap3A_50, %swap3A_51], %slice3A_49 {strides = array<i32>} : memref<1000x64xf32, #tpu.memory_space<vmem>>, vector<1000x64xf32>,
    return
  }
  func.func @transform_0(%arg0: i32) -> (i32, i32) {
    %c0_i32 = arith.constant 0 : i32
    %c0_i32_0 = arith.constant 0 : i32
    return %arg0, %c0_i32 : i32, i32
  }
  func.func @transform_1(%arg0: i32) -> (i32, i32) {
    %c0_i32 = arith.constant 0 : i32
    %c0_i32_0 = arith.constant 0 : i32
    return %arg0, %c0_i32 : i32, i32
  }
  func.func @transform_2(%arg0: i32) -> (i32, i32) {
    %c0_i32 = arith.constant 0 : i32
    %c0_i32_0 = arith.constant 0 : i32
    return %arg0, %c0_i32 : i32, i32
  }
  func.func @transform_3(%arg0: i32) -> (i32, i32) {
    %c0_i32 = arith.constant 0 : i32
    %c0_i32_0 = arith.constant 0 : i32
    return %arg0, %c0_i32 : i32, i32
  }
  func.func @transform_4(%arg0: i32) -> (i32, i32) {
    %c0_i32 = arith.constant 0 : i32
    %c0_i32_0 = arith.constant 0 : i32
    %c0_i32_1 = arith.constant 0 : i32
    return %c0_i32, %c0_i32_0 : i32, i32
  }
  func.func @transform_5(%arg0: i32) -> (i32, i32) {
    %c0_i32 = arith.constant 0 : i32
    %c0_i32_0 = arith.constant 0 : i32
    %c0_i32_1 = arith.constant 0 : i32
    return %c0_i32, %c0_i32_0 : i32, i32
  }
  func.func @transform_6(%arg0: i32) -> (i32, i32) {
    %c0_i32 = arith.constant 0 : i32
    %c0_i32_0 = arith.constant 0 : i32
    return %arg0, %c0_i32 : i32, i32
  }
  func.func @transform_7(%arg0: i32) -> (i32, i32) {
    %c0_i32 = arith.constant 0 : i32
    %c0_i32_0 = arith.constant 0 : i32
    return %arg0, %c0_i32 : i32, i32
  }
}

module attributes {stable_mosaic.version = 14 : i64} {
  func.func @_final_body(%arg0: i32, %arg1: memref<1000x64xf32, #tpu.memory_space<vmem>>, %arg2: memref<1000x64xf32, #tpu.memory_space<vmem>>, %arg3: memref<1000x16xf32, #tpu.memory_space<vmem>>, %arg4: memref<128x128xf32, #tpu.memory_space<vmem>>, %arg5: memref<1x128xf32, #tpu.memory_space<vmem>>, %arg6: memref<128x128xf32, #tpu.memory_space<vmem>>, %arg7: memref<1x128xf32, #tpu.memory_space<vmem>>, %arg8: memref<1x128xf32, #tpu.memory_space<vmem>>, %arg9: memref<1x128xf32, #tpu.memory_space<vmem>>) attributes {dimension_semantics = [#tpu.dimension_semantics<arbitrary>], iteration_bounds = array<i64: 10>, scalar_prefetch = 0 : i64, scratch_operands = 1 : i64, tpu.core_type = #tpu.core_type<tc>, window_params = [{transform_indices = @transform_0, window_bounds = array<i64: 1000, 64>}, {transform_indices = @transform_1, window_bounds = array<i64: 1000, 64>}, {transform_indices = @transform_2, window_bounds = array<i64: 1000, 16>}, {pipeline_mode = #tpu.pipeline_mode<synchronous>, transform_indices = @transform_3, window_bounds = array<i64: 128, 128>}, {pipeline_mode = #tpu.pipeline_mode<synchronous>, transform_indices = @transform_4, window_bounds = array<i64: 1, 128>}, {pipeline_mode = #tpu.pipeline_mode<synchronous>, transform_indices = @transform_5, window_bounds = array<i64: 128, 128>}, {pipeline_mode = #tpu.pipeline_mode<synchronous>, transform_indices = @transform_6, window_bounds = array<i64: 1, 128>}, {pipeline_mode = #tpu.pipeline_mode<synchronous>, transform_indices = @transform_7, window_bounds = array<i64: 1, 128>}]} {
    %get3A = arith.constant 0 : index
    %get3A_0 = arith.constant 0 : index
    %get3A_1 = vector.load %arg3[%get3A, %get3A_0] : memref<1000x16xf32, #tpu.memory_space<vmem>>, vector<1000x1xf32>
    %gt3A = arith.constant 0.000000e+00 : f32
    %gt3A_2 = vector.broadcast %gt3A : f32 to vector<1000x1xf32>
    %gt3A_3 = arith.cmpf ogt, %get3A_1, %gt3A_2 : vector<1000x1xf32>
    %max3A = arith.constant 1.000000e+00 : f32
    %max3A_4 = vector.broadcast %max3A : f32 to vector<1000x1xf32>
    %max3A_5 = arith.maximumf %get3A_1, %max3A_4 : vector<1000x1xf32>
    %rsqrt3A = math.rsqrt %max3A_5 : vector<1000x1xf32>
    %jit3A = arith.constant 0.000000e+00 : f32
    %broadcast_in_dim3A = vector.broadcast %jit3A : f32 to vector<1000x1xf32>
    %select_n3A = arith.select %gt3A_3, %rsqrt3A, %broadcast_in_dim3A : vector<1000x1xi1>, vector<1000x1xf32>
    %get3A_6 = arith.constant 0 : index
    %get3A_7 = arith.constant 0 : index
    %get3A_8 = vector.load %arg1[%get3A_6, %get3A_7] : memref<1000x64xf32, #tpu.memory_space<vmem>>, vector<1000x64xf32>
    %mul3A = vector.broadcast %select_n3A : vector<1000x1xf32> to vector<1000x64xf32>
    %mul3A_9 = arith.mulf %get3A_8, %mul3A : vector<1000x64xf32>
    %get3A_10 = arith.constant 0 : index
    %get3A_11 = arith.constant 0 : index
    %get3A_12 = vector.load %arg4[%get3A_10, %get3A_11] : memref<128x128xf32, #tpu.memory_space<vmem>>, vector<64x128xf32>
    %dot_general3A = arith.constant dense<0.000000e+00> : vector<1000x128xf32>
    %dot_general3A_13 = tpu.matmul %mul3A_9, %get3A_12, %dot_general3A {dimension_numbers = #tpu.dot_dimension_numbers<[1], [0], [0], [1], [0, 0, 1, 1], [], []>, transpose_lhs_hint = false} : vector<1000x64xf32>, vector<64x128xf32>, vector<1000x128xf32> -> vector<1000x128xf32>
    %get3A_14 = arith.constant 0 : index
    %get3A_15 = arith.constant 0 : index
    %get3A_16 = vector.load %arg2[%get3A_14, %get3A_15] : memref<1000x64xf32, #tpu.memory_space<vmem>>, vector<1000x64xf32>
    %mul3A_17 = vector.broadcast %select_n3A : vector<1000x1xf32> to vector<1000x64xf32>
    %mul3A_18 = arith.mulf %get3A_16, %mul3A_17 : vector<1000x64xf32>
    %get3A_19 = arith.constant 64 : index
    %get3A_20 = arith.constant 0 : index
    %get3A_21 = vector.load %arg4[%get3A_19, %get3A_20] : memref<128x128xf32, #tpu.memory_space<vmem>>, vector<64x128xf32>
    %dot_general3A_22 = arith.constant dense<0.000000e+00> : vector<1000x128xf32>
    %dot_general3A_23 = tpu.matmul %mul3A_18, %get3A_21, %dot_general3A_22 {dimension_numbers = #tpu.dot_dimension_numbers<[1], [0], [0], [1], [0, 0, 1, 1], [], []>, transpose_lhs_hint = false} : vector<1000x64xf32>, vector<64x128xf32>, vector<1000x128xf32> -> vector<1000x128xf32>
    %add3A = arith.addf %dot_general3A_13, %dot_general3A_23 : vector<1000x128xf32>
    %get3A_24 = arith.constant 0 : index
    %get3A_25 = arith.constant 0 : index
    %get3A_26 = vector.load %arg5[%get3A_24, %get3A_25] : memref<1x128xf32, #tpu.memory_space<vmem>>, vector<1x128xf32>
    %add3A_27 = vector.broadcast %get3A_26 : vector<1x128xf32> to vector<1000x128xf32>
    %add3A_28 = arith.addf %add3A, %add3A_27 : vector<1000x128xf32>
    %max3A_29 = arith.constant 0.000000e+00 : f32
    %max3A_30 = vector.broadcast %max3A_29 : f32 to vector<1000x128xf32>
    %max3A_31 = arith.maximumf %add3A_28, %max3A_30 : vector<1000x128xf32>
    %reduce_sum3A = arith.constant dense<0.000000e+00> : vector<128xf32>
    %reduce_sum3A_32 = vector.multi_reduction <add>, %max3A_31, %reduce_sum3A [0] : vector<1000x128xf32> to vector<128xf32>
    %broadcast_in_dim3A_33 = vector.shape_cast %reduce_sum3A_32 : vector<128xf32> to vector<1x128xf32>
    %eq3A = arith.constant 0 : i32
    %eq3A_34 = arith.cmpi eq, %arg0, %eq3A : i32
    %convert_element_type3A = arith.extui %eq3A_34 : i1 to i32
    %cond3A = arith.constant 0 : i32
    %cond3A_35 = arith.cmpi ne, %convert_element_type3A, %cond3A : i32
    scf.if %cond3A_35 {
      %broadcast_in_dim3A_47 = arith.constant 0.000000e+00 : f32
      %broadcast_in_dim3A_48 = vector.broadcast %broadcast_in_dim3A_47 : f32 to vector<1x128xf32>
      %swap3A_49 = arith.constant 0 : index
      %swap3A_50 = arith.constant 0 : index
      %swap3A_51 = vector.load %arg9[%swap3A_49, %swap3A_50] : memref<1x128xf32, #tpu.memory_space<vmem>>, vector<1x128xf32>
      tpu.vector_store %arg9[%swap3A_49, %swap3A_50], %broadcast_in_dim3A_48 {strides = array<i32>} : memref<1x128xf32, #tpu.memory_space<vmem>>, vector<1x128xf32>,
    } else {
    }
    %get3A_36 = arith.constant 0 : index
    %get3A_37 = arith.constant 0 : index
    %get3A_38 = vector.load %arg9[%get3A_36, %get3A_37] : memref<1x128xf32, #tpu.memory_space<vmem>>, vector<1x128xf32>
    %add3A_39 = arith.addf %get3A_38, %broadcast_in_dim3A_33 : vector<1x128xf32>
    %swap3A = arith.constant 0 : index
    %swap3A_40 = arith.constant 0 : index
    %swap3A_41 = vector.load %arg9[%swap3A, %swap3A_40] : memref<1x128xf32, #tpu.memory_space<vmem>>, vector<1x128xf32>
    tpu.vector_store %arg9[%swap3A, %swap3A_40], %add3A_39 {strides = array<i32>} : memref<1x128xf32, #tpu.memory_space<vmem>>, vector<1x128xf32>,
    %eq3A_42 = arith.constant 9 : i32
    %eq3A_43 = arith.cmpi eq, %arg0, %eq3A_42 : i32
    %convert_element_type3A_44 = arith.extui %eq3A_43 : i1 to i32
    %cond3A_45 = arith.constant 0 : i32
    %cond3A_46 = arith.cmpi ne, %convert_element_type3A_44, %cond3A_45 : i32
    scf.if %cond3A_46 {
      %get3A_47 = arith.constant 0 : index
      %get3A_48 = arith.constant 0 : index
      %get3A_49 = vector.load %arg9[%get3A_47, %get3A_48] : memref<1x128xf32, #tpu.memory_space<vmem>>, vector<1x128xf32>
      %mul3A_50 = arith.constant 9.99999974E-5 : f32
      %mul3A_51 = vector.broadcast %mul3A_50 : f32 to vector<1x128xf32>
      %mul3A_52 = arith.mulf %get3A_49, %mul3A_51 : vector<1x128xf32>
      %get3A_53 = arith.constant 0 : index
      %get3A_54 = arith.constant 0 : index
      %get3A_55 = vector.load %arg6[%get3A_53, %get3A_54] : memref<128x128xf32, #tpu.memory_space<vmem>>, vector<128x128xf32>
      %dot_general3A_56 = arith.constant dense<0.000000e+00> : vector<1x128xf32>
      %dot_general3A_57 = tpu.matmul %mul3A_52, %get3A_55, %dot_general3A_56 {dimension_numbers = #tpu.dot_dimension_numbers<[1], [0], [0], [1], [0, 0, 1, 1], [], []>, transpose_lhs_hint = false} : vector<1x128xf32>, vector<128x128xf32>, vector<1x128xf32> -> vector<1x128xf32>
      %get3A_58 = arith.constant 0 : index
      %get3A_59 = arith.constant 0 : index
      %get3A_60 = vector.load %arg7[%get3A_58, %get3A_59] : memref<1x128xf32, #tpu.memory_space<vmem>>, vector<1x128xf32>
      %add3A_61 = arith.addf %dot_general3A_57, %get3A_60 : vector<1x128xf32>
      %swap3A_62 = arith.constant 0 : index
      %swap3A_63 = arith.constant 0 : index
      %swap3A_64 = vector.load %arg8[%swap3A_62, %swap3A_63] : memref<1x128xf32, #tpu.memory_space<vmem>>, vector<1x128xf32>
      tpu.vector_store %arg8[%swap3A_62, %swap3A_63], %add3A_61 {strides = array<i32>} : memref<1x128xf32, #tpu.memory_space<vmem>>, vector<1x128xf32>,
    } else {
    }
    return
  }
  func.func @transform_0(%arg0: i32) -> (i32, i32) {
    %c0_i32 = arith.constant 0 : i32
    %c0_i32_0 = arith.constant 0 : i32
    return %arg0, %c0_i32 : i32, i32
  }
  func.func @transform_1(%arg0: i32) -> (i32, i32) {
    %c0_i32 = arith.constant 0 : i32
    %c0_i32_0 = arith.constant 0 : i32
    return %arg0, %c0_i32 : i32, i32
  }
  func.func @transform_2(%arg0: i32) -> (i32, i32) {
    %c0_i32 = arith.constant 0 : i32
    %c0_i32_0 = arith.constant 0 : i32
    return %arg0, %c0_i32 : i32, i32
  }
  func.func @transform_3(%arg0: i32) -> (i32, i32) {
    %c0_i32 = arith.constant 0 : i32
    %c0_i32_0 = arith.constant 0 : i32
    %c0_i32_1 = arith.constant 0 : i32
    return %c0_i32, %c0_i32_0 : i32, i32
  }
  func.func @transform_4(%arg0: i32) -> (i32, i32) {
    %c0_i32 = arith.constant 0 : i32
    %c0_i32_0 = arith.constant 0 : i32
    %c0_i32_1 = arith.constant 0 : i32
    return %c0_i32, %c0_i32_0 : i32, i32
  }
  func.func @transform_5(%arg0: i32) -> (i32, i32) {
    %c0_i32 = arith.constant 0 : i32
    %c0_i32_0 = arith.constant 0 : i32
    %c0_i32_1 = arith.constant 0 : i32
    return %c0_i32, %c0_i32_0 : i32, i32
  }
  func.func @transform_6(%arg0: i32) -> (i32, i32) {
    %c0_i32 = arith.constant 0 : i32
    %c0_i32_0 = arith.constant 0 : i32
    %c0_i32_1 = arith.constant 0 : i32
    return %c0_i32, %c0_i32_0 : i32, i32
  }
  func.func @transform_7(%arg0: i32) -> (i32, i32) {
    %c0_i32 = arith.constant 0 : i32
    %c0_i32_0 = arith.constant 0 : i32
    %c0_i32_1 = arith.constant 0 : i32
    return %c0_i32, %c0_i32_0 : i32, i32
  }
}

</mosaic_0001>

<sc_bundles>
// kernel: kernel.10.cloned.1.call-start
scs
__scs_entry_jumppad:
0x0: {  	(pc) =	sbr.rel $0x88, $3  }
0x1: {  	(tag) =	ssettag $0x0;
	lr =	simm.s32 $0x1  }
0x2: {  	[smem:$0x3F97] =	sst lr;
	_ =	strace $0xD0000000  }
0x3: {  	_ = 	snop  }
0x4: {  	_ = 	snop  }
0x5: {  	_ = 	snop  }
0x6: {  	_ = 	snop  }
0x7: {  	_ = 	snop  }
__scs_overlays_trampoline_lowered:
0x8: {  	[smem:$0x3FA6] =	sst s0  }
0x9: {  	[smem:$0x3FA7] =	sst s1  }
0xa: {  	[smem:$0x3FA8] =	sst s2  }
0xb: {  	[smem:$0x3FA9] =	sst s3  }
0xc: {  	[smem:$0x3FAA] =	sst s4  }
0xd: {  	[smem:$0x3FAB] =	sst s5  }
0xe: {  	[smem:$0x3FAC] =	sst s6  }
0xf: {  	[smem:$0x3FAD] =	sst s7  }
0x10: {  	[smem:$0x3FAE] =	sst s8  }
0x11: {  	[smem:$0x3FAF] =	sst s9;
	s0 =	simm.s32 @!p0 $0x0  }
0x12: {  	s1 =	sld [smem:$0x3F95];
	s0 =	simm.s32 @p0 $0x1  }
0x13: {  	[smem:$0x3FB0] =	sst s0;
	s0 =	simm.s32 @!p1 $0x0  }
0x14: {  	s2 =	sld [smem:$0x3F94];
	s0 =	simm.s32 @p1 $0x1  }
0x15: {  	[smem:$0x3FB1] =	sst s0;
	s0 =	simm.s32 @!p2 $0x0  }
0x16: {  	s3 =	sld [smem:$0x3FDB];
	s0 =	simm.s32 @p2 $0x1  }
0x17: {  	s4 =	simm.s32 $0x1BF5;
	[smem:$0x3FB3] =	sst s0  }
0x18: {  	s0 =	sld [smem:$0x3F96];
	_ =	swait.ge [sflag:s4], $0x0  }
0x19: {  	s7 =	sld [smem:$0x3F97]  }
0x1a: {  	s8 =	sadd.s32 $0xFFFFE003, lr  }
0x1b: {  	s9 =	sadd.s32 $0xFFFFFEF7, lr;
	s5 =	simm.s32 $0xFFFFFFFF;
	p2 =	slt.u32 s8, $0xFFFFF086  }
0x1c: {  	p1 =	slt.u32 s9, $0xF7A;
	s5 =	simm.s32 @!p2 $0x0  }
0x1d: {  	s5 =	simm.s32 @p1 $0x1;
	p0 =	seq.s32 s7, s2  }
0x1e: {  	s7 =	smul.u32 @!p0 $0xF7A, s2;
	p2 =	seq.s32 @!p0 s5, $0x0  }
0x1f: {  	s9 =	smul.u32 $0xF7A, s1;
	s8 =	simm.s32 @!p0 $0x1BF5;
	p2 =	por !p2, p0  }
0x20: {  	[sflag:s8] =	ssyncset.s32 @!p0 $0xFFFFF086;
	s6 =	sadd.s32 @!p0 s3, s7;
	s7 =	simm.s32 @!p0 $0x108  }
0x21: {  	s3 =	sadd.s32 s3, s9;
	s6 =	sadd.s32 @!p0 $0x88, s6;
	s7 =	simm.s32 @p2 $0x1082  }
0x22: {  	[simem:s7], [sflag:s8] =	dma.local @!p0 [hbm:s6], $0xF7A  }
0x23: {  	s9 =	sor.u32 $0xD0000000, s2;
	s6 =	simm.s32 $0x108;
	_ =	swait.ge @!p0 [sflag:s8], $0x0  }
0x24: {  	s3 =	sadd.s32 $0x88, s3;
	s6 =	simm.s32 @!p1 $0x1082;
	[sflag:s4] =	ssyncset.s32 $0xFFFFF086  }
0x25: {  	[simem:s6], [sflag:s4] =	dma.local [hbm:s3], $0xF7A  }
0x26: {  	[smem:$0x3F97] =	sst s1;
	(tag) =	ssettag s2;
	_ =	strace s9  }
0x27: {  	s1 =	sld [smem:$0x3FA7]  }
0x28: {  	s2 =	sld [smem:$0x3FA8]  }
0x29: {  	s4 =	sld [smem:$0x3FAA]  }
0x2a: {  	p0 =	seq.s32 s5, $0x0;
	s5 =	sld [smem:$0x3FAB]  }
0x2b: {  	s6 =	sld [smem:$0x3FAC]  }
0x2c: {  	s7 =	sld [smem:$0x3FAD]  }
0x2d: {  	s3 =	simm.s32 $0x108;
	s8 =	sld [smem:$0x3FAE]  }
0x2e: {  	s3 =	simm.s32 @!p0 $0x1082;
	s9 =	sld [smem:$0x3FAF]  }
0x2f: {  	lr =	sadd.s32 s0, s3;
	s0 =	sld [smem:$0x3FA6]  }
0x30: {  	s3 =	sld [smem:$0x3FA9]  }
0x31: {  	[smem:$0x3FB2] =	sst s10  }
0x32: {  	s10 =	sld [smem:$0x3FB0];
	_ =	sdelay $0x3  }
0x33: {  	p0 =	seq.s32 s10, $0x1;
	s10 =	sld [smem:$0x3FB2];
	_ =	sdelay $0x3  }
0x34: {  	[smem:$0x3FB2] =	sst s10  }
0x35: {  	s10 =	sld [smem:$0x3FB1];
	_ =	sdelay $0x3  }
0x36: {  	p1 =	seq.s32 s10, $0x1;
	s10 =	sld [smem:$0x3FB2];
	_ =	sdelay $0x3  }
0x37: {  	[smem:$0x3FB2] =	sst s10  }
0x38: {  	s10 =	sld [smem:$0x3FB3]  }
0x39: {  	_ = 	snop;
	(pc) =	sbr.ind lr, $3  }
0x3a: {  	_ = 	snop  }
0x3b: {  	_ = 	snop  }
0x3c: {  	p2 =	seq.s32 s10, $0x1;
	s10 =	sld [smem:$0x3FB2]  }
0x3d: {  	_ =	shalt  }
0x3e: {  	_ =	shalt  }
0x3f: {  	_ =	shalt  }
0x40: {  	_ =	shalt  }
0x41: {  	_ =	shalt  }
0x42: {  	_ =	shalt  }
0x43: {  	_ =	shalt  }
0x44: {  	_ =	shalt  }
0x45: {  	_ =	shalt  }
0x46: {  	_ =	shalt  }
0x47: {  	_ =	shalt  }
0x48: {  	_ =	shalt  }
0x49: {  	_ =	shalt  }
0x4a: {  	_ =	shalt  }
0x4b: {  	_ =	shalt  }
0x4c: {  	_ =	shalt  }
0x4d: {  	_ =	shalt  }
0x4e: {  	_ =	shalt  }
0x4f: {  	_ =	shalt  }
0x50: {  	_ =	shalt  }
0x51: {  	_ =	shalt  }
0x52: {  	_ =	shalt  }
0x53: {  	_ =	shalt  }
0x54: {  	_ =	shalt  }
0x55: {  	_ =	shalt  }
0x56: {  	_ =	shalt  }
0x57: {  	_ =	shalt  }
0x58: {  	_ =	shalt  }
0x59: {  	_ =	shalt  }
0x5a: {  	_ =	shalt  }
0x5b: {  	_ =	shalt  }
0x5c: {  	_ =	shalt  }
0x5d: {  	_ =	shalt  }
0x5e: {  	_ =	shalt  }
0x5f: {  	_ =	shalt  }
0x60: {  	_ =	shalt  }
0x61: {  	_ =	shalt  }
0x62: {  	_ =	shalt  }
0x63: {  	_ =	shalt  }
0x64: {  	_ =	shalt  }
0x65: {  	_ =	shalt  }
0x66: {  	_ =	shalt  }
0x67: {  	_ =	shalt  }
0x68: {  	_ =	shalt  }
0x69: {  	_ =	shalt  }
0x6a: {  	_ =	shalt  }
0x6b: {  	_ =	shalt  }
0x6c: {  	_ =	shalt  }
0x6d: {  	_ =	shalt  }
0x6e: {  	_ =	shalt  }
0x6f: {  	_ =	shalt  }
0x70: {  	_ =	shalt  }
0x71: {  	_ =	shalt  }
0x72: {  	_ =	shalt  }
0x73: {  	_ =	shalt  }
0x74: {  	_ =	shalt  }
0x75: {  	_ =	shalt  }
0x76: {  	_ =	shalt  }
0x77: {  	_ =	shalt  }
0x78: {  	_ =	shalt  }
0x79: {  	_ =	shalt  }
0x7a: {  	_ =	shalt  }
0x7b: {  	_ =	shalt  }
0x7c: {  	_ =	shalt  }
0x7d: {  	_ =	shalt  }
0x7e: {  	_ =	shalt  }
0x7f: {  	_ =	shalt  }
0x80: {  	_ =	shalt  }
0x81: {  	_ =	shalt  }
0x82: {  	_ =	shalt  }
0x83: {  	_ =	shalt  }
0x84: {  	_ =	shalt  }
0x85: {  	_ =	shalt  }
0x86: {  	_ =	shalt  }
0x87: {  	_ =	shalt  }
.Lfunc_end0:
.L_simem_size_0:
called_computation_lowered:
.L_overlay_start_0:
0x88: {  	s2 =	sld [smem:$0x3FD9]  }
0x89: {  	s3 =	sld [smem:$0x3FFE];
	_ =	sdelay $0x1  }
0x8a: {  	s1 =	srdreg.scid  }
0x8b: {  	s0 =	sand.u32 $0x1, s1  }
0x8c: {  	s16 =	sshll.u32 s0, $0xA;
	s2 =	sadd.s32 s3, s2  }
0x8d: {  	s2 =	sadd.s32 s2, s16  }
0x8e: {  	[smem:$0x3FBE] =	sst s2  }
0x8f: {  	_ = 	snop  }
0x90: {  	(tm) =	ssettm $0x1  }
0x91: {  	s17 =	sld [smem:$0x3FFB];
	_ =	sdelay $0x3  }
0x92: {  	_ =	strace s17  }
0x93: {  	s2 =	sld [smem:$0x3FFC];
	_ =	sdelay $0x3  }
0x94: {  	_ =	strace s2  }
0x95: {  	s2 =	sld [smem:$0x3FFD];
	_ =	sdelay $0x3  }
0x96: {  	_ =	strace s2  }
0x97: {  	_ =	strace $0x8FFFFFFF  }
0x98: {  	s18 =	sld [smem:$0x3FDB];
	_ =	sdelay $0x1  }
0x99: {  	s19 =	simm.s32 $_scs_section_size  }
0x9a: {  	s4 =	simm.s32 $_size__tile_overlayer_lowered;
	s5 =	simm.s32 $_tile_overlayer_lowered  }
0x9b: {  	s22 =	simm.s32 $0x1BFF;
	s21 =	sshll.u32 s5, $0x1;
	s2 =	sadd.s32 s19, s18  }
0x9c: {  	s6 =	simm.s32 $0x0;
	s20 =	sshll.u32 s4, $0x1;
	s4 =	sadd.s32 s21, s2  }
0x9d: {  	[timem:s6], [sflag:s22] =	dma.local [hbm:s4], s20  }
0x9e: {  	_ =	swait.ge [sflag:s22], s20  }
0x9f: {  	s3 =	ssub.s32 $0x0, s20;
	[sflag:s22] =	ssyncset.done $0x0  }
0xa0: {  	[sflag:s22] =	ssyncadd.s32 s3;
	_ =	sdelay $0x1  }
0xa1: {  	s23 =	simm.s32 $0x1B8B  }
0xa2: {  	_ =	swait.ge [sflag:s23], $0x1  }
0xa3: {  	[sflag:s23] =	ssyncset.done $0x0  }
0xa4: {  	s25 =	simm.s32 $0x1B8E;
	s24 =	sld [smem:$0x3FFE];
	[sflag:s23] =	ssyncadd.s32 $0xFFFFFFFF  }
0xa5: {  	s26 =	simm.s32 $execute0_lowered;
	[smem:$0x3FD2] =	sst s25  }
0xa6: {  	s4 =	sshll.u32 s26, $0x1;
	_ =	strace $0x80000046;
	[dreg:$0x1] =	wrdreg $0xFFFFFFFF  }
0xa7: {  	s28 =	simm.s32 $_size_execute0_lowered;
	s2 =	sadd.s32 s2, s4;
	[dreg:$0x0] =	wrdreg $0x0  }
0xa8: {  	s4 =	sshll.u32 s28, $0x1;
	[dreg:$0x2] =	wrdreg s2  }
0xa9: {  	[dreg:$0x3] =	wrdreg s4  }
0xaa: {  	[dreg:$0x4] =	wrdreg $0xC0  }
0xab: {  	_ =	task [dreg:s6], $0x5FFFF  }
0xac: {  	[dreg:$0x1] =	wrdreg $0xFFFFFFFF  }
0xad: {  	[dreg:$0x0] =	wrdreg $0x60  }
0xae: {  	[dreg:$0x2] =	wrdreg s24  }
0xaf: {  	[dreg:$0x3] =	wrdreg $0x0  }
0xb0: {  	[dreg:$0x4] =	wrdreg $0x9  }
0xb1: {  	_ =	task.clear_ibuf [dreg:s6], $0x5FFFF;
	_ =	strace $0x90000046  }
0xb2: {  	s29 =	simm.s32 $0x9;
	_ =	strace $0x80000048  }
0xb3: {  	_ =	swait.ge [sflag:s29], $0x1  }
0xb4: {  	[sflag:s29] =	ssyncadd.s32 $0xFFFFFFFF  }
0xb5: {  	_ =	strace $0x90000048  }
0xb6: {  	_ =	sfence  }
0xb7: {  	s30 =	sld [smem:$0x0];
	_ =	sdelay $0x2  }
0xb8: {  	s31 =	sshll.u32 s1, $0xD;
	s1 =	sshrl.u32 s1, $0x2  }
0xb9: {  	s3 =	sand.u32 $0x4000, s31;
	s1 =	sadd.s32 s1, s30  }
0xba: {  	s0 =	sor.u32 s3, s0;
	s1 =	sshll.u32 s1, $0x11  }
0xbb: {  	s0 =	sor.u32 s1, s0  }
0xbc: {  	s0 =	sadd.s32 $0x8F2B, s0  }
0xbd: {  	[sflag:s0] =	ssyncadd.remote.s32 $0x1  }
0xbe: {  	_ =	sfence.sel $0xFFFF  }
0xbf: {  	[dreg:$0x0] =	wrdreg $0xFFFFFFFF;
	(pc) =	sbr.abs _section_cstart, $3  }
0xc0: {  	[dreg:$0x1] =	wrdreg $0xFFFFFFFF  }
0xc1: {  	_ =	task.clear_ibuf [dreg:s6], $0x2FFFF;
	_ =	strace $0x9FFFFFFF  }
0xc2: {  	(tm) =	ssettm $0x7FFFFFFF  }
0xc3: {  	_ =	shalt  }
tec
execute0_lowered:
.L_overlay_start_1:
0x0: {  	(tag) =	ssettag $0x1  }
0x1: {  	s5 =	rddreg [dreg:$0x0]  }
0x2: {  	s2 =	rddreg [dreg:$0x1]  }
0x3: {  	s0 =	rddreg [dreg:$0x2];
	s3 =	simm.s32 $0x0;
	s1 =	stileid.u32  }
0x4: {  	s6 =	srdreg.scid;
	s12 =	simm.s32 $0x2;
	s13 =	simm.s32 $0x2800  }
0x5: {  	s14 =	simm.s32 $0x50;
	s15 =	simm.s32 $0x7620;
	s16 =	simm.s32 $0x1  }
0x6: {  	[smem:$0x7FF] =	sst s3;
	s4 =	smul.u32 $0x9C4, s1;
	s11 =	sand.u32 $0x1, s6  }
0x7: {  	s8 =	smul.u32 $0x2800, s1;
	s17 =	sshll.u32 s1, $0x6;
	_ =	strace $0x80000047  }
.Ltmp0:
0x8: {  	s6 =	ssub.s32 $0x2, s11;
	p0 =	sne.s32 s11, $0x0;
	(pc) =	sbr.rel .LBB2_1-.Ltmp0, $4  }
0x9: {  	s11 =	simm.s32 $0x7B20;
	s17 =	sor.u32 $0x1C02, s17;
	s9 =	sadd.s32 s4, s5  }
0xa: {  	s4 =	sadd.s32 $0x18400, s5;
	s5 =	sadd.s32 $0x1D400, s5;
	s7 =	sshrl.u32 s6, $0x1  }
0xb: {  	s10 =	ssub.s32 s6, s7;
	s6 =	sadd.s32 s8, s2;
	s7 =	sadd.s32 $0x4800, s9  }
0xc: {  	v0 =	vimm.f32 $1.000000000e+00;
	v1 =	vimm.f32 $0.0e+00;
	s8 =	sshrl.u32 s8, $0x3;
	s9 =	sadd.s32 $0xE600, s9;
	s10 =	smax.u32 s10, $0x1  }
.LBB2_11:
0xd: {  	s18 =	sadd.s32 $0x2800, s20;
	[sflag:s16] =	ssyncadd.s32 $0xFFFFFB00  }
0xe: {  	[spmem:s2] =	stream.indirect.scatter.add.f32 [tilespmem:s15], [sflag:$0x1], $0x10, s18, s14, $0xb8;
	[tilespmem:$0xA320] =	vst v63  }
0xf: {  	s22 =	sadd.s32 $0x2850, s20  }
0x10: {  	[spmem:s2] =	stream.indirect.scatter.add.f32 [tilespmem:s15], [sflag:$0x1], $0x10, s22, s14, $0xb8;
	[tilespmem:$0xA320] =	vst v63  }
0x11: {  	s23 =	sadd.s32 $0x28A0, s20  }
0x12: {  	[spmem:s2] =	stream.indirect.scatter.add.f32 [tilespmem:s15], [sflag:$0x1], $0x10, s23, s14, $0xb8;
	[tilespmem:$0xA320] =	vst v63  }
0x13: {  	s24 =	sadd.s32 $0x28F0, s20  }
0x14: {  	[spmem:s2] =	stream.indirect.scatter.add.f32 [tilespmem:s15], [sflag:$0x1], $0x10, s24, s14, $0xb8;
	[tilespmem:$0xA320] =	vst v63  }
0x15: {  	s25 =	sadd.s32 $0x2940, s20  }
0x16: {  	[spmem:s2] =	stream.indirect.scatter.add.f32 [tilespmem:s15], [sflag:$0x1], $0x10, s25, s14, $0xb8;
	[tilespmem:$0xA320] =	vst v63  }
0x17: {  	s26 =	sadd.s32 $0x2990, s20  }
0x18: {  	[spmem:s2] =	stream.indirect.scatter.add.f32 [tilespmem:s15], [sflag:$0x1], $0x10, s26, s14, $0xb8;
	[tilespmem:$0xA320] =	vst v63  }
0x19: {  	s28 =	sadd.s32 $0x29E0, s20  }
0x1a: {  	[spmem:s2] =	stream.indirect.scatter.add.f32 [tilespmem:s15], [sflag:$0x1], $0x10, s28, s14, $0xb8;
	[tilespmem:$0xA320] =	vst v63  }
0x1b: {  	s29 =	sadd.s32 $0x2A30, s20  }
0x1c: {  	[spmem:s2] =	stream.indirect.scatter.add.f32 [tilespmem:s15], [sflag:$0x1], $0x10, s29, s14, $0xb8;
	[tilespmem:$0xA320] =	vst v63  }
0x1d: {  	s30 =	sadd.s32 $0x2A80, s20  }
0x1e: {  	[spmem:s2] =	stream.indirect.scatter.add.f32 [tilespmem:s15], [sflag:$0x1], $0x10, s30, s14, $0xb8;
	[tilespmem:$0xA320] =	vst v63  }
0x1f: {  	s31 =	sadd.s32 $0x2AD0, s20  }
0x20: {  	[spmem:s2] =	stream.indirect.scatter.add.f32 [tilespmem:s15], [sflag:$0x1], $0x10, s31, s14, $0xb8;
	[tilespmem:$0xA320] =	vst v63  }
0x21: {  	_ =	swait.ge [sflag:s16], $0x500  }
0x22: {  	[sflag:s16] =	ssyncset.done $0x0  }
0x23: {  	[sflag:s16] =	ssyncadd.s32 $0xFFFFFB00  }
0x24: {  	_ =	swait.ge [sflag:s16], $0x500  }
0x25: {  	[sflag:s16] =	ssyncset.done $0x0  }
0x26: {  	[sflag:s16] =	ssyncadd.s32 $0xFFFFFB00  }
0x27: {  	_ =	swait.ge [sflag:s16], $0x500  }
0x28: {  	[sflag:s16] =	ssyncset.done $0x0  }
0x29: {  	[sflag:s16] =	ssyncadd.s32 $0xFFFFFB00  }
0x2a: {  	_ =	swait.ge [sflag:s16], $0x500  }
0x2b: {  	[sflag:s16] =	ssyncset.done $0x0  }
0x2c: {  	[sflag:s16] =	ssyncadd.s32 $0xFFFFFB00  }
0x2d: {  	_ =	swait.ge [sflag:s16], $0x500  }
0x2e: {  	[sflag:s16] =	ssyncset.done $0x0  }
0x2f: {  	[sflag:s16] =	ssyncadd.s32 $0xFFFFFB00  }
0x30: {  	_ =	swait.ge [sflag:s16], $0x500  }
0x31: {  	[sflag:s16] =	ssyncset.done $0x0  }
0x32: {  	[sflag:s16] =	ssyncadd.s32 $0xFFFFFB00  }
0x33: {  	_ =	swait.ge [sflag:s16], $0x500  }
0x34: {  	[sflag:s16] =	ssyncset.done $0x0  }
0x35: {  	[sflag:s16] =	ssyncadd.s32 $0xFFFFFB00  }
0x36: {  	_ =	swait.ge [sflag:s16], $0x500  }
0x37: {  	[sflag:s16] =	ssyncset.done $0x0  }
0x38: {  	[sflag:s16] =	ssyncadd.s32 $0xFFFFFB00  }
0x39: {  	_ =	swait.ge [sflag:s16], $0x500  }
0x3a: {  	[sflag:s16] =	ssyncset.done $0x0  }
0x3b: {  	[sflag:s16] =	ssyncadd.s32 $0xFFFFFB00  }
0x3c: {  	_ =	swait.ge [sflag:s16], $0x500  }
0x3d: {  	[sflag:s16] =	ssyncset.done $0x0  }
0x3e: {  	s18 =	smov.u32 s5;
	[sflag:s16] =	ssyncadd.s32 $0xFFFFFB00  }
.LBB2_12:
0x3f: {  	s3 =	sadd.s32 $0x1, s3  }
0x40: {  	s18 =	sadd.s32 s18, s8;
	p1 =	sne.s32 s3, s10  }
.Ltmp1:
0x41: {  	[bflag:$0x0] =	sbarrier.arrive $0xFFFF;
	s19 =	sshrl.u32 s6, $0x3;
	(pc) =	sbr.rel @!p1 .LBB2_13-.Ltmp1, $4  }
0x42: {  	[hbm:s18], [sflag:s17] =	dma.local [spmem:s19], $0x500  }
0x43: {  	_ =	swait.ge [sflag:s12], $0x500  }
0x44: {  	[sflag:s12] =	ssyncset.done $0x0  }
0x45: {  	[sflag:s12] =	ssyncadd.s32 $0xFFFFFB00  }
.LBB2_1:
0x46: {  	s18 =	simm.s32 $0x0  }
.LBB2_2:
0x47: {  	p1 =	sne.s32 s18, $0x13C0  }
.Ltmp2:
0x48: {  	_ = 	snop;
	(pc) =	sbr.rel @p1 .LBB2_2-.Ltmp2, $3  }
0x49: {  	_ =	sdelay $0x1  }
0x4a: {  	s19 =	sshra.s32 s18, $0x2  }
0x4b: {  	s18 =	sadd.s32 $0x40, s18;
	[tilespmem:s19+$0x7620] =	vst v0  }
0x4c: {  	s18 =	simm.s32 $0x40;
	s19 =	simm.s32 $0x0  }
.LBB2_4:
0x4d: {  	p1 =	sne.s32 s18, $0x9FC0;
	[tilespmem:s19+$0x7B20] =	vst v1;
	s19 =	smov.u32 s18;
	s18 =	sadd.s32 $0x40, s18  }
.Ltmp3:
0x4e: {  	(pc) =	sbr.rel @p1 .LBB2_4-.Ltmp3, $2  }
0x4f: {  	_ =	sdelay $0x2  }
0x50: {  	s19 =	sshra.s32 s19, $0x2  }
0x51: {  	[tilespmem:s19+$0x7B20] =	vst v1  }
0x52: {  	[spmem:s6] =	stream.linear.scatter [tilespmem:s11], [sflag:$0x2], $0x2800, $0x38;
	[tilespmem:$0xA320] =	vst v63  }
.Ltmp4:
0x53: {  	_ =	swait.ge [sflag:s12], $0x2800;
	(pc) =	sbr.rel @p0 .LBB2_9-.Ltmp4, $4  }
0x54: {  	[sflag:s12] =	ssyncset.done $0x0  }
0x55: {  	[sflag:s12] =	ssyncadd.s32 $0xFFFFD800  }
0x56: {  	[bflag:$0x0] =	sbarrier.arrive $0xFFFF  }
0x57: {  	s18 =	simm.s32 $0x0  }
0x58: {  	[tilespmem:s13], [sflag:$0x2] =	stream.linear.gather [hbm4b:s9+s18], $0x4E20, $0x38;
	[tilespmem:$0xA320] =	vst v63  }
0x59: {  	_ =	swait.ge [sflag:s12], $0x4E20  }
0x5a: {  	[sflag:s12] =	ssyncset.done $0x0  }
0x5b: {  	s21 =	simm.s32 $0x2800;
	[sflag:s12] =	ssyncadd.s32 $0xFFFFB1E0  }
0x5c: {  	[spmem:s2] =	stream.indirect.scatter.add.f32 [tilespmem:s15], [sflag:$0x1], $0x10, s21, s14, $0xb8;
	[tilespmem:$0xA320] =	vst v63  }
0x5d: {  	s22 =	simm.s32 $0x2850  }
0x5e: {  	[spmem:s2] =	stream.indirect.scatter.add.f32 [tilespmem:s15], [sflag:$0x1], $0x10, s22, s14, $0xb8;
	[tilespmem:$0xA320] =	vst v63  }
0x5f: {  	s23 =	simm.s32 $0x28A0  }
0x60: {  	[spmem:s2] =	stream.indirect.scatter.add.f32 [tilespmem:s15], [sflag:$0x1], $0x10, s23, s14, $0xb8;
	[tilespmem:$0xA320] =	vst v63  }
0x61: {  	s24 =	simm.s32 $0x28F0  }
0x62: {  	[spmem:s2] =	stream.indirect.scatter.add.f32 [tilespmem:s15], [sflag:$0x1], $0x10, s24, s14, $0xb8;
	[tilespmem:$0xA320] =	vst v63  }
0x63: {  	s25 =	simm.s32 $0x2940  }
0x64: {  	[spmem:s2] =	stream.indirect.scatter.add.f32 [tilespmem:s15], [sflag:$0x1], $0x10, s25, s14, $0xb8;
	[tilespmem:$0xA320] =	vst v63  }
0x65: {  	s26 =	simm.s32 $0x2990  }
0x66: {  	[spmem:s2] =	stream.indirect.scatter.add.f32 [tilespmem:s15], [sflag:$0x1], $0x10, s26, s14, $0xb8;
	[tilespmem:$0xA320] =	vst v63  }
0x67: {  	s28 =	simm.s32 $0x29E0  }
0x68: {  	[spmem:s2] =	stream.indirect.scatter.add.f32 [tilespmem:s15], [sflag:$0x1], $0x10, s28, s14, $0xb8;
	[tilespmem:$0xA320] =	vst v63  }
0x69: {  	s29 =	simm.s32 $0x2A30  }
0x6a: {  	[spmem:s2] =	stream.indirect.scatter.add.f32 [tilespmem:s15], [sflag:$0x1], $0x10, s29, s14, $0xb8;
	[tilespmem:$0xA320] =	vst v63  }
0x6b: {  	s30 =	simm.s32 $0x2A80  }
0x6c: {  	[spmem:s2] =	stream.indirect.scatter.add.f32 [tilespmem:s15], [sflag:$0x1], $0x10, s30, s14, $0xb8;
	[tilespmem:$0xA320] =	vst v63  }
0x6d: {  	s31 =	simm.s32 $0x2AD0  }
0x6e: {  	[spmem:s2] =	stream.indirect.scatter.add.f32 [tilespmem:s15], [sflag:$0x1], $0x10, s31, s14, $0xb8;
	[tilespmem:$0xA320] =	vst v63  }
0x6f: {  	_ =	swait.ge [sflag:s16], $0x500  }
0x70: {  	[sflag:s16] =	ssyncset.done $0x0  }
0x71: {  	[sflag:s16] =	ssyncadd.s32 $0xFFFFFB00  }
0x72: {  	_ =	swait.ge [sflag:s16], $0x500  }
0x73: {  	[sflag:s16] =	ssyncset.done $0x0  }
0x74: {  	[sflag:s16] =	ssyncadd.s32 $0xFFFFFB00  }
0x75: {  	_ =	swait.ge [sflag:s16], $0x500  }
0x76: {  	[sflag:s16] =	ssyncset.done $0x0  }
0x77: {  	[sflag:s16] =	ssyncadd.s32 $0xFFFFFB00  }
0x78: {  	_ =	swait.ge [sflag:s16], $0x500  }
0x79: {  	[sflag:s16] =	ssyncset.done $0x0  }
0x7a: {  	[sflag:s16] =	ssyncadd.s32 $0xFFFFFB00  }
0x7b: {  	_ =	swait.ge [sflag:s16], $0x500  }
0x7c: {  	[sflag:s16] =	ssyncset.done $0x0  }
0x7d: {  	[sflag:s16] =	ssyncadd.s32 $0xFFFFFB00  }
0x7e: {  	_ =	swait.ge [sflag:s16], $0x500  }
0x7f: {  	[sflag:s16] =	ssyncset.done $0x0  }
0x80: {  	[sflag:s16] =	ssyncadd.s32 $0xFFFFFB00  }
0x81: {  	_ =	swait.ge [sflag:s16], $0x500  }
0x82: {  	[sflag:s16] =	ssyncset.done $0x0  }
0x83: {  	[sflag:s16] =	ssyncadd.s32 $0xFFFFFB00  }
0x84: {  	_ =	swait.ge [sflag:s16], $0x500  }
0x85: {  	[sflag:s16] =	ssyncset.done $0x0  }
0x86: {  	[sflag:s16] =	ssyncadd.s32 $0xFFFFFB00  }
0x87: {  	_ =	swait.ge [sflag:s16], $0x500  }
0x88: {  	[sflag:s16] =	ssyncset.done $0x0  }
0x89: {  	[sflag:s16] =	ssyncadd.s32 $0xFFFFFB00  }
0x8a: {  	_ =	swait.ge [sflag:s16], $0x500  }
0x8b: {  	s20 =	simm.s32 $0x320;
	s21 =	simm.s32 $0x1900;
	[sflag:s16] =	ssyncset.done $0x0  }
.LBB2_7:
0x8c: {  	s22 =	sadd.s32 $0x2800, s20  }
0x8d: {  	[sflag:s16] =	ssyncadd.s32 $0xFFFFFB00;
	s19 =	smov.u32 s21;
	s18 =	sadd.s32 $0xC80, s21  }
0x8e: {  	[spmem:s2] =	stream.indirect.scatter.add.f32 [tilespmem:s15], [sflag:$0x1], $0x10, s22, s14, $0xb8;
	[tilespmem:$0xA320] =	vst v63  }
0x8f: {  	p1 =	seq.s32 s21, $0x12C00;
	s21 =	sadd.s32 $0x2850, s20  }
0x90: {  	[spmem:s2] =	stream.indirect.scatter.add.f32 [tilespmem:s15], [sflag:$0x1], $0x10, s21, s14, $0xb8;
	[tilespmem:$0xA320] =	vst v63  }
0x91: {  	s21 =	sadd.s32 $0x28A0, s20  }
0x92: {  	[spmem:s2] =	stream.indirect.scatter.add.f32 [tilespmem:s15], [sflag:$0x1], $0x10, s21, s14, $0xb8;
	[tilespmem:$0xA320] =	vst v63  }
0x93: {  	s21 =	sadd.s32 $0x28F0, s20  }
0x94: {  	[spmem:s2] =	stream.indirect.scatter.add.f32 [tilespmem:s15], [sflag:$0x1], $0x10, s21, s14, $0xb8;
	[tilespmem:$0xA320] =	vst v63  }
0x95: {  	s21 =	sadd.s32 $0x2940, s20  }
0x96: {  	[spmem:s2] =	stream.indirect.scatter.add.f32 [tilespmem:s15], [sflag:$0x1], $0x10, s21, s14, $0xb8;
	[tilespmem:$0xA320] =	vst v63  }
0x97: {  	s21 =	sadd.s32 $0x2990, s20  }
0x98: {  	[spmem:s2] =	stream.indirect.scatter.add.f32 [tilespmem:s15], [sflag:$0x1], $0x10, s21, s14, $0xb8;
	[tilespmem:$0xA320] =	vst v63  }
0x99: {  	s21 =	sadd.s32 $0x29E0, s20  }
0x9a: {  	[spmem:s2] =	stream.indirect.scatter.add.f32 [tilespmem:s15], [sflag:$0x1], $0x10, s21, s14, $0xb8;
	[tilespmem:$0xA320] =	vst v63  }
0x9b: {  	s21 =	sadd.s32 $0x2A30, s20  }
0x9c: {  	[spmem:s2] =	stream.indirect.scatter.add.f32 [tilespmem:s15], [sflag:$0x1], $0x10, s21, s14, $0xb8;
	[tilespmem:$0xA320] =	vst v63  }
0x9d: {  	s21 =	sadd.s32 $0x2A80, s20  }
0x9e: {  	[spmem:s2] =	stream.indirect.scatter.add.f32 [tilespmem:s15], [sflag:$0x1], $0x10, s21, s14, $0xb8;
	[tilespmem:$0xA320] =	vst v63  }
0x9f: {  	s20 =	sadd.s32 $0x2AD0, s20  }
0xa0: {  	[spmem:s2] =	stream.indirect.scatter.add.f32 [tilespmem:s15], [sflag:$0x1], $0x10, s20, s14, $0xb8;
	[tilespmem:$0xA320] =	vst v63  }
0xa1: {  	_ =	swait.ge [sflag:s16], $0x500  }
0xa2: {  	[sflag:s16] =	ssyncset.done $0x0  }
0xa3: {  	[sflag:s16] =	ssyncadd.s32 $0xFFFFFB00  }
0xa4: {  	_ =	swait.ge [sflag:s16], $0x500  }
0xa5: {  	[sflag:s16] =	ssyncset.done $0x0  }
0xa6: {  	[sflag:s16] =	ssyncadd.s32 $0xFFFFFB00  }
0xa7: {  	_ =	swait.ge [sflag:s16], $0x500  }
0xa8: {  	[sflag:s16] =	ssyncset.done $0x0  }
0xa9: {  	[sflag:s16] =	ssyncadd.s32 $0xFFFFFB00  }
0xaa: {  	_ =	swait.ge [sflag:s16], $0x500  }
0xab: {  	[sflag:s16] =	ssyncset.done $0x0  }
0xac: {  	[sflag:s16] =	ssyncadd.s32 $0xFFFFFB00  }
0xad: {  	_ =	swait.ge [sflag:s16], $0x500  }
0xae: {  	[sflag:s16] =	ssyncset.done $0x0  }
0xaf: {  	[sflag:s16] =	ssyncadd.s32 $0xFFFFFB00  }
0xb0: {  	_ =	swait.ge [sflag:s16], $0x500  }
0xb1: {  	[sflag:s16] =	ssyncset.done $0x0  }
0xb2: {  	[sflag:s16] =	ssyncadd.s32 $0xFFFFFB00  }
0xb3: {  	_ =	swait.ge [sflag:s16], $0x500  }
0xb4: {  	[sflag:s16] =	ssyncset.done $0x0  }
0xb5: {  	[sflag:s16] =	ssyncadd.s32 $0xFFFFFB00  }
0xb6: {  	_ =	swait.ge [sflag:s16], $0x500  }
0xb7: {  	[sflag:s16] =	ssyncset.done $0x0  }
0xb8: {  	[sflag:s16] =	ssyncadd.s32 $0xFFFFFB00  }
.Ltmp5:
0xb9: {  	_ =	swait.ge [sflag:s16], $0x500;
	(pc) =	sbr.rel @!p1 .LBB2_7-.Ltmp5, $4  }
0xba: {  	[sflag:s16] =	ssyncset.done $0x0  }
0xbb: {  	[sflag:s16] =	ssyncadd.s32 $0xFFFFFB00  }
0xbc: {  	_ =	swait.ge [sflag:s16], $0x500  }
0xbd: {  	s21 =	smov.u32 s18;
	s20 =	sshra.s32 s19, $0x2;
	[sflag:s16] =	ssyncset.done $0x0  }
0xbe: {  	s18 =	sadd.s32 $0x2800, s20;
	[sflag:s16] =	ssyncadd.s32 $0xFFFFFB00  }
0xbf: {  	[spmem:s2] =	stream.indirect.scatter.add.f32 [tilespmem:s15], [sflag:$0x1], $0x10, s18, s14, $0xb8;
	[tilespmem:$0xA320] =	vst v63  }
0xc0: {  	s22 =	sadd.s32 $0x2850, s20  }
0xc1: {  	[spmem:s2] =	stream.indirect.scatter.add.f32 [tilespmem:s15], [sflag:$0x1], $0x10, s22, s14, $0xb8;
	[tilespmem:$0xA320] =	vst v63  }
0xc2: {  	s23 =	sadd.s32 $0x28A0, s20  }
0xc3: {  	[spmem:s2] =	stream.indirect.scatter.add.f32 [tilespmem:s15], [sflag:$0x1], $0x10, s23, s14, $0xb8;
	[tilespmem:$0xA320] =	vst v63  }
0xc4: {  	s24 =	sadd.s32 $0x28F0, s20  }
0xc5: {  	[spmem:s2] =	stream.indirect.scatter.add.f32 [tilespmem:s15], [sflag:$0x1], $0x10, s24, s14, $0xb8;
	[tilespmem:$0xA320] =	vst v63  }
0xc6: {  	s25 =	sadd.s32 $0x2940, s20  }
0xc7: {  	[spmem:s2] =	stream.indirect.scatter.add.f32 [tilespmem:s15], [sflag:$0x1], $0x10, s25, s14, $0xb8;
	[tilespmem:$0xA320] =	vst v63  }
0xc8: {  	s26 =	sadd.s32 $0x2990, s20  }
0xc9: {  	[spmem:s2] =	stream.indirect.scatter.add.f32 [tilespmem:s15], [sflag:$0x1], $0x10, s26, s14, $0xb8;
	[tilespmem:$0xA320] =	vst v63  }
0xca: {  	s28 =	sadd.s32 $0x29E0, s20  }
0xcb: {  	[spmem:s2] =	stream.indirect.scatter.add.f32 [tilespmem:s15], [sflag:$0x1], $0x10, s28, s14, $0xb8;
	[tilespmem:$0xA320] =	vst v63  }
0xcc: {  	s29 =	sadd.s32 $0x2A30, s20  }
0xcd: {  	[spmem:s2] =	stream.indirect.scatter.add.f32 [tilespmem:s15], [sflag:$0x1], $0x10, s29, s14, $0xb8;
	[tilespmem:$0xA320] =	vst v63  }
0xce: {  	s30 =	sadd.s32 $0x2A80, s20  }
0xcf: {  	[spmem:s2] =	stream.indirect.scatter.add.f32 [tilespmem:s15], [sflag:$0x1], $0x10, s30, s14, $0xb8;
	[tilespmem:$0xA320] =	vst v63  }
0xd0: {  	s31 =	sadd.s32 $0x2AD0, s20  }
0xd1: {  	[spmem:s2] =	stream.indirect.scatter.add.f32 [tilespmem:s15], [sflag:$0x1], $0x10, s31, s14, $0xb8;
	[tilespmem:$0xA320] =	vst v63  }
0xd2: {  	_ =	swait.ge [sflag:s16], $0x500  }
0xd3: {  	[sflag:s16] =	ssyncset.done $0x0  }
0xd4: {  	[sflag:s16] =	ssyncadd.s32 $0xFFFFFB00  }
0xd5: {  	_ =	swait.ge [sflag:s16], $0x500  }
0xd6: {  	[sflag:s16] =	ssyncset.done $0x0  }
0xd7: {  	[sflag:s16] =	ssyncadd.s32 $0xFFFFFB00  }
0xd8: {  	_ =	swait.ge [sflag:s16], $0x500  }
0xd9: {  	[sflag:s16] =	ssyncset.done $0x0  }
0xda: {  	[sflag:s16] =	ssyncadd.s32 $0xFFFFFB00  }
0xdb: {  	_ =	swait.ge [sflag:s16], $0x500  }
0xdc: {  	[sflag:s16] =	ssyncset.done $0x0  }
0xdd: {  	[sflag:s16] =	ssyncadd.s32 $0xFFFFFB00  }
0xde: {  	_ =	swait.ge [sflag:s16], $0x500  }
0xdf: {  	[sflag:s16] =	ssyncset.done $0x0  }
0xe0: {  	[sflag:s16] =	ssyncadd.s32 $0xFFFFFB00  }
0xe1: {  	_ =	swait.ge [sflag:s16], $0x500  }
0xe2: {  	[sflag:s16] =	ssyncset.done $0x0  }
0xe3: {  	[sflag:s16] =	ssyncadd.s32 $0xFFFFFB00  }
0xe4: {  	_ =	swait.ge [sflag:s16], $0x500  }
0xe5: {  	[sflag:s16] =	ssyncset.done $0x0  }
0xe6: {  	[sflag:s16] =	ssyncadd.s32 $0xFFFFFB00  }
0xe7: {  	_ =	swait.ge [sflag:s16], $0x500  }
0xe8: {  	[sflag:s16] =	ssyncset.done $0x0  }
0xe9: {  	[sflag:s16] =	ssyncadd.s32 $0xFFFFFB00  }
0xea: {  	_ =	swait.ge [sflag:s16], $0x500  }
.Ltmp6:
0xeb: {  	[sflag:s16] =	ssyncset.done $0x0;
	(pc) =	sbr.rel .LBB2_12-.Ltmp6, $4  }
0xec: {  	[sflag:s16] =	ssyncadd.s32 $0xFFFFFB00  }
0xed: {  	_ =	swait.ge [sflag:s16], $0x500  }
0xee: {  	[sflag:s16] =	ssyncset.done $0x0  }
0xef: {  	s18 =	smov.u32 s4;
	[sflag:s16] =	ssyncadd.s32 $0xFFFFFB00  }
.LBB2_9:
0xf0: {  	[tilespmem:s13], [sflag:$0x2] =	stream.linear.gather [hbm4b:s7+s18], $0x4E20, $0x38;
	[tilespmem:$0xA320] =	vst v63  }
0xf1: {  	_ =	swait.ge [sflag:s12], $0x4E20  }
0xf2: {  	[sflag:s12] =	ssyncset.done $0x0  }
0xf3: {  	s21 =	simm.s32 $0x2800;
	[sflag:s12] =	ssyncadd.s32 $0xFFFFB1E0  }
0xf4: {  	[spmem:s2] =	stream.indirect.scatter.add.f32 [tilespmem:s15], [sflag:$0x1], $0x10, s21, s14, $0xb8;
	[tilespmem:$0xA320] =	vst v63  }
0xf5: {  	s22 =	simm.s32 $0x2850  }
0xf6: {  	[spmem:s2] =	stream.indirect.scatter.add.f32 [tilespmem:s15], [sflag:$0x1], $0x10, s22, s14, $0xb8;
	[tilespmem:$0xA320] =	vst v63  }
0xf7: {  	s23 =	simm.s32 $0x28A0  }
0xf8: {  	[spmem:s2] =	stream.indirect.scatter.add.f32 [tilespmem:s15], [sflag:$0x1], $0x10, s23, s14, $0xb8;
	[tilespmem:$0xA320] =	vst v63  }
0xf9: {  	s24 =	simm.s32 $0x28F0  }
0xfa: {  	[spmem:s2] =	stream.indirect.scatter.add.f32 [tilespmem:s15], [sflag:$0x1], $0x10, s24, s14, $0xb8;
	[tilespmem:$0xA320] =	vst v63  }
0xfb: {  	s25 =	simm.s32 $0x2940  }
0xfc: {  	[spmem:s2] =	stream.indirect.scatter.add.f32 [tilespmem:s15], [sflag:$0x1], $0x10, s25, s14, $0xb8;
	[tilespmem:$0xA320] =	vst v63  }
0xfd: {  	s26 =	simm.s32 $0x2990  }
0xfe: {  	[spmem:s2] =	stream.indirect.scatter.add.f32 [tilespmem:s15], [sflag:$0x1], $0x10, s26, s14, $0xb8;
	[tilespmem:$0xA320] =	vst v63  }
0xff: {  	s28 =	simm.s32 $0x29E0  }
0x100: {  	[spmem:s2] =	stream.indirect.scatter.add.f32 [tilespmem:s15], [sflag:$0x1], $0x10, s28, s14, $0xb8;
	[tilespmem:$0xA320] =	vst v63  }
0x101: {  	s29 =	simm.s32 $0x2A30  }
0x102: {  	[spmem:s2] =	stream.indirect.scatter.add.f32 [tilespmem:s15], [sflag:$0x1], $0x10, s29, s14, $0xb8;
	[tilespmem:$0xA320] =	vst v63  }
0x103: {  	s30 =	simm.s32 $0x2A80  }
0x104: {  	[spmem:s2] =	stream.indirect.scatter.add.f32 [tilespmem:s15], [sflag:$0x1], $0x10, s30, s14, $0xb8;
	[tilespmem:$0xA320] =	vst v63  }
0x105: {  	s31 =	simm.s32 $0x2AD0  }
0x106: {  	[spmem:s2] =	stream.indirect.scatter.add.f32 [tilespmem:s15], [sflag:$0x1], $0x10, s31, s14, $0xb8;
	[tilespmem:$0xA320] =	vst v63  }
0x107: {  	_ =	swait.ge [sflag:s16], $0x500  }
0x108: {  	[sflag:s16] =	ssyncset.done $0x0  }
0x109: {  	[sflag:s16] =	ssyncadd.s32 $0xFFFFFB00  }
0x10a: {  	_ =	swait.ge [sflag:s16], $0x500  }
0x10b: {  	[sflag:s16] =	ssyncset.done $0x0  }
0x10c: {  	[sflag:s16] =	ssyncadd.s32 $0xFFFFFB00  }
0x10d: {  	_ =	swait.ge [sflag:s16], $0x500  }
0x10e: {  	[sflag:s16] =	ssyncset.done $0x0  }
0x10f: {  	[sflag:s16] =	ssyncadd.s32 $0xFFFFFB00  }
0x110: {  	_ =	swait.ge [sflag:s16], $0x500  }
0x111: {  	[sflag:s16] =	ssyncset.done $0x0  }
0x112: {  	[sflag:s16] =	ssyncadd.s32 $0xFFFFFB00  }
0x113: {  	_ =	swait.ge [sflag:s16], $0x500  }
0x114: {  	[sflag:s16] =	ssyncset.done $0x0  }
0x115: {  	[sflag:s16] =	ssyncadd.s32 $0xFFFFFB00  }
0x116: {  	_ =	swait.ge [sflag:s16], $0x500  }
0x117: {  	[sflag:s16] =	ssyncset.done $0x0  }
0x118: {  	[sflag:s16] =	ssyncadd.s32 $0xFFFFFB00  }
0x119: {  	_ =	swait.ge [sflag:s16], $0x500  }
0x11a: {  	[sflag:s16] =	ssyncset.done $0x0  }
0x11b: {  	[sflag:s16] =	ssyncadd.s32 $0xFFFFFB00  }
0x11c: {  	_ =	swait.ge [sflag:s16], $0x500  }
0x11d: {  	[sflag:s16] =	ssyncset.done $0x0  }
0x11e: {  	[sflag:s16] =	ssyncadd.s32 $0xFFFFFB00  }
0x11f: {  	_ =	swait.ge [sflag:s16], $0x500  }
0x120: {  	[sflag:s16] =	ssyncset.done $0x0  }
0x121: {  	[sflag:s16] =	ssyncadd.s32 $0xFFFFFB00  }
0x122: {  	_ =	swait.ge [sflag:s16], $0x500  }
0x123: {  	s20 =	simm.s32 $0x320;
	s21 =	simm.s32 $0x1900;
	[sflag:s16] =	ssyncset.done $0x0  }
.LBB2_10:
0x124: {  	s22 =	sadd.s32 $0x2800, s20  }
0x125: {  	[sflag:s16] =	ssyncadd.s32 $0xFFFFFB00;
	s19 =	smov.u32 s21;
	s18 =	sadd.s32 $0xC80, s21  }
0x126: {  	[spmem:s2] =	stream.indirect.scatter.add.f32 [tilespmem:s15], [sflag:$0x1], $0x10, s22, s14, $0xb8;
	[tilespmem:$0xA320] =	vst v63  }
0x127: {  	p1 =	sne.s32 s21, $0x12C00;
	s21 =	sadd.s32 $0x2850, s20  }
0x128: {  	[spmem:s2] =	stream.indirect.scatter.add.f32 [tilespmem:s15], [sflag:$0x1], $0x10, s21, s14, $0xb8;
	[tilespmem:$0xA320] =	vst v63  }
0x129: {  	s21 =	sadd.s32 $0x28A0, s20  }
0x12a: {  	[spmem:s2] =	stream.indirect.scatter.add.f32 [tilespmem:s15], [sflag:$0x1], $0x10, s21, s14, $0xb8;
	[tilespmem:$0xA320] =	vst v63  }
0x12b: {  	s21 =	sadd.s32 $0x28F0, s20  }
0x12c: {  	[spmem:s2] =	stream.indirect.scatter.add.f32 [tilespmem:s15], [sflag:$0x1], $0x10, s21, s14, $0xb8;
	[tilespmem:$0xA320] =	vst v63  }
0x12d: {  	s21 =	sadd.s32 $0x2940, s20  }
0x12e: {  	[spmem:s2] =	stream.indirect.scatter.add.f32 [tilespmem:s15], [sflag:$0x1], $0x10, s21, s14, $0xb8;
	[tilespmem:$0xA320] =	vst v63  }
0x12f: {  	s21 =	sadd.s32 $0x2990, s20  }
0x130: {  	[spmem:s2] =	stream.indirect.scatter.add.f32 [tilespmem:s15], [sflag:$0x1], $0x10, s21, s14, $0xb8;
	[tilespmem:$0xA320] =	vst v63  }
0x131: {  	s21 =	sadd.s32 $0x29E0, s20  }
0x132: {  	[spmem:s2] =	stream.indirect.scatter.add.f32 [tilespmem:s15], [sflag:$0x1], $0x10, s21, s14, $0xb8;
	[tilespmem:$0xA320] =	vst v63  }
0x133: {  	s21 =	sadd.s32 $0x2A30, s20  }
0x134: {  	[spmem:s2] =	stream.indirect.scatter.add.f32 [tilespmem:s15], [sflag:$0x1], $0x10, s21, s14, $0xb8;
	[tilespmem:$0xA320] =	vst v63  }
0x135: {  	s21 =	sadd.s32 $0x2A80, s20  }
0x136: {  	[spmem:s2] =	stream.indirect.scatter.add.f32 [tilespmem:s15], [sflag:$0x1], $0x10, s21, s14, $0xb8;
	[tilespmem:$0xA320] =	vst v63  }
0x137: {  	s20 =	sadd.s32 $0x2AD0, s20  }
0x138: {  	[spmem:s2] =	stream.indirect.scatter.add.f32 [tilespmem:s15], [sflag:$0x1], $0x10, s20, s14, $0xb8;
	[tilespmem:$0xA320] =	vst v63  }
0x139: {  	_ =	swait.ge [sflag:s16], $0x500  }
0x13a: {  	[sflag:s16] =	ssyncset.done $0x0  }
0x13b: {  	[sflag:s16] =	ssyncadd.s32 $0xFFFFFB00  }
0x13c: {  	_ =	swait.ge [sflag:s16], $0x500  }
0x13d: {  	[sflag:s16] =	ssyncset.done $0x0  }
0x13e: {  	[sflag:s16] =	ssyncadd.s32 $0xFFFFFB00  }
0x13f: {  	_ =	swait.ge [sflag:s16], $0x500  }
0x140: {  	[sflag:s16] =	ssyncset.done $0x0  }
0x141: {  	[sflag:s16] =	ssyncadd.s32 $0xFFFFFB00  }
0x142: {  	_ =	swait.ge [sflag:s16], $0x500  }
0x143: {  	[sflag:s16] =	ssyncset.done $0x0  }
0x144: {  	[sflag:s16] =	ssyncadd.s32 $0xFFFFFB00  }
0x145: {  	_ =	swait.ge [sflag:s16], $0x500  }
0x146: {  	[sflag:s16] =	ssyncset.done $0x0  }
0x147: {  	[sflag:s16] =	ssyncadd.s32 $0xFFFFFB00  }
0x148: {  	_ =	swait.ge [sflag:s16], $0x500  }
0x149: {  	[sflag:s16] =	ssyncset.done $0x0  }
0x14a: {  	[sflag:s16] =	ssyncadd.s32 $0xFFFFFB00  }
0x14b: {  	_ =	swait.ge [sflag:s16], $0x500  }
0x14c: {  	[sflag:s16] =	ssyncset.done $0x0  }
0x14d: {  	[sflag:s16] =	ssyncadd.s32 $0xFFFFFB00  }
0x14e: {  	_ =	swait.ge [sflag:s16], $0x500  }
0x14f: {  	[sflag:s16] =	ssyncset.done $0x0  }
0x150: {  	[sflag:s16] =	ssyncadd.s32 $0xFFFFFB00  }
.Ltmp7:
0x151: {  	_ =	swait.ge [sflag:s16], $0x500;
	(pc) =	sbr.rel @p1 .LBB2_10-.Ltmp7, $4  }
0x152: {  	[sflag:s16] =	ssyncset.done $0x0  }
0x153: {  	[sflag:s16] =	ssyncadd.s32 $0xFFFFFB00  }
0x154: {  	_ =	swait.ge [sflag:s16], $0x500  }
0x155: {  	s21 =	smov.u32 s18;
	s20 =	sshra.s32 s19, $0x2;
	[sflag:s16] =	ssyncset.done $0x0  }
.Ltmp8:
0x156: {  	_ = 	snop;
	(pc) =	sbr.rel .LBB2_11-.Ltmp8, $1  }
0x157: {  	_ =	sdelay $0x3  }
.LBB2_13:
0x158: {  	_ =	sfence.sel $0x180000  }
0x159: {  	[bflag:$0x0] =	sbarrier.arrive $0xFFFF  }
0x15a: {  	p0 =	sne.s32 s1, $0x0;
	_ =	strace $0x90000047  }
0x15b: {  	s0 =	sadd.s32 @!p0 $0x100000, s0;
	[bflag:$0x2] =	sbarrier.arrive $0xFFFF  }
0x15c: {  	[sflag:s0] =	ssyncadd.tile.s32 @!p0 $0x1;
	_ =	shalt  }
.Lfunc_end2:
_tile_overlayer_lowered:
.L_overlay_start_2:
0x15d: {  	(tag) =	ssettag $0x2  }
0x15e: {  	s0 =	rddreg [dreg:$0x0];
	s2 =	stileid.u32  }
0x15f: {  	s1 =	rddreg [dreg:$0x1];
	p0 =	sne.s32 s2, $0x0  }
0x160: {  	s3 =	rddreg [dreg:$0x2];
	[bflag:$0x3] =	sbarrier.arrive $0xFFFF;
	s2 =	simm.s32 @!p0 $0x1C02  }
0x161: {  	[timem:s3], [sflag:s2] =	dma.local @!p0 [hbm:s0], s1  }
0x162: {  	s0 =	simm.s32 @!p0 $0x2  }
0x163: {  	_ =	swait.ge @!p0 [sflag:s0], s1  }
0x164: {  	s1 =	ssub.s32 @!p0 $0x0, s1;
	[sflag:s0] =	ssyncset.done @!p0 $0x0  }
0x165: {  	[sflag:s0] =	ssyncadd.s32 @!p0 s1  }
0x166: {  	[bflag:$0x3] =	sbarrier.arrive $0xFFFF  }
0x167: {  	_ =	shalt  }

// kernel: kernel.13.cloned.1.call-start
scs
__scs_entry_jumppad:
0x0: {  	(pc) =	sbr.rel $0x88, $3  }
0x1: {  	(tag) =	ssettag $0x0;
	lr =	simm.s32 $0x1  }
0x2: {  	[smem:$0x3F97] =	sst lr;
	_ =	strace $0xD0000000  }
0x3: {  	_ = 	snop  }
0x4: {  	_ = 	snop  }
0x5: {  	_ = 	snop  }
0x6: {  	_ = 	snop  }
0x7: {  	_ = 	snop  }
__scs_overlays_trampoline_lowered:
0x8: {  	[smem:$0x3FA6] =	sst s0  }
0x9: {  	[smem:$0x3FA7] =	sst s1  }
0xa: {  	[smem:$0x3FA8] =	sst s2  }
0xb: {  	[smem:$0x3FA9] =	sst s3  }
0xc: {  	[smem:$0x3FAA] =	sst s4  }
0xd: {  	[smem:$0x3FAB] =	sst s5  }
0xe: {  	[smem:$0x3FAC] =	sst s6  }
0xf: {  	[smem:$0x3FAD] =	sst s7  }
0x10: {  	[smem:$0x3FAE] =	sst s8  }
0x11: {  	[smem:$0x3FAF] =	sst s9;
	s0 =	simm.s32 @!p0 $0x0  }
0x12: {  	s1 =	sld [smem:$0x3F95];
	s0 =	simm.s32 @p0 $0x1  }
0x13: {  	[smem:$0x3FB0] =	sst s0;
	s0 =	simm.s32 @!p1 $0x0  }
0x14: {  	s2 =	sld [smem:$0x3F94];
	s0 =	simm.s32 @p1 $0x1  }
0x15: {  	[smem:$0x3FB1] =	sst s0;
	s0 =	simm.s32 @!p2 $0x0  }
0x16: {  	s3 =	sld [smem:$0x3FDB];
	s0 =	simm.s32 @p2 $0x1  }
0x17: {  	s4 =	simm.s32 $0x1BF5;
	[smem:$0x3FB3] =	sst s0  }
0x18: {  	s0 =	sld [smem:$0x3F96];
	_ =	swait.ge [sflag:s4], $0x0  }
0x19: {  	s7 =	sld [smem:$0x3F97]  }
0x1a: {  	s8 =	sadd.s32 $0xFFFFE003, lr  }
0x1b: {  	s9 =	sadd.s32 $0xFFFFFEF7, lr;
	s5 =	simm.s32 $0xFFFFFFFF;
	p2 =	slt.u32 s8, $0xFFFFF086  }
0x1c: {  	p1 =	slt.u32 s9, $0xF7A;
	s5 =	simm.s32 @!p2 $0x0  }
0x1d: {  	s5 =	simm.s32 @p1 $0x1;
	p0 =	seq.s32 s7, s2  }
0x1e: {  	s7 =	smul.u32 @!p0 $0xF7A, s2;
	p2 =	seq.s32 @!p0 s5, $0x0  }
0x1f: {  	s9 =	smul.u32 $0xF7A, s1;
	s8 =	simm.s32 @!p0 $0x1BF5;
	p2 =	por !p2, p0  }
0x20: {  	[sflag:s8] =	ssyncset.s32 @!p0 $0xFFFFF086;
	s6 =	sadd.s32 @!p0 s3, s7;
	s7 =	simm.s32 @!p0 $0x108  }
0x21: {  	s3 =	sadd.s32 s3, s9;
	s6 =	sadd.s32 @!p0 $0x88, s6;
	s7 =	simm.s32 @p2 $0x1082  }
0x22: {  	[simem:s7], [sflag:s8] =	dma.local @!p0 [hbm:s6], $0xF7A  }
0x23: {  	s9 =	sor.u32 $0xD0000000, s2;
	s6 =	simm.s32 $0x108;
	_ =	swait.ge @!p0 [sflag:s8], $0x0  }
0x24: {  	s3 =	sadd.s32 $0x88, s3;
	s6 =	simm.s32 @!p1 $0x1082;
	[sflag:s4] =	ssyncset.s32 $0xFFFFF086  }
0x25: {  	[simem:s6], [sflag:s4] =	dma.local [hbm:s3], $0xF7A  }
0x26: {  	[smem:$0x3F97] =	sst s1;
	(tag) =	ssettag s2;
	_ =	strace s9  }
0x27: {  	s1 =	sld [smem:$0x3FA7]  }
0x28: {  	s2 =	sld [smem:$0x3FA8]  }
0x29: {  	s4 =	sld [smem:$0x3FAA]  }
0x2a: {  	p0 =	seq.s32 s5, $0x0;
	s5 =	sld [smem:$0x3FAB]  }
0x2b: {  	s6 =	sld [smem:$0x3FAC]  }
0x2c: {  	s7 =	sld [smem:$0x3FAD]  }
0x2d: {  	s3 =	simm.s32 $0x108;
	s8 =	sld [smem:$0x3FAE]  }
0x2e: {  	s3 =	simm.s32 @!p0 $0x1082;
	s9 =	sld [smem:$0x3FAF]  }
0x2f: {  	lr =	sadd.s32 s0, s3;
	s0 =	sld [smem:$0x3FA6]  }
0x30: {  	s3 =	sld [smem:$0x3FA9]  }
0x31: {  	[smem:$0x3FB2] =	sst s10  }
0x32: {  	s10 =	sld [smem:$0x3FB0];
	_ =	sdelay $0x3  }
0x33: {  	p0 =	seq.s32 s10, $0x1;
	s10 =	sld [smem:$0x3FB2];
	_ =	sdelay $0x3  }
0x34: {  	[smem:$0x3FB2] =	sst s10  }
0x35: {  	s10 =	sld [smem:$0x3FB1];
	_ =	sdelay $0x3  }
0x36: {  	p1 =	seq.s32 s10, $0x1;
	s10 =	sld [smem:$0x3FB2];
	_ =	sdelay $0x3  }
0x37: {  	[smem:$0x3FB2] =	sst s10  }
0x38: {  	s10 =	sld [smem:$0x3FB3]  }
0x39: {  	_ = 	snop;
	(pc) =	sbr.ind lr, $3  }
0x3a: {  	_ = 	snop  }
0x3b: {  	_ = 	snop  }
0x3c: {  	p2 =	seq.s32 s10, $0x1;
	s10 =	sld [smem:$0x3FB2]  }
0x3d: {  	_ =	shalt  }
0x3e: {  	_ =	shalt  }
0x3f: {  	_ =	shalt  }
0x40: {  	_ =	shalt  }
0x41: {  	_ =	shalt  }
0x42: {  	_ =	shalt  }
0x43: {  	_ =	shalt  }
0x44: {  	_ =	shalt  }
0x45: {  	_ =	shalt  }
0x46: {  	_ =	shalt  }
0x47: {  	_ =	shalt  }
0x48: {  	_ =	shalt  }
0x49: {  	_ =	shalt  }
0x4a: {  	_ =	shalt  }
0x4b: {  	_ =	shalt  }
0x4c: {  	_ =	shalt  }
0x4d: {  	_ =	shalt  }
0x4e: {  	_ =	shalt  }
0x4f: {  	_ =	shalt  }
0x50: {  	_ =	shalt  }
0x51: {  	_ =	shalt  }
0x52: {  	_ =	shalt  }
0x53: {  	_ =	shalt  }
0x54: {  	_ =	shalt  }
0x55: {  	_ =	shalt  }
0x56: {  	_ =	shalt  }
0x57: {  	_ =	shalt  }
0x58: {  	_ =	shalt  }
0x59: {  	_ =	shalt  }
0x5a: {  	_ =	shalt  }
0x5b: {  	_ =	shalt  }
0x5c: {  	_ =	shalt  }
0x5d: {  	_ =	shalt  }
0x5e: {  	_ =	shalt  }
0x5f: {  	_ =	shalt  }
0x60: {  	_ =	shalt  }
0x61: {  	_ =	shalt  }
0x62: {  	_ =	shalt  }
0x63: {  	_ =	shalt  }
0x64: {  	_ =	shalt  }
0x65: {  	_ =	shalt  }
0x66: {  	_ =	shalt  }
0x67: {  	_ =	shalt  }
0x68: {  	_ =	shalt  }
0x69: {  	_ =	shalt  }
0x6a: {  	_ =	shalt  }
0x6b: {  	_ =	shalt  }
0x6c: {  	_ =	shalt  }
0x6d: {  	_ =	shalt  }
0x6e: {  	_ =	shalt  }
0x6f: {  	_ =	shalt  }
0x70: {  	_ =	shalt  }
0x71: {  	_ =	shalt  }
0x72: {  	_ =	shalt  }
0x73: {  	_ =	shalt  }
0x74: {  	_ =	shalt  }
0x75: {  	_ =	shalt  }
0x76: {  	_ =	shalt  }
0x77: {  	_ =	shalt  }
0x78: {  	_ =	shalt  }
0x79: {  	_ =	shalt  }
0x7a: {  	_ =	shalt  }
0x7b: {  	_ =	shalt  }
0x7c: {  	_ =	shalt  }
0x7d: {  	_ =	shalt  }
0x7e: {  	_ =	shalt  }
0x7f: {  	_ =	shalt  }
0x80: {  	_ =	shalt  }
0x81: {  	_ =	shalt  }
0x82: {  	_ =	shalt  }
0x83: {  	_ =	shalt  }
0x84: {  	_ =	shalt  }
0x85: {  	_ =	shalt  }
0x86: {  	_ =	shalt  }
0x87: {  	_ =	shalt  }
.Lfunc_end0:
.L_simem_size_0:
called_computation.1_lowered:
.L_overlay_start_0:
0x88: {  	s2 =	sld [smem:$0x3FD9]  }
0x89: {  	s3 =	sld [smem:$0x3FFE];
	_ =	sdelay $0x1  }
0x8a: {  	s1 =	srdreg.scid  }
0x8b: {  	s0 =	sand.u32 $0x1, s1  }
0x8c: {  	s16 =	sshll.u32 s0, $0xA;
	s2 =	sadd.s32 s3, s2  }
0x8d: {  	s2 =	sadd.s32 s2, s16  }
0x8e: {  	[smem:$0x3FBE] =	sst s2  }
0x8f: {  	_ = 	snop  }
0x90: {  	(tm) =	ssettm $0x1  }
0x91: {  	s17 =	sld [smem:$0x3FFB];
	_ =	sdelay $0x3  }
0x92: {  	_ =	strace s17  }
0x93: {  	s2 =	sld [smem:$0x3FFC];
	_ =	sdelay $0x3  }
0x94: {  	_ =	strace s2  }
0x95: {  	s2 =	sld [smem:$0x3FFD];
	_ =	sdelay $0x3  }
0x96: {  	_ =	strace s2  }
0x97: {  	_ =	strace $0x8FFFFFFF  }
0x98: {  	s18 =	sld [smem:$0x3FDB];
	_ =	sdelay $0x1  }
0x99: {  	s19 =	simm.s32 $_scs_section_size  }
0x9a: {  	s4 =	simm.s32 $_size__tile_overlayer_lowered;
	s5 =	simm.s32 $_tile_overlayer_lowered  }
0x9b: {  	s22 =	simm.s32 $0x1BFF;
	s21 =	sshll.u32 s5, $0x1;
	s2 =	sadd.s32 s19, s18  }
0x9c: {  	s6 =	simm.s32 $0x0;
	s20 =	sshll.u32 s4, $0x1;
	s4 =	sadd.s32 s21, s2  }
0x9d: {  	[timem:s6], [sflag:s22] =	dma.local [hbm:s4], s20  }
0x9e: {  	_ =	swait.ge [sflag:s22], s20  }
0x9f: {  	s3 =	ssub.s32 $0x0, s20;
	[sflag:s22] =	ssyncset.done $0x0  }
0xa0: {  	[sflag:s22] =	ssyncadd.s32 s3;
	_ =	sdelay $0x1  }
0xa1: {  	s23 =	simm.s32 $0x1B8B  }
0xa2: {  	_ =	swait.ge [sflag:s23], $0x1  }
0xa3: {  	[sflag:s23] =	ssyncset.done $0x0  }
0xa4: {  	s25 =	simm.s32 $0x1B8E;
	s24 =	sld [smem:$0x3FFE];
	[sflag:s23] =	ssyncadd.s32 $0xFFFFFFFF  }
0xa5: {  	s26 =	simm.s32 $execute0_lowered;
	[smem:$0x3FD2] =	sst s25  }
0xa6: {  	s4 =	sshll.u32 s26, $0x1;
	_ =	strace $0x80000049;
	[dreg:$0x1] =	wrdreg $0xFFFFFFFF  }
0xa7: {  	s28 =	simm.s32 $_size_execute0_lowered;
	s2 =	sadd.s32 s2, s4;
	[dreg:$0x0] =	wrdreg $0x0  }
0xa8: {  	s4 =	sshll.u32 s28, $0x1;
	[dreg:$0x2] =	wrdreg s2  }
0xa9: {  	[dreg:$0x3] =	wrdreg s4  }
0xaa: {  	[dreg:$0x4] =	wrdreg $0xC0  }
0xab: {  	_ =	task [dreg:s6], $0x5FFFF  }
0xac: {  	[dreg:$0x1] =	wrdreg $0xFFFFFFFF  }
0xad: {  	[dreg:$0x0] =	wrdreg $0x60  }
0xae: {  	[dreg:$0x2] =	wrdreg s24  }
0xaf: {  	[dreg:$0x3] =	wrdreg $0x0  }
0xb0: {  	[dreg:$0x4] =	wrdreg $0x9  }
0xb1: {  	_ =	task.clear_ibuf [dreg:s6], $0x5FFFF;
	_ =	strace $0x90000049  }
0xb2: {  	s29 =	simm.s32 $0x9;
	_ =	strace $0x8000004B  }
0xb3: {  	_ =	swait.ge [sflag:s29], $0x1  }
0xb4: {  	[sflag:s29] =	ssyncadd.s32 $0xFFFFFFFF  }
0xb5: {  	_ =	strace $0x9000004B  }
0xb6: {  	_ =	sfence  }
0xb7: {  	s30 =	sld [smem:$0x0];
	_ =	sdelay $0x2  }
0xb8: {  	s31 =	sshll.u32 s1, $0xD;
	s1 =	sshrl.u32 s1, $0x2  }
0xb9: {  	s3 =	sand.u32 $0x4000, s31;
	s1 =	sadd.s32 s1, s30  }
0xba: {  	s0 =	sor.u32 s3, s0;
	s1 =	sshll.u32 s1, $0x11  }
0xbb: {  	s0 =	sor.u32 s1, s0  }
0xbc: {  	s0 =	sadd.s32 $0x8F2B, s0  }
0xbd: {  	[sflag:s0] =	ssyncadd.remote.s32 $0x1  }
0xbe: {  	_ =	sfence.sel $0xFFFF  }
0xbf: {  	[dreg:$0x0] =	wrdreg $0xFFFFFFFF;
	(pc) =	sbr.abs _section_cstart, $3  }
0xc0: {  	[dreg:$0x1] =	wrdreg $0xFFFFFFFF  }
0xc1: {  	_ =	task.clear_ibuf [dreg:s6], $0x2FFFF;
	_ =	strace $0x9FFFFFFF  }
0xc2: {  	(tm) =	ssettm $0x7FFFFFFF  }
0xc3: {  	_ =	shalt  }
tec
execute0_lowered:
.L_overlay_start_1:
0x0: {  	(tag) =	ssettag $0x1  }
0x1: {  	s0 =	rddreg [dreg:$0x0]  }
0x2: {  	s1 =	rddreg [dreg:$0x1]  }
0x3: {  	s3 =	simm.s32 $0x0;
	s2 =	stileid.u32;
	s7 =	srdreg.scid  }
0x4: {  	s18 =	simm.s32 $0x3;
	s19 =	simm.s32 $0xA000;
	s21 =	simm.s32 $0x50  }
0x5: {  	s22 =	simm.s32 $0x13C40;
	s28 =	simm.s32 $0xEDD0;
	s29 =	simm.s32 $0x13BA0  }
0x6: {  	s30 =	simm.s32 $0x13BF0;
	s31 =	simm.s32 $0x0;
	[smem:$0x7FF] =	sst s3  }
0x7: {  	s4 =	sadd.s32 $0x4A400, s0;
	s6 =	smul.u32 $0x9C4, s2;
	s5 =	sadd.s32 $0x5DE00, s0  }
0x8: {  	s17 =	sand.u32 $0x1, s7;
	s23 =	smul.u32 $0x28000, s2;
	s8 =	sadd.s32 $0x85800, s0  }
0x9: {  	s12 =	smul.u32 $0xA000, s2;
	_ =	strace $0x8000004A;
	[dreg:$0x3] =	wrdreg s8  }
0xa: {  	s24 =	ssub.s32 $0x2, s17;
	p0 =	sne.s32 s17, $0x0;
	s17 =	simm.s32 $0x16440  }
0xb: {  	s6 =	sadd.s32 s6, s0;
	s9 =	sshrl.u32 s24, $0x1;
	s10 =	sshrl.u32 s23, $0x2  }
0xc: {  	s0 =	sadd.s32 $0x71800, s0;
	s11 =	sshrl.u32 s12, $0x3;
	s26 =	sadd.s32 s12, s1  }
.Ltmp0:
0xd: {  	s23 =	simm.s32 $0x15040;
	[dreg:$0x4] =	wrdreg s0;
	(pc) =	sbr.rel .LBB2_1-.Ltmp0, $4  }
0xe: {  	s25 =	ssub.s32 s24, s9;
	s8 =	sadd.s32 s10, s1;
	s9 =	sadd.s32 $0xE600, s6  }
0xf: {  	s10 =	sadd.s32 $0x4800, s6;
	s24 =	simm.s32 $0x1;
	s12 =	smax.u32 s25, $0x1  }
0x10: {  	s13 =	sadd.s32 $0x2000, s8;
	s14 =	sadd.s32 $0x4000, s8;
	s15 =	sadd.s32 $0x6000, s8  }
0x11: {  	v0 =	vimm.f32 $0.0e+00;
	s16 =	sadd.s32 $0x8000, s8;
	s25 =	sshrl.u32 s26, $0x3;
	s26 =	simm.s32 $0x2  }
.LBB2_9:
0x12: {  	s2 =	sadd.s32 $0xA050, s0;
	[sflag:s18] =	ssyncadd.s32 $0xFFFFEC00  }
0x13: {  	[tilespmem:s23], [sflag:$0x2] =	stream.indirect.gather [hbm4b:s5+s21], $0x40, s2, s21, $0xb8;
	[tilespmem:$0x18440] =	vst v63  }
0x14: {  	_ =	swait.ge [sflag:s24], $0x1400  }
0x15: {  	[sflag:s24] =	ssyncset.done $0x0  }
0x16: {  	s6 =	sadd.s32 $0xEE20, s0;
	[sflag:s24] =	ssyncadd.s32 $0xFFFFEC00  }
0x17: {  	[spmem:s1] =	stream.indirect.scatter.add.f32 [tilespmem:s22], [sflag:$0x3], $0x40, s6, s21, $0xb8;
	[tilespmem:$0x18440] =	vst v63  }
0x18: {  	_ =	swait.ge [sflag:s18], $0x1400  }
0x19: {  	[sflag:s18] =	ssyncset.done $0x0  }
0x1a: {  	s7 =	sadd.s32 $0xA0A0, s0;
	[sflag:s18] =	ssyncadd.s32 $0xFFFFEC00  }
0x1b: {  	[tilespmem:s22], [sflag:$0x1] =	stream.indirect.gather [hbm4b:s5+s21], $0x40, s7, s21, $0xb8;
	[tilespmem:$0x18440] =	vst v63  }
0x1c: {  	_ =	swait.ge [sflag:s26], $0x1400  }
0x1d: {  	[sflag:s26] =	ssyncset.done $0x0  }
0x1e: {  	s20 =	sadd.s32 $0xEE70, s0;
	[sflag:s26] =	ssyncadd.s32 $0xFFFFEC00  }
0x1f: {  	[spmem:s1] =	stream.indirect.scatter.add.f32 [tilespmem:s23], [sflag:$0x3], $0x40, s20, s21, $0xb8;
	[tilespmem:$0x18440] =	vst v63  }
0x20: {  	_ =	swait.ge [sflag:s18], $0x1400  }
0x21: {  	[sflag:s18] =	ssyncset.done $0x0  }
0x22: {  	s0 =	rddreg [dreg:$0x4];
	[sflag:s18] =	ssyncadd.s32 $0xFFFFEC00  }
0x23: {  	[tilespmem:s23], [sflag:$0x2] =	stream.indirect.gather [hbm4b:s5+s21], $0x40, s28, s21, $0xb8;
	[tilespmem:$0x18440] =	vst v63  }
.LBB2_10:
0x24: {  	_ =	swait.ge [sflag:s24], $0x1400  }
0x25: {  	[sflag:s24] =	ssyncset.done $0x0  }
0x26: {  	[sflag:s24] =	ssyncadd.s32 $0xFFFFEC00  }
0x27: {  	[spmem:s1] =	stream.indirect.scatter.add.f32 [tilespmem:s22], [sflag:$0x3], $0x40, s29, s21, $0xb8;
	[tilespmem:$0x18440] =	vst v63  }
0x28: {  	_ =	swait.ge [sflag:s18], $0x1400  }
0x29: {  	[sflag:s18] =	ssyncset.done $0x0  }
0x2a: {  	[sflag:s18] =	ssyncadd.s32 $0xFFFFEC00  }
0x2b: {  	_ =	swait.ge [sflag:s26], $0x1400  }
0x2c: {  	[sflag:s26] =	ssyncset.done $0x0  }
0x2d: {  	[sflag:s26] =	ssyncadd.s32 $0xFFFFEC00  }
0x2e: {  	[spmem:s1] =	stream.indirect.scatter.add.f32 [tilespmem:s23], [sflag:$0x3], $0x40, s30, s21, $0xb8;
	[tilespmem:$0x18440] =	vst v63  }
0x2f: {  	s2 =	stileid.u32;
	_ =	swait.ge [sflag:s18], $0x1400  }
0x30: {  	s0 =	sadd.s32 s0, s11;
	s31 =	sadd.s32 $0x1, s31;
	[sflag:s18] =	ssyncset.done $0x0  }
0x31: {  	s2 =	sshll.u32 s2, $0x6;
	p1 =	sne.s32 s31, s12;
	[sflag:s18] =	ssyncadd.s32 $0xFFFFEC00  }
.Ltmp1:
0x32: {  	s2 =	sor.u32 $0x1C03, s2;
	[bflag:$0x0] =	sbarrier.arrive $0xFFFF;
	(pc) =	sbr.rel @!p1 .LBB2_11-.Ltmp1, $4  }
0x33: {  	[hbm:s0], [sflag:s2] =	dma.local [spmem:s25], $0x1400  }
0x34: {  	_ =	swait.ge [sflag:s18], $0x1400  }
0x35: {  	[sflag:s18] =	ssyncset.done $0x0  }
0x36: {  	[sflag:s18] =	ssyncadd.s32 $0xFFFFEC00  }
.LBB2_1:
0x37: {  	s6 =	simm.s32 $0x100;
	s0 =	simm.s32 $0x0  }
.LBB2_2:
0x38: {  	p1 =	sne.s32 s6, $0x7F00;
	[tilespmem:s0+$0x16470] =	vst v0;
	s7 =	smov.u32 s6;
	s6 =	sadd.s32 $0x100, s6  }
.Ltmp2:
0x39: {  	[tilespmem:s0+$0x16460] =	vst v0;
	(pc) =	sbr.rel @p1 .LBB2_2-.Ltmp2, $3  }
0x3a: {  	[tilespmem:s0+$0x16440] =	vst v0  }
0x3b: {  	[tilespmem:s0+$0x16450] =	vst v0;
	_ =	sdelay $0x1  }
0x3c: {  	s0 =	sshra.s32 s7, $0x2  }
0x3d: {  	[tilespmem:s0+$0x16470] =	vst v0  }
0x3e: {  	[tilespmem:s0+$0x16460] =	vst v0  }
0x3f: {  	[tilespmem:s0+$0x16440] =	vst v0  }
0x40: {  	[tilespmem:s0+$0x16450] =	vst v0  }
0x41: {  	[spmem:s8] =	stream.linear.scatter [tilespmem:s17], [sflag:$0x3], $0x2000, $0x38;
	[tilespmem:$0x18440] =	vst v63  }
0x42: {  	_ =	swait.ge [sflag:s18], $0x2000  }
0x43: {  	[sflag:s18] =	ssyncset.done $0x0  }
0x44: {  	[sflag:s18] =	ssyncadd.s32 $0xFFFFE000  }
0x45: {  	[spmem:s13] =	stream.linear.scatter [tilespmem:s17], [sflag:$0x3], $0x2000, $0x38;
	[tilespmem:$0x18440] =	vst v63  }
0x46: {  	_ =	swait.ge [sflag:s18], $0x2000  }
0x47: {  	[sflag:s18] =	ssyncset.done $0x0  }
0x48: {  	[sflag:s18] =	ssyncadd.s32 $0xFFFFE000  }
0x49: {  	[spmem:s14] =	stream.linear.scatter [tilespmem:s17], [sflag:$0x3], $0x2000, $0x38;
	[tilespmem:$0x18440] =	vst v63  }
0x4a: {  	_ =	swait.ge [sflag:s18], $0x2000  }
0x4b: {  	[sflag:s18] =	ssyncset.done $0x0  }
0x4c: {  	[sflag:s18] =	ssyncadd.s32 $0xFFFFE000  }
0x4d: {  	[spmem:s15] =	stream.linear.scatter [tilespmem:s17], [sflag:$0x3], $0x2000, $0x38;
	[tilespmem:$0x18440] =	vst v63  }
0x4e: {  	_ =	swait.ge [sflag:s18], $0x2000  }
0x4f: {  	[sflag:s18] =	ssyncset.done $0x0  }
0x50: {  	[sflag:s18] =	ssyncadd.s32 $0xFFFFE000  }
0x51: {  	[spmem:s16] =	stream.linear.scatter [tilespmem:s17], [sflag:$0x3], $0x2000, $0x38;
	[tilespmem:$0x18440] =	vst v63  }
0x52: {  	_ =	swait.ge [sflag:s18], $0x2000  }
0x53: {  	[sflag:s18] =	ssyncset.done $0x0  }
0x54: {  	[sflag:s18] =	ssyncadd.s32 $0xFFFFE000  }
0x55: {  	[tilespmem:s19], [sflag:$0x3] =	stream.linear.gather [hbm4b:s9+s3], $0x4E20, $0x38;
	[tilespmem:$0x18440] =	vst v63  }
0x56: {  	_ =	swait.ge [sflag:s18], $0x4E20  }
0x57: {  	[sflag:s18] =	ssyncset.done $0x0  }
0x58: {  	s20 =	simm.s32 $0xEE20;
	[sflag:s18] =	ssyncadd.s32 $0xFFFFB1E0  }
0x59: {  	[tilespmem:s20], [sflag:$0x3] =	stream.linear.gather [hbm4b:s10+s3], $0x4E20, $0x38;
	[tilespmem:$0x18440] =	vst v63  }
.Ltmp3:
0x5a: {  	_ =	swait.ge [sflag:s18], $0x4E20;
	(pc) =	sbr.rel @p0 .LBB2_7-.Ltmp3, $3  }
0x5b: {  	[sflag:s18] =	ssyncset.done $0x0  }
0x5c: {  	[sflag:s18] =	ssyncadd.s32 $0xFFFFB1E0  }
0x5d: {  	[bflag:$0x0] =	sbarrier.arrive $0xFFFF;
	_ =	sdelay $0x1  }
0x5e: {  	[tilespmem:s22], [sflag:$0x1] =	stream.indirect.gather [hbm4b:s4+s21], $0x40, s19, s21, $0xb8;
	[tilespmem:$0x18440] =	vst v63  }
0x5f: {  	s0 =	simm.s32 $0xA050  }
0x60: {  	[tilespmem:s23], [sflag:$0x2] =	stream.indirect.gather [hbm4b:s4+s21], $0x40, s0, s21, $0xb8;
	[tilespmem:$0x18440] =	vst v63  }
0x61: {  	_ =	swait.ge [sflag:s24], $0x1400  }
0x62: {  	[sflag:s24] =	ssyncset.done $0x0  }
0x63: {  	s6 =	simm.s32 $0xEE20;
	[sflag:s24] =	ssyncadd.s32 $0xFFFFEC00  }
0x64: {  	[spmem:s1] =	stream.indirect.scatter.add.f32 [tilespmem:s22], [sflag:$0x3], $0x40, s6, s21, $0xb8;
	[tilespmem:$0x18440] =	vst v63  }
0x65: {  	_ =	swait.ge [sflag:s18], $0x1400  }
0x66: {  	[sflag:s18] =	ssyncset.done $0x0  }
0x67: {  	s7 =	simm.s32 $0xA0A0;
	[sflag:s18] =	ssyncadd.s32 $0xFFFFEC00  }
0x68: {  	[tilespmem:s22], [sflag:$0x1] =	stream.indirect.gather [hbm4b:s4+s21], $0x40, s7, s21, $0xb8;
	[tilespmem:$0x18440] =	vst v63  }
0x69: {  	_ =	swait.ge [sflag:s26], $0x1400  }
0x6a: {  	[sflag:s26] =	ssyncset.done $0x0  }
0x6b: {  	s20 =	simm.s32 $0xEE70;
	[sflag:s26] =	ssyncadd.s32 $0xFFFFEC00  }
0x6c: {  	[spmem:s1] =	stream.indirect.scatter.add.f32 [tilespmem:s23], [sflag:$0x3], $0x40, s20, s21, $0xb8;
	[tilespmem:$0x18440] =	vst v63  }
0x6d: {  	_ =	swait.ge [sflag:s18], $0x1400  }
0x6e: {  	s0 =	simm.s32 $0xA0;
	s6 =	simm.s32 $0x500;
	[sflag:s18] =	ssyncset.done $0x0  }
.LBB2_5:
0x6f: {  	s7 =	sadd.s32 $0xA050, s0  }
0x70: {  	[sflag:s18] =	ssyncadd.s32 $0xFFFFEC00;
	s20 =	smov.u32 s6;
	s2 =	sadd.s32 $0x280, s6  }
0x71: {  	[tilespmem:s23], [sflag:$0x2] =	stream.indirect.gather [hbm4b:s4+s21], $0x40, s7, s21, $0xb8;
	[tilespmem:$0x18440] =	vst v63  }
0x72: {  	p1 =	sne.s32 s6, $0x13380;
	_ =	swait.ge [sflag:s24], $0x1400  }
0x73: {  	[sflag:s24] =	ssyncset.done $0x0  }
0x74: {  	s6 =	sadd.s32 $0xEE20, s0;
	[sflag:s24] =	ssyncadd.s32 $0xFFFFEC00  }
0x75: {  	[spmem:s1] =	stream.indirect.scatter.add.f32 [tilespmem:s22], [sflag:$0x3], $0x40, s6, s21, $0xb8;
	[tilespmem:$0x18440] =	vst v63  }
0x76: {  	_ =	swait.ge [sflag:s18], $0x1400  }
0x77: {  	[sflag:s18] =	ssyncset.done $0x0  }
0x78: {  	s6 =	sadd.s32 $0xA0A0, s0;
	[sflag:s18] =	ssyncadd.s32 $0xFFFFEC00  }
0x79: {  	[tilespmem:s22], [sflag:$0x1] =	stream.indirect.gather [hbm4b:s4+s21], $0x40, s6, s21, $0xb8;
	[tilespmem:$0x18440] =	vst v63  }
0x7a: {  	_ =	swait.ge [sflag:s26], $0x1400  }
.Ltmp4:
0x7b: {  	[sflag:s26] =	ssyncset.done $0x0;
	(pc) =	sbr.rel @p1 .LBB2_5-.Ltmp4, $4  }
0x7c: {  	s0 =	sadd.s32 $0xEE70, s0;
	[sflag:s26] =	ssyncadd.s32 $0xFFFFEC00  }
0x7d: {  	[spmem:s1] =	stream.indirect.scatter.add.f32 [tilespmem:s23], [sflag:$0x3], $0x40, s0, s21, $0xb8;
	[tilespmem:$0x18440] =	vst v63  }
0x7e: {  	_ =	swait.ge [sflag:s18], $0x1400  }
0x7f: {  	s6 =	smov.u32 s2;
	s0 =	sshra.s32 s20, $0x2;
	[sflag:s18] =	ssyncset.done $0x0  }
0x80: {  	s2 =	sadd.s32 $0xA050, s0;
	[sflag:s18] =	ssyncadd.s32 $0xFFFFEC00  }
0x81: {  	[tilespmem:s23], [sflag:$0x2] =	stream.indirect.gather [hbm4b:s4+s21], $0x40, s2, s21, $0xb8;
	[tilespmem:$0x18440] =	vst v63  }
0x82: {  	_ =	swait.ge [sflag:s24], $0x1400  }
0x83: {  	[sflag:s24] =	ssyncset.done $0x0  }
0x84: {  	s6 =	sadd.s32 $0xEE20, s0;
	[sflag:s24] =	ssyncadd.s32 $0xFFFFEC00  }
0x85: {  	[spmem:s1] =	stream.indirect.scatter.add.f32 [tilespmem:s22], [sflag:$0x3], $0x40, s6, s21, $0xb8;
	[tilespmem:$0x18440] =	vst v63  }
0x86: {  	_ =	swait.ge [sflag:s18], $0x1400  }
0x87: {  	[sflag:s18] =	ssyncset.done $0x0  }
0x88: {  	s7 =	sadd.s32 $0xA0A0, s0;
	[sflag:s18] =	ssyncadd.s32 $0xFFFFEC00  }
0x89: {  	[tilespmem:s22], [sflag:$0x1] =	stream.indirect.gather [hbm4b:s4+s21], $0x40, s7, s21, $0xb8;
	[tilespmem:$0x18440] =	vst v63  }
0x8a: {  	_ =	swait.ge [sflag:s26], $0x1400  }
0x8b: {  	[sflag:s26] =	ssyncset.done $0x0  }
0x8c: {  	s20 =	sadd.s32 $0xEE70, s0;
	[sflag:s26] =	ssyncadd.s32 $0xFFFFEC00  }
0x8d: {  	[spmem:s1] =	stream.indirect.scatter.add.f32 [tilespmem:s23], [sflag:$0x3], $0x40, s20, s21, $0xb8;
	[tilespmem:$0x18440] =	vst v63  }
.Ltmp5:
0x8e: {  	_ = 	snop;
	(pc) =	sbr.rel .LBB2_10-.Ltmp5, $4  }
0x8f: {  	_ =	swait.ge [sflag:s18], $0x1400  }
0x90: {  	[sflag:s18] =	ssyncset.done $0x0  }
0x91: {  	s0 =	rddreg [dreg:$0x3];
	[sflag:s18] =	ssyncadd.s32 $0xFFFFEC00  }
0x92: {  	[tilespmem:s23], [sflag:$0x2] =	stream.indirect.gather [hbm4b:s4+s21], $0x40, s28, s21, $0xb8;
	[tilespmem:$0x18440] =	vst v63  }
.LBB2_7:
0x93: {  	[tilespmem:s22], [sflag:$0x1] =	stream.indirect.gather [hbm4b:s5+s21], $0x40, s19, s21, $0xb8;
	[tilespmem:$0x18440] =	vst v63  }
0x94: {  	s0 =	simm.s32 $0xA050  }
0x95: {  	[tilespmem:s23], [sflag:$0x2] =	stream.indirect.gather [hbm4b:s5+s21], $0x40, s0, s21, $0xb8;
	[tilespmem:$0x18440] =	vst v63  }
0x96: {  	_ =	swait.ge [sflag:s24], $0x1400  }
0x97: {  	[sflag:s24] =	ssyncset.done $0x0  }
0x98: {  	s6 =	simm.s32 $0xEE20;
	[sflag:s24] =	ssyncadd.s32 $0xFFFFEC00  }
0x99: {  	[spmem:s1] =	stream.indirect.scatter.add.f32 [tilespmem:s22], [sflag:$0x3], $0x40, s6, s21, $0xb8;
	[tilespmem:$0x18440] =	vst v63  }
0x9a: {  	_ =	swait.ge [sflag:s18], $0x1400  }
0x9b: {  	[sflag:s18] =	ssyncset.done $0x0  }
0x9c: {  	s7 =	simm.s32 $0xA0A0;
	[sflag:s18] =	ssyncadd.s32 $0xFFFFEC00  }
0x9d: {  	[tilespmem:s22], [sflag:$0x1] =	stream.indirect.gather [hbm4b:s5+s21], $0x40, s7, s21, $0xb8;
	[tilespmem:$0x18440] =	vst v63  }
0x9e: {  	_ =	swait.ge [sflag:s26], $0x1400  }
0x9f: {  	[sflag:s26] =	ssyncset.done $0x0  }
0xa0: {  	s20 =	simm.s32 $0xEE70;
	[sflag:s26] =	ssyncadd.s32 $0xFFFFEC00  }
0xa1: {  	[spmem:s1] =	stream.indirect.scatter.add.f32 [tilespmem:s23], [sflag:$0x3], $0x40, s20, s21, $0xb8;
	[tilespmem:$0x18440] =	vst v63  }
0xa2: {  	_ =	swait.ge [sflag:s18], $0x1400  }
0xa3: {  	s0 =	simm.s32 $0xA0;
	s6 =	simm.s32 $0x500;
	[sflag:s18] =	ssyncset.done $0x0  }
.LBB2_8:
0xa4: {  	s2 =	sadd.s32 $0xA050, s0  }
0xa5: {  	[sflag:s18] =	ssyncadd.s32 $0xFFFFEC00;
	s7 =	smov.u32 s6;
	s20 =	sadd.s32 $0x280, s6  }
0xa6: {  	[tilespmem:s23], [sflag:$0x2] =	stream.indirect.gather [hbm4b:s5+s21], $0x40, s2, s21, $0xb8;
	[tilespmem:$0x18440] =	vst v63  }
0xa7: {  	p1 =	sne.s32 s6, $0x13380;
	_ =	swait.ge [sflag:s24], $0x1400  }
0xa8: {  	[sflag:s24] =	ssyncset.done $0x0  }
0xa9: {  	s2 =	sadd.s32 $0xEE20, s0;
	[sflag:s24] =	ssyncadd.s32 $0xFFFFEC00  }
0xaa: {  	[spmem:s1] =	stream.indirect.scatter.add.f32 [tilespmem:s22], [sflag:$0x3], $0x40, s2, s21, $0xb8;
	[tilespmem:$0x18440] =	vst v63  }
0xab: {  	_ =	swait.ge [sflag:s18], $0x1400  }
0xac: {  	[sflag:s18] =	ssyncset.done $0x0  }
0xad: {  	s2 =	sadd.s32 $0xA0A0, s0;
	[sflag:s18] =	ssyncadd.s32 $0xFFFFEC00  }
0xae: {  	[tilespmem:s22], [sflag:$0x1] =	stream.indirect.gather [hbm4b:s5+s21], $0x40, s2, s21, $0xb8;
	[tilespmem:$0x18440] =	vst v63  }
0xaf: {  	_ =	swait.ge [sflag:s26], $0x1400  }
.Ltmp6:
0xb0: {  	[sflag:s26] =	ssyncset.done $0x0;
	(pc) =	sbr.rel @p1 .LBB2_8-.Ltmp6, $4  }
0xb1: {  	s0 =	sadd.s32 $0xEE70, s0;
	[sflag:s26] =	ssyncadd.s32 $0xFFFFEC00  }
0xb2: {  	[spmem:s1] =	stream.indirect.scatter.add.f32 [tilespmem:s23], [sflag:$0x3], $0x40, s0, s21, $0xb8;
	[tilespmem:$0x18440] =	vst v63  }
0xb3: {  	_ =	swait.ge [sflag:s18], $0x1400  }
0xb4: {  	s6 =	smov.u32 s20;
	s0 =	sshra.s32 s7, $0x2;
	[sflag:s18] =	ssyncset.done $0x0  }
.Ltmp7:
0xb5: {  	_ = 	snop;
	(pc) =	sbr.rel .LBB2_9-.Ltmp7, $1  }
0xb6: {  	_ =	sdelay $0x3  }
.LBB2_11:
0xb7: {  	_ =	sfence.sel $0x180000  }
0xb8: {  	[bflag:$0x0] =	sbarrier.arrive $0xFFFF  }
0xb9: {  	_ =	strace $0x9000004A  }
0xba: {  	s0 =	stileid.u32;
	[bflag:$0x2] =	sbarrier.arrive $0xFFFF  }
0xbb: {  	p0 =	sne.s32 s0, $0x0;
	s0 =	rddreg [dreg:$0x2]  }
0xbc: {  	s0 =	sadd.s32 @!p0 $0x100000, s0  }
0xbd: {  	[sflag:s0] =	ssyncadd.tile.s32 @!p0 $0x1;
	_ =	shalt  }
.Lfunc_end2:
_tile_overlayer_lowered:
.L_overlay_start_2:
0xbe: {  	(tag) =	ssettag $0x2  }
0xbf: {  	s0 =	rddreg [dreg:$0x0];
	s2 =	stileid.u32  }
0xc0: {  	s1 =	rddreg [dreg:$0x1];
	p0 =	sne.s32 s2, $0x0  }
0xc1: {  	s3 =	rddreg [dreg:$0x2];
	[bflag:$0x3] =	sbarrier.arrive $0xFFFF;
	s2 =	simm.s32 @!p0 $0x1C03  }
0xc2: {  	[timem:s3], [sflag:s2] =	dma.local @!p0 [hbm:s0], s1  }
0xc3: {  	s0 =	simm.s32 @!p0 $0x3  }
0xc4: {  	_ =	swait.ge @!p0 [sflag:s0], s1  }
0xc5: {  	s1 =	ssub.s32 @!p0 $0x0, s1;
	[sflag:s0] =	ssyncset.done @!p0 $0x0  }
0xc6: {  	[sflag:s0] =	ssyncadd.s32 @!p0 s1  }
0xc7: {  	[bflag:$0x3] =	sbarrier.arrive $0xFFFF  }
0xc8: {  	_ =	shalt  }

// kernel: kernel.16.cloned.1.call-start
scs
__scs_entry_jumppad:
0x0: {  	(pc) =	sbr.rel $0x88, $3  }
0x1: {  	(tag) =	ssettag $0x0;
	lr =	simm.s32 $0x1  }
0x2: {  	[smem:$0x3F97] =	sst lr;
	_ =	strace $0xD0000000  }
0x3: {  	_ = 	snop  }
0x4: {  	_ = 	snop  }
0x5: {  	_ = 	snop  }
0x6: {  	_ = 	snop  }
0x7: {  	_ = 	snop  }
__scs_overlays_trampoline_lowered:
0x8: {  	[smem:$0x3FA6] =	sst s0  }
0x9: {  	[smem:$0x3FA7] =	sst s1  }
0xa: {  	[smem:$0x3FA8] =	sst s2  }
0xb: {  	[smem:$0x3FA9] =	sst s3  }
0xc: {  	[smem:$0x3FAA] =	sst s4  }
0xd: {  	[smem:$0x3FAB] =	sst s5  }
0xe: {  	[smem:$0x3FAC] =	sst s6  }
0xf: {  	[smem:$0x3FAD] =	sst s7  }
0x10: {  	[smem:$0x3FAE] =	sst s8  }
0x11: {  	[smem:$0x3FAF] =	sst s9;
	s0 =	simm.s32 @!p0 $0x0  }
0x12: {  	s1 =	sld [smem:$0x3F95];
	s0 =	simm.s32 @p0 $0x1  }
0x13: {  	[smem:$0x3FB0] =	sst s0;
	s0 =	simm.s32 @!p1 $0x0  }
0x14: {  	s2 =	sld [smem:$0x3F94];
	s0 =	simm.s32 @p1 $0x1  }
0x15: {  	[smem:$0x3FB1] =	sst s0;
	s0 =	simm.s32 @!p2 $0x0  }
0x16: {  	s3 =	sld [smem:$0x3FDB];
	s0 =	simm.s32 @p2 $0x1  }
0x17: {  	s4 =	simm.s32 $0x1BF5;
	[smem:$0x3FB3] =	sst s0  }
0x18: {  	s0 =	sld [smem:$0x3F96];
	_ =	swait.ge [sflag:s4], $0x0  }
0x19: {  	s7 =	sld [smem:$0x3F97]  }
0x1a: {  	s8 =	sadd.s32 $0xFFFFE003, lr  }
0x1b: {  	s9 =	sadd.s32 $0xFFFFFEF7, lr;
	s5 =	simm.s32 $0xFFFFFFFF;
	p2 =	slt.u32 s8, $0xFFFFF086  }
0x1c: {  	p1 =	slt.u32 s9, $0xF7A;
	s5 =	simm.s32 @!p2 $0x0  }
0x1d: {  	s5 =	simm.s32 @p1 $0x1;
	p0 =	seq.s32 s7, s2  }
0x1e: {  	s7 =	smul.u32 @!p0 $0xF7A, s2;
	p2 =	seq.s32 @!p0 s5, $0x0  }
0x1f: {  	s9 =	smul.u32 $0xF7A, s1;
	s8 =	simm.s32 @!p0 $0x1BF5;
	p2 =	por !p2, p0  }
0x20: {  	[sflag:s8] =	ssyncset.s32 @!p0 $0xFFFFF086;
	s6 =	sadd.s32 @!p0 s3, s7;
	s7 =	simm.s32 @!p0 $0x108  }
0x21: {  	s3 =	sadd.s32 s3, s9;
	s6 =	sadd.s32 @!p0 $0x88, s6;
	s7 =	simm.s32 @p2 $0x1082  }
0x22: {  	[simem:s7], [sflag:s8] =	dma.local @!p0 [hbm:s6], $0xF7A  }
0x23: {  	s9 =	sor.u32 $0xD0000000, s2;
	s6 =	simm.s32 $0x108;
	_ =	swait.ge @!p0 [sflag:s8], $0x0  }
0x24: {  	s3 =	sadd.s32 $0x88, s3;
	s6 =	simm.s32 @!p1 $0x1082;
	[sflag:s4] =	ssyncset.s32 $0xFFFFF086  }
0x25: {  	[simem:s6], [sflag:s4] =	dma.local [hbm:s3], $0xF7A  }
0x26: {  	[smem:$0x3F97] =	sst s1;
	(tag) =	ssettag s2;
	_ =	strace s9  }
0x27: {  	s1 =	sld [smem:$0x3FA7]  }
0x28: {  	s2 =	sld [smem:$0x3FA8]  }
0x29: {  	s4 =	sld [smem:$0x3FAA]  }
0x2a: {  	p0 =	seq.s32 s5, $0x0;
	s5 =	sld [smem:$0x3FAB]  }
0x2b: {  	s6 =	sld [smem:$0x3FAC]  }
0x2c: {  	s7 =	sld [smem:$0x3FAD]  }
0x2d: {  	s3 =	simm.s32 $0x108;
	s8 =	sld [smem:$0x3FAE]  }
0x2e: {  	s3 =	simm.s32 @!p0 $0x1082;
	s9 =	sld [smem:$0x3FAF]  }
0x2f: {  	lr =	sadd.s32 s0, s3;
	s0 =	sld [smem:$0x3FA6]  }
0x30: {  	s3 =	sld [smem:$0x3FA9]  }
0x31: {  	[smem:$0x3FB2] =	sst s10  }
0x32: {  	s10 =	sld [smem:$0x3FB0];
	_ =	sdelay $0x3  }
0x33: {  	p0 =	seq.s32 s10, $0x1;
	s10 =	sld [smem:$0x3FB2];
	_ =	sdelay $0x3  }
0x34: {  	[smem:$0x3FB2] =	sst s10  }
0x35: {  	s10 =	sld [smem:$0x3FB1];
	_ =	sdelay $0x3  }
0x36: {  	p1 =	seq.s32 s10, $0x1;
	s10 =	sld [smem:$0x3FB2];
	_ =	sdelay $0x3  }
0x37: {  	[smem:$0x3FB2] =	sst s10  }
0x38: {  	s10 =	sld [smem:$0x3FB3]  }
0x39: {  	_ = 	snop;
	(pc) =	sbr.ind lr, $3  }
0x3a: {  	_ = 	snop  }
0x3b: {  	_ = 	snop  }
0x3c: {  	p2 =	seq.s32 s10, $0x1;
	s10 =	sld [smem:$0x3FB2]  }
0x3d: {  	_ =	shalt  }
0x3e: {  	_ =	shalt  }
0x3f: {  	_ =	shalt  }
0x40: {  	_ =	shalt  }
0x41: {  	_ =	shalt  }
0x42: {  	_ =	shalt  }
0x43: {  	_ =	shalt  }
0x44: {  	_ =	shalt  }
0x45: {  	_ =	shalt  }
0x46: {  	_ =	shalt  }
0x47: {  	_ =	shalt  }
0x48: {  	_ =	shalt  }
0x49: {  	_ =	shalt  }
0x4a: {  	_ =	shalt  }
0x4b: {  	_ =	shalt  }
0x4c: {  	_ =	shalt  }
0x4d: {  	_ =	shalt  }
0x4e: {  	_ =	shalt  }
0x4f: {  	_ =	shalt  }
0x50: {  	_ =	shalt  }
0x51: {  	_ =	shalt  }
0x52: {  	_ =	shalt  }
0x53: {  	_ =	shalt  }
0x54: {  	_ =	shalt  }
0x55: {  	_ =	shalt  }
0x56: {  	_ =	shalt  }
0x57: {  	_ =	shalt  }
0x58: {  	_ =	shalt  }
0x59: {  	_ =	shalt  }
0x5a: {  	_ =	shalt  }
0x5b: {  	_ =	shalt  }
0x5c: {  	_ =	shalt  }
0x5d: {  	_ =	shalt  }
0x5e: {  	_ =	shalt  }
0x5f: {  	_ =	shalt  }
0x60: {  	_ =	shalt  }
0x61: {  	_ =	shalt  }
0x62: {  	_ =	shalt  }
0x63: {  	_ =	shalt  }
0x64: {  	_ =	shalt  }
0x65: {  	_ =	shalt  }
0x66: {  	_ =	shalt  }
0x67: {  	_ =	shalt  }
0x68: {  	_ =	shalt  }
0x69: {  	_ =	shalt  }
0x6a: {  	_ =	shalt  }
0x6b: {  	_ =	shalt  }
0x6c: {  	_ =	shalt  }
0x6d: {  	_ =	shalt  }
0x6e: {  	_ =	shalt  }
0x6f: {  	_ =	shalt  }
0x70: {  	_ =	shalt  }
0x71: {  	_ =	shalt  }
0x72: {  	_ =	shalt  }
0x73: {  	_ =	shalt  }
0x74: {  	_ =	shalt  }
0x75: {  	_ =	shalt  }
0x76: {  	_ =	shalt  }
0x77: {  	_ =	shalt  }
0x78: {  	_ =	shalt  }
0x79: {  	_ =	shalt  }
0x7a: {  	_ =	shalt  }
0x7b: {  	_ =	shalt  }
0x7c: {  	_ =	shalt  }
0x7d: {  	_ =	shalt  }
0x7e: {  	_ =	shalt  }
0x7f: {  	_ =	shalt  }
0x80: {  	_ =	shalt  }
0x81: {  	_ =	shalt  }
0x82: {  	_ =	shalt  }
0x83: {  	_ =	shalt  }
0x84: {  	_ =	shalt  }
0x85: {  	_ =	shalt  }
0x86: {  	_ =	shalt  }
0x87: {  	_ =	shalt  }
.Lfunc_end0:
.L_simem_size_0:
called_computation.2_lowered:
.L_overlay_start_0:
0x88: {  	s2 =	sld [smem:$0x3FD9]  }
0x89: {  	s3 =	sld [smem:$0x3FFE];
	_ =	sdelay $0x1  }
0x8a: {  	s1 =	srdreg.scid  }
0x8b: {  	s0 =	sand.u32 $0x1, s1  }
0x8c: {  	s16 =	sshll.u32 s0, $0xA;
	s2 =	sadd.s32 s3, s2  }
0x8d: {  	s2 =	sadd.s32 s2, s16  }
0x8e: {  	[smem:$0x3FBE] =	sst s2  }
0x8f: {  	_ = 	snop  }
0x90: {  	(tm) =	ssettm $0x1  }
0x91: {  	s17 =	sld [smem:$0x3FFB];
	_ =	sdelay $0x3  }
0x92: {  	_ =	strace s17  }
0x93: {  	s2 =	sld [smem:$0x3FFC];
	_ =	sdelay $0x3  }
0x94: {  	_ =	strace s2  }
0x95: {  	s2 =	sld [smem:$0x3FFD];
	_ =	sdelay $0x3  }
0x96: {  	_ =	strace s2  }
0x97: {  	_ =	strace $0x8FFFFFFF  }
0x98: {  	s18 =	sld [smem:$0x3FDB];
	_ =	sdelay $0x1  }
0x99: {  	s19 =	simm.s32 $_scs_section_size  }
0x9a: {  	s4 =	simm.s32 $_size__tile_overlayer_lowered;
	s5 =	simm.s32 $_tile_overlayer_lowered  }
0x9b: {  	s22 =	simm.s32 $0x1BFF;
	s21 =	sshll.u32 s5, $0x1;
	s2 =	sadd.s32 s19, s18  }
0x9c: {  	s6 =	simm.s32 $0x0;
	s20 =	sshll.u32 s4, $0x1;
	s4 =	sadd.s32 s21, s2  }
0x9d: {  	[timem:s6], [sflag:s22] =	dma.local [hbm:s4], s20  }
0x9e: {  	_ =	swait.ge [sflag:s22], s20  }
0x9f: {  	s3 =	ssub.s32 $0x0, s20;
	[sflag:s22] =	ssyncset.done $0x0  }
0xa0: {  	[sflag:s22] =	ssyncadd.s32 s3;
	_ =	sdelay $0x1  }
0xa1: {  	s23 =	simm.s32 $0x1B8B  }
0xa2: {  	_ =	swait.ge [sflag:s23], $0x1  }
0xa3: {  	[sflag:s23] =	ssyncset.done $0x0  }
0xa4: {  	s25 =	simm.s32 $0x1B8E;
	s24 =	sld [smem:$0x3FFE];
	[sflag:s23] =	ssyncadd.s32 $0xFFFFFFFF  }
0xa5: {  	s26 =	simm.s32 $execute0_lowered;
	[smem:$0x3FD2] =	sst s25  }
0xa6: {  	s4 =	sshll.u32 s26, $0x1;
	_ =	strace $0x8000004C;
	[dreg:$0x1] =	wrdreg $0xFFFFFFFF  }
0xa7: {  	s28 =	simm.s32 $_size_execute0_lowered;
	s2 =	sadd.s32 s2, s4;
	[dreg:$0x0] =	wrdreg $0x0  }
0xa8: {  	s4 =	sshll.u32 s28, $0x1;
	[dreg:$0x2] =	wrdreg s2  }
0xa9: {  	[dreg:$0x3] =	wrdreg s4  }
0xaa: {  	[dreg:$0x4] =	wrdreg $0xC0  }
0xab: {  	_ =	task [dreg:s6], $0x5FFFF  }
0xac: {  	[dreg:$0x1] =	wrdreg $0xFFFFFFFF  }
0xad: {  	[dreg:$0x0] =	wrdreg $0x60  }
0xae: {  	[dreg:$0x2] =	wrdreg s24  }
0xaf: {  	[dreg:$0x3] =	wrdreg $0x0  }
0xb0: {  	[dreg:$0x4] =	wrdreg $0x9  }
0xb1: {  	_ =	task.clear_ibuf [dreg:s6], $0x5FFFF;
	_ =	strace $0x9000004C  }
0xb2: {  	s29 =	simm.s32 $0x9;
	_ =	strace $0x8000004E  }
0xb3: {  	_ =	swait.ge [sflag:s29], $0x1  }
0xb4: {  	[sflag:s29] =	ssyncadd.s32 $0xFFFFFFFF  }
0xb5: {  	_ =	strace $0x9000004E  }
0xb6: {  	_ =	sfence  }
0xb7: {  	s30 =	sld [smem:$0x0];
	_ =	sdelay $0x2  }
0xb8: {  	s31 =	sshll.u32 s1, $0xD;
	s1 =	sshrl.u32 s1, $0x2  }
0xb9: {  	s3 =	sand.u32 $0x4000, s31;
	s1 =	sadd.s32 s1, s30  }
0xba: {  	s0 =	sor.u32 s3, s0;
	s1 =	sshll.u32 s1, $0x11  }
0xbb: {  	s0 =	sor.u32 s1, s0  }
0xbc: {  	s0 =	sadd.s32 $0x8F2B, s0  }
0xbd: {  	[sflag:s0] =	ssyncadd.remote.s32 $0x1  }
0xbe: {  	_ =	sfence.sel $0xFFFF  }
0xbf: {  	[dreg:$0x0] =	wrdreg $0xFFFFFFFF;
	(pc) =	sbr.abs _section_cstart, $3  }
0xc0: {  	[dreg:$0x1] =	wrdreg $0xFFFFFFFF  }
0xc1: {  	_ =	task.clear_ibuf [dreg:s6], $0x2FFFF;
	_ =	strace $0x9FFFFFFF  }
0xc2: {  	(tm) =	ssettm $0x7FFFFFFF  }
0xc3: {  	_ =	shalt  }
tec
execute0_lowered:
.L_overlay_start_1:
0x0: {  	(tag) =	ssettag $0x1  }
0x1: {  	s0 =	rddreg [dreg:$0x0]  }
0x2: {  	s1 =	rddreg [dreg:$0x1]  }
0x3: {  	s3 =	simm.s32 $0x0;
	s2 =	stileid.u32;
	s7 =	srdreg.scid  }
0x4: {  	s18 =	simm.s32 $0x3;
	s19 =	simm.s32 $0xA000;
	s21 =	simm.s32 $0x50  }
0x5: {  	s22 =	simm.s32 $0x13C40;
	s28 =	simm.s32 $0xEDD0;
	s29 =	simm.s32 $0x13BA0  }
0x6: {  	s30 =	simm.s32 $0x13BF0;
	s31 =	simm.s32 $0x0;
	[smem:$0x7FF] =	sst s3  }
0x7: {  	s4 =	sadd.s32 $0x4A400, s0;
	s6 =	smul.u32 $0x9C4, s2;
	s5 =	sadd.s32 $0x5DE00, s0  }
0x8: {  	s17 =	sand.u32 $0x1, s7;
	s23 =	smul.u32 $0x28000, s2;
	s8 =	sadd.s32 $0x85800, s0  }
0x9: {  	s12 =	smul.u32 $0xA000, s2;
	_ =	strace $0x8000004D;
	[dreg:$0x3] =	wrdreg s8  }
0xa: {  	s24 =	ssub.s32 $0x2, s17;
	p0 =	sne.s32 s17, $0x0;
	s17 =	simm.s32 $0x16440  }
0xb: {  	s6 =	sadd.s32 s6, s0;
	s9 =	sshrl.u32 s24, $0x1;
	s10 =	sshrl.u32 s23, $0x2  }
0xc: {  	s0 =	sadd.s32 $0x71800, s0;
	s11 =	sshrl.u32 s12, $0x3;
	s26 =	sadd.s32 s12, s1  }
.Ltmp0:
0xd: {  	s23 =	simm.s32 $0x15040;
	[dreg:$0x4] =	wrdreg s0;
	(pc) =	sbr.rel .LBB2_1-.Ltmp0, $4  }
0xe: {  	s25 =	ssub.s32 s24, s9;
	s8 =	sadd.s32 s10, s1;
	s9 =	sadd.s32 $0xE600, s6  }
0xf: {  	s10 =	sadd.s32 $0x4800, s6;
	s24 =	simm.s32 $0x1;
	s12 =	smax.u32 s25, $0x1  }
0x10: {  	s13 =	sadd.s32 $0x2000, s8;
	s14 =	sadd.s32 $0x4000, s8;
	s15 =	sadd.s32 $0x6000, s8  }
0x11: {  	v0 =	vimm.f32 $0.0e+00;
	s16 =	sadd.s32 $0x8000, s8;
	s25 =	sshrl.u32 s26, $0x3;
	s26 =	simm.s32 $0x2  }
.LBB2_9:
0x12: {  	s2 =	sadd.s32 $0xA050, s0;
	[sflag:s18] =	ssyncadd.s32 $0xFFFFEC00  }
0x13: {  	[tilespmem:s23], [sflag:$0x2] =	stream.indirect.gather [hbm4b:s5+s21], $0x40, s2, s21, $0xb8;
	[tilespmem:$0x18440] =	vst v63  }
0x14: {  	_ =	swait.ge [sflag:s24], $0x1400  }
0x15: {  	[sflag:s24] =	ssyncset.done $0x0  }
0x16: {  	s6 =	sadd.s32 $0xEE20, s0;
	[sflag:s24] =	ssyncadd.s32 $0xFFFFEC00  }
0x17: {  	[spmem:s1] =	stream.indirect.scatter.add.f32 [tilespmem:s22], [sflag:$0x3], $0x40, s6, s21, $0xb8;
	[tilespmem:$0x18440] =	vst v63  }
0x18: {  	_ =	swait.ge [sflag:s18], $0x1400  }
0x19: {  	[sflag:s18] =	ssyncset.done $0x0  }
0x1a: {  	s7 =	sadd.s32 $0xA0A0, s0;
	[sflag:s18] =	ssyncadd.s32 $0xFFFFEC00  }
0x1b: {  	[tilespmem:s22], [sflag:$0x1] =	stream.indirect.gather [hbm4b:s5+s21], $0x40, s7, s21, $0xb8;
	[tilespmem:$0x18440] =	vst v63  }
0x1c: {  	_ =	swait.ge [sflag:s26], $0x1400  }
0x1d: {  	[sflag:s26] =	ssyncset.done $0x0  }
0x1e: {  	s20 =	sadd.s32 $0xEE70, s0;
	[sflag:s26] =	ssyncadd.s32 $0xFFFFEC00  }
0x1f: {  	[spmem:s1] =	stream.indirect.scatter.add.f32 [tilespmem:s23], [sflag:$0x3], $0x40, s20, s21, $0xb8;
	[tilespmem:$0x18440] =	vst v63  }
0x20: {  	_ =	swait.ge [sflag:s18], $0x1400  }
0x21: {  	[sflag:s18] =	ssyncset.done $0x0  }
0x22: {  	s0 =	rddreg [dreg:$0x4];
	[sflag:s18] =	ssyncadd.s32 $0xFFFFEC00  }
0x23: {  	[tilespmem:s23], [sflag:$0x2] =	stream.indirect.gather [hbm4b:s5+s21], $0x40, s28, s21, $0xb8;
	[tilespmem:$0x18440] =	vst v63  }
.LBB2_10:
0x24: {  	_ =	swait.ge [sflag:s24], $0x1400  }
0x25: {  	[sflag:s24] =	ssyncset.done $0x0  }
0x26: {  	[sflag:s24] =	ssyncadd.s32 $0xFFFFEC00  }
0x27: {  	[spmem:s1] =	stream.indirect.scatter.add.f32 [tilespmem:s22], [sflag:$0x3], $0x40, s29, s21, $0xb8;
	[tilespmem:$0x18440] =	vst v63  }
0x28: {  	_ =	swait.ge [sflag:s18], $0x1400  }
0x29: {  	[sflag:s18] =	ssyncset.done $0x0  }
0x2a: {  	[sflag:s18] =	ssyncadd.s32 $0xFFFFEC00  }
0x2b: {  	_ =	swait.ge [sflag:s26], $0x1400  }
0x2c: {  	[sflag:s26] =	ssyncset.done $0x0  }
0x2d: {  	[sflag:s26] =	ssyncadd.s32 $0xFFFFEC00  }
0x2e: {  	[spmem:s1] =	stream.indirect.scatter.add.f32 [tilespmem:s23], [sflag:$0x3], $0x40, s30, s21, $0xb8;
	[tilespmem:$0x18440] =	vst v63  }
0x2f: {  	s2 =	stileid.u32;
	_ =	swait.ge [sflag:s18], $0x1400  }
0x30: {  	s0 =	sadd.s32 s0, s11;
	s31 =	sadd.s32 $0x1, s31;
	[sflag:s18] =	ssyncset.done $0x0  }
0x31: {  	s2 =	sshll.u32 s2, $0x6;
	p1 =	sne.s32 s31, s12;
	[sflag:s18] =	ssyncadd.s32 $0xFFFFEC00  }
.Ltmp1:
0x32: {  	s2 =	sor.u32 $0x1C03, s2;
	[bflag:$0x0] =	sbarrier.arrive $0xFFFF;
	(pc) =	sbr.rel @!p1 .LBB2_11-.Ltmp1, $4  }
0x33: {  	[hbm:s0], [sflag:s2] =	dma.local [spmem:s25], $0x1400  }
0x34: {  	_ =	swait.ge [sflag:s18], $0x1400  }
0x35: {  	[sflag:s18] =	ssyncset.done $0x0  }
0x36: {  	[sflag:s18] =	ssyncadd.s32 $0xFFFFEC00  }
.LBB2_1:
0x37: {  	s6 =	simm.s32 $0x100;
	s0 =	simm.s32 $0x0  }
.LBB2_2:
0x38: {  	p1 =	sne.s32 s6, $0x7F00;
	[tilespmem:s0+$0x16470] =	vst v0;
	s7 =	smov.u32 s6;
	s6 =	sadd.s32 $0x100, s6  }
.Ltmp2:
0x39: {  	[tilespmem:s0+$0x16460] =	vst v0;
	(pc) =	sbr.rel @p1 .LBB2_2-.Ltmp2, $3  }
0x3a: {  	[tilespmem:s0+$0x16440] =	vst v0  }
0x3b: {  	[tilespmem:s0+$0x16450] =	vst v0;
	_ =	sdelay $0x1  }
0x3c: {  	s0 =	sshra.s32 s7, $0x2  }
0x3d: {  	[tilespmem:s0+$0x16470] =	vst v0  }
0x3e: {  	[tilespmem:s0+$0x16460] =	vst v0  }
0x3f: {  	[tilespmem:s0+$0x16440] =	vst v0  }
0x40: {  	[tilespmem:s0+$0x16450] =	vst v0  }
0x41: {  	[spmem:s8] =	stream.linear.scatter [tilespmem:s17], [sflag:$0x3], $0x2000, $0x38;
	[tilespmem:$0x18440] =	vst v63  }
0x42: {  	_ =	swait.ge [sflag:s18], $0x2000  }
0x43: {  	[sflag:s18] =	ssyncset.done $0x0  }
0x44: {  	[sflag:s18] =	ssyncadd.s32 $0xFFFFE000  }
0x45: {  	[spmem:s13] =	stream.linear.scatter [tilespmem:s17], [sflag:$0x3], $0x2000, $0x38;
	[tilespmem:$0x18440] =	vst v63  }
0x46: {  	_ =	swait.ge [sflag:s18], $0x2000  }
0x47: {  	[sflag:s18] =	ssyncset.done $0x0  }
0x48: {  	[sflag:s18] =	ssyncadd.s32 $0xFFFFE000  }
0x49: {  	[spmem:s14] =	stream.linear.scatter [tilespmem:s17], [sflag:$0x3], $0x2000, $0x38;
	[tilespmem:$0x18440] =	vst v63  }
0x4a: {  	_ =	swait.ge [sflag:s18], $0x2000  }
0x4b: {  	[sflag:s18] =	ssyncset.done $0x0  }
0x4c: {  	[sflag:s18] =	ssyncadd.s32 $0xFFFFE000  }
0x4d: {  	[spmem:s15] =	stream.linear.scatter [tilespmem:s17], [sflag:$0x3], $0x2000, $0x38;
	[tilespmem:$0x18440] =	vst v63  }
0x4e: {  	_ =	swait.ge [sflag:s18], $0x2000  }
0x4f: {  	[sflag:s18] =	ssyncset.done $0x0  }
0x50: {  	[sflag:s18] =	ssyncadd.s32 $0xFFFFE000  }
0x51: {  	[spmem:s16] =	stream.linear.scatter [tilespmem:s17], [sflag:$0x3], $0x2000, $0x38;
	[tilespmem:$0x18440] =	vst v63  }
0x52: {  	_ =	swait.ge [sflag:s18], $0x2000  }
0x53: {  	[sflag:s18] =	ssyncset.done $0x0  }
0x54: {  	[sflag:s18] =	ssyncadd.s32 $0xFFFFE000  }
0x55: {  	[tilespmem:s19], [sflag:$0x3] =	stream.linear.gather [hbm4b:s9+s3], $0x4E20, $0x38;
	[tilespmem:$0x18440] =	vst v63  }
0x56: {  	_ =	swait.ge [sflag:s18], $0x4E20  }
0x57: {  	[sflag:s18] =	ssyncset.done $0x0  }
0x58: {  	s20 =	simm.s32 $0xEE20;
	[sflag:s18] =	ssyncadd.s32 $0xFFFFB1E0  }
0x59: {  	[tilespmem:s20], [sflag:$0x3] =	stream.linear.gather [hbm4b:s10+s3], $0x4E20, $0x38;
	[tilespmem:$0x18440] =	vst v63  }
.Ltmp3:
0x5a: {  	_ =	swait.ge [sflag:s18], $0x4E20;
	(pc) =	sbr.rel @p0 .LBB2_7-.Ltmp3, $3  }
0x5b: {  	[sflag:s18] =	ssyncset.done $0x0  }
0x5c: {  	[sflag:s18] =	ssyncadd.s32 $0xFFFFB1E0  }
0x5d: {  	[bflag:$0x0] =	sbarrier.arrive $0xFFFF;
	_ =	sdelay $0x1  }
0x5e: {  	[tilespmem:s22], [sflag:$0x1] =	stream.indirect.gather [hbm4b:s4+s21], $0x40, s19, s21, $0xb8;
	[tilespmem:$0x18440] =	vst v63  }
0x5f: {  	s0 =	simm.s32 $0xA050  }
0x60: {  	[tilespmem:s23], [sflag:$0x2] =	stream.indirect.gather [hbm4b:s4+s21], $0x40, s0, s21, $0xb8;
	[tilespmem:$0x18440] =	vst v63  }
0x61: {  	_ =	swait.ge [sflag:s24], $0x1400  }
0x62: {  	[sflag:s24] =	ssyncset.done $0x0  }
0x63: {  	s6 =	simm.s32 $0xEE20;
	[sflag:s24] =	ssyncadd.s32 $0xFFFFEC00  }
0x64: {  	[spmem:s1] =	stream.indirect.scatter.add.f32 [tilespmem:s22], [sflag:$0x3], $0x40, s6, s21, $0xb8;
	[tilespmem:$0x18440] =	vst v63  }
0x65: {  	_ =	swait.ge [sflag:s18], $0x1400  }
0x66: {  	[sflag:s18] =	ssyncset.done $0x0  }
0x67: {  	s7 =	simm.s32 $0xA0A0;
	[sflag:s18] =	ssyncadd.s32 $0xFFFFEC00  }
0x68: {  	[tilespmem:s22], [sflag:$0x1] =	stream.indirect.gather [hbm4b:s4+s21], $0x40, s7, s21, $0xb8;
	[tilespmem:$0x18440] =	vst v63  }
0x69: {  	_ =	swait.ge [sflag:s26], $0x1400  }
0x6a: {  	[sflag:s26] =	ssyncset.done $0x0  }
0x6b: {  	s20 =	simm.s32 $0xEE70;
	[sflag:s26] =	ssyncadd.s32 $0xFFFFEC00  }
0x6c: {  	[spmem:s1] =	stream.indirect.scatter.add.f32 [tilespmem:s23], [sflag:$0x3], $0x40, s20, s21, $0xb8;
	[tilespmem:$0x18440] =	vst v63  }
0x6d: {  	_ =	swait.ge [sflag:s18], $0x1400  }
0x6e: {  	s0 =	simm.s32 $0xA0;
	s6 =	simm.s32 $0x500;
	[sflag:s18] =	ssyncset.done $0x0  }
.LBB2_5:
0x6f: {  	s7 =	sadd.s32 $0xA050, s0  }
0x70: {  	[sflag:s18] =	ssyncadd.s32 $0xFFFFEC00;
	s20 =	smov.u32 s6;
	s2 =	sadd.s32 $0x280, s6  }
0x71: {  	[tilespmem:s23], [sflag:$0x2] =	stream.indirect.gather [hbm4b:s4+s21], $0x40, s7, s21, $0xb8;
	[tilespmem:$0x18440] =	vst v63  }
0x72: {  	p1 =	sne.s32 s6, $0x13380;
	_ =	swait.ge [sflag:s24], $0x1400  }
0x73: {  	[sflag:s24] =	ssyncset.done $0x0  }
0x74: {  	s6 =	sadd.s32 $0xEE20, s0;
	[sflag:s24] =	ssyncadd.s32 $0xFFFFEC00  }
0x75: {  	[spmem:s1] =	stream.indirect.scatter.add.f32 [tilespmem:s22], [sflag:$0x3], $0x40, s6, s21, $0xb8;
	[tilespmem:$0x18440] =	vst v63  }
0x76: {  	_ =	swait.ge [sflag:s18], $0x1400  }
0x77: {  	[sflag:s18] =	ssyncset.done $0x0  }
0x78: {  	s6 =	sadd.s32 $0xA0A0, s0;
	[sflag:s18] =	ssyncadd.s32 $0xFFFFEC00  }
0x79: {  	[tilespmem:s22], [sflag:$0x1] =	stream.indirect.gather [hbm4b:s4+s21], $0x40, s6, s21, $0xb8;
	[tilespmem:$0x18440] =	vst v63  }
0x7a: {  	_ =	swait.ge [sflag:s26], $0x1400  }
.Ltmp4:
0x7b: {  	[sflag:s26] =	ssyncset.done $0x0;
	(pc) =	sbr.rel @p1 .LBB2_5-.Ltmp4, $4  }
0x7c: {  	s0 =	sadd.s32 $0xEE70, s0;
	[sflag:s26] =	ssyncadd.s32 $0xFFFFEC00  }
0x7d: {  	[spmem:s1] =	stream.indirect.scatter.add.f32 [tilespmem:s23], [sflag:$0x3], $0x40, s0, s21, $0xb8;
	[tilespmem:$0x18440] =	vst v63  }
0x7e: {  	_ =	swait.ge [sflag:s18], $0x1400  }
0x7f: {  	s6 =	smov.u32 s2;
	s0 =	sshra.s32 s20, $0x2;
	[sflag:s18] =	ssyncset.done $0x0  }
0x80: {  	s2 =	sadd.s32 $0xA050, s0;
	[sflag:s18] =	ssyncadd.s32 $0xFFFFEC00  }
0x81: {  	[tilespmem:s23], [sflag:$0x2] =	stream.indirect.gather [hbm4b:s4+s21], $0x40, s2, s21, $0xb8;
	[tilespmem:$0x18440] =	vst v63  }
0x82: {  	_ =	swait.ge [sflag:s24], $0x1400  }
0x83: {  	[sflag:s24] =	ssyncset.done $0x0  }
0x84: {  	s6 =	sadd.s32 $0xEE20, s0;
	[sflag:s24] =	ssyncadd.s32 $0xFFFFEC00  }
0x85: {  	[spmem:s1] =	stream.indirect.scatter.add.f32 [tilespmem:s22], [sflag:$0x3], $0x40, s6, s21, $0xb8;
	[tilespmem:$0x18440] =	vst v63  }
0x86: {  	_ =	swait.ge [sflag:s18], $0x1400  }
0x87: {  	[sflag:s18] =	ssyncset.done $0x0  }
0x88: {  	s7 =	sadd.s32 $0xA0A0, s0;
	[sflag:s18] =	ssyncadd.s32 $0xFFFFEC00  }
0x89: {  	[tilespmem:s22], [sflag:$0x1] =	stream.indirect.gather [hbm4b:s4+s21], $0x40, s7, s21, $0xb8;
	[tilespmem:$0x18440] =	vst v63  }
0x8a: {  	_ =	swait.ge [sflag:s26], $0x1400  }
0x8b: {  	[sflag:s26] =	ssyncset.done $0x0  }
0x8c: {  	s20 =	sadd.s32 $0xEE70, s0;
	[sflag:s26] =	ssyncadd.s32 $0xFFFFEC00  }
0x8d: {  	[spmem:s1] =	stream.indirect.scatter.add.f32 [tilespmem:s23], [sflag:$0x3], $0x40, s20, s21, $0xb8;
	[tilespmem:$0x18440] =	vst v63  }
.Ltmp5:
0x8e: {  	_ = 	snop;
	(pc) =	sbr.rel .LBB2_10-.Ltmp5, $4  }
0x8f: {  	_ =	swait.ge [sflag:s18], $0x1400  }
0x90: {  	[sflag:s18] =	ssyncset.done $0x0  }
0x91: {  	s0 =	rddreg [dreg:$0x3];
	[sflag:s18] =	ssyncadd.s32 $0xFFFFEC00  }
0x92: {  	[tilespmem:s23], [sflag:$0x2] =	stream.indirect.gather [hbm4b:s4+s21], $0x40, s28, s21, $0xb8;
	[tilespmem:$0x18440] =	vst v63  }
.LBB2_7:
0x93: {  	[tilespmem:s22], [sflag:$0x1] =	stream.indirect.gather [hbm4b:s5+s21], $0x40, s19, s21, $0xb8;
	[tilespmem:$0x18440] =	vst v63  }
0x94: {  	s0 =	simm.s32 $0xA050  }
0x95: {  	[tilespmem:s23], [sflag:$0x2] =	stream.indirect.gather [hbm4b:s5+s21], $0x40, s0, s21, $0xb8;
	[tilespmem:$0x18440] =	vst v63  }
0x96: {  	_ =	swait.ge [sflag:s24], $0x1400  }
0x97: {  	[sflag:s24] =	ssyncset.done $0x0  }
0x98: {  	s6 =	simm.s32 $0xEE20;
	[sflag:s24] =	ssyncadd.s32 $0xFFFFEC00  }
0x99: {  	[spmem:s1] =	stream.indirect.scatter.add.f32 [tilespmem:s22], [sflag:$0x3], $0x40, s6, s21, $0xb8;
	[tilespmem:$0x18440] =	vst v63  }
0x9a: {  	_ =	swait.ge [sflag:s18], $0x1400  }
0x9b: {  	[sflag:s18] =	ssyncset.done $0x0  }
0x9c: {  	s7 =	simm.s32 $0xA0A0;
	[sflag:s18] =	ssyncadd.s32 $0xFFFFEC00  }
0x9d: {  	[tilespmem:s22], [sflag:$0x1] =	stream.indirect.gather [hbm4b:s5+s21], $0x40, s7, s21, $0xb8;
	[tilespmem:$0x18440] =	vst v63  }
0x9e: {  	_ =	swait.ge [sflag:s26], $0x1400  }
0x9f: {  	[sflag:s26] =	ssyncset.done $0x0  }
0xa0: {  	s20 =	simm.s32 $0xEE70;
	[sflag:s26] =	ssyncadd.s32 $0xFFFFEC00  }
0xa1: {  	[spmem:s1] =	stream.indirect.scatter.add.f32 [tilespmem:s23], [sflag:$0x3], $0x40, s20, s21, $0xb8;
	[tilespmem:$0x18440] =	vst v63  }
0xa2: {  	_ =	swait.ge [sflag:s18], $0x1400  }
0xa3: {  	s0 =	simm.s32 $0xA0;
	s6 =	simm.s32 $0x500;
	[sflag:s18] =	ssyncset.done $0x0  }
.LBB2_8:
0xa4: {  	s2 =	sadd.s32 $0xA050, s0  }
0xa5: {  	[sflag:s18] =	ssyncadd.s32 $0xFFFFEC00;
	s7 =	smov.u32 s6;
	s20 =	sadd.s32 $0x280, s6  }
0xa6: {  	[tilespmem:s23], [sflag:$0x2] =	stream.indirect.gather [hbm4b:s5+s21], $0x40, s2, s21, $0xb8;
	[tilespmem:$0x18440] =	vst v63  }
0xa7: {  	p1 =	sne.s32 s6, $0x13380;
	_ =	swait.ge [sflag:s24], $0x1400  }
0xa8: {  	[sflag:s24] =	ssyncset.done $0x0  }
0xa9: {  	s2 =	sadd.s32 $0xEE20, s0;
	[sflag:s24] =	ssyncadd.s32 $0xFFFFEC00  }
0xaa: {  	[spmem:s1] =	stream.indirect.scatter.add.f32 [tilespmem:s22], [sflag:$0x3], $0x40, s2, s21, $0xb8;
	[tilespmem:$0x18440] =	vst v63  }
0xab: {  	_ =	swait.ge [sflag:s18], $0x1400  }
0xac: {  	[sflag:s18] =	ssyncset.done $0x0  }
0xad: {  	s2 =	sadd.s32 $0xA0A0, s0;
	[sflag:s18] =	ssyncadd.s32 $0xFFFFEC00  }
0xae: {  	[tilespmem:s22], [sflag:$0x1] =	stream.indirect.gather [hbm4b:s5+s21], $0x40, s2, s21, $0xb8;
	[tilespmem:$0x18440] =	vst v63  }
0xaf: {  	_ =	swait.ge [sflag:s26], $0x1400  }
.Ltmp6:
0xb0: {  	[sflag:s26] =	ssyncset.done $0x0;
	(pc) =	sbr.rel @p1 .LBB2_8-.Ltmp6, $4  }
0xb1: {  	s0 =	sadd.s32 $0xEE70, s0;
	[sflag:s26] =	ssyncadd.s32 $0xFFFFEC00  }
0xb2: {  	[spmem:s1] =	stream.indirect.scatter.add.f32 [tilespmem:s23], [sflag:$0x3], $0x40, s0, s21, $0xb8;
	[tilespmem:$0x18440] =	vst v63  }
0xb3: {  	_ =	swait.ge [sflag:s18], $0x1400  }
0xb4: {  	s6 =	smov.u32 s20;
	s0 =	sshra.s32 s7, $0x2;
	[sflag:s18] =	ssyncset.done $0x0  }
.Ltmp7:
0xb5: {  	_ = 	snop;
	(pc) =	sbr.rel .LBB2_9-.Ltmp7, $1  }
0xb6: {  	_ =	sdelay $0x3  }
.LBB2_11:
0xb7: {  	_ =	sfence.sel $0x180000  }
0xb8: {  	[bflag:$0x0] =	sbarrier.arrive $0xFFFF  }
0xb9: {  	_ =	strace $0x9000004D  }
0xba: {  	s0 =	stileid.u32;
	[bflag:$0x2] =	sbarrier.arrive $0xFFFF  }
0xbb: {  	p0 =	sne.s32 s0, $0x0;
	s0 =	rddreg [dreg:$0x2]  }
0xbc: {  	s0 =	sadd.s32 @!p0 $0x100000, s0  }
0xbd: {  	[sflag:s0] =	ssyncadd.tile.s32 @!p0 $0x1;
	_ =	shalt  }
.Lfunc_end2:
_tile_overlayer_lowered:
.L_overlay_start_2:
0xbe: {  	(tag) =	ssettag $0x2  }
0xbf: {  	s0 =	rddreg [dreg:$0x0];
	s2 =	stileid.u32  }
0xc0: {  	s1 =	rddreg [dreg:$0x1];
	p0 =	sne.s32 s2, $0x0  }
0xc1: {  	s3 =	rddreg [dreg:$0x2];
	[bflag:$0x3] =	sbarrier.arrive $0xFFFF;
	s2 =	simm.s32 @!p0 $0x1C03  }
0xc2: {  	[timem:s3], [sflag:s2] =	dma.local @!p0 [hbm:s0], s1  }
0xc3: {  	s0 =	simm.s32 @!p0 $0x3  }
0xc4: {  	_ =	swait.ge @!p0 [sflag:s0], s1  }
0xc5: {  	s1 =	ssub.s32 @!p0 $0x0, s1;
	[sflag:s0] =	ssyncset.done @!p0 $0x0  }
0xc6: {  	[sflag:s0] =	ssyncadd.s32 @!p0 s1  }
0xc7: {  	[bflag:$0x3] =	sbarrier.arrive $0xFFFF  }
0xc8: {  	_ =	shalt  }

// kernel: kernel.19.cloned.1.call-start
scs
__scs_entry_jumppad:
0x0: {  	(pc) =	sbr.rel $0x88, $3  }
0x1: {  	(tag) =	ssettag $0x0;
	lr =	simm.s32 $0x1  }
0x2: {  	[smem:$0x3F97] =	sst lr;
	_ =	strace $0xD0000000  }
0x3: {  	_ = 	snop  }
0x4: {  	_ = 	snop  }
0x5: {  	_ = 	snop  }
0x6: {  	_ = 	snop  }
0x7: {  	_ = 	snop  }
__scs_overlays_trampoline_lowered:
0x8: {  	[smem:$0x3FA6] =	sst s0  }
0x9: {  	[smem:$0x3FA7] =	sst s1  }
0xa: {  	[smem:$0x3FA8] =	sst s2  }
0xb: {  	[smem:$0x3FA9] =	sst s3  }
0xc: {  	[smem:$0x3FAA] =	sst s4  }
0xd: {  	[smem:$0x3FAB] =	sst s5  }
0xe: {  	[smem:$0x3FAC] =	sst s6  }
0xf: {  	[smem:$0x3FAD] =	sst s7  }
0x10: {  	[smem:$0x3FAE] =	sst s8  }
0x11: {  	[smem:$0x3FAF] =	sst s9;
	s0 =	simm.s32 @!p0 $0x0  }
0x12: {  	s1 =	sld [smem:$0x3F95];
	s0 =	simm.s32 @p0 $0x1  }
0x13: {  	[smem:$0x3FB0] =	sst s0;
	s0 =	simm.s32 @!p1 $0x0  }
0x14: {  	s2 =	sld [smem:$0x3F94];
	s0 =	simm.s32 @p1 $0x1  }
0x15: {  	[smem:$0x3FB1] =	sst s0;
	s0 =	simm.s32 @!p2 $0x0  }
0x16: {  	s3 =	sld [smem:$0x3FDB];
	s0 =	simm.s32 @p2 $0x1  }
0x17: {  	s4 =	simm.s32 $0x1BF5;
	[smem:$0x3FB3] =	sst s0  }
0x18: {  	s0 =	sld [smem:$0x3F96];
	_ =	swait.ge [sflag:s4], $0x0  }
0x19: {  	s7 =	sld [smem:$0x3F97]  }
0x1a: {  	s8 =	sadd.s32 $0xFFFFE003, lr  }
0x1b: {  	s9 =	sadd.s32 $0xFFFFFEF7, lr;
	s5 =	simm.s32 $0xFFFFFFFF;
	p2 =	slt.u32 s8, $0xFFFFF086  }
0x1c: {  	p1 =	slt.u32 s9, $0xF7A;
	s5 =	simm.s32 @!p2 $0x0  }
0x1d: {  	s5 =	simm.s32 @p1 $0x1;
	p0 =	seq.s32 s7, s2  }
0x1e: {  	s7 =	smul.u32 @!p0 $0xF7A, s2;
	p2 =	seq.s32 @!p0 s5, $0x0  }
0x1f: {  	s9 =	smul.u32 $0xF7A, s1;
	s8 =	simm.s32 @!p0 $0x1BF5;
	p2 =	por !p2, p0  }
0x20: {  	[sflag:s8] =	ssyncset.s32 @!p0 $0xFFFFF086;
	s6 =	sadd.s32 @!p0 s3, s7;
	s7 =	simm.s32 @!p0 $0x108  }
0x21: {  	s3 =	sadd.s32 s3, s9;
	s6 =	sadd.s32 @!p0 $0x88, s6;
	s7 =	simm.s32 @p2 $0x1082  }
0x22: {  	[simem:s7], [sflag:s8] =	dma.local @!p0 [hbm:s6], $0xF7A  }
0x23: {  	s9 =	sor.u32 $0xD0000000, s2;
	s6 =	simm.s32 $0x108;
	_ =	swait.ge @!p0 [sflag:s8], $0x0  }
0x24: {  	s3 =	sadd.s32 $0x88, s3;
	s6 =	simm.s32 @!p1 $0x1082;
	[sflag:s4] =	ssyncset.s32 $0xFFFFF086  }
0x25: {  	[simem:s6], [sflag:s4] =	dma.local [hbm:s3], $0xF7A  }
0x26: {  	[smem:$0x3F97] =	sst s1;
	(tag) =	ssettag s2;
	_ =	strace s9  }
0x27: {  	s1 =	sld [smem:$0x3FA7]  }
0x28: {  	s2 =	sld [smem:$0x3FA8]  }
0x29: {  	s4 =	sld [smem:$0x3FAA]  }
0x2a: {  	p0 =	seq.s32 s5, $0x0;
	s5 =	sld [smem:$0x3FAB]  }
0x2b: {  	s6 =	sld [smem:$0x3FAC]  }
0x2c: {  	s7 =	sld [smem:$0x3FAD]  }
0x2d: {  	s3 =	simm.s32 $0x108;
	s8 =	sld [smem:$0x3FAE]  }
0x2e: {  	s3 =	simm.s32 @!p0 $0x1082;
	s9 =	sld [smem:$0x3FAF]  }
0x2f: {  	lr =	sadd.s32 s0, s3;
	s0 =	sld [smem:$0x3FA6]  }
0x30: {  	s3 =	sld [smem:$0x3FA9]  }
0x31: {  	[smem:$0x3FB2] =	sst s10  }
0x32: {  	s10 =	sld [smem:$0x3FB0];
	_ =	sdelay $0x3  }
0x33: {  	p0 =	seq.s32 s10, $0x1;
	s10 =	sld [smem:$0x3FB2];
	_ =	sdelay $0x3  }
0x34: {  	[smem:$0x3FB2] =	sst s10  }
0x35: {  	s10 =	sld [smem:$0x3FB1];
	_ =	sdelay $0x3  }
0x36: {  	p1 =	seq.s32 s10, $0x1;
	s10 =	sld [smem:$0x3FB2];
	_ =	sdelay $0x3  }
0x37: {  	[smem:$0x3FB2] =	sst s10  }
0x38: {  	s10 =	sld [smem:$0x3FB3]  }
0x39: {  	_ = 	snop;
	(pc) =	sbr.ind lr, $3  }
0x3a: {  	_ = 	snop  }
0x3b: {  	_ = 	snop  }
0x3c: {  	p2 =	seq.s32 s10, $0x1;
	s10 =	sld [smem:$0x3FB2]  }
0x3d: {  	_ =	shalt  }
0x3e: {  	_ =	shalt  }
0x3f: {  	_ =	shalt  }
0x40: {  	_ =	shalt  }
0x41: {  	_ =	shalt  }
0x42: {  	_ =	shalt  }
0x43: {  	_ =	shalt  }
0x44: {  	_ =	shalt  }
0x45: {  	_ =	shalt  }
0x46: {  	_ =	shalt  }
0x47: {  	_ =	shalt  }
0x48: {  	_ =	shalt  }
0x49: {  	_ =	shalt  }
0x4a: {  	_ =	shalt  }
0x4b: {  	_ =	shalt  }
0x4c: {  	_ =	shalt  }
0x4d: {  	_ =	shalt  }
0x4e: {  	_ =	shalt  }
0x4f: {  	_ =	shalt  }
0x50: {  	_ =	shalt  }
0x51: {  	_ =	shalt  }
0x52: {  	_ =	shalt  }
0x53: {  	_ =	shalt  }
0x54: {  	_ =	shalt  }
0x55: {  	_ =	shalt  }
0x56: {  	_ =	shalt  }
0x57: {  	_ =	shalt  }
0x58: {  	_ =	shalt  }
0x59: {  	_ =	shalt  }
0x5a: {  	_ =	shalt  }
0x5b: {  	_ =	shalt  }
0x5c: {  	_ =	shalt  }
0x5d: {  	_ =	shalt  }
0x5e: {  	_ =	shalt  }
0x5f: {  	_ =	shalt  }
0x60: {  	_ =	shalt  }
0x61: {  	_ =	shalt  }
0x62: {  	_ =	shalt  }
0x63: {  	_ =	shalt  }
0x64: {  	_ =	shalt  }
0x65: {  	_ =	shalt  }
0x66: {  	_ =	shalt  }
0x67: {  	_ =	shalt  }
0x68: {  	_ =	shalt  }
0x69: {  	_ =	shalt  }
0x6a: {  	_ =	shalt  }
0x6b: {  	_ =	shalt  }
0x6c: {  	_ =	shalt  }
0x6d: {  	_ =	shalt  }
0x6e: {  	_ =	shalt  }
0x6f: {  	_ =	shalt  }
0x70: {  	_ =	shalt  }
0x71: {  	_ =	shalt  }
0x72: {  	_ =	shalt  }
0x73: {  	_ =	shalt  }
0x74: {  	_ =	shalt  }
0x75: {  	_ =	shalt  }
0x76: {  	_ =	shalt  }
0x77: {  	_ =	shalt  }
0x78: {  	_ =	shalt  }
0x79: {  	_ =	shalt  }
0x7a: {  	_ =	shalt  }
0x7b: {  	_ =	shalt  }
0x7c: {  	_ =	shalt  }
0x7d: {  	_ =	shalt  }
0x7e: {  	_ =	shalt  }
0x7f: {  	_ =	shalt  }
0x80: {  	_ =	shalt  }
0x81: {  	_ =	shalt  }
0x82: {  	_ =	shalt  }
0x83: {  	_ =	shalt  }
0x84: {  	_ =	shalt  }
0x85: {  	_ =	shalt  }
0x86: {  	_ =	shalt  }
0x87: {  	_ =	shalt  }
.Lfunc_end0:
.L_simem_size_0:
called_computation.3_lowered:
.L_overlay_start_0:
0x88: {  	s2 =	sld [smem:$0x3FD9]  }
0x89: {  	s3 =	sld [smem:$0x3FFE];
	_ =	sdelay $0x1  }
0x8a: {  	s1 =	srdreg.scid  }
0x8b: {  	s0 =	sand.u32 $0x1, s1  }
0x8c: {  	s16 =	sshll.u32 s0, $0xA;
	s2 =	sadd.s32 s3, s2  }
0x8d: {  	s2 =	sadd.s32 s2, s16  }
0x8e: {  	[smem:$0x3FBE] =	sst s2  }
0x8f: {  	_ = 	snop  }
0x90: {  	(tm) =	ssettm $0x1  }
0x91: {  	s17 =	sld [smem:$0x3FFB];
	_ =	sdelay $0x3  }
0x92: {  	_ =	strace s17  }
0x93: {  	s2 =	sld [smem:$0x3FFC];
	_ =	sdelay $0x3  }
0x94: {  	_ =	strace s2  }
0x95: {  	s2 =	sld [smem:$0x3FFD];
	_ =	sdelay $0x3  }
0x96: {  	_ =	strace s2  }
0x97: {  	_ =	strace $0x8FFFFFFF  }
0x98: {  	s18 =	sld [smem:$0x3FDB];
	_ =	sdelay $0x1  }
0x99: {  	s19 =	simm.s32 $_scs_section_size  }
0x9a: {  	s4 =	simm.s32 $_size__tile_overlayer_lowered;
	s5 =	simm.s32 $_tile_overlayer_lowered  }
0x9b: {  	s22 =	simm.s32 $0x1BFF;
	s21 =	sshll.u32 s5, $0x1;
	s2 =	sadd.s32 s19, s18  }
0x9c: {  	s6 =	simm.s32 $0x0;
	s20 =	sshll.u32 s4, $0x1;
	s4 =	sadd.s32 s21, s2  }
0x9d: {  	[timem:s6], [sflag:s22] =	dma.local [hbm:s4], s20  }
0x9e: {  	_ =	swait.ge [sflag:s22], s20  }
0x9f: {  	s3 =	ssub.s32 $0x0, s20;
	[sflag:s22] =	ssyncset.done $0x0  }
0xa0: {  	[sflag:s22] =	ssyncadd.s32 s3;
	_ =	sdelay $0x1  }
0xa1: {  	s23 =	simm.s32 $0x1B8B  }
0xa2: {  	_ =	swait.ge [sflag:s23], $0x1  }
0xa3: {  	[sflag:s23] =	ssyncset.done $0x0  }
0xa4: {  	s25 =	simm.s32 $0x1B8E;
	s24 =	sld [smem:$0x3FFE];
	[sflag:s23] =	ssyncadd.s32 $0xFFFFFFFF  }
0xa5: {  	s26 =	simm.s32 $execute0_lowered;
	[smem:$0x3FD2] =	sst s25  }
0xa6: {  	s4 =	sshll.u32 s26, $0x1;
	_ =	strace $0x8000004F;
	[dreg:$0x1] =	wrdreg $0xFFFFFFFF  }
0xa7: {  	s28 =	simm.s32 $_size_execute0_lowered;
	s2 =	sadd.s32 s2, s4;
	[dreg:$0x0] =	wrdreg $0x0  }
0xa8: {  	s4 =	sshll.u32 s28, $0x1;
	[dreg:$0x2] =	wrdreg s2  }
0xa9: {  	[dreg:$0x3] =	wrdreg s4  }
0xaa: {  	[dreg:$0x4] =	wrdreg $0xC0  }
0xab: {  	_ =	task [dreg:s6], $0x5FFFF  }
0xac: {  	[dreg:$0x1] =	wrdreg $0xFFFFFFFF  }
0xad: {  	[dreg:$0x0] =	wrdreg $0x60  }
0xae: {  	[dreg:$0x2] =	wrdreg s24  }
0xaf: {  	[dreg:$0x3] =	wrdreg $0x0  }
0xb0: {  	[dreg:$0x4] =	wrdreg $0x9  }
0xb1: {  	_ =	task.clear_ibuf [dreg:s6], $0x5FFFF;
	_ =	strace $0x9000004F  }
0xb2: {  	s29 =	simm.s32 $0x9;
	_ =	strace $0x80000051  }
0xb3: {  	_ =	swait.ge [sflag:s29], $0x1  }
0xb4: {  	[sflag:s29] =	ssyncadd.s32 $0xFFFFFFFF  }
0xb5: {  	_ =	strace $0x90000051  }
0xb6: {  	_ =	sfence  }
0xb7: {  	s30 =	sld [smem:$0x0];
	_ =	sdelay $0x2  }
0xb8: {  	s31 =	sshll.u32 s1, $0xD;
	s1 =	sshrl.u32 s1, $0x2  }
0xb9: {  	s3 =	sand.u32 $0x4000, s31;
	s1 =	sadd.s32 s1, s30  }
0xba: {  	s0 =	sor.u32 s3, s0;
	s1 =	sshll.u32 s1, $0x11  }
0xbb: {  	s0 =	sor.u32 s1, s0  }
0xbc: {  	s0 =	sadd.s32 $0x8F2B, s0  }
0xbd: {  	[sflag:s0] =	ssyncadd.remote.s32 $0x1  }
0xbe: {  	_ =	sfence.sel $0xFFFF  }
0xbf: {  	[dreg:$0x0] =	wrdreg $0xFFFFFFFF;
	(pc) =	sbr.abs _section_cstart, $3  }
0xc0: {  	[dreg:$0x1] =	wrdreg $0xFFFFFFFF  }
0xc1: {  	_ =	task.clear_ibuf [dreg:s6], $0x2FFFF;
	_ =	strace $0x9FFFFFFF  }
0xc2: {  	(tm) =	ssettm $0x7FFFFFFF  }
0xc3: {  	_ =	shalt  }
tec
execute0_lowered:
.L_overlay_start_1:
0x0: {  	(tag) =	ssettag $0x1  }
0x1: {  	s0 =	rddreg [dreg:$0x0]  }
0x2: {  	s1 =	rddreg [dreg:$0x1]  }
0x3: {  	s3 =	simm.s32 $0x0;
	s2 =	stileid.u32;
	s7 =	srdreg.scid  }
0x4: {  	s18 =	simm.s32 $0x3;
	s19 =	simm.s32 $0xA000;
	s21 =	simm.s32 $0x50  }
0x5: {  	s22 =	simm.s32 $0x13C40;
	s28 =	simm.s32 $0xEDD0;
	s29 =	simm.s32 $0x13BA0  }
0x6: {  	s30 =	simm.s32 $0x13BF0;
	s31 =	simm.s32 $0x0;
	[smem:$0x7FF] =	sst s3  }
0x7: {  	s4 =	sadd.s32 $0x18400, s0;
	s6 =	smul.u32 $0x9C4, s2;
	s5 =	sadd.s32 $0x2BE00, s0  }
0x8: {  	s17 =	sand.u32 $0x1, s7;
	s23 =	smul.u32 $0x28000, s2;
	s8 =	sadd.s32 $0x53800, s0  }
0x9: {  	s12 =	smul.u32 $0xA000, s2;
	_ =	strace $0x80000050;
	[dreg:$0x3] =	wrdreg s8  }
0xa: {  	s24 =	ssub.s32 $0x2, s17;
	p0 =	sne.s32 s17, $0x0;
	s17 =	simm.s32 $0x16440  }
0xb: {  	s6 =	sadd.s32 s6, s0;
	s9 =	sshrl.u32 s24, $0x1;
	s10 =	sshrl.u32 s23, $0x2  }
0xc: {  	s0 =	sadd.s32 $0x3F800, s0;
	s11 =	sshrl.u32 s12, $0x3;
	s26 =	sadd.s32 s12, s1  }
.Ltmp0:
0xd: {  	s23 =	simm.s32 $0x15040;
	[dreg:$0x4] =	wrdreg s0;
	(pc) =	sbr.rel .LBB2_1-.Ltmp0, $4  }
0xe: {  	s25 =	ssub.s32 s24, s9;
	s8 =	sadd.s32 s10, s1;
	s9 =	sadd.s32 $0xE600, s6  }
0xf: {  	s10 =	sadd.s32 $0x4800, s6;
	s24 =	simm.s32 $0x1;
	s12 =	smax.u32 s25, $0x1  }
0x10: {  	s13 =	sadd.s32 $0x2000, s8;
	s14 =	sadd.s32 $0x4000, s8;
	s15 =	sadd.s32 $0x6000, s8  }
0x11: {  	v0 =	vimm.f32 $0.0e+00;
	s16 =	sadd.s32 $0x8000, s8;
	s25 =	sshrl.u32 s26, $0x3;
	s26 =	simm.s32 $0x2  }
.LBB2_9:
0x12: {  	s2 =	sadd.s32 $0xA050, s0;
	[sflag:s18] =	ssyncadd.s32 $0xFFFFEC00  }
0x13: {  	[tilespmem:s23], [sflag:$0x2] =	stream.indirect.gather [hbm4b:s5+s21], $0x40, s2, s21, $0xb8;
	[tilespmem:$0x18440] =	vst v63  }
0x14: {  	_ =	swait.ge [sflag:s24], $0x1400  }
0x15: {  	[sflag:s24] =	ssyncset.done $0x0  }
0x16: {  	s6 =	sadd.s32 $0xEE20, s0;
	[sflag:s24] =	ssyncadd.s32 $0xFFFFEC00  }
0x17: {  	[spmem:s1] =	stream.indirect.scatter.add.f32 [tilespmem:s22], [sflag:$0x3], $0x40, s6, s21, $0xb8;
	[tilespmem:$0x18440] =	vst v63  }
0x18: {  	_ =	swait.ge [sflag:s18], $0x1400  }
0x19: {  	[sflag:s18] =	ssyncset.done $0x0  }
0x1a: {  	s7 =	sadd.s32 $0xA0A0, s0;
	[sflag:s18] =	ssyncadd.s32 $0xFFFFEC00  }
0x1b: {  	[tilespmem:s22], [sflag:$0x1] =	stream.indirect.gather [hbm4b:s5+s21], $0x40, s7, s21, $0xb8;
	[tilespmem:$0x18440] =	vst v63  }
0x1c: {  	_ =	swait.ge [sflag:s26], $0x1400  }
0x1d: {  	[sflag:s26] =	ssyncset.done $0x0  }
0x1e: {  	s20 =	sadd.s32 $0xEE70, s0;
	[sflag:s26] =	ssyncadd.s32 $0xFFFFEC00  }
0x1f: {  	[spmem:s1] =	stream.indirect.scatter.add.f32 [tilespmem:s23], [sflag:$0x3], $0x40, s20, s21, $0xb8;
	[tilespmem:$0x18440] =	vst v63  }
0x20: {  	_ =	swait.ge [sflag:s18], $0x1400  }
0x21: {  	[sflag:s18] =	ssyncset.done $0x0  }
0x22: {  	s0 =	rddreg [dreg:$0x4];
	[sflag:s18] =	ssyncadd.s32 $0xFFFFEC00  }
0x23: {  	[tilespmem:s23], [sflag:$0x2] =	stream.indirect.gather [hbm4b:s5+s21], $0x40, s28, s21, $0xb8;
	[tilespmem:$0x18440] =	vst v63  }
.LBB2_10:
0x24: {  	_ =	swait.ge [sflag:s24], $0x1400  }
0x25: {  	[sflag:s24] =	ssyncset.done $0x0  }
0x26: {  	[sflag:s24] =	ssyncadd.s32 $0xFFFFEC00  }
0x27: {  	[spmem:s1] =	stream.indirect.scatter.add.f32 [tilespmem:s22], [sflag:$0x3], $0x40, s29, s21, $0xb8;
	[tilespmem:$0x18440] =	vst v63  }
0x28: {  	_ =	swait.ge [sflag:s18], $0x1400  }
0x29: {  	[sflag:s18] =	ssyncset.done $0x0  }
0x2a: {  	[sflag:s18] =	ssyncadd.s32 $0xFFFFEC00  }
0x2b: {  	_ =	swait.ge [sflag:s26], $0x1400  }
0x2c: {  	[sflag:s26] =	ssyncset.done $0x0  }
0x2d: {  	[sflag:s26] =	ssyncadd.s32 $0xFFFFEC00  }
0x2e: {  	[spmem:s1] =	stream.indirect.scatter.add.f32 [tilespmem:s23], [sflag:$0x3], $0x40, s30, s21, $0xb8;
	[tilespmem:$0x18440] =	vst v63  }
0x2f: {  	s2 =	stileid.u32;
	_ =	swait.ge [sflag:s18], $0x1400  }
0x30: {  	s0 =	sadd.s32 s0, s11;
	s31 =	sadd.s32 $0x1, s31;
	[sflag:s18] =	ssyncset.done $0x0  }
0x31: {  	s2 =	sshll.u32 s2, $0x6;
	p1 =	sne.s32 s31, s12;
	[sflag:s18] =	ssyncadd.s32 $0xFFFFEC00  }
.Ltmp1:
0x32: {  	s2 =	sor.u32 $0x1C03, s2;
	[bflag:$0x0] =	sbarrier.arrive $0xFFFF;
	(pc) =	sbr.rel @!p1 .LBB2_11-.Ltmp1, $4  }
0x33: {  	[hbm:s0], [sflag:s2] =	dma.local [spmem:s25], $0x1400  }
0x34: {  	_ =	swait.ge [sflag:s18], $0x1400  }
0x35: {  	[sflag:s18] =	ssyncset.done $0x0  }
0x36: {  	[sflag:s18] =	ssyncadd.s32 $0xFFFFEC00  }
.LBB2_1:
0x37: {  	s6 =	simm.s32 $0x100;
	s0 =	simm.s32 $0x0  }
.LBB2_2:
0x38: {  	p1 =	sne.s32 s6, $0x7F00;
	[tilespmem:s0+$0x16470] =	vst v0;
	s7 =	smov.u32 s6;
	s6 =	sadd.s32 $0x100, s6  }
.Ltmp2:
0x39: {  	[tilespmem:s0+$0x16460] =	vst v0;
	(pc) =	sbr.rel @p1 .LBB2_2-.Ltmp2, $3  }
0x3a: {  	[tilespmem:s0+$0x16440] =	vst v0  }
0x3b: {  	[tilespmem:s0+$0x16450] =	vst v0;
	_ =	sdelay $0x1  }
0x3c: {  	s0 =	sshra.s32 s7, $0x2  }
0x3d: {  	[tilespmem:s0+$0x16470] =	vst v0  }
0x3e: {  	[tilespmem:s0+$0x16460] =	vst v0  }
0x3f: {  	[tilespmem:s0+$0x16440] =	vst v0  }
0x40: {  	[tilespmem:s0+$0x16450] =	vst v0  }
0x41: {  	[spmem:s8] =	stream.linear.scatter [tilespmem:s17], [sflag:$0x3], $0x2000, $0x38;
	[tilespmem:$0x18440] =	vst v63  }
0x42: {  	_ =	swait.ge [sflag:s18], $0x2000  }
0x43: {  	[sflag:s18] =	ssyncset.done $0x0  }
0x44: {  	[sflag:s18] =	ssyncadd.s32 $0xFFFFE000  }
0x45: {  	[spmem:s13] =	stream.linear.scatter [tilespmem:s17], [sflag:$0x3], $0x2000, $0x38;
	[tilespmem:$0x18440] =	vst v63  }
0x46: {  	_ =	swait.ge [sflag:s18], $0x2000  }
0x47: {  	[sflag:s18] =	ssyncset.done $0x0  }
0x48: {  	[sflag:s18] =	ssyncadd.s32 $0xFFFFE000  }
0x49: {  	[spmem:s14] =	stream.linear.scatter [tilespmem:s17], [sflag:$0x3], $0x2000, $0x38;
	[tilespmem:$0x18440] =	vst v63  }
0x4a: {  	_ =	swait.ge [sflag:s18], $0x2000  }
0x4b: {  	[sflag:s18] =	ssyncset.done $0x0  }
0x4c: {  	[sflag:s18] =	ssyncadd.s32 $0xFFFFE000  }
0x4d: {  	[spmem:s15] =	stream.linear.scatter [tilespmem:s17], [sflag:$0x3], $0x2000, $0x38;
	[tilespmem:$0x18440] =	vst v63  }
0x4e: {  	_ =	swait.ge [sflag:s18], $0x2000  }
0x4f: {  	[sflag:s18] =	ssyncset.done $0x0  }
0x50: {  	[sflag:s18] =	ssyncadd.s32 $0xFFFFE000  }
0x51: {  	[spmem:s16] =	stream.linear.scatter [tilespmem:s17], [sflag:$0x3], $0x2000, $0x38;
	[tilespmem:$0x18440] =	vst v63  }
0x52: {  	_ =	swait.ge [sflag:s18], $0x2000  }
0x53: {  	[sflag:s18] =	ssyncset.done $0x0  }
0x54: {  	[sflag:s18] =	ssyncadd.s32 $0xFFFFE000  }
0x55: {  	[tilespmem:s19], [sflag:$0x3] =	stream.linear.gather [hbm4b:s9+s3], $0x4E20, $0x38;
	[tilespmem:$0x18440] =	vst v63  }
0x56: {  	_ =	swait.ge [sflag:s18], $0x4E20  }
0x57: {  	[sflag:s18] =	ssyncset.done $0x0  }
0x58: {  	s20 =	simm.s32 $0xEE20;
	[sflag:s18] =	ssyncadd.s32 $0xFFFFB1E0  }
0x59: {  	[tilespmem:s20], [sflag:$0x3] =	stream.linear.gather [hbm4b:s10+s3], $0x4E20, $0x38;
	[tilespmem:$0x18440] =	vst v63  }
.Ltmp3:
0x5a: {  	_ =	swait.ge [sflag:s18], $0x4E20;
	(pc) =	sbr.rel @p0 .LBB2_7-.Ltmp3, $3  }
0x5b: {  	[sflag:s18] =	ssyncset.done $0x0  }
0x5c: {  	[sflag:s18] =	ssyncadd.s32 $0xFFFFB1E0  }
0x5d: {  	[bflag:$0x0] =	sbarrier.arrive $0xFFFF;
	_ =	sdelay $0x1  }
0x5e: {  	[tilespmem:s22], [sflag:$0x1] =	stream.indirect.gather [hbm4b:s4+s21], $0x40, s19, s21, $0xb8;
	[tilespmem:$0x18440] =	vst v63  }
0x5f: {  	s0 =	simm.s32 $0xA050  }
0x60: {  	[tilespmem:s23], [sflag:$0x2] =	stream.indirect.gather [hbm4b:s4+s21], $0x40, s0, s21, $0xb8;
	[tilespmem:$0x18440] =	vst v63  }
0x61: {  	_ =	swait.ge [sflag:s24], $0x1400  }
0x62: {  	[sflag:s24] =	ssyncset.done $0x0  }
0x63: {  	s6 =	simm.s32 $0xEE20;
	[sflag:s24] =	ssyncadd.s32 $0xFFFFEC00  }
0x64: {  	[spmem:s1] =	stream.indirect.scatter.add.f32 [tilespmem:s22], [sflag:$0x3], $0x40, s6, s21, $0xb8;
	[tilespmem:$0x18440] =	vst v63  }
0x65: {  	_ =	swait.ge [sflag:s18], $0x1400  }
0x66: {  	[sflag:s18] =	ssyncset.done $0x0  }
0x67: {  	s7 =	simm.s32 $0xA0A0;
	[sflag:s18] =	ssyncadd.s32 $0xFFFFEC00  }
0x68: {  	[tilespmem:s22], [sflag:$0x1] =	stream.indirect.gather [hbm4b:s4+s21], $0x40, s7, s21, $0xb8;
	[tilespmem:$0x18440] =	vst v63  }
0x69: {  	_ =	swait.ge [sflag:s26], $0x1400  }
0x6a: {  	[sflag:s26] =	ssyncset.done $0x0  }
0x6b: {  	s20 =	simm.s32 $0xEE70;
	[sflag:s26] =	ssyncadd.s32 $0xFFFFEC00  }
0x6c: {  	[spmem:s1] =	stream.indirect.scatter.add.f32 [tilespmem:s23], [sflag:$0x3], $0x40, s20, s21, $0xb8;
	[tilespmem:$0x18440] =	vst v63  }
0x6d: {  	_ =	swait.ge [sflag:s18], $0x1400  }
0x6e: {  	s0 =	simm.s32 $0xA0;
	s6 =	simm.s32 $0x500;
	[sflag:s18] =	ssyncset.done $0x0  }
.LBB2_5:
0x6f: {  	s7 =	sadd.s32 $0xA050, s0  }
0x70: {  	[sflag:s18] =	ssyncadd.s32 $0xFFFFEC00;
	s20 =	smov.u32 s6;
	s2 =	sadd.s32 $0x280, s6  }
0x71: {  	[tilespmem:s23], [sflag:$0x2] =	stream.indirect.gather [hbm4b:s4+s21], $0x40, s7, s21, $0xb8;
	[tilespmem:$0x18440] =	vst v63  }
0x72: {  	p1 =	sne.s32 s6, $0x13380;
	_ =	swait.ge [sflag:s24], $0x1400  }
0x73: {  	[sflag:s24] =	ssyncset.done $0x0  }
0x74: {  	s6 =	sadd.s32 $0xEE20, s0;
	[sflag:s24] =	ssyncadd.s32 $0xFFFFEC00  }
0x75: {  	[spmem:s1] =	stream.indirect.scatter.add.f32 [tilespmem:s22], [sflag:$0x3], $0x40, s6, s21, $0xb8;
	[tilespmem:$0x18440] =	vst v63  }
0x76: {  	_ =	swait.ge [sflag:s18], $0x1400  }
0x77: {  	[sflag:s18] =	ssyncset.done $0x0  }
0x78: {  	s6 =	sadd.s32 $0xA0A0, s0;
	[sflag:s18] =	ssyncadd.s32 $0xFFFFEC00  }
0x79: {  	[tilespmem:s22], [sflag:$0x1] =	stream.indirect.gather [hbm4b:s4+s21], $0x40, s6, s21, $0xb8;
	[tilespmem:$0x18440] =	vst v63  }
0x7a: {  	_ =	swait.ge [sflag:s26], $0x1400  }
.Ltmp4:
0x7b: {  	[sflag:s26] =	ssyncset.done $0x0;
	(pc) =	sbr.rel @p1 .LBB2_5-.Ltmp4, $4  }
0x7c: {  	s0 =	sadd.s32 $0xEE70, s0;
	[sflag:s26] =	ssyncadd.s32 $0xFFFFEC00  }
0x7d: {  	[spmem:s1] =	stream.indirect.scatter.add.f32 [tilespmem:s23], [sflag:$0x3], $0x40, s0, s21, $0xb8;
	[tilespmem:$0x18440] =	vst v63  }
0x7e: {  	_ =	swait.ge [sflag:s18], $0x1400  }
0x7f: {  	s6 =	smov.u32 s2;
	s0 =	sshra.s32 s20, $0x2;
	[sflag:s18] =	ssyncset.done $0x0  }
0x80: {  	s2 =	sadd.s32 $0xA050, s0;
	[sflag:s18] =	ssyncadd.s32 $0xFFFFEC00  }
0x81: {  	[tilespmem:s23], [sflag:$0x2] =	stream.indirect.gather [hbm4b:s4+s21], $0x40, s2, s21, $0xb8;
	[tilespmem:$0x18440] =	vst v63  }
0x82: {  	_ =	swait.ge [sflag:s24], $0x1400  }
0x83: {  	[sflag:s24] =	ssyncset.done $0x0  }
0x84: {  	s6 =	sadd.s32 $0xEE20, s0;
	[sflag:s24] =	ssyncadd.s32 $0xFFFFEC00  }
0x85: {  	[spmem:s1] =	stream.indirect.scatter.add.f32 [tilespmem:s22], [sflag:$0x3], $0x40, s6, s21, $0xb8;
	[tilespmem:$0x18440] =	vst v63  }
0x86: {  	_ =	swait.ge [sflag:s18], $0x1400  }
0x87: {  	[sflag:s18] =	ssyncset.done $0x0  }
0x88: {  	s7 =	sadd.s32 $0xA0A0, s0;
	[sflag:s18] =	ssyncadd.s32 $0xFFFFEC00  }
0x89: {  	[tilespmem:s22], [sflag:$0x1] =	stream.indirect.gather [hbm4b:s4+s21], $0x40, s7, s21, $0xb8;
	[tilespmem:$0x18440] =	vst v63  }
0x8a: {  	_ =	swait.ge [sflag:s26], $0x1400  }
0x8b: {  	[sflag:s26] =	ssyncset.done $0x0  }
0x8c: {  	s20 =	sadd.s32 $0xEE70, s0;
	[sflag:s26] =	ssyncadd.s32 $0xFFFFEC00  }
0x8d: {  	[spmem:s1] =	stream.indirect.scatter.add.f32 [tilespmem:s23], [sflag:$0x3], $0x40, s20, s21, $0xb8;
	[tilespmem:$0x18440] =	vst v63  }
.Ltmp5:
0x8e: {  	_ = 	snop;
	(pc) =	sbr.rel .LBB2_10-.Ltmp5, $4  }
0x8f: {  	_ =	swait.ge [sflag:s18], $0x1400  }
0x90: {  	[sflag:s18] =	ssyncset.done $0x0  }
0x91: {  	s0 =	rddreg [dreg:$0x3];
	[sflag:s18] =	ssyncadd.s32 $0xFFFFEC00  }
0x92: {  	[tilespmem:s23], [sflag:$0x2] =	stream.indirect.gather [hbm4b:s4+s21], $0x40, s28, s21, $0xb8;
	[tilespmem:$0x18440] =	vst v63  }
.LBB2_7:
0x93: {  	[tilespmem:s22], [sflag:$0x1] =	stream.indirect.gather [hbm4b:s5+s21], $0x40, s19, s21, $0xb8;
	[tilespmem:$0x18440] =	vst v63  }
0x94: {  	s0 =	simm.s32 $0xA050  }
0x95: {  	[tilespmem:s23], [sflag:$0x2] =	stream.indirect.gather [hbm4b:s5+s21], $0x40, s0, s21, $0xb8;
	[tilespmem:$0x18440] =	vst v63  }
0x96: {  	_ =	swait.ge [sflag:s24], $0x1400  }
0x97: {  	[sflag:s24] =	ssyncset.done $0x0  }
0x98: {  	s6 =	simm.s32 $0xEE20;
	[sflag:s24] =	ssyncadd.s32 $0xFFFFEC00  }
0x99: {  	[spmem:s1] =	stream.indirect.scatter.add.f32 [tilespmem:s22], [sflag:$0x3], $0x40, s6, s21, $0xb8;
	[tilespmem:$0x18440] =	vst v63  }
0x9a: {  	_ =	swait.ge [sflag:s18], $0x1400  }
0x9b: {  	[sflag:s18] =	ssyncset.done $0x0  }
0x9c: {  	s7 =	simm.s32 $0xA0A0;
	[sflag:s18] =	ssyncadd.s32 $0xFFFFEC00  }
0x9d: {  	[tilespmem:s22], [sflag:$0x1] =	stream.indirect.gather [hbm4b:s5+s21], $0x40, s7, s21, $0xb8;
	[tilespmem:$0x18440] =	vst v63  }
0x9e: {  	_ =	swait.ge [sflag:s26], $0x1400  }
0x9f: {  	[sflag:s26] =	ssyncset.done $0x0  }
0xa0: {  	s20 =	simm.s32 $0xEE70;
	[sflag:s26] =	ssyncadd.s32 $0xFFFFEC00  }
0xa1: {  	[spmem:s1] =	stream.indirect.scatter.add.f32 [tilespmem:s23], [sflag:$0x3], $0x40, s20, s21, $0xb8;
	[tilespmem:$0x18440] =	vst v63  }
0xa2: {  	_ =	swait.ge [sflag:s18], $0x1400  }
0xa3: {  	s0 =	simm.s32 $0xA0;
	s6 =	simm.s32 $0x500;
	[sflag:s18] =	ssyncset.done $0x0  }
.LBB2_8:
0xa4: {  	s2 =	sadd.s32 $0xA050, s0  }
0xa5: {  	[sflag:s18] =	ssyncadd.s32 $0xFFFFEC00;
	s7 =	smov.u32 s6;
	s20 =	sadd.s32 $0x280, s6  }
0xa6: {  	[tilespmem:s23], [sflag:$0x2] =	stream.indirect.gather [hbm4b:s5+s21], $0x40, s2, s21, $0xb8;
	[tilespmem:$0x18440] =	vst v63  }
0xa7: {  	p1 =	sne.s32 s6, $0x13380;
	_ =	swait.ge [sflag:s24], $0x1400  }
0xa8: {  	[sflag:s24] =	ssyncset.done $0x0  }
0xa9: {  	s2 =	sadd.s32 $0xEE20, s0;
	[sflag:s24] =	ssyncadd.s32 $0xFFFFEC00  }
0xaa: {  	[spmem:s1] =	stream.indirect.scatter.add.f32 [tilespmem:s22], [sflag:$0x3], $0x40, s2, s21, $0xb8;
	[tilespmem:$0x18440] =	vst v63  }
0xab: {  	_ =	swait.ge [sflag:s18], $0x1400  }
0xac: {  	[sflag:s18] =	ssyncset.done $0x0  }
0xad: {  	s2 =	sadd.s32 $0xA0A0, s0;
	[sflag:s18] =	ssyncadd.s32 $0xFFFFEC00  }
0xae: {  	[tilespmem:s22], [sflag:$0x1] =	stream.indirect.gather [hbm4b:s5+s21], $0x40, s2, s21, $0xb8;
	[tilespmem:$0x18440] =	vst v63  }
0xaf: {  	_ =	swait.ge [sflag:s26], $0x1400  }
.Ltmp6:
0xb0: {  	[sflag:s26] =	ssyncset.done $0x0;
	(pc) =	sbr.rel @p1 .LBB2_8-.Ltmp6, $4  }
0xb1: {  	s0 =	sadd.s32 $0xEE70, s0;
	[sflag:s26] =	ssyncadd.s32 $0xFFFFEC00  }
0xb2: {  	[spmem:s1] =	stream.indirect.scatter.add.f32 [tilespmem:s23], [sflag:$0x3], $0x40, s0, s21, $0xb8;
	[tilespmem:$0x18440] =	vst v63  }
0xb3: {  	_ =	swait.ge [sflag:s18], $0x1400  }
0xb4: {  	s6 =	smov.u32 s20;
	s0 =	sshra.s32 s7, $0x2;
	[sflag:s18] =	ssyncset.done $0x0  }
.Ltmp7:
0xb5: {  	_ = 	snop;
	(pc) =	sbr.rel .LBB2_9-.Ltmp7, $1  }
0xb6: {  	_ =	sdelay $0x3  }
.LBB2_11:
0xb7: {  	_ =	sfence.sel $0x180000  }
0xb8: {  	[bflag:$0x0] =	sbarrier.arrive $0xFFFF  }
0xb9: {  	_ =	strace $0x90000050  }
0xba: {  	s0 =	stileid.u32;
	[bflag:$0x2] =	sbarrier.arrive $0xFFFF  }
0xbb: {  	p0 =	sne.s32 s0, $0x0;
	s0 =	rddreg [dreg:$0x2]  }
0xbc: {  	s0 =	sadd.s32 @!p0 $0x100000, s0  }
0xbd: {  	[sflag:s0] =	ssyncadd.tile.s32 @!p0 $0x1;
	_ =	shalt  }
.Lfunc_end2:
_tile_overlayer_lowered:
.L_overlay_start_2:
0xbe: {  	(tag) =	ssettag $0x2  }
0xbf: {  	s0 =	rddreg [dreg:$0x0];
	s2 =	stileid.u32  }
0xc0: {  	s1 =	rddreg [dreg:$0x1];
	p0 =	sne.s32 s2, $0x0  }
0xc1: {  	s3 =	rddreg [dreg:$0x2];
	[bflag:$0x3] =	sbarrier.arrive $0xFFFF;
	s2 =	simm.s32 @!p0 $0x1C03  }
0xc2: {  	[timem:s3], [sflag:s2] =	dma.local @!p0 [hbm:s0], s1  }
0xc3: {  	s0 =	simm.s32 @!p0 $0x3  }
0xc4: {  	_ =	swait.ge @!p0 [sflag:s0], s1  }
0xc5: {  	s1 =	ssub.s32 @!p0 $0x0, s1;
	[sflag:s0] =	ssyncset.done @!p0 $0x0  }
0xc6: {  	[sflag:s0] =	ssyncadd.s32 @!p0 s1  }
0xc7: {  	[bflag:$0x3] =	sbarrier.arrive $0xFFFF  }
0xc8: {  	_ =	shalt  }

</sc_bundles>
